<compile_context>
chip_gen: v7x
topology: tpu7x:2x2x1
jax: 0.10.2.dev20260603
libtpu: 0.0.44.dev20260713+nightly
codegen_flags: <defaults>
</compile_context>

<pallas_src>
import functools
import math

import jax
import jax.numpy as jnp
from jax import lax
from jax.experimental import pallas as pl
from jax.experimental.pallas import tpu as pltpu
from jax.experimental.pallas import tpu_sc as plsc

N = 10000
E = 320000
G = 64
D = 128
NUM_CLASSES = 16
EPS = 1e-5
SCALE = 1.0 / math.sqrt(1.0 + EPS)

NP = 10240
BN = 2560
NGRID = NP // BN

EC = 128
NCH = 2560
NT = 16
NW = 2 * NT
CW = NCH // NW
RPT = NP // NT
HC = 40

_f32 = jnp.float32



@functools.cache
def _mesh():
    return plsc.VectorSubcoreMesh(core_axis_name="c", subcore_axis_name="s",
                                  num_cores=2, num_subcores=NT)


def _deg_body(dstp, zeros_d, ones_e, dega, degb, di_v, ones_v, deg_sh):
    c = lax.axis_index("c")
    s = lax.axis_index("s")
    w = c * NT + s
    pltpu.sync_copy(zeros_d, deg_sh.at[pl.ds(s * RPT, RPT)])
    pltpu.sync_copy(ones_e, ones_v)
    pltpu.sync_copy(dstp.at[pl.ds(w * CW, CW)], di_v)
    plsc.subcore_barrier()

    def body(j, carry):
        pltpu.sync_copy(ones_v, deg_sh.at[di_v.at[j]], add=True)
        return carry

    lax.fori_loop(0, CW, body, 0)
    plsc.subcore_barrier()

    @pl.when(c == 0)
    def _():
        pltpu.sync_copy(deg_sh.at[pl.ds(s * RPT, RPT)],
                        dega.at[pl.ds(s * RPT, RPT)])

    @pl.when(c == 1)
    def _():
        pltpu.sync_copy(deg_sh.at[pl.ds(s * RPT, RPT)],
                        degb.at[pl.ds(s * RPT, RPT)])


@functools.cache
def _deg_call():
    return pl.kernel(
        _deg_body,
        out_type=(jax.ShapeDtypeStruct((NP,), _f32),
                  jax.ShapeDtypeStruct((NP,), _f32)),
        mesh=_mesh(),
        scratch_types=[
            pltpu.VMEM((CW, EC), jnp.int32),
            pltpu.VMEM((EC,), _f32),
            pltpu.VMEM_SHARED((NP,), _f32),
        ],
    )


def _scat_body(z, srcp, dstp, ya, yb, si_v, di_v,
               rows_a, rows_b, gsa, gsb, y_sh):
    c = lax.axis_index("c")
    s = lax.axis_index("s")
    w = c * NT + s

    zv = jnp.zeros((16,), _f32)

    def zbody(i, carry):
        for kk in range(8):
            rows_a.at[i][pl.ds(kk * 16, 16)] = zv
        return carry

    lax.fori_loop(0, EC, zbody, 0)
    for r in range(RPT // EC):
        pltpu.sync_copy(rows_a, y_sh.at[pl.ds(s * RPT + r * EC, EC)])
    plsc.subcore_barrier()

    for h in range(CW // HC):
        base = w * CW + h * HC
        pltpu.sync_copy(srcp.at[pl.ds(base, HC)], si_v)
        pltpu.sync_copy(dstp.at[pl.ds(base, HC)], di_v)
        pltpu.async_copy(z.at[si_v.at[0]], rows_a, gsa)
        pltpu.async_copy(z.at[si_v.at[1]], rows_b, gsb)

        def body(k, carry):
            j0 = 2 * k
            pltpu.make_async_copy(z.at[si_v.at[0]], rows_a, gsa).wait()
            pltpu.sync_copy(rows_a, y_sh.at[di_v.at[j0]], add=True)
            pltpu.async_copy(z.at[si_v.at[j0 + 2]], rows_a, gsa)
            pltpu.make_async_copy(z.at[si_v.at[0]], rows_b, gsb).wait()
            pltpu.sync_copy(rows_b, y_sh.at[di_v.at[j0 + 1]], add=True)
            pltpu.async_copy(z.at[si_v.at[j0 + 3]], rows_b, gsb)
            return carry

        lax.fori_loop(0, HC // 2 - 1, body, 0)
        pltpu.make_async_copy(z.at[si_v.at[0]], rows_a, gsa).wait()
        pltpu.sync_copy(rows_a, y_sh.at[di_v.at[HC - 2]], add=True)
        pltpu.make_async_copy(z.at[si_v.at[0]], rows_b, gsb).wait()
        pltpu.sync_copy(rows_b, y_sh.at[di_v.at[HC - 1]], add=True)

    plsc.subcore_barrier()

    @pl.when(c == 0)
    def _():
        pltpu.sync_copy(y_sh.at[pl.ds(s * RPT, RPT)],
                        ya.at[pl.ds(s * RPT, RPT)])

    @pl.when(c == 1)
    def _():
        pltpu.sync_copy(y_sh.at[pl.ds(s * RPT, RPT)],
                        yb.at[pl.ds(s * RPT, RPT)])


@functools.cache
def _scat_call():
    return pl.kernel(
        _scat_body,
        out_type=(jax.ShapeDtypeStruct((NP, D), _f32),
                  jax.ShapeDtypeStruct((NP, D), _f32)),
        mesh=_mesh(),
        scratch_types=[
            pltpu.VMEM((HC, EC), jnp.int32),
            pltpu.VMEM((HC, EC), jnp.int32),
            pltpu.VMEM((EC, D), _f32),
            pltpu.VMEM((EC, D), _f32),
            pltpu.SemaphoreType.DMA,
            pltpu.SemaphoreType.DMA,
            pltpu.VMEM_SHARED((NP, D), _f32),
        ],
    )



def _dis(dega, degb):
    return lax.rsqrt(1.0 + dega[...] + degb[...])


def _z0_body(x_ref, dega, degb, w_ref, z_ref):
    z_ref[...] = _dis(dega, degb) * jnp.dot(
        x_ref[...], w_ref[...], preferred_element_type=_f32)


_row_spec = pl.BlockSpec((BN, D), lambda i: (i, 0))
_deg_spec = pl.BlockSpec((BN, 1), lambda i: (i, 0))
_vec_spec = pl.BlockSpec((1, D), lambda i: (0, 0))
_w_spec = pl.BlockSpec((D, D), lambda i: (0, 0))

_z0_call = pl.pallas_call(
    _z0_body,
    grid=(NGRID,),
    in_specs=[_row_spec, _deg_spec, _deg_spec, _w_spec],
    out_specs=_row_spec,
    out_shape=jax.ShapeDtypeStruct((NP, D), _f32),
)


def _h_block(ya, yb, z, dega, degb, bp, g, be):
    dis = _dis(dega, degb)
    h = (dis * (ya[...] + yb[...] + z[...]) + bp[...]) * (g[...] * SCALE)
    return dis, jnp.maximum(h + be[...], 0.0)


def _mid_body(ya, yb, z, dega, degb, bp, g, be, w_ref, zo):
    dis, h = _h_block(ya, yb, z, dega, degb, bp, g, be)
    zo[...] = dis * jnp.dot(h, w_ref[...], preferred_element_type=_f32)


_mid_call = pl.pallas_call(
    _mid_body,
    grid=(NGRID,),
    in_specs=[_row_spec] * 3 + [_deg_spec] * 2 + [_vec_spec] * 3 + [_w_spec],
    out_specs=_row_spec,
    out_shape=jax.ShapeDtypeStruct((NP, D), _f32),
)


def _pool_body(ya, yb, z, dega, degb, bp, g, be, bt,
               sc, sw, sb, w1g, w1s, b1, w2, b2,
               out_ref, p_acc, cnt_acc):
    i = pl.program_id(0)
    _, h = _h_block(ya, yb, z, dega, degb, bp, g, be)
    gid = lax.broadcasted_iota(jnp.int32, (1, G), 1)
    mask = (bt[...] == gid).astype(_f32)
    dn = (((0,), (0,)), ((), ()))
    p = lax.dot_general(mask, h, dn, preferred_element_type=_f32)
    cnt = lax.dot_general(mask, jnp.ones((BN, 1), _f32), dn,
                          preferred_element_type=_f32)

    @pl.when(i == 0)
    def _():
        p_acc[...] = jnp.zeros_like(p_acc)
        cnt_acc[...] = jnp.zeros_like(cnt_acc)

    p_acc[...] += p
    cnt_acc[...] += cnt

    @pl.when(i == NGRID - 1)
    def _():
        ge = p_acc[...] / jnp.maximum(cnt_acc[...], 1.0)
        se = jnp.maximum(jnp.dot(sc[...], sw[...],
                                 preferred_element_type=_f32) + sb[...], 0.0)
        hc = jnp.maximum(
            jnp.dot(ge, w1g[...], preferred_element_type=_f32)
            + jnp.dot(se, w1s[...], preferred_element_type=_f32)
            + b1[...], 0.0)
        out_ref[...] = jnp.dot(hc, w2[...],
                               preferred_element_type=_f32) + b2[...]


def _const_spec(r, c):
    return pl.BlockSpec((r, c), lambda i: (0, 0))


_pool_call = pl.pallas_call(
    _pool_body,
    grid=(NGRID,),
    in_specs=[_row_spec] * 3 + [_deg_spec] * 2 + [_vec_spec] * 3
             + [pl.BlockSpec((BN, 1), lambda i: (i, 0)),
                _const_spec(G, 8), _const_spec(8, D // 2),
                _const_spec(1, D // 2), _const_spec(D, D),
                _const_spec(D // 2, D), _const_spec(1, D),
                _const_spec(D, NUM_CLASSES), _const_spec(1, NUM_CLASSES)],
    out_specs=_const_spec(G, NUM_CLASSES),
    out_shape=jax.ShapeDtypeStruct((G, NUM_CLASSES), _f32),
    scratch_shapes=[pltpu.VMEM((G, D), _f32), pltpu.VMEM((G, 1), _f32)],
)



def kernel(x, edge_index, batch, scalar,
           conv_W0, conv_b0, conv_W1, conv_b1, conv_W2, conv_b2,
           bn_g0, bn_b0, bn_g1, bn_b1, bn_g2, bn_b2,
           scalar_W, scalar_b, cls_W1, cls_b1, cls_W2, cls_b2):
    npad = NCH * EC - E
    pads = N + (jnp.arange(npad, dtype=jnp.int32) % (NP - N))
    srcp = jnp.concatenate([edge_index[0], pads]).reshape(NCH, EC)
    dstp = jnp.concatenate([edge_index[1], pads]).reshape(NCH, EC)

    xp = jnp.pad(x, ((0, NP - N), (0, 0)))
    bt = jnp.concatenate(
        [batch, jnp.full((NP - N,), G, jnp.int32)]).reshape(NP, 1)

    zeros_d = jnp.zeros((RPT,), _f32)
    ones_e = jnp.ones((EC,), _f32)

    def vec(v):
        return v.reshape(1, v.shape[0])

    layers = ((conv_W0, vec(conv_b0), vec(bn_g0), vec(bn_b0)),
              (conv_W1, vec(conv_b1), vec(bn_g1), vec(bn_b1)),
              (conv_W2, vec(conv_b2), vec(bn_g2), vec(bn_b2)))

    dega, degb = _deg_call()(dstp, zeros_d, ones_e)
    dega = dega.reshape(NP, 1)
    degb = degb.reshape(NP, 1)

    z = _z0_call(xp, dega, degb, conv_W0)

    for l in (0, 1):
        ya, yb = _scat_call()(z, srcp, dstp)
        _, b, g, be = layers[l]
        z = _mid_call(ya, yb, z, dega, degb, b, g, be, layers[l + 1][0])

    ya, yb = _scat_call()(z, srcp, dstp)
    _, b, g, be = layers[2]

    return _pool_call(ya, yb, z, dega, degb, b, g, be, bt,
                      scalar, scalar_W, vec(scalar_b),
                      cls_W1[:D], cls_W1[D:], vec(cls_b1),
                      cls_W2, vec(cls_b2))

# --- scband reference (transcript-rebuilt; emitter-appended) ---
"""Pipeline reference for scband-bracket-gnn-52578989637880 (READ-ONLY COPY).

The authoritative reference and input builder live on the scoring server;
editing this copy changes nothing except your own understanding.
"""

import jax, jax.numpy as jnp
import numpy as np

N = 10000
E = 320000
G = 64
IN_DIM = 128
HID = 128
NUM_CLASSES = 16
EPS = 1e-5


def setup_inputs(seed: int = 0) -> dict:
    key = jax.random.key(seed)
    ks = jax.random.split(key, 24)
    inp = {}
    inp['x'] = jax.random.normal(ks[0], (N, IN_DIM), dtype=jnp.float32)
    inp['edge_index'] = jax.random.randint(ks[1], (2, E), 0, N, dtype=jnp.int32)
    inp['batch'] = jnp.sort(jax.random.randint(ks[2], (N,), 0, G, dtype=jnp.int32))
    inp['scalar'] = jax.random.normal(ks[3], (G, 8), dtype=jnp.float32)
    # GCNConv weights (stored as [in, out] so forward is x @ W + b)
    inp['conv_W0'] = jax.random.normal(ks[4], (IN_DIM, HID), dtype=jnp.float32) * 0.05
    inp['conv_b0'] = jnp.zeros((HID,), dtype=jnp.float32)
    inp['conv_W1'] = jax.random.normal(ks[5], (HID, HID), dtype=jnp.float32) * 0.05
    inp['conv_b1'] = jnp.zeros((HID,), dtype=jnp.float32)
    inp['conv_W2'] = jax.random.normal(ks[6], (HID, HID), dtype=jnp.float32) * 0.05
    inp['conv_b2'] = jnp.zeros((HID,), dtype=jnp.float32)
    # BatchNorm affine params (eval mode: running_mean=0, running_var=1)
    for i in range(3):
        inp['bn_g%d' % i] = jnp.ones((HID,), dtype=jnp.float32)
        inp['bn_b%d' % i] = jnp.zeros((HID,), dtype=jnp.float32)
    inp['scalar_W'] = jax.random.normal(ks[7], (8, HID // 2), dtype=jnp.float32) * 0.1
    inp['scalar_b'] = jnp.zeros((HID // 2,), dtype=jnp.float32)
    combined = HID + HID // 2
    inp['cls_W1'] = jax.random.normal(ks[8], (combined, HID), dtype=jnp.float32) * 0.05
    inp['cls_b1'] = jnp.zeros((HID,), dtype=jnp.float32)
    inp['cls_W2'] = jax.random.normal(ks[9], (HID, NUM_CLASSES), dtype=jnp.float32) * 0.05
    inp['cls_b2'] = jnp.zeros((NUM_CLASSES,), dtype=jnp.float32)
    return inp


def reference(x, edge_index, batch, scalar,
              conv_W0, conv_b0, conv_W1, conv_b1, conv_W2, conv_b2,
              bn_g0, bn_b0, bn_g1, bn_b1, bn_g2, bn_b2,
              scalar_W, scalar_b, cls_W1, cls_b1, cls_W2, cls_b2):
    # GCNConv with added self-loops and symmetric normalization (eval mode)
    src = edge_index[0]
    dst = edge_index[1]
    loop = jnp.arange(N, dtype=src.dtype)
    src_a = jnp.concatenate([src, loop])
    dst_a = jnp.concatenate([dst, loop])
    deg = jnp.zeros((N,), jnp.float32).at[dst_a].add(1.0)
    dis = jnp.where(deg > 0, jax.lax.rsqrt(jnp.maximum(deg, 1e-12)), 0.0)
    norm = dis[src_a] * dis[dst_a]

    h = x
    layers = [(conv_W0, conv_b0, bn_g0, bn_b0),
              (conv_W1, conv_b1, bn_g1, bn_b1),
              (conv_W2, conv_b2, bn_g2, bn_b2)]
    for W, b, g, be in layers:
        hw = h @ W
        msg = hw[src_a] * norm[:, None]          # gather over edges
        h = jax.ops.segment_sum(msg, dst_a, num_segments=N) + b  # scatter-add
        # BatchNorm eval: running_mean=0, running_var=1
        h = (h / jnp.sqrt(1.0 + EPS)) * g + be
        h = jax.nn.relu(h)
        # dropout: identity in eval mode

    # global_mean_pool over graph ids
    sums = jax.ops.segment_sum(h, batch, num_segments=G)
    cnt = jax.ops.segment_sum(jnp.ones((N,), jnp.float32), batch, num_segments=G)
    graph_emb = sums / jnp.clip(cnt, 1.0)[:, None]

    scalar_emb = jax.nn.relu(scalar @ scalar_W + scalar_b)
    emb = jnp.concatenate([graph_emb, scalar_emb], axis=-1)

    hc = jax.nn.relu(emb @ cls_W1 + cls_b1)
    out = hc @ cls_W2 + cls_b2
    return out

if __name__ == "__main__":
    import jax
    _d = setup_inputs()
    print(jax.jit(kernel)(*tuple(_d.values())))

</pallas_src>

<mosaic_0001>
#map = affine_map<(d0, d1) -> (0, 0)>
module attributes {stable_mosaic.version = 14 : i64} {
  func.func @_scat_body(%arg0: i32, %arg1: i32, %arg2: memref<10240x128xf32, #tpu.memory_space<hbm>>, %arg3: memref<2560x128xi32, #tpu.memory_space<hbm>>, %arg4: memref<2560x128xi32, #tpu.memory_space<hbm>>, %arg5: memref<10240x128xf32, #tpu.memory_space<hbm>>, %arg6: memref<10240x128xf32, #tpu.memory_space<hbm>>, %arg7: memref<40x128xi32, #tpu.memory_space<vmem>>, %arg8: memref<40x128xi32, #tpu.memory_space<vmem>>, %arg9: memref<128x128xf32, #tpu.memory_space<vmem>>, %arg10: memref<128x128xf32, #tpu.memory_space<vmem>>, %arg11: memref<!tpu.dma_semaphore, #tpu.memory_space<semaphore_mem>>, %arg12: memref<!tpu.dma_semaphore, #tpu.memory_space<semaphore_mem>>, %arg13: memref<10240x128xf32, #tpu.memory_space<vmem_shared>>) attributes {dimension_semantics = [#tpu.dimension_semantics<core_parallel>, #tpu.dimension_semantics<subcore_parallel>], iteration_bounds = array<i64: 2, 16>, scalar_prefetch = 0 : i64, scratch_operands = 7 : i64, tpu.core_type = #tpu.core_type<sc_vector_subcore>, window_params = [{transform_indices = #map}, {transform_indices = #map}, {transform_indices = #map}, {transform_indices = #map}, {transform_indices = #map}]} {
    %mul3A = arith.constant 16 : i32
    %mul3A_0 = arith.muli %arg0, %mul3A : i32
    %add3A = arith.addi %mul3A_0, %arg1 : i32
    %broadcast_in_dim3A = arith.constant 0.000000e+00 : f32
    %broadcast_in_dim3A_1 = vector.broadcast %broadcast_in_dim3A : f32 to vector<16xf32>
    %scan3A = arith.constant 0 : i32
    %scan3A_2 = arith.constant 0 : i32
    %scan3A_3 = arith.constant 128 : i32
    %scan3A_4 = arith.addi %scan3A_2, %scan3A_3 : i32
    %scan3A_5 = arith.constant 1 : i32
    scf.for %scan3A_112 = %scan3A_2 to %scan3A_4 step %scan3A_5  : i32 {
      %swap3A = arith.constant 0 : i32
      %swap3A_113 = tpu.memref_slice %arg9[%scan3A_112, %swap3A] : memref<128x128xf32, #tpu.memory_space<vmem>> -> memref<1x128xf32, #tpu.memory_space<vmem>>
      %swap3A_114 = tpu.memref_squeeze %swap3A_113 : memref<1x128xf32, #tpu.memory_space<vmem>> -> memref<128xf32, #tpu.memory_space<vmem>>
      %swap3A_115 = arith.constant 0 : index
      %swap3A_116 = tpu.vector_load %swap3A_114[%swap3A_115] {strides = array<i32>} : memref<128xf32, #tpu.memory_space<vmem>>, vector<16xf32>,
      %swap3A_117 = vector.shape_cast %swap3A_116 : vector<16xf32> to vector<16xf32>
      %swap3A_118 = vector.shape_cast %broadcast_in_dim3A_1 : vector<16xf32> to vector<16xf32>
      tpu.vector_store %swap3A_114[%swap3A_115], %swap3A_118 {strides = array<i32>} : memref<128xf32, #tpu.memory_space<vmem>>, vector<16xf32>,
      %swap3A_119 = arith.constant 0 : i32
      %swap3A_120 = tpu.memref_slice %arg9[%scan3A_112, %swap3A_119] : memref<128x128xf32, #tpu.memory_space<vmem>> -> memref<1x128xf32, #tpu.memory_space<vmem>>
      %swap3A_121 = tpu.memref_squeeze %swap3A_120 : memref<1x128xf32, #tpu.memory_space<vmem>> -> memref<128xf32, #tpu.memory_space<vmem>>
      %swap3A_122 = arith.constant 16 : index
      %swap3A_123 = tpu.vector_load %swap3A_121[%swap3A_122] {strides = array<i32>} : memref<128xf32, #tpu.memory_space<vmem>>, vector<16xf32>,
      %swap3A_124 = vector.shape_cast %swap3A_123 : vector<16xf32> to vector<16xf32>
      %swap3A_125 = vector.shape_cast %broadcast_in_dim3A_1 : vector<16xf32> to vector<16xf32>
      tpu.vector_store %swap3A_121[%swap3A_122], %swap3A_125 {strides = array<i32>} : memref<128xf32, #tpu.memory_space<vmem>>, vector<16xf32>,
      %swap3A_126 = arith.constant 0 : i32
      %swap3A_127 = tpu.memref_slice %arg9[%scan3A_112, %swap3A_126] : memref<128x128xf32, #tpu.memory_space<vmem>> -> memref<1x128xf32, #tpu.memory_space<vmem>>
      %swap3A_128 = tpu.memref_squeeze %swap3A_127 : memref<1x128xf32, #tpu.memory_space<vmem>> -> memref<128xf32, #tpu.memory_space<vmem>>
      %swap3A_129 = arith.constant 32 : index
      %swap3A_130 = tpu.vector_load %swap3A_128[%swap3A_129] {strides = array<i32>} : memref<128xf32, #tpu.memory_space<vmem>>, vector<16xf32>,
      %swap3A_131 = vector.shape_cast %swap3A_130 : vector<16xf32> to vector<16xf32>
      %swap3A_132 = vector.shape_cast %broadcast_in_dim3A_1 : vector<16xf32> to vector<16xf32>
      tpu.vector_store %swap3A_128[%swap3A_129], %swap3A_132 {strides = array<i32>} : memref<128xf32, #tpu.memory_space<vmem>>, vector<16xf32>,
      %swap3A_133 = arith.constant 0 : i32
      %swap3A_134 = tpu.memref_slice %arg9[%scan3A_112, %swap3A_133] : memref<128x128xf32, #tpu.memory_space<vmem>> -> memref<1x128xf32, #tpu.memory_space<vmem>>
      %swap3A_135 = tpu.memref_squeeze %swap3A_134 : memref<1x128xf32, #tpu.memory_space<vmem>> -> memref<128xf32, #tpu.memory_space<vmem>>
      %swap3A_136 = arith.constant 48 : index
      %swap3A_137 = tpu.vector_load %swap3A_135[%swap3A_136] {strides = array<i32>} : memref<128xf32, #tpu.memory_space<vmem>>, vector<16xf32>,
      %swap3A_138 = vector.shape_cast %swap3A_137 : vector<16xf32> to vector<16xf32>
      %swap3A_139 = vector.shape_cast %broadcast_in_dim3A_1 : vector<16xf32> to vector<16xf32>
      tpu.vector_store %swap3A_135[%swap3A_136], %swap3A_139 {strides = array<i32>} : memref<128xf32, #tpu.memory_space<vmem>>, vector<16xf32>,
      %swap3A_140 = arith.constant 0 : i32
      %swap3A_141 = tpu.memref_slice %arg9[%scan3A_112, %swap3A_140] : memref<128x128xf32, #tpu.memory_space<vmem>> -> memref<1x128xf32, #tpu.memory_space<vmem>>
      %swap3A_142 = tpu.memref_squeeze %swap3A_141 : memref<1x128xf32, #tpu.memory_space<vmem>> -> memref<128xf32, #tpu.memory_space<vmem>>
      %swap3A_143 = arith.constant 64 : index
      %swap3A_144 = tpu.vector_load %swap3A_142[%swap3A_143] {strides = array<i32>} : memref<128xf32, #tpu.memory_space<vmem>>, vector<16xf32>,
      %swap3A_145 = vector.shape_cast %swap3A_144 : vector<16xf32> to vector<16xf32>
      %swap3A_146 = vector.shape_cast %broadcast_in_dim3A_1 : vector<16xf32> to vector<16xf32>
      tpu.vector_store %swap3A_142[%swap3A_143], %swap3A_146 {strides = array<i32>} : memref<128xf32, #tpu.memory_space<vmem>>, vector<16xf32>,
      %swap3A_147 = arith.constant 0 : i32
      %swap3A_148 = tpu.memref_slice %arg9[%scan3A_112, %swap3A_147] : memref<128x128xf32, #tpu.memory_space<vmem>> -> memref<1x128xf32, #tpu.memory_space<vmem>>
      %swap3A_149 = tpu.memref_squeeze %swap3A_148 : memref<1x128xf32, #tpu.memory_space<vmem>> -> memref<128xf32, #tpu.memory_space<vmem>>
      %swap3A_150 = arith.constant 80 : index
      %swap3A_151 = tpu.vector_load %swap3A_149[%swap3A_150] {strides = array<i32>} : memref<128xf32, #tpu.memory_space<vmem>>, vector<16xf32>,
      %swap3A_152 = vector.shape_cast %swap3A_151 : vector<16xf32> to vector<16xf32>
      %swap3A_153 = vector.shape_cast %broadcast_in_dim3A_1 : vector<16xf32> to vector<16xf32>
      tpu.vector_store %swap3A_149[%swap3A_150], %swap3A_153 {strides = array<i32>} : memref<128xf32, #tpu.memory_space<vmem>>, vector<16xf32>,
      %swap3A_154 = arith.constant 0 : i32
      %swap3A_155 = tpu.memref_slice %arg9[%scan3A_112, %swap3A_154] : memref<128x128xf32, #tpu.memory_space<vmem>> -> memref<1x128xf32, #tpu.memory_space<vmem>>
      %swap3A_156 = tpu.memref_squeeze %swap3A_155 : memref<1x128xf32, #tpu.memory_space<vmem>> -> memref<128xf32, #tpu.memory_space<vmem>>
      %swap3A_157 = arith.constant 96 : index
      %swap3A_158 = tpu.vector_load %swap3A_156[%swap3A_157] {strides = array<i32>} : memref<128xf32, #tpu.memory_space<vmem>>, vector<16xf32>,
      %swap3A_159 = vector.shape_cast %swap3A_158 : vector<16xf32> to vector<16xf32>
      %swap3A_160 = vector.shape_cast %broadcast_in_dim3A_1 : vector<16xf32> to vector<16xf32>
      tpu.vector_store %swap3A_156[%swap3A_157], %swap3A_160 {strides = array<i32>} : memref<128xf32, #tpu.memory_space<vmem>>, vector<16xf32>,
      %swap3A_161 = arith.constant 0 : i32
      %swap3A_162 = tpu.memref_slice %arg9[%scan3A_112, %swap3A_161] : memref<128x128xf32, #tpu.memory_space<vmem>> -> memref<1x128xf32, #tpu.memory_space<vmem>>
      %swap3A_163 = tpu.memref_squeeze %swap3A_162 : memref<1x128xf32, #tpu.memory_space<vmem>> -> memref<128xf32, #tpu.memory_space<vmem>>
      %swap3A_164 = arith.constant 112 : index
      %swap3A_165 = tpu.vector_load %swap3A_163[%swap3A_164] {strides = array<i32>} : memref<128xf32, #tpu.memory_space<vmem>>, vector<16xf32>,
      %swap3A_166 = vector.shape_cast %swap3A_165 : vector<16xf32> to vector<16xf32>
      %swap3A_167 = vector.shape_cast %broadcast_in_dim3A_1 : vector<16xf32> to vector<16xf32>
      tpu.vector_store %swap3A_163[%swap3A_164], %swap3A_167 {strides = array<i32>} : memref<128xf32, #tpu.memory_space<vmem>>, vector<16xf32>,
    }
    %scan3A_6 = arith.constant 128 : i32
    %mul3A_7 = arith.constant 640 : i32
    %mul3A_8 = arith.muli %arg1, %mul3A_7 : i32
    %add3A_9 = arith.constant 0 : i32
    %add3A_10 = arith.addi %mul3A_8, %add3A_9 : i32
    "tpu.region"() ({
      %run_scoped3A_112 = tpu.sem_alloc : memref<!tpu.dma_semaphore, #tpu.memory_space<semaphore_mem>>
      %dma_start3A_113 = arith.constant 0 : i32
      %dma_start3A_114 = tpu.memref_slice %arg13[%add3A_10, %dma_start3A_113] : memref<10240x128xf32, #tpu.memory_space<vmem_shared>> -> memref<128x128xf32, #tpu.memory_space<vmem_shared>>
      %dma_start3A_115 = arith.constant 0 : i32
      %dma_start3A_116 = tpu.memref_slice %arg13[%add3A_10, %dma_start3A_115] : memref<10240x128xf32, #tpu.memory_space<vmem_shared>> -> memref<128x128xf32, #tpu.memory_space<vmem_shared>>
      tpu.enqueue_dma source(%arg9 : memref<128x128xf32, #tpu.memory_space<vmem>>) target(%dma_start3A_116 : memref<128x128xf32, #tpu.memory_space<vmem_shared>>) target_semaphore(%run_scoped3A_112 : memref<!tpu.dma_semaphore, #tpu.memory_space<semaphore_mem>>)
      %dma_wait3A_117 = arith.constant 0 : i32
      %dma_wait3A_118 = tpu.memref_slice %arg13[%add3A_10, %dma_wait3A_117] : memref<10240x128xf32, #tpu.memory_space<vmem_shared>> -> memref<128x128xf32, #tpu.memory_space<vmem_shared>>
      %dma_wait3A_119 = arith.constant 0 : i32
      %dma_wait3A_120 = tpu.memref_slice %arg13[%add3A_10, %dma_wait3A_119] : memref<10240x128xf32, #tpu.memory_space<vmem_shared>> -> memref<128x128xf32, #tpu.memory_space<vmem_shared>>
      tpu.wait_dma2 semaphore(%run_scoped3A_112 : memref<!tpu.dma_semaphore, #tpu.memory_space<semaphore_mem>>) src(%arg9 : memref<128x128xf32, #tpu.memory_space<vmem>>) dst(%dma_wait3A_120 : memref<128x128xf32, #tpu.memory_space<vmem_shared>>)
      tpu.yield
    }) : () -> ()
    %mul3A_11 = arith.constant 640 : i32
    %mul3A_12 = arith.muli %arg1, %mul3A_11 : i32
    %add3A_13 = arith.constant 128 : i32
    %add3A_14 = arith.addi %mul3A_12, %add3A_13 : i32
    "tpu.region"() ({
      %run_scoped3A_112 = tpu.sem_alloc : memref<!tpu.dma_semaphore, #tpu.memory_space<semaphore_mem>>
      %dma_start3A_113 = arith.constant 0 : i32
      %dma_start3A_114 = tpu.memref_slice %arg13[%add3A_14, %dma_start3A_113] : memref<10240x128xf32, #tpu.memory_space<vmem_shared>> -> memref<128x128xf32, #tpu.memory_space<vmem_shared>>
      %dma_start3A_115 = arith.constant 0 : i32
      %dma_start3A_116 = tpu.memref_slice %arg13[%add3A_14, %dma_start3A_115] : memref<10240x128xf32, #tpu.memory_space<vmem_shared>> -> memref<128x128xf32, #tpu.memory_space<vmem_shared>>
      tpu.enqueue_dma source(%arg9 : memref<128x128xf32, #tpu.memory_space<vmem>>) target(%dma_start3A_116 : memref<128x128xf32, #tpu.memory_space<vmem_shared>>) target_semaphore(%run_scoped3A_112 : memref<!tpu.dma_semaphore, #tpu.memory_space<semaphore_mem>>)
      %dma_wait3A_117 = arith.constant 0 : i32
      %dma_wait3A_118 = tpu.memref_slice %arg13[%add3A_14, %dma_wait3A_117] : memref<10240x128xf32, #tpu.memory_space<vmem_shared>> -> memref<128x128xf32, #tpu.memory_space<vmem_shared>>
      %dma_wait3A_119 = arith.constant 0 : i32
      %dma_wait3A_120 = tpu.memref_slice %arg13[%add3A_14, %dma_wait3A_119] : memref<10240x128xf32, #tpu.memory_space<vmem_shared>> -> memref<128x128xf32, #tpu.memory_space<vmem_shared>>
      tpu.wait_dma2 semaphore(%run_scoped3A_112 : memref<!tpu.dma_semaphore, #tpu.memory_space<semaphore_mem>>) src(%arg9 : memref<128x128xf32, #tpu.memory_space<vmem>>) dst(%dma_wait3A_120 : memref<128x128xf32, #tpu.memory_space<vmem_shared>>)
      tpu.yield
    }) : () -> ()
    %mul3A_15 = arith.constant 640 : i32
    %mul3A_16 = arith.muli %arg1, %mul3A_15 : i32
    %add3A_17 = arith.constant 256 : i32
    %add3A_18 = arith.addi %mul3A_16, %add3A_17 : i32
    "tpu.region"() ({
      %run_scoped3A_112 = tpu.sem_alloc : memref<!tpu.dma_semaphore, #tpu.memory_space<semaphore_mem>>
      %dma_start3A_113 = arith.constant 0 : i32
      %dma_start3A_114 = tpu.memref_slice %arg13[%add3A_18, %dma_start3A_113] : memref<10240x128xf32, #tpu.memory_space<vmem_shared>> -> memref<128x128xf32, #tpu.memory_space<vmem_shared>>
      %dma_start3A_115 = arith.constant 0 : i32
      %dma_start3A_116 = tpu.memref_slice %arg13[%add3A_18, %dma_start3A_115] : memref<10240x128xf32, #tpu.memory_space<vmem_shared>> -> memref<128x128xf32, #tpu.memory_space<vmem_shared>>
      tpu.enqueue_dma source(%arg9 : memref<128x128xf32, #tpu.memory_space<vmem>>) target(%dma_start3A_116 : memref<128x128xf32, #tpu.memory_space<vmem_shared>>) target_semaphore(%run_scoped3A_112 : memref<!tpu.dma_semaphore, #tpu.memory_space<semaphore_mem>>)
      %dma_wait3A_117 = arith.constant 0 : i32
      %dma_wait3A_118 = tpu.memref_slice %arg13[%add3A_18, %dma_wait3A_117] : memref<10240x128xf32, #tpu.memory_space<vmem_shared>> -> memref<128x128xf32, #tpu.memory_space<vmem_shared>>
      %dma_wait3A_119 = arith.constant 0 : i32
      %dma_wait3A_120 = tpu.memref_slice %arg13[%add3A_18, %dma_wait3A_119] : memref<10240x128xf32, #tpu.memory_space<vmem_shared>> -> memref<128x128xf32, #tpu.memory_space<vmem_shared>>
      tpu.wait_dma2 semaphore(%run_scoped3A_112 : memref<!tpu.dma_semaphore, #tpu.memory_space<semaphore_mem>>) src(%arg9 : memref<128x128xf32, #tpu.memory_space<vmem>>) dst(%dma_wait3A_120 : memref<128x128xf32, #tpu.memory_space<vmem_shared>>)
      tpu.yield
    }) : () -> ()
    %mul3A_19 = arith.constant 640 : i32
    %mul3A_20 = arith.muli %arg1, %mul3A_19 : i32
    %add3A_21 = arith.constant 384 : i32
    %add3A_22 = arith.addi %mul3A_20, %add3A_21 : i32
    "tpu.region"() ({
      %run_scoped3A_112 = tpu.sem_alloc : memref<!tpu.dma_semaphore, #tpu.memory_space<semaphore_mem>>
      %dma_start3A_113 = arith.constant 0 : i32
      %dma_start3A_114 = tpu.memref_slice %arg13[%add3A_22, %dma_start3A_113] : memref<10240x128xf32, #tpu.memory_space<vmem_shared>> -> memref<128x128xf32, #tpu.memory_space<vmem_shared>>
      %dma_start3A_115 = arith.constant 0 : i32
      %dma_start3A_116 = tpu.memref_slice %arg13[%add3A_22, %dma_start3A_115] : memref<10240x128xf32, #tpu.memory_space<vmem_shared>> -> memref<128x128xf32, #tpu.memory_space<vmem_shared>>
      tpu.enqueue_dma source(%arg9 : memref<128x128xf32, #tpu.memory_space<vmem>>) target(%dma_start3A_116 : memref<128x128xf32, #tpu.memory_space<vmem_shared>>) target_semaphore(%run_scoped3A_112 : memref<!tpu.dma_semaphore, #tpu.memory_space<semaphore_mem>>)
      %dma_wait3A_117 = arith.constant 0 : i32
      %dma_wait3A_118 = tpu.memref_slice %arg13[%add3A_22, %dma_wait3A_117] : memref<10240x128xf32, #tpu.memory_space<vmem_shared>> -> memref<128x128xf32, #tpu.memory_space<vmem_shared>>
      %dma_wait3A_119 = arith.constant 0 : i32
      %dma_wait3A_120 = tpu.memref_slice %arg13[%add3A_22, %dma_wait3A_119] : memref<10240x128xf32, #tpu.memory_space<vmem_shared>> -> memref<128x128xf32, #tpu.memory_space<vmem_shared>>
      tpu.wait_dma2 semaphore(%run_scoped3A_112 : memref<!tpu.dma_semaphore, #tpu.memory_space<semaphore_mem>>) src(%arg9 : memref<128x128xf32, #tpu.memory_space<vmem>>) dst(%dma_wait3A_120 : memref<128x128xf32, #tpu.memory_space<vmem_shared>>)
      tpu.yield
    }) : () -> ()
    %mul3A_23 = arith.constant 640 : i32
    %mul3A_24 = arith.muli %arg1, %mul3A_23 : i32
    %add3A_25 = arith.constant 512 : i32
    %add3A_26 = arith.addi %mul3A_24, %add3A_25 : i32
    "tpu.region"() ({
      %run_scoped3A_112 = tpu.sem_alloc : memref<!tpu.dma_semaphore, #tpu.memory_space<semaphore_mem>>
      %dma_start3A_113 = arith.constant 0 : i32
      %dma_start3A_114 = tpu.memref_slice %arg13[%add3A_26, %dma_start3A_113] : memref<10240x128xf32, #tpu.memory_space<vmem_shared>> -> memref<128x128xf32, #tpu.memory_space<vmem_shared>>
      %dma_start3A_115 = arith.constant 0 : i32
      %dma_start3A_116 = tpu.memref_slice %arg13[%add3A_26, %dma_start3A_115] : memref<10240x128xf32, #tpu.memory_space<vmem_shared>> -> memref<128x128xf32, #tpu.memory_space<vmem_shared>>
      tpu.enqueue_dma source(%arg9 : memref<128x128xf32, #tpu.memory_space<vmem>>) target(%dma_start3A_116 : memref<128x128xf32, #tpu.memory_space<vmem_shared>>) target_semaphore(%run_scoped3A_112 : memref<!tpu.dma_semaphore, #tpu.memory_space<semaphore_mem>>)
      %dma_wait3A_117 = arith.constant 0 : i32
      %dma_wait3A_118 = tpu.memref_slice %arg13[%add3A_26, %dma_wait3A_117] : memref<10240x128xf32, #tpu.memory_space<vmem_shared>> -> memref<128x128xf32, #tpu.memory_space<vmem_shared>>
      %dma_wait3A_119 = arith.constant 0 : i32
      %dma_wait3A_120 = tpu.memref_slice %arg13[%add3A_26, %dma_wait3A_119] : memref<10240x128xf32, #tpu.memory_space<vmem_shared>> -> memref<128x128xf32, #tpu.memory_space<vmem_shared>>
      tpu.wait_dma2 semaphore(%run_scoped3A_112 : memref<!tpu.dma_semaphore, #tpu.memory_space<semaphore_mem>>) src(%arg9 : memref<128x128xf32, #tpu.memory_space<vmem>>) dst(%dma_wait3A_120 : memref<128x128xf32, #tpu.memory_space<vmem_shared>>)
      tpu.yield
    }) : () -> ()
    %barrier3A = arith.constant 0 : index
    tpu.barrier barrier_id(%barrier3A)
    %mul3A_27 = arith.constant 80 : i32
    %mul3A_28 = arith.muli %add3A, %mul3A_27 : i32
    %add3A_29 = arith.constant 0 : i32
    %add3A_30 = arith.addi %mul3A_28, %add3A_29 : i32
    "tpu.region"() ({
      %run_scoped3A_112 = tpu.sem_alloc : memref<!tpu.dma_semaphore, #tpu.memory_space<semaphore_mem>>
      %dma_start3A_113 = arith.constant 0 : i32
      %dma_start3A_114 = tpu.memref_slice %arg3[%add3A_30, %dma_start3A_113] : memref<2560x128xi32, #tpu.memory_space<hbm>> -> memref<40x128xi32, #tpu.memory_space<hbm>>
      %dma_start3A_115 = arith.constant 0 : i32
      %dma_start3A_116 = tpu.memref_slice %arg3[%add3A_30, %dma_start3A_115] : memref<2560x128xi32, #tpu.memory_space<hbm>> -> memref<40x128xi32, #tpu.memory_space<hbm>>
      tpu.enqueue_dma source(%dma_start3A_116 : memref<40x128xi32, #tpu.memory_space<hbm>>) target(%arg7 : memref<40x128xi32, #tpu.memory_space<vmem>>) target_semaphore(%run_scoped3A_112 : memref<!tpu.dma_semaphore, #tpu.memory_space<semaphore_mem>>)
      %dma_wait3A_117 = arith.constant 0 : i32
      %dma_wait3A_118 = tpu.memref_slice %arg3[%add3A_30, %dma_wait3A_117] : memref<2560x128xi32, #tpu.memory_space<hbm>> -> memref<40x128xi32, #tpu.memory_space<hbm>>
      %dma_wait3A_119 = arith.constant 0 : i32
      %dma_wait3A_120 = tpu.memref_slice %arg3[%add3A_30, %dma_wait3A_119] : memref<2560x128xi32, #tpu.memory_space<hbm>> -> memref<40x128xi32, #tpu.memory_space<hbm>>
      tpu.wait_dma2 semaphore(%run_scoped3A_112 : memref<!tpu.dma_semaphore, #tpu.memory_space<semaphore_mem>>) src(%dma_wait3A_120 : memref<40x128xi32, #tpu.memory_space<hbm>>) dst(%arg7 : memref<40x128xi32, #tpu.memory_space<vmem>>)
      tpu.yield
    }) : () -> ()
    "tpu.region"() ({
      %run_scoped3A_112 = tpu.sem_alloc : memref<!tpu.dma_semaphore, #tpu.memory_space<semaphore_mem>>
      %dma_start3A_113 = arith.constant 0 : i32
      %dma_start3A_114 = tpu.memref_slice %arg4[%add3A_30, %dma_start3A_113] : memref<2560x128xi32, #tpu.memory_space<hbm>> -> memref<40x128xi32, #tpu.memory_space<hbm>>
      %dma_start3A_115 = arith.constant 0 : i32
      %dma_start3A_116 = tpu.memref_slice %arg4[%add3A_30, %dma_start3A_115] : memref<2560x128xi32, #tpu.memory_space<hbm>> -> memref<40x128xi32, #tpu.memory_space<hbm>>
      tpu.enqueue_dma source(%dma_start3A_116 : memref<40x128xi32, #tpu.memory_space<hbm>>) target(%arg8 : memref<40x128xi32, #tpu.memory_space<vmem>>) target_semaphore(%run_scoped3A_112 : memref<!tpu.dma_semaphore, #tpu.memory_space<semaphore_mem>>)
      %dma_wait3A_117 = arith.constant 0 : i32
      %dma_wait3A_118 = tpu.memref_slice %arg4[%add3A_30, %dma_wait3A_117] : memref<2560x128xi32, #tpu.memory_space<hbm>> -> memref<40x128xi32, #tpu.memory_space<hbm>>
      %dma_wait3A_119 = arith.constant 0 : i32
      %dma_wait3A_120 = tpu.memref_slice %arg4[%add3A_30, %dma_wait3A_119] : memref<2560x128xi32, #tpu.memory_space<hbm>> -> memref<40x128xi32, #tpu.memory_space<hbm>>
      tpu.wait_dma2 semaphore(%run_scoped3A_112 : memref<!tpu.dma_semaphore, #tpu.memory_space<semaphore_mem>>) src(%dma_wait3A_120 : memref<40x128xi32, #tpu.memory_space<hbm>>) dst(%arg8 : memref<40x128xi32, #tpu.memory_space<vmem>>)
      tpu.yield
    }) : () -> ()
    %dma_start3A = arith.constant 0 : i32
    %dma_start3A_31 = arith.constant 0 : i32
    %dma_start3A_32 = tpu.memref_slice %arg7[%dma_start3A, %dma_start3A_31] : memref<40x128xi32, #tpu.memory_space<vmem>> -> memref<1x128xi32, #tpu.memory_space<vmem>>
    %dma_start3A_33 = tpu.memref_squeeze %dma_start3A_32 : memref<1x128xi32, #tpu.memory_space<vmem>> -> memref<128xi32, #tpu.memory_space<vmem>>
    %dma_start3A_34 = arith.constant 0 : i32
    %dma_start3A_35 = arith.constant 0 : i32
    %dma_start3A_36 = tpu.memref_slice %arg2[%dma_start3A_34, %dma_start3A_35] : memref<10240x128xf32, #tpu.memory_space<hbm>> -> memref<10240x128xf32, #tpu.memory_space<hbm>>
    tpu.enqueue_indirect_dma source(%dma_start3A_36 : memref<10240x128xf32, #tpu.memory_space<hbm>>) target(%arg9 : memref<128x128xf32, #tpu.memory_space<vmem>>) offsets(%dma_start3A_33 : memref<128xi32, #tpu.memory_space<vmem>>) semaphore(%arg11 : memref<!tpu.dma_semaphore, #tpu.memory_space<semaphore_mem>>)
    %dma_start3A_37 = arith.constant 1 : i32
    %dma_start3A_38 = arith.constant 0 : i32
    %dma_start3A_39 = tpu.memref_slice %arg7[%dma_start3A_37, %dma_start3A_38] : memref<40x128xi32, #tpu.memory_space<vmem>> -> memref<1x128xi32, #tpu.memory_space<vmem>>
    %dma_start3A_40 = tpu.memref_squeeze %dma_start3A_39 : memref<1x128xi32, #tpu.memory_space<vmem>> -> memref<128xi32, #tpu.memory_space<vmem>>
    %dma_start3A_41 = arith.constant 0 : i32
    %dma_start3A_42 = arith.constant 0 : i32
    %dma_start3A_43 = tpu.memref_slice %arg2[%dma_start3A_41, %dma_start3A_42] : memref<10240x128xf32, #tpu.memory_space<hbm>> -> memref<10240x128xf32, #tpu.memory_space<hbm>>
    tpu.enqueue_indirect_dma source(%dma_start3A_43 : memref<10240x128xf32, #tpu.memory_space<hbm>>) target(%arg10 : memref<128x128xf32, #tpu.memory_space<vmem>>) offsets(%dma_start3A_40 : memref<128xi32, #tpu.memory_space<vmem>>) semaphore(%arg12 : memref<!tpu.dma_semaphore, #tpu.memory_space<semaphore_mem>>)
    %scan3A_44 = arith.constant 0 : i32
    %scan3A_45 = arith.constant 0 : i32
    %scan3A_46 = arith.constant 19 : i32
    %scan3A_47 = arith.addi %scan3A_45, %scan3A_46 : i32
    %scan3A_48 = arith.constant 1 : i32
    scf.for %scan3A_112 = %scan3A_45 to %scan3A_47 step %scan3A_48  : i32 {
      %mul3A_113 = arith.constant 2 : i32
      %mul3A_114 = arith.muli %mul3A_113, %scan3A_112 : i32
      %dma_wait3A_115 = arith.constant 0 : i32
      %dma_wait3A_116 = arith.constant 0 : i32
      %dma_wait3A_117 = tpu.memref_slice %arg7[%dma_wait3A_115, %dma_wait3A_116] : memref<40x128xi32, #tpu.memory_space<vmem>> -> memref<1x128xi32, #tpu.memory_space<vmem>>
      %dma_wait3A_118 = tpu.memref_squeeze %dma_wait3A_117 : memref<1x128xi32, #tpu.memory_space<vmem>> -> memref<128xi32, #tpu.memory_space<vmem>>
      %dma_wait3A_119 = arith.constant 0 : i32
      %dma_wait3A_120 = arith.constant 0 : i32
      %dma_wait3A_121 = tpu.memref_slice %arg2[%dma_wait3A_119, %dma_wait3A_120] : memref<10240x128xf32, #tpu.memory_space<hbm>> -> memref<10240x128xf32, #tpu.memory_space<hbm>>
      tpu.wait_indirect_dma semaphore(%arg11 : memref<!tpu.dma_semaphore, #tpu.memory_space<semaphore_mem>>) src(%dma_wait3A_121 : memref<10240x128xf32, #tpu.memory_space<hbm>>) dst(%arg9 : memref<128x128xf32, #tpu.memory_space<vmem>>)
      "tpu.region"() ({
        %run_scoped3A_147 = tpu.sem_alloc : memref<!tpu.dma_semaphore, #tpu.memory_space<semaphore_mem>>
        %dma_start3A_148 = arith.constant 0 : i32
        %dma_start3A_149 = tpu.memref_slice %arg8[%mul3A_114, %dma_start3A_148] : memref<40x128xi32, #tpu.memory_space<vmem>> -> memref<1x128xi32, #tpu.memory_space<vmem>>
        %dma_start3A_150 = tpu.memref_squeeze %dma_start3A_149 : memref<1x128xi32, #tpu.memory_space<vmem>> -> memref<128xi32, #tpu.memory_space<vmem>>
        %dma_start3A_151 = arith.constant 0 : i32
        %dma_start3A_152 = arith.constant 0 : i32
        %dma_start3A_153 = tpu.memref_slice %arg13[%dma_start3A_151, %dma_start3A_152] : memref<10240x128xf32, #tpu.memory_space<vmem_shared>> -> memref<10240x128xf32, #tpu.memory_space<vmem_shared>>
        tpu.enqueue_indirect_dma source(%arg9 : memref<128x128xf32, #tpu.memory_space<vmem>>) target(%dma_start3A_153 : memref<10240x128xf32, #tpu.memory_space<vmem_shared>>) offsets(%dma_start3A_150 : memref<128xi32, #tpu.memory_space<vmem>>) semaphore(%run_scoped3A_147 : memref<!tpu.dma_semaphore, #tpu.memory_space<semaphore_mem>>) {add = true}
        %dma_wait3A_154 = arith.constant 0 : i32
        %dma_wait3A_155 = tpu.memref_slice %arg8[%mul3A_114, %dma_wait3A_154] : memref<40x128xi32, #tpu.memory_space<vmem>> -> memref<1x128xi32, #tpu.memory_space<vmem>>
        %dma_wait3A_156 = tpu.memref_squeeze %dma_wait3A_155 : memref<1x128xi32, #tpu.memory_space<vmem>> -> memref<128xi32, #tpu.memory_space<vmem>>
        %dma_wait3A_157 = arith.constant 0 : i32
        %dma_wait3A_158 = arith.constant 0 : i32
        %dma_wait3A_159 = tpu.memref_slice %arg13[%dma_wait3A_157, %dma_wait3A_158] : memref<10240x128xf32, #tpu.memory_space<vmem_shared>> -> memref<10240x128xf32, #tpu.memory_space<vmem_shared>>
        tpu.wait_indirect_dma semaphore(%run_scoped3A_147 : memref<!tpu.dma_semaphore, #tpu.memory_space<semaphore_mem>>) src(%arg9 : memref<128x128xf32, #tpu.memory_space<vmem>>) dst(%dma_wait3A_159 : memref<10240x128xf32, #tpu.memory_space<vmem_shared>>)
        tpu.yield
      }) : () -> ()
      %add3A_122 = arith.constant 2 : i32
      %add3A_123 = arith.addi %mul3A_114, %add3A_122 : i32
      %dma_start3A_124 = arith.constant 0 : i32
      %dma_start3A_125 = tpu.memref_slice %arg7[%add3A_123, %dma_start3A_124] : memref<40x128xi32, #tpu.memory_space<vmem>> -> memref<1x128xi32, #tpu.memory_space<vmem>>
      %dma_start3A_126 = tpu.memref_squeeze %dma_start3A_125 : memref<1x128xi32, #tpu.memory_space<vmem>> -> memref<128xi32, #tpu.memory_space<vmem>>
      %dma_start3A_127 = arith.constant 0 : i32
      %dma_start3A_128 = arith.constant 0 : i32
      %dma_start3A_129 = tpu.memref_slice %arg2[%dma_start3A_127, %dma_start3A_128] : memref<10240x128xf32, #tpu.memory_space<hbm>> -> memref<10240x128xf32, #tpu.memory_space<hbm>>
      tpu.enqueue_indirect_dma source(%dma_start3A_129 : memref<10240x128xf32, #tpu.memory_space<hbm>>) target(%arg9 : memref<128x128xf32, #tpu.memory_space<vmem>>) offsets(%dma_start3A_126 : memref<128xi32, #tpu.memory_space<vmem>>) semaphore(%arg11 : memref<!tpu.dma_semaphore, #tpu.memory_space<semaphore_mem>>)
      %dma_wait3A_130 = arith.constant 0 : i32
      %dma_wait3A_131 = arith.constant 0 : i32
      %dma_wait3A_132 = tpu.memref_slice %arg7[%dma_wait3A_130, %dma_wait3A_131] : memref<40x128xi32, #tpu.memory_space<vmem>> -> memref<1x128xi32, #tpu.memory_space<vmem>>
      %dma_wait3A_133 = tpu.memref_squeeze %dma_wait3A_132 : memref<1x128xi32, #tpu.memory_space<vmem>> -> memref<128xi32, #tpu.memory_space<vmem>>
      %dma_wait3A_134 = arith.constant 0 : i32
      %dma_wait3A_135 = arith.constant 0 : i32
      %dma_wait3A_136 = tpu.memref_slice %arg2[%dma_wait3A_134, %dma_wait3A_135] : memref<10240x128xf32, #tpu.memory_space<hbm>> -> memref<10240x128xf32, #tpu.memory_space<hbm>>
      tpu.wait_indirect_dma semaphore(%arg12 : memref<!tpu.dma_semaphore, #tpu.memory_space<semaphore_mem>>) src(%dma_wait3A_136 : memref<10240x128xf32, #tpu.memory_space<hbm>>) dst(%arg10 : memref<128x128xf32, #tpu.memory_space<vmem>>)
      %add3A_137 = arith.constant 1 : i32
      %add3A_138 = arith.addi %mul3A_114, %add3A_137 : i32
      "tpu.region"() ({
        %run_scoped3A_147 = tpu.sem_alloc : memref<!tpu.dma_semaphore, #tpu.memory_space<semaphore_mem>>
        %dma_start3A_148 = arith.constant 0 : i32
        %dma_start3A_149 = tpu.memref_slice %arg8[%add3A_138, %dma_start3A_148] : memref<40x128xi32, #tpu.memory_space<vmem>> -> memref<1x128xi32, #tpu.memory_space<vmem>>
        %dma_start3A_150 = tpu.memref_squeeze %dma_start3A_149 : memref<1x128xi32, #tpu.memory_space<vmem>> -> memref<128xi32, #tpu.memory_space<vmem>>
        %dma_start3A_151 = arith.constant 0 : i32
        %dma_start3A_152 = arith.constant 0 : i32
        %dma_start3A_153 = tpu.memref_slice %arg13[%dma_start3A_151, %dma_start3A_152] : memref<10240x128xf32, #tpu.memory_space<vmem_shared>> -> memref<10240x128xf32, #tpu.memory_space<vmem_shared>>
        tpu.enqueue_indirect_dma source(%arg10 : memref<128x128xf32, #tpu.memory_space<vmem>>) target(%dma_start3A_153 : memref<10240x128xf32, #tpu.memory_space<vmem_shared>>) offsets(%dma_start3A_150 : memref<128xi32, #tpu.memory_space<vmem>>) semaphore(%run_scoped3A_147 : memref<!tpu.dma_semaphore, #tpu.memory_space<semaphore_mem>>) {add = true}
        %dma_wait3A_154 = arith.constant 0 : i32
        %dma_wait3A_155 = tpu.memref_slice %arg8[%add3A_138, %dma_wait3A_154] : memref<40x128xi32, #tpu.memory_space<vmem>> -> memref<1x128xi32, #tpu.memory_space<vmem>>
        %dma_wait3A_156 = tpu.memref_squeeze %dma_wait3A_155 : memref<1x128xi32, #tpu.memory_space<vmem>> -> memref<128xi32, #tpu.memory_space<vmem>>
        %dma_wait3A_157 = arith.constant 0 : i32
        %dma_wait3A_158 = arith.constant 0 : i32
        %dma_wait3A_159 = tpu.memref_slice %arg13[%dma_wait3A_157, %dma_wait3A_158] : memref<10240x128xf32, #tpu.memory_space<vmem_shared>> -> memref<10240x128xf32, #tpu.memory_space<vmem_shared>>
        tpu.wait_indirect_dma semaphore(%run_scoped3A_147 : memref<!tpu.dma_semaphore, #tpu.memory_space<semaphore_mem>>) src(%arg10 : memref<128x128xf32, #tpu.memory_space<vmem>>) dst(%dma_wait3A_159 : memref<10240x128xf32, #tpu.memory_space<vmem_shared>>)
        tpu.yield
      }) : () -> ()
      %add3A_139 = arith.constant 3 : i32
      %add3A_140 = arith.addi %mul3A_114, %add3A_139 : i32
      %dma_start3A_141 = arith.constant 0 : i32
      %dma_start3A_142 = tpu.memref_slice %arg7[%add3A_140, %dma_start3A_141] : memref<40x128xi32, #tpu.memory_space<vmem>> -> memref<1x128xi32, #tpu.memory_space<vmem>>
      %dma_start3A_143 = tpu.memref_squeeze %dma_start3A_142 : memref<1x128xi32, #tpu.memory_space<vmem>> -> memref<128xi32, #tpu.memory_space<vmem>>
      %dma_start3A_144 = arith.constant 0 : i32
      %dma_start3A_145 = arith.constant 0 : i32
      %dma_start3A_146 = tpu.memref_slice %arg2[%dma_start3A_144, %dma_start3A_145] : memref<10240x128xf32, #tpu.memory_space<hbm>> -> memref<10240x128xf32, #tpu.memory_space<hbm>>
      tpu.enqueue_indirect_dma source(%dma_start3A_146 : memref<10240x128xf32, #tpu.memory_space<hbm>>) target(%arg10 : memref<128x128xf32, #tpu.memory_space<vmem>>) offsets(%dma_start3A_143 : memref<128xi32, #tpu.memory_space<vmem>>) semaphore(%arg12 : memref<!tpu.dma_semaphore, #tpu.memory_space<semaphore_mem>>)
    }
    %scan3A_49 = arith.constant 19 : i32
    %dma_wait3A = arith.constant 0 : i32
    %dma_wait3A_50 = arith.constant 0 : i32
    %dma_wait3A_51 = tpu.memref_slice %arg7[%dma_wait3A, %dma_wait3A_50] : memref<40x128xi32, #tpu.memory_space<vmem>> -> memref<1x128xi32, #tpu.memory_space<vmem>>
    %dma_wait3A_52 = tpu.memref_squeeze %dma_wait3A_51 : memref<1x128xi32, #tpu.memory_space<vmem>> -> memref<128xi32, #tpu.memory_space<vmem>>
    %dma_wait3A_53 = arith.constant 0 : i32
    %dma_wait3A_54 = arith.constant 0 : i32
    %dma_wait3A_55 = tpu.memref_slice %arg2[%dma_wait3A_53, %dma_wait3A_54] : memref<10240x128xf32, #tpu.memory_space<hbm>> -> memref<10240x128xf32, #tpu.memory_space<hbm>>
    tpu.wait_indirect_dma semaphore(%arg11 : memref<!tpu.dma_semaphore, #tpu.memory_space<semaphore_mem>>) src(%dma_wait3A_55 : memref<10240x128xf32, #tpu.memory_space<hbm>>) dst(%arg9 : memref<128x128xf32, #tpu.memory_space<vmem>>)
    %run_scoped3A = arith.constant 38 : i32
    "tpu.region"() ({
      %run_scoped3A_112 = tpu.sem_alloc : memref<!tpu.dma_semaphore, #tpu.memory_space<semaphore_mem>>
      %dma_start3A_113 = arith.constant 0 : i32
      %dma_start3A_114 = tpu.memref_slice %arg8[%run_scoped3A, %dma_start3A_113] : memref<40x128xi32, #tpu.memory_space<vmem>> -> memref<1x128xi32, #tpu.memory_space<vmem>>
      %dma_start3A_115 = tpu.memref_squeeze %dma_start3A_114 : memref<1x128xi32, #tpu.memory_space<vmem>> -> memref<128xi32, #tpu.memory_space<vmem>>
      %dma_start3A_116 = arith.constant 0 : i32
      %dma_start3A_117 = arith.constant 0 : i32
      %dma_start3A_118 = tpu.memref_slice %arg13[%dma_start3A_116, %dma_start3A_117] : memref<10240x128xf32, #tpu.memory_space<vmem_shared>> -> memref<10240x128xf32, #tpu.memory_space<vmem_shared>>
      tpu.enqueue_indirect_dma source(%arg9 : memref<128x128xf32, #tpu.memory_space<vmem>>) target(%dma_start3A_118 : memref<10240x128xf32, #tpu.memory_space<vmem_shared>>) offsets(%dma_start3A_115 : memref<128xi32, #tpu.memory_space<vmem>>) semaphore(%run_scoped3A_112 : memref<!tpu.dma_semaphore, #tpu.memory_space<semaphore_mem>>) {add = true}
      %dma_wait3A_119 = arith.constant 0 : i32
      %dma_wait3A_120 = tpu.memref_slice %arg8[%run_scoped3A, %dma_wait3A_119] : memref<40x128xi32, #tpu.memory_space<vmem>> -> memref<1x128xi32, #tpu.memory_space<vmem>>
      %dma_wait3A_121 = tpu.memref_squeeze %dma_wait3A_120 : memref<1x128xi32, #tpu.memory_space<vmem>> -> memref<128xi32, #tpu.memory_space<vmem>>
      %dma_wait3A_122 = arith.constant 0 : i32
      %dma_wait3A_123 = arith.constant 0 : i32
      %dma_wait3A_124 = tpu.memref_slice %arg13[%dma_wait3A_122, %dma_wait3A_123] : memref<10240x128xf32, #tpu.memory_space<vmem_shared>> -> memref<10240x128xf32, #tpu.memory_space<vmem_shared>>
      tpu.wait_indirect_dma semaphore(%run_scoped3A_112 : memref<!tpu.dma_semaphore, #tpu.memory_space<semaphore_mem>>) src(%arg9 : memref<128x128xf32, #tpu.memory_space<vmem>>) dst(%dma_wait3A_124 : memref<10240x128xf32, #tpu.memory_space<vmem_shared>>)
      tpu.yield
    }) : () -> ()
    %dma_wait3A_56 = arith.constant 0 : i32
    %dma_wait3A_57 = arith.constant 0 : i32
    %dma_wait3A_58 = tpu.memref_slice %arg7[%dma_wait3A_56, %dma_wait3A_57] : memref<40x128xi32, #tpu.memory_space<vmem>> -> memref<1x128xi32, #tpu.memory_space<vmem>>
    %dma_wait3A_59 = tpu.memref_squeeze %dma_wait3A_58 : memref<1x128xi32, #tpu.memory_space<vmem>> -> memref<128xi32, #tpu.memory_space<vmem>>
    %dma_wait3A_60 = arith.constant 0 : i32
    %dma_wait3A_61 = arith.constant 0 : i32
    %dma_wait3A_62 = tpu.memref_slice %arg2[%dma_wait3A_60, %dma_wait3A_61] : memref<10240x128xf32, #tpu.memory_space<hbm>> -> memref<10240x128xf32, #tpu.memory_space<hbm>>
    tpu.wait_indirect_dma semaphore(%arg12 : memref<!tpu.dma_semaphore, #tpu.memory_space<semaphore_mem>>) src(%dma_wait3A_62 : memref<10240x128xf32, #tpu.memory_space<hbm>>) dst(%arg10 : memref<128x128xf32, #tpu.memory_space<vmem>>)
    %run_scoped3A_63 = arith.constant 39 : i32
    "tpu.region"() ({
      %run_scoped3A_112 = tpu.sem_alloc : memref<!tpu.dma_semaphore, #tpu.memory_space<semaphore_mem>>
      %dma_start3A_113 = arith.constant 0 : i32
      %dma_start3A_114 = tpu.memref_slice %arg8[%run_scoped3A_63, %dma_start3A_113] : memref<40x128xi32, #tpu.memory_space<vmem>> -> memref<1x128xi32, #tpu.memory_space<vmem>>
      %dma_start3A_115 = tpu.memref_squeeze %dma_start3A_114 : memref<1x128xi32, #tpu.memory_space<vmem>> -> memref<128xi32, #tpu.memory_space<vmem>>
      %dma_start3A_116 = arith.constant 0 : i32
      %dma_start3A_117 = arith.constant 0 : i32
      %dma_start3A_118 = tpu.memref_slice %arg13[%dma_start3A_116, %dma_start3A_117] : memref<10240x128xf32, #tpu.memory_space<vmem_shared>> -> memref<10240x128xf32, #tpu.memory_space<vmem_shared>>
      tpu.enqueue_indirect_dma source(%arg10 : memref<128x128xf32, #tpu.memory_space<vmem>>) target(%dma_start3A_118 : memref<10240x128xf32, #tpu.memory_space<vmem_shared>>) offsets(%dma_start3A_115 : memref<128xi32, #tpu.memory_space<vmem>>) semaphore(%run_scoped3A_112 : memref<!tpu.dma_semaphore, #tpu.memory_space<semaphore_mem>>) {add = true}
      %dma_wait3A_119 = arith.constant 0 : i32
      %dma_wait3A_120 = tpu.memref_slice %arg8[%run_scoped3A_63, %dma_wait3A_119] : memref<40x128xi32, #tpu.memory_space<vmem>> -> memref<1x128xi32, #tpu.memory_space<vmem>>
      %dma_wait3A_121 = tpu.memref_squeeze %dma_wait3A_120 : memref<1x128xi32, #tpu.memory_space<vmem>> -> memref<128xi32, #tpu.memory_space<vmem>>
      %dma_wait3A_122 = arith.constant 0 : i32
      %dma_wait3A_123 = arith.constant 0 : i32
      %dma_wait3A_124 = tpu.memref_slice %arg13[%dma_wait3A_122, %dma_wait3A_123] : memref<10240x128xf32, #tpu.memory_space<vmem_shared>> -> memref<10240x128xf32, #tpu.memory_space<vmem_shared>>
      tpu.wait_indirect_dma semaphore(%run_scoped3A_112 : memref<!tpu.dma_semaphore, #tpu.memory_space<semaphore_mem>>) src(%arg10 : memref<128x128xf32, #tpu.memory_space<vmem>>) dst(%dma_wait3A_124 : memref<10240x128xf32, #tpu.memory_space<vmem_shared>>)
      tpu.yield
    }) : () -> ()
    %mul3A_64 = arith.constant 80 : i32
    %mul3A_65 = arith.muli %add3A, %mul3A_64 : i32
    %add3A_66 = arith.constant 40 : i32
    %add3A_67 = arith.addi %mul3A_65, %add3A_66 : i32
    "tpu.region"() ({
      %run_scoped3A_112 = tpu.sem_alloc : memref<!tpu.dma_semaphore, #tpu.memory_space<semaphore_mem>>
      %dma_start3A_113 = arith.constant 0 : i32
      %dma_start3A_114 = tpu.memref_slice %arg3[%add3A_67, %dma_start3A_113] : memref<2560x128xi32, #tpu.memory_space<hbm>> -> memref<40x128xi32, #tpu.memory_space<hbm>>
      %dma_start3A_115 = arith.constant 0 : i32
      %dma_start3A_116 = tpu.memref_slice %arg3[%add3A_67, %dma_start3A_115] : memref<2560x128xi32, #tpu.memory_space<hbm>> -> memref<40x128xi32, #tpu.memory_space<hbm>>
      tpu.enqueue_dma source(%dma_start3A_116 : memref<40x128xi32, #tpu.memory_space<hbm>>) target(%arg7 : memref<40x128xi32, #tpu.memory_space<vmem>>) target_semaphore(%run_scoped3A_112 : memref<!tpu.dma_semaphore, #tpu.memory_space<semaphore_mem>>)
      %dma_wait3A_117 = arith.constant 0 : i32
      %dma_wait3A_118 = tpu.memref_slice %arg3[%add3A_67, %dma_wait3A_117] : memref<2560x128xi32, #tpu.memory_space<hbm>> -> memref<40x128xi32, #tpu.memory_space<hbm>>
      %dma_wait3A_119 = arith.constant 0 : i32
      %dma_wait3A_120 = tpu.memref_slice %arg3[%add3A_67, %dma_wait3A_119] : memref<2560x128xi32, #tpu.memory_space<hbm>> -> memref<40x128xi32, #tpu.memory_space<hbm>>
      tpu.wait_dma2 semaphore(%run_scoped3A_112 : memref<!tpu.dma_semaphore, #tpu.memory_space<semaphore_mem>>) src(%dma_wait3A_120 : memref<40x128xi32, #tpu.memory_space<hbm>>) dst(%arg7 : memref<40x128xi32, #tpu.memory_space<vmem>>)
      tpu.yield
    }) : () -> ()
    "tpu.region"() ({
      %run_scoped3A_112 = tpu.sem_alloc : memref<!tpu.dma_semaphore, #tpu.memory_space<semaphore_mem>>
      %dma_start3A_113 = arith.constant 0 : i32
      %dma_start3A_114 = tpu.memref_slice %arg4[%add3A_67, %dma_start3A_113] : memref<2560x128xi32, #tpu.memory_space<hbm>> -> memref<40x128xi32, #tpu.memory_space<hbm>>
      %dma_start3A_115 = arith.constant 0 : i32
      %dma_start3A_116 = tpu.memref_slice %arg4[%add3A_67, %dma_start3A_115] : memref<2560x128xi32, #tpu.memory_space<hbm>> -> memref<40x128xi32, #tpu.memory_space<hbm>>
      tpu.enqueue_dma source(%dma_start3A_116 : memref<40x128xi32, #tpu.memory_space<hbm>>) target(%arg8 : memref<40x128xi32, #tpu.memory_space<vmem>>) target_semaphore(%run_scoped3A_112 : memref<!tpu.dma_semaphore, #tpu.memory_space<semaphore_mem>>)
      %dma_wait3A_117 = arith.constant 0 : i32
      %dma_wait3A_118 = tpu.memref_slice %arg4[%add3A_67, %dma_wait3A_117] : memref<2560x128xi32, #tpu.memory_space<hbm>> -> memref<40x128xi32, #tpu.memory_space<hbm>>
      %dma_wait3A_119 = arith.constant 0 : i32
      %dma_wait3A_120 = tpu.memref_slice %arg4[%add3A_67, %dma_wait3A_119] : memref<2560x128xi32, #tpu.memory_space<hbm>> -> memref<40x128xi32, #tpu.memory_space<hbm>>
      tpu.wait_dma2 semaphore(%run_scoped3A_112 : memref<!tpu.dma_semaphore, #tpu.memory_space<semaphore_mem>>) src(%dma_wait3A_120 : memref<40x128xi32, #tpu.memory_space<hbm>>) dst(%arg8 : memref<40x128xi32, #tpu.memory_space<vmem>>)
      tpu.yield
    }) : () -> ()
    %dma_start3A_68 = arith.constant 0 : i32
    %dma_start3A_69 = arith.constant 0 : i32
    %dma_start3A_70 = tpu.memref_slice %arg7[%dma_start3A_68, %dma_start3A_69] : memref<40x128xi32, #tpu.memory_space<vmem>> -> memref<1x128xi32, #tpu.memory_space<vmem>>
    %dma_start3A_71 = tpu.memref_squeeze %dma_start3A_70 : memref<1x128xi32, #tpu.memory_space<vmem>> -> memref<128xi32, #tpu.memory_space<vmem>>
    %dma_start3A_72 = arith.constant 0 : i32
    %dma_start3A_73 = arith.constant 0 : i32
    %dma_start3A_74 = tpu.memref_slice %arg2[%dma_start3A_72, %dma_start3A_73] : memref<10240x128xf32, #tpu.memory_space<hbm>> -> memref<10240x128xf32, #tpu.memory_space<hbm>>
    tpu.enqueue_indirect_dma source(%dma_start3A_74 : memref<10240x128xf32, #tpu.memory_space<hbm>>) target(%arg9 : memref<128x128xf32, #tpu.memory_space<vmem>>) offsets(%dma_start3A_71 : memref<128xi32, #tpu.memory_space<vmem>>) semaphore(%arg11 : memref<!tpu.dma_semaphore, #tpu.memory_space<semaphore_mem>>)
    %dma_start3A_75 = arith.constant 1 : i32
    %dma_start3A_76 = arith.constant 0 : i32
    %dma_start3A_77 = tpu.memref_slice %arg7[%dma_start3A_75, %dma_start3A_76] : memref<40x128xi32, #tpu.memory_space<vmem>> -> memref<1x128xi32, #tpu.memory_space<vmem>>
    %dma_start3A_78 = tpu.memref_squeeze %dma_start3A_77 : memref<1x128xi32, #tpu.memory_space<vmem>> -> memref<128xi32, #tpu.memory_space<vmem>>
    %dma_start3A_79 = arith.constant 0 : i32
    %dma_start3A_80 = arith.constant 0 : i32
    %dma_start3A_81 = tpu.memref_slice %arg2[%dma_start3A_79, %dma_start3A_80] : memref<10240x128xf32, #tpu.memory_space<hbm>> -> memref<10240x128xf32, #tpu.memory_space<hbm>>
    tpu.enqueue_indirect_dma source(%dma_start3A_81 : memref<10240x128xf32, #tpu.memory_space<hbm>>) target(%arg10 : memref<128x128xf32, #tpu.memory_space<vmem>>) offsets(%dma_start3A_78 : memref<128xi32, #tpu.memory_space<vmem>>) semaphore(%arg12 : memref<!tpu.dma_semaphore, #tpu.memory_space<semaphore_mem>>)
    %scan3A_82 = arith.constant 0 : i32
    %scan3A_83 = arith.constant 0 : i32
    %scan3A_84 = arith.constant 19 : i32
    %scan3A_85 = arith.addi %scan3A_83, %scan3A_84 : i32
    %scan3A_86 = arith.constant 1 : i32
    scf.for %scan3A_112 = %scan3A_83 to %scan3A_85 step %scan3A_86  : i32 {
      %mul3A_113 = arith.constant 2 : i32
      %mul3A_114 = arith.muli %mul3A_113, %scan3A_112 : i32
      %dma_wait3A_115 = arith.constant 0 : i32
      %dma_wait3A_116 = arith.constant 0 : i32
      %dma_wait3A_117 = tpu.memref_slice %arg7[%dma_wait3A_115, %dma_wait3A_116] : memref<40x128xi32, #tpu.memory_space<vmem>> -> memref<1x128xi32, #tpu.memory_space<vmem>>
      %dma_wait3A_118 = tpu.memref_squeeze %dma_wait3A_117 : memref<1x128xi32, #tpu.memory_space<vmem>> -> memref<128xi32, #tpu.memory_space<vmem>>
      %dma_wait3A_119 = arith.constant 0 : i32
      %dma_wait3A_120 = arith.constant 0 : i32
      %dma_wait3A_121 = tpu.memref_slice %arg2[%dma_wait3A_119, %dma_wait3A_120] : memref<10240x128xf32, #tpu.memory_space<hbm>> -> memref<10240x128xf32, #tpu.memory_space<hbm>>
      tpu.wait_indirect_dma semaphore(%arg11 : memref<!tpu.dma_semaphore, #tpu.memory_space<semaphore_mem>>) src(%dma_wait3A_121 : memref<10240x128xf32, #tpu.memory_space<hbm>>) dst(%arg9 : memref<128x128xf32, #tpu.memory_space<vmem>>)
      "tpu.region"() ({
        %run_scoped3A_147 = tpu.sem_alloc : memref<!tpu.dma_semaphore, #tpu.memory_space<semaphore_mem>>
        %dma_start3A_148 = arith.constant 0 : i32
        %dma_start3A_149 = tpu.memref_slice %arg8[%mul3A_114, %dma_start3A_148] : memref<40x128xi32, #tpu.memory_space<vmem>> -> memref<1x128xi32, #tpu.memory_space<vmem>>
        %dma_start3A_150 = tpu.memref_squeeze %dma_start3A_149 : memref<1x128xi32, #tpu.memory_space<vmem>> -> memref<128xi32, #tpu.memory_space<vmem>>
        %dma_start3A_151 = arith.constant 0 : i32
        %dma_start3A_152 = arith.constant 0 : i32
        %dma_start3A_153 = tpu.memref_slice %arg13[%dma_start3A_151, %dma_start3A_152] : memref<10240x128xf32, #tpu.memory_space<vmem_shared>> -> memref<10240x128xf32, #tpu.memory_space<vmem_shared>>
        tpu.enqueue_indirect_dma source(%arg9 : memref<128x128xf32, #tpu.memory_space<vmem>>) target(%dma_start3A_153 : memref<10240x128xf32, #tpu.memory_space<vmem_shared>>) offsets(%dma_start3A_150 : memref<128xi32, #tpu.memory_space<vmem>>) semaphore(%run_scoped3A_147 : memref<!tpu.dma_semaphore, #tpu.memory_space<semaphore_mem>>) {add = true}
        %dma_wait3A_154 = arith.constant 0 : i32
        %dma_wait3A_155 = tpu.memref_slice %arg8[%mul3A_114, %dma_wait3A_154] : memref<40x128xi32, #tpu.memory_space<vmem>> -> memref<1x128xi32, #tpu.memory_space<vmem>>
        %dma_wait3A_156 = tpu.memref_squeeze %dma_wait3A_155 : memref<1x128xi32, #tpu.memory_space<vmem>> -> memref<128xi32, #tpu.memory_space<vmem>>
        %dma_wait3A_157 = arith.constant 0 : i32
        %dma_wait3A_158 = arith.constant 0 : i32
        %dma_wait3A_159 = tpu.memref_slice %arg13[%dma_wait3A_157, %dma_wait3A_158] : memref<10240x128xf32, #tpu.memory_space<vmem_shared>> -> memref<10240x128xf32, #tpu.memory_space<vmem_shared>>
        tpu.wait_indirect_dma semaphore(%run_scoped3A_147 : memref<!tpu.dma_semaphore, #tpu.memory_space<semaphore_mem>>) src(%arg9 : memref<128x128xf32, #tpu.memory_space<vmem>>) dst(%dma_wait3A_159 : memref<10240x128xf32, #tpu.memory_space<vmem_shared>>)
        tpu.yield
      }) : () -> ()
      %add3A_122 = arith.constant 2 : i32
      %add3A_123 = arith.addi %mul3A_114, %add3A_122 : i32
      %dma_start3A_124 = arith.constant 0 : i32
      %dma_start3A_125 = tpu.memref_slice %arg7[%add3A_123, %dma_start3A_124] : memref<40x128xi32, #tpu.memory_space<vmem>> -> memref<1x128xi32, #tpu.memory_space<vmem>>
      %dma_start3A_126 = tpu.memref_squeeze %dma_start3A_125 : memref<1x128xi32, #tpu.memory_space<vmem>> -> memref<128xi32, #tpu.memory_space<vmem>>
      %dma_start3A_127 = arith.constant 0 : i32
      %dma_start3A_128 = arith.constant 0 : i32
      %dma_start3A_129 = tpu.memref_slice %arg2[%dma_start3A_127, %dma_start3A_128] : memref<10240x128xf32, #tpu.memory_space<hbm>> -> memref<10240x128xf32, #tpu.memory_space<hbm>>
      tpu.enqueue_indirect_dma source(%dma_start3A_129 : memref<10240x128xf32, #tpu.memory_space<hbm>>) target(%arg9 : memref<128x128xf32, #tpu.memory_space<vmem>>) offsets(%dma_start3A_126 : memref<128xi32, #tpu.memory_space<vmem>>) semaphore(%arg11 : memref<!tpu.dma_semaphore, #tpu.memory_space<semaphore_mem>>)
      %dma_wait3A_130 = arith.constant 0 : i32
      %dma_wait3A_131 = arith.constant 0 : i32
      %dma_wait3A_132 = tpu.memref_slice %arg7[%dma_wait3A_130, %dma_wait3A_131] : memref<40x128xi32, #tpu.memory_space<vmem>> -> memref<1x128xi32, #tpu.memory_space<vmem>>
      %dma_wait3A_133 = tpu.memref_squeeze %dma_wait3A_132 : memref<1x128xi32, #tpu.memory_space<vmem>> -> memref<128xi32, #tpu.memory_space<vmem>>
      %dma_wait3A_134 = arith.constant 0 : i32
      %dma_wait3A_135 = arith.constant 0 : i32
      %dma_wait3A_136 = tpu.memref_slice %arg2[%dma_wait3A_134, %dma_wait3A_135] : memref<10240x128xf32, #tpu.memory_space<hbm>> -> memref<10240x128xf32, #tpu.memory_space<hbm>>
      tpu.wait_indirect_dma semaphore(%arg12 : memref<!tpu.dma_semaphore, #tpu.memory_space<semaphore_mem>>) src(%dma_wait3A_136 : memref<10240x128xf32, #tpu.memory_space<hbm>>) dst(%arg10 : memref<128x128xf32, #tpu.memory_space<vmem>>)
      %add3A_137 = arith.constant 1 : i32
      %add3A_138 = arith.addi %mul3A_114, %add3A_137 : i32
      "tpu.region"() ({
        %run_scoped3A_147 = tpu.sem_alloc : memref<!tpu.dma_semaphore, #tpu.memory_space<semaphore_mem>>
        %dma_start3A_148 = arith.constant 0 : i32
        %dma_start3A_149 = tpu.memref_slice %arg8[%add3A_138, %dma_start3A_148] : memref<40x128xi32, #tpu.memory_space<vmem>> -> memref<1x128xi32, #tpu.memory_space<vmem>>
        %dma_start3A_150 = tpu.memref_squeeze %dma_start3A_149 : memref<1x128xi32, #tpu.memory_space<vmem>> -> memref<128xi32, #tpu.memory_space<vmem>>
        %dma_start3A_151 = arith.constant 0 : i32
        %dma_start3A_152 = arith.constant 0 : i32
        %dma_start3A_153 = tpu.memref_slice %arg13[%dma_start3A_151, %dma_start3A_152] : memref<10240x128xf32, #tpu.memory_space<vmem_shared>> -> memref<10240x128xf32, #tpu.memory_space<vmem_shared>>
        tpu.enqueue_indirect_dma source(%arg10 : memref<128x128xf32, #tpu.memory_space<vmem>>) target(%dma_start3A_153 : memref<10240x128xf32, #tpu.memory_space<vmem_shared>>) offsets(%dma_start3A_150 : memref<128xi32, #tpu.memory_space<vmem>>) semaphore(%run_scoped3A_147 : memref<!tpu.dma_semaphore, #tpu.memory_space<semaphore_mem>>) {add = true}
        %dma_wait3A_154 = arith.constant 0 : i32
        %dma_wait3A_155 = tpu.memref_slice %arg8[%add3A_138, %dma_wait3A_154] : memref<40x128xi32, #tpu.memory_space<vmem>> -> memref<1x128xi32, #tpu.memory_space<vmem>>
        %dma_wait3A_156 = tpu.memref_squeeze %dma_wait3A_155 : memref<1x128xi32, #tpu.memory_space<vmem>> -> memref<128xi32, #tpu.memory_space<vmem>>
        %dma_wait3A_157 = arith.constant 0 : i32
        %dma_wait3A_158 = arith.constant 0 : i32
        %dma_wait3A_159 = tpu.memref_slice %arg13[%dma_wait3A_157, %dma_wait3A_158] : memref<10240x128xf32, #tpu.memory_space<vmem_shared>> -> memref<10240x128xf32, #tpu.memory_space<vmem_shared>>
        tpu.wait_indirect_dma semaphore(%run_scoped3A_147 : memref<!tpu.dma_semaphore, #tpu.memory_space<semaphore_mem>>) src(%arg10 : memref<128x128xf32, #tpu.memory_space<vmem>>) dst(%dma_wait3A_159 : memref<10240x128xf32, #tpu.memory_space<vmem_shared>>)
        tpu.yield
      }) : () -> ()
      %add3A_139 = arith.constant 3 : i32
      %add3A_140 = arith.addi %mul3A_114, %add3A_139 : i32
      %dma_start3A_141 = arith.constant 0 : i32
      %dma_start3A_142 = tpu.memref_slice %arg7[%add3A_140, %dma_start3A_141] : memref<40x128xi32, #tpu.memory_space<vmem>> -> memref<1x128xi32, #tpu.memory_space<vmem>>
      %dma_start3A_143 = tpu.memref_squeeze %dma_start3A_142 : memref<1x128xi32, #tpu.memory_space<vmem>> -> memref<128xi32, #tpu.memory_space<vmem>>
      %dma_start3A_144 = arith.constant 0 : i32
      %dma_start3A_145 = arith.constant 0 : i32
      %dma_start3A_146 = tpu.memref_slice %arg2[%dma_start3A_144, %dma_start3A_145] : memref<10240x128xf32, #tpu.memory_space<hbm>> -> memref<10240x128xf32, #tpu.memory_space<hbm>>
      tpu.enqueue_indirect_dma source(%dma_start3A_146 : memref<10240x128xf32, #tpu.memory_space<hbm>>) target(%arg10 : memref<128x128xf32, #tpu.memory_space<vmem>>) offsets(%dma_start3A_143 : memref<128xi32, #tpu.memory_space<vmem>>) semaphore(%arg12 : memref<!tpu.dma_semaphore, #tpu.memory_space<semaphore_mem>>)
    }
    %scan3A_87 = arith.constant 19 : i32
    %dma_wait3A_88 = arith.constant 0 : i32
    %dma_wait3A_89 = arith.constant 0 : i32
    %dma_wait3A_90 = tpu.memref_slice %arg7[%dma_wait3A_88, %dma_wait3A_89] : memref<40x128xi32, #tpu.memory_space<vmem>> -> memref<1x128xi32, #tpu.memory_space<vmem>>
    %dma_wait3A_91 = tpu.memref_squeeze %dma_wait3A_90 : memref<1x128xi32, #tpu.memory_space<vmem>> -> memref<128xi32, #tpu.memory_space<vmem>>
    %dma_wait3A_92 = arith.constant 0 : i32
    %dma_wait3A_93 = arith.constant 0 : i32
    %dma_wait3A_94 = tpu.memref_slice %arg2[%dma_wait3A_92, %dma_wait3A_93] : memref<10240x128xf32, #tpu.memory_space<hbm>> -> memref<10240x128xf32, #tpu.memory_space<hbm>>
    tpu.wait_indirect_dma semaphore(%arg11 : memref<!tpu.dma_semaphore, #tpu.memory_space<semaphore_mem>>) src(%dma_wait3A_94 : memref<10240x128xf32, #tpu.memory_space<hbm>>) dst(%arg9 : memref<128x128xf32, #tpu.memory_space<vmem>>)
    %run_scoped3A_95 = arith.constant 38 : i32
    "tpu.region"() ({
      %run_scoped3A_112 = tpu.sem_alloc : memref<!tpu.dma_semaphore, #tpu.memory_space<semaphore_mem>>
      %dma_start3A_113 = arith.constant 0 : i32
      %dma_start3A_114 = tpu.memref_slice %arg8[%run_scoped3A_95, %dma_start3A_113] : memref<40x128xi32, #tpu.memory_space<vmem>> -> memref<1x128xi32, #tpu.memory_space<vmem>>
      %dma_start3A_115 = tpu.memref_squeeze %dma_start3A_114 : memref<1x128xi32, #tpu.memory_space<vmem>> -> memref<128xi32, #tpu.memory_space<vmem>>
      %dma_start3A_116 = arith.constant 0 : i32
      %dma_start3A_117 = arith.constant 0 : i32
      %dma_start3A_118 = tpu.memref_slice %arg13[%dma_start3A_116, %dma_start3A_117] : memref<10240x128xf32, #tpu.memory_space<vmem_shared>> -> memref<10240x128xf32, #tpu.memory_space<vmem_shared>>
      tpu.enqueue_indirect_dma source(%arg9 : memref<128x128xf32, #tpu.memory_space<vmem>>) target(%dma_start3A_118 : memref<10240x128xf32, #tpu.memory_space<vmem_shared>>) offsets(%dma_start3A_115 : memref<128xi32, #tpu.memory_space<vmem>>) semaphore(%run_scoped3A_112 : memref<!tpu.dma_semaphore, #tpu.memory_space<semaphore_mem>>) {add = true}
      %dma_wait3A_119 = arith.constant 0 : i32
      %dma_wait3A_120 = tpu.memref_slice %arg8[%run_scoped3A_95, %dma_wait3A_119] : memref<40x128xi32, #tpu.memory_space<vmem>> -> memref<1x128xi32, #tpu.memory_space<vmem>>
      %dma_wait3A_121 = tpu.memref_squeeze %dma_wait3A_120 : memref<1x128xi32, #tpu.memory_space<vmem>> -> memref<128xi32, #tpu.memory_space<vmem>>
      %dma_wait3A_122 = arith.constant 0 : i32
      %dma_wait3A_123 = arith.constant 0 : i32
      %dma_wait3A_124 = tpu.memref_slice %arg13[%dma_wait3A_122, %dma_wait3A_123] : memref<10240x128xf32, #tpu.memory_space<vmem_shared>> -> memref<10240x128xf32, #tpu.memory_space<vmem_shared>>
      tpu.wait_indirect_dma semaphore(%run_scoped3A_112 : memref<!tpu.dma_semaphore, #tpu.memory_space<semaphore_mem>>) src(%arg9 : memref<128x128xf32, #tpu.memory_space<vmem>>) dst(%dma_wait3A_124 : memref<10240x128xf32, #tpu.memory_space<vmem_shared>>)
      tpu.yield
    }) : () -> ()
    %dma_wait3A_96 = arith.constant 0 : i32
    %dma_wait3A_97 = arith.constant 0 : i32
    %dma_wait3A_98 = tpu.memref_slice %arg7[%dma_wait3A_96, %dma_wait3A_97] : memref<40x128xi32, #tpu.memory_space<vmem>> -> memref<1x128xi32, #tpu.memory_space<vmem>>
    %dma_wait3A_99 = tpu.memref_squeeze %dma_wait3A_98 : memref<1x128xi32, #tpu.memory_space<vmem>> -> memref<128xi32, #tpu.memory_space<vmem>>
    %dma_wait3A_100 = arith.constant 0 : i32
    %dma_wait3A_101 = arith.constant 0 : i32
    %dma_wait3A_102 = tpu.memref_slice %arg2[%dma_wait3A_100, %dma_wait3A_101] : memref<10240x128xf32, #tpu.memory_space<hbm>> -> memref<10240x128xf32, #tpu.memory_space<hbm>>
    tpu.wait_indirect_dma semaphore(%arg12 : memref<!tpu.dma_semaphore, #tpu.memory_space<semaphore_mem>>) src(%dma_wait3A_102 : memref<10240x128xf32, #tpu.memory_space<hbm>>) dst(%arg10 : memref<128x128xf32, #tpu.memory_space<vmem>>)
    %run_scoped3A_103 = arith.constant 39 : i32
    "tpu.region"() ({
      %run_scoped3A_112 = tpu.sem_alloc : memref<!tpu.dma_semaphore, #tpu.memory_space<semaphore_mem>>
      %dma_start3A_113 = arith.constant 0 : i32
      %dma_start3A_114 = tpu.memref_slice %arg8[%run_scoped3A_103, %dma_start3A_113] : memref<40x128xi32, #tpu.memory_space<vmem>> -> memref<1x128xi32, #tpu.memory_space<vmem>>
      %dma_start3A_115 = tpu.memref_squeeze %dma_start3A_114 : memref<1x128xi32, #tpu.memory_space<vmem>> -> memref<128xi32, #tpu.memory_space<vmem>>
      %dma_start3A_116 = arith.constant 0 : i32
      %dma_start3A_117 = arith.constant 0 : i32
      %dma_start3A_118 = tpu.memref_slice %arg13[%dma_start3A_116, %dma_start3A_117] : memref<10240x128xf32, #tpu.memory_space<vmem_shared>> -> memref<10240x128xf32, #tpu.memory_space<vmem_shared>>
      tpu.enqueue_indirect_dma source(%arg10 : memref<128x128xf32, #tpu.memory_space<vmem>>) target(%dma_start3A_118 : memref<10240x128xf32, #tpu.memory_space<vmem_shared>>) offsets(%dma_start3A_115 : memref<128xi32, #tpu.memory_space<vmem>>) semaphore(%run_scoped3A_112 : memref<!tpu.dma_semaphore, #tpu.memory_space<semaphore_mem>>) {add = true}
      %dma_wait3A_119 = arith.constant 0 : i32
      %dma_wait3A_120 = tpu.memref_slice %arg8[%run_scoped3A_103, %dma_wait3A_119] : memref<40x128xi32, #tpu.memory_space<vmem>> -> memref<1x128xi32, #tpu.memory_space<vmem>>
      %dma_wait3A_121 = tpu.memref_squeeze %dma_wait3A_120 : memref<1x128xi32, #tpu.memory_space<vmem>> -> memref<128xi32, #tpu.memory_space<vmem>>
      %dma_wait3A_122 = arith.constant 0 : i32
      %dma_wait3A_123 = arith.constant 0 : i32
      %dma_wait3A_124 = tpu.memref_slice %arg13[%dma_wait3A_122, %dma_wait3A_123] : memref<10240x128xf32, #tpu.memory_space<vmem_shared>> -> memref<10240x128xf32, #tpu.memory_space<vmem_shared>>
      tpu.wait_indirect_dma semaphore(%run_scoped3A_112 : memref<!tpu.dma_semaphore, #tpu.memory_space<semaphore_mem>>) src(%arg10 : memref<128x128xf32, #tpu.memory_space<vmem>>) dst(%dma_wait3A_124 : memref<10240x128xf32, #tpu.memory_space<vmem_shared>>)
      tpu.yield
    }) : () -> ()
    %barrier3A_104 = arith.constant 0 : index
    tpu.barrier barrier_id(%barrier3A_104)
    %eq3A = arith.constant 0 : i32
    %eq3A_105 = arith.cmpi eq, %arg0, %eq3A : i32
    %convert_element_type3A = arith.extui %eq3A_105 : i1 to i32
    %cond3A = arith.constant 0 : i32
    %cond3A_106 = arith.cmpi ne, %convert_element_type3A, %cond3A : i32
    scf.if %cond3A_106 {
      %mul3A_112 = arith.constant 640 : i32
      %mul3A_113 = arith.muli %arg1, %mul3A_112 : i32
      %mul3A_114 = arith.constant 640 : i32
      %mul3A_115 = arith.muli %arg1, %mul3A_114 : i32
      "tpu.region"() ({
        %run_scoped3A_116 = tpu.sem_alloc : memref<!tpu.dma_semaphore, #tpu.memory_space<semaphore_mem>>
        %dma_start3A_117 = arith.constant 0 : i32
        %dma_start3A_118 = tpu.memref_slice %arg5[%mul3A_115, %dma_start3A_117] : memref<10240x128xf32, #tpu.memory_space<hbm>> -> memref<640x128xf32, #tpu.memory_space<hbm>>
        %dma_start3A_119 = arith.constant 0 : i32
        %dma_start3A_120 = tpu.memref_slice %arg13[%mul3A_113, %dma_start3A_119] : memref<10240x128xf32, #tpu.memory_space<vmem_shared>> -> memref<640x128xf32, #tpu.memory_space<vmem_shared>>
        tpu.enqueue_dma source(%dma_start3A_120 : memref<640x128xf32, #tpu.memory_space<vmem_shared>>) target(%dma_start3A_118 : memref<640x128xf32, #tpu.memory_space<hbm>>) target_semaphore(%run_scoped3A_116 : memref<!tpu.dma_semaphore, #tpu.memory_space<semaphore_mem>>)
        %dma_wait3A_121 = arith.constant 0 : i32
        %dma_wait3A_122 = tpu.memref_slice %arg5[%mul3A_115, %dma_wait3A_121] : memref<10240x128xf32, #tpu.memory_space<hbm>> -> memref<640x128xf32, #tpu.memory_space<hbm>>
        %dma_wait3A_123 = arith.constant 0 : i32
        %dma_wait3A_124 = tpu.memref_slice %arg13[%mul3A_113, %dma_wait3A_123] : memref<10240x128xf32, #tpu.memory_space<vmem_shared>> -> memref<640x128xf32, #tpu.memory_space<vmem_shared>>
        tpu.wait_dma2 semaphore(%run_scoped3A_116 : memref<!tpu.dma_semaphore, #tpu.memory_space<semaphore_mem>>) src(%dma_wait3A_124 : memref<640x128xf32, #tpu.memory_space<vmem_shared>>) dst(%dma_wait3A_122 : memref<640x128xf32, #tpu.memory_space<hbm>>)
        tpu.yield
      }) : () -> ()
    } else {
    }
    %eq3A_107 = arith.constant 1 : i32
    %eq3A_108 = arith.cmpi eq, %arg0, %eq3A_107 : i32
    %convert_element_type3A_109 = arith.extui %eq3A_108 : i1 to i32
    %cond3A_110 = arith.constant 0 : i32
    %cond3A_111 = arith.cmpi ne, %convert_element_type3A_109, %cond3A_110 : i32
    scf.if %cond3A_111 {
      %mul3A_112 = arith.constant 640 : i32
      %mul3A_113 = arith.muli %arg1, %mul3A_112 : i32
      %mul3A_114 = arith.constant 640 : i32
      %mul3A_115 = arith.muli %arg1, %mul3A_114 : i32
      "tpu.region"() ({
        %run_scoped3A_116 = tpu.sem_alloc : memref<!tpu.dma_semaphore, #tpu.memory_space<semaphore_mem>>
        %dma_start3A_117 = arith.constant 0 : i32
        %dma_start3A_118 = tpu.memref_slice %arg6[%mul3A_115, %dma_start3A_117] : memref<10240x128xf32, #tpu.memory_space<hbm>> -> memref<640x128xf32, #tpu.memory_space<hbm>>
        %dma_start3A_119 = arith.constant 0 : i32
        %dma_start3A_120 = tpu.memref_slice %arg13[%mul3A_113, %dma_start3A_119] : memref<10240x128xf32, #tpu.memory_space<vmem_shared>> -> memref<640x128xf32, #tpu.memory_space<vmem_shared>>
        tpu.enqueue_dma source(%dma_start3A_120 : memref<640x128xf32, #tpu.memory_space<vmem_shared>>) target(%dma_start3A_118 : memref<640x128xf32, #tpu.memory_space<hbm>>) target_semaphore(%run_scoped3A_116 : memref<!tpu.dma_semaphore, #tpu.memory_space<semaphore_mem>>)
        %dma_wait3A_121 = arith.constant 0 : i32
        %dma_wait3A_122 = tpu.memref_slice %arg6[%mul3A_115, %dma_wait3A_121] : memref<10240x128xf32, #tpu.memory_space<hbm>> -> memref<640x128xf32, #tpu.memory_space<hbm>>
        %dma_wait3A_123 = arith.constant 0 : i32
        %dma_wait3A_124 = tpu.memref_slice %arg13[%mul3A_113, %dma_wait3A_123] : memref<10240x128xf32, #tpu.memory_space<vmem_shared>> -> memref<640x128xf32, #tpu.memory_space<vmem_shared>>
        tpu.wait_dma2 semaphore(%run_scoped3A_116 : memref<!tpu.dma_semaphore, #tpu.memory_space<semaphore_mem>>) src(%dma_wait3A_124 : memref<640x128xf32, #tpu.memory_space<vmem_shared>>) dst(%dma_wait3A_122 : memref<640x128xf32, #tpu.memory_space<hbm>>)
        tpu.yield
      }) : () -> ()
    } else {
    }
    return
  }
}

#map = affine_map<(d0, d1) -> (0, 0)>
module attributes {stable_mosaic.version = 14 : i64} {
  func.func @_scat_body(%arg0: i32, %arg1: i32, %arg2: memref<10240x128xf32, #tpu.memory_space<hbm>>, %arg3: memref<2560x128xi32, #tpu.memory_space<hbm>>, %arg4: memref<2560x128xi32, #tpu.memory_space<hbm>>, %arg5: memref<10240x128xf32, #tpu.memory_space<hbm>>, %arg6: memref<10240x128xf32, #tpu.memory_space<hbm>>, %arg7: memref<40x128xi32, #tpu.memory_space<vmem>>, %arg8: memref<40x128xi32, #tpu.memory_space<vmem>>, %arg9: memref<128x128xf32, #tpu.memory_space<vmem>>, %arg10: memref<128x128xf32, #tpu.memory_space<vmem>>, %arg11: memref<!tpu.dma_semaphore, #tpu.memory_space<semaphore_mem>>, %arg12: memref<!tpu.dma_semaphore, #tpu.memory_space<semaphore_mem>>, %arg13: memref<10240x128xf32, #tpu.memory_space<vmem_shared>>) attributes {dimension_semantics = [#tpu.dimension_semantics<core_parallel>, #tpu.dimension_semantics<subcore_parallel>], iteration_bounds = array<i64: 2, 16>, scalar_prefetch = 0 : i64, scratch_operands = 7 : i64, tpu.core_type = #tpu.core_type<sc_vector_subcore>, window_params = [{transform_indices = #map}, {transform_indices = #map}, {transform_indices = #map}, {transform_indices = #map}, {transform_indices = #map}]} {
    %mul3A = arith.constant 16 : i32
    %mul3A_0 = arith.muli %arg0, %mul3A : i32
    %add3A = arith.addi %mul3A_0, %arg1 : i32
    %broadcast_in_dim3A = arith.constant 0.000000e+00 : f32
    %broadcast_in_dim3A_1 = vector.broadcast %broadcast_in_dim3A : f32 to vector<16xf32>
    %scan3A = arith.constant 0 : i32
    %scan3A_2 = arith.constant 0 : i32
    %scan3A_3 = arith.constant 128 : i32
    %scan3A_4 = arith.addi %scan3A_2, %scan3A_3 : i32
    %scan3A_5 = arith.constant 1 : i32
    scf.for %scan3A_112 = %scan3A_2 to %scan3A_4 step %scan3A_5  : i32 {
      %swap3A = arith.constant 0 : i32
      %swap3A_113 = tpu.memref_slice %arg9[%scan3A_112, %swap3A] : memref<128x128xf32, #tpu.memory_space<vmem>> -> memref<1x128xf32, #tpu.memory_space<vmem>>
      %swap3A_114 = tpu.memref_squeeze %swap3A_113 : memref<1x128xf32, #tpu.memory_space<vmem>> -> memref<128xf32, #tpu.memory_space<vmem>>
      %swap3A_115 = arith.constant 0 : index
      %swap3A_116 = tpu.vector_load %swap3A_114[%swap3A_115] {strides = array<i32>} : memref<128xf32, #tpu.memory_space<vmem>>, vector<16xf32>,
      %swap3A_117 = vector.shape_cast %swap3A_116 : vector<16xf32> to vector<16xf32>
      %swap3A_118 = vector.shape_cast %broadcast_in_dim3A_1 : vector<16xf32> to vector<16xf32>
      tpu.vector_store %swap3A_114[%swap3A_115], %swap3A_118 {strides = array<i32>} : memref<128xf32, #tpu.memory_space<vmem>>, vector<16xf32>,
      %swap3A_119 = arith.constant 0 : i32
      %swap3A_120 = tpu.memref_slice %arg9[%scan3A_112, %swap3A_119] : memref<128x128xf32, #tpu.memory_space<vmem>> -> memref<1x128xf32, #tpu.memory_space<vmem>>
      %swap3A_121 = tpu.memref_squeeze %swap3A_120 : memref<1x128xf32, #tpu.memory_space<vmem>> -> memref<128xf32, #tpu.memory_space<vmem>>
      %swap3A_122 = arith.constant 16 : index
      %swap3A_123 = tpu.vector_load %swap3A_121[%swap3A_122] {strides = array<i32>} : memref<128xf32, #tpu.memory_space<vmem>>, vector<16xf32>,
      %swap3A_124 = vector.shape_cast %swap3A_123 : vector<16xf32> to vector<16xf32>
      %swap3A_125 = vector.shape_cast %broadcast_in_dim3A_1 : vector<16xf32> to vector<16xf32>
      tpu.vector_store %swap3A_121[%swap3A_122], %swap3A_125 {strides = array<i32>} : memref<128xf32, #tpu.memory_space<vmem>>, vector<16xf32>,
      %swap3A_126 = arith.constant 0 : i32
      %swap3A_127 = tpu.memref_slice %arg9[%scan3A_112, %swap3A_126] : memref<128x128xf32, #tpu.memory_space<vmem>> -> memref<1x128xf32, #tpu.memory_space<vmem>>
      %swap3A_128 = tpu.memref_squeeze %swap3A_127 : memref<1x128xf32, #tpu.memory_space<vmem>> -> memref<128xf32, #tpu.memory_space<vmem>>
      %swap3A_129 = arith.constant 32 : index
      %swap3A_130 = tpu.vector_load %swap3A_128[%swap3A_129] {strides = array<i32>} : memref<128xf32, #tpu.memory_space<vmem>>, vector<16xf32>,
      %swap3A_131 = vector.shape_cast %swap3A_130 : vector<16xf32> to vector<16xf32>
      %swap3A_132 = vector.shape_cast %broadcast_in_dim3A_1 : vector<16xf32> to vector<16xf32>
      tpu.vector_store %swap3A_128[%swap3A_129], %swap3A_132 {strides = array<i32>} : memref<128xf32, #tpu.memory_space<vmem>>, vector<16xf32>,
      %swap3A_133 = arith.constant 0 : i32
      %swap3A_134 = tpu.memref_slice %arg9[%scan3A_112, %swap3A_133] : memref<128x128xf32, #tpu.memory_space<vmem>> -> memref<1x128xf32, #tpu.memory_space<vmem>>
      %swap3A_135 = tpu.memref_squeeze %swap3A_134 : memref<1x128xf32, #tpu.memory_space<vmem>> -> memref<128xf32, #tpu.memory_space<vmem>>
      %swap3A_136 = arith.constant 48 : index
      %swap3A_137 = tpu.vector_load %swap3A_135[%swap3A_136] {strides = array<i32>} : memref<128xf32, #tpu.memory_space<vmem>>, vector<16xf32>,
      %swap3A_138 = vector.shape_cast %swap3A_137 : vector<16xf32> to vector<16xf32>
      %swap3A_139 = vector.shape_cast %broadcast_in_dim3A_1 : vector<16xf32> to vector<16xf32>
      tpu.vector_store %swap3A_135[%swap3A_136], %swap3A_139 {strides = array<i32>} : memref<128xf32, #tpu.memory_space<vmem>>, vector<16xf32>,
      %swap3A_140 = arith.constant 0 : i32
      %swap3A_141 = tpu.memref_slice %arg9[%scan3A_112, %swap3A_140] : memref<128x128xf32, #tpu.memory_space<vmem>> -> memref<1x128xf32, #tpu.memory_space<vmem>>
      %swap3A_142 = tpu.memref_squeeze %swap3A_141 : memref<1x128xf32, #tpu.memory_space<vmem>> -> memref<128xf32, #tpu.memory_space<vmem>>
      %swap3A_143 = arith.constant 64 : index
      %swap3A_144 = tpu.vector_load %swap3A_142[%swap3A_143] {strides = array<i32>} : memref<128xf32, #tpu.memory_space<vmem>>, vector<16xf32>,
      %swap3A_145 = vector.shape_cast %swap3A_144 : vector<16xf32> to vector<16xf32>
      %swap3A_146 = vector.shape_cast %broadcast_in_dim3A_1 : vector<16xf32> to vector<16xf32>
      tpu.vector_store %swap3A_142[%swap3A_143], %swap3A_146 {strides = array<i32>} : memref<128xf32, #tpu.memory_space<vmem>>, vector<16xf32>,
      %swap3A_147 = arith.constant 0 : i32
      %swap3A_148 = tpu.memref_slice %arg9[%scan3A_112, %swap3A_147] : memref<128x128xf32, #tpu.memory_space<vmem>> -> memref<1x128xf32, #tpu.memory_space<vmem>>
      %swap3A_149 = tpu.memref_squeeze %swap3A_148 : memref<1x128xf32, #tpu.memory_space<vmem>> -> memref<128xf32, #tpu.memory_space<vmem>>
      %swap3A_150 = arith.constant 80 : index
      %swap3A_151 = tpu.vector_load %swap3A_149[%swap3A_150] {strides = array<i32>} : memref<128xf32, #tpu.memory_space<vmem>>, vector<16xf32>,
      %swap3A_152 = vector.shape_cast %swap3A_151 : vector<16xf32> to vector<16xf32>
      %swap3A_153 = vector.shape_cast %broadcast_in_dim3A_1 : vector<16xf32> to vector<16xf32>
      tpu.vector_store %swap3A_149[%swap3A_150], %swap3A_153 {strides = array<i32>} : memref<128xf32, #tpu.memory_space<vmem>>, vector<16xf32>,
      %swap3A_154 = arith.constant 0 : i32
      %swap3A_155 = tpu.memref_slice %arg9[%scan3A_112, %swap3A_154] : memref<128x128xf32, #tpu.memory_space<vmem>> -> memref<1x128xf32, #tpu.memory_space<vmem>>
      %swap3A_156 = tpu.memref_squeeze %swap3A_155 : memref<1x128xf32, #tpu.memory_space<vmem>> -> memref<128xf32, #tpu.memory_space<vmem>>
      %swap3A_157 = arith.constant 96 : index
      %swap3A_158 = tpu.vector_load %swap3A_156[%swap3A_157] {strides = array<i32>} : memref<128xf32, #tpu.memory_space<vmem>>, vector<16xf32>,
      %swap3A_159 = vector.shape_cast %swap3A_158 : vector<16xf32> to vector<16xf32>
      %swap3A_160 = vector.shape_cast %broadcast_in_dim3A_1 : vector<16xf32> to vector<16xf32>
      tpu.vector_store %swap3A_156[%swap3A_157], %swap3A_160 {strides = array<i32>} : memref<128xf32, #tpu.memory_space<vmem>>, vector<16xf32>,
      %swap3A_161 = arith.constant 0 : i32
      %swap3A_162 = tpu.memref_slice %arg9[%scan3A_112, %swap3A_161] : memref<128x128xf32, #tpu.memory_space<vmem>> -> memref<1x128xf32, #tpu.memory_space<vmem>>
      %swap3A_163 = tpu.memref_squeeze %swap3A_162 : memref<1x128xf32, #tpu.memory_space<vmem>> -> memref<128xf32, #tpu.memory_space<vmem>>
      %swap3A_164 = arith.constant 112 : index
      %swap3A_165 = tpu.vector_load %swap3A_163[%swap3A_164] {strides = array<i32>} : memref<128xf32, #tpu.memory_space<vmem>>, vector<16xf32>,
      %swap3A_166 = vector.shape_cast %swap3A_165 : vector<16xf32> to vector<16xf32>
      %swap3A_167 = vector.shape_cast %broadcast_in_dim3A_1 : vector<16xf32> to vector<16xf32>
      tpu.vector_store %swap3A_163[%swap3A_164], %swap3A_167 {strides = array<i32>} : memref<128xf32, #tpu.memory_space<vmem>>, vector<16xf32>,
    }
    %scan3A_6 = arith.constant 128 : i32
    %mul3A_7 = arith.constant 640 : i32
    %mul3A_8 = arith.muli %arg1, %mul3A_7 : i32
    %add3A_9 = arith.constant 0 : i32
    %add3A_10 = arith.addi %mul3A_8, %add3A_9 : i32
    "tpu.region"() ({
      %run_scoped3A_112 = tpu.sem_alloc : memref<!tpu.dma_semaphore, #tpu.memory_space<semaphore_mem>>
      %dma_start3A_113 = arith.constant 0 : i32
      %dma_start3A_114 = tpu.memref_slice %arg13[%add3A_10, %dma_start3A_113] : memref<10240x128xf32, #tpu.memory_space<vmem_shared>> -> memref<128x128xf32, #tpu.memory_space<vmem_shared>>
      %dma_start3A_115 = arith.constant 0 : i32
      %dma_start3A_116 = tpu.memref_slice %arg13[%add3A_10, %dma_start3A_115] : memref<10240x128xf32, #tpu.memory_space<vmem_shared>> -> memref<128x128xf32, #tpu.memory_space<vmem_shared>>
      tpu.enqueue_dma source(%arg9 : memref<128x128xf32, #tpu.memory_space<vmem>>) target(%dma_start3A_116 : memref<128x128xf32, #tpu.memory_space<vmem_shared>>) target_semaphore(%run_scoped3A_112 : memref<!tpu.dma_semaphore, #tpu.memory_space<semaphore_mem>>)
      %dma_wait3A_117 = arith.constant 0 : i32
      %dma_wait3A_118 = tpu.memref_slice %arg13[%add3A_10, %dma_wait3A_117] : memref<10240x128xf32, #tpu.memory_space<vmem_shared>> -> memref<128x128xf32, #tpu.memory_space<vmem_shared>>
      %dma_wait3A_119 = arith.constant 0 : i32
      %dma_wait3A_120 = tpu.memref_slice %arg13[%add3A_10, %dma_wait3A_119] : memref<10240x128xf32, #tpu.memory_space<vmem_shared>> -> memref<128x128xf32, #tpu.memory_space<vmem_shared>>
      tpu.wait_dma2 semaphore(%run_scoped3A_112 : memref<!tpu.dma_semaphore, #tpu.memory_space<semaphore_mem>>) src(%arg9 : memref<128x128xf32, #tpu.memory_space<vmem>>) dst(%dma_wait3A_120 : memref<128x128xf32, #tpu.memory_space<vmem_shared>>)
      tpu.yield
    }) : () -> ()
    %mul3A_11 = arith.constant 640 : i32
    %mul3A_12 = arith.muli %arg1, %mul3A_11 : i32
    %add3A_13 = arith.constant 128 : i32
    %add3A_14 = arith.addi %mul3A_12, %add3A_13 : i32
    "tpu.region"() ({
      %run_scoped3A_112 = tpu.sem_alloc : memref<!tpu.dma_semaphore, #tpu.memory_space<semaphore_mem>>
      %dma_start3A_113 = arith.constant 0 : i32
      %dma_start3A_114 = tpu.memref_slice %arg13[%add3A_14, %dma_start3A_113] : memref<10240x128xf32, #tpu.memory_space<vmem_shared>> -> memref<128x128xf32, #tpu.memory_space<vmem_shared>>
      %dma_start3A_115 = arith.constant 0 : i32
      %dma_start3A_116 = tpu.memref_slice %arg13[%add3A_14, %dma_start3A_115] : memref<10240x128xf32, #tpu.memory_space<vmem_shared>> -> memref<128x128xf32, #tpu.memory_space<vmem_shared>>
      tpu.enqueue_dma source(%arg9 : memref<128x128xf32, #tpu.memory_space<vmem>>) target(%dma_start3A_116 : memref<128x128xf32, #tpu.memory_space<vmem_shared>>) target_semaphore(%run_scoped3A_112 : memref<!tpu.dma_semaphore, #tpu.memory_space<semaphore_mem>>)
      %dma_wait3A_117 = arith.constant 0 : i32
      %dma_wait3A_118 = tpu.memref_slice %arg13[%add3A_14, %dma_wait3A_117] : memref<10240x128xf32, #tpu.memory_space<vmem_shared>> -> memref<128x128xf32, #tpu.memory_space<vmem_shared>>
      %dma_wait3A_119 = arith.constant 0 : i32
      %dma_wait3A_120 = tpu.memref_slice %arg13[%add3A_14, %dma_wait3A_119] : memref<10240x128xf32, #tpu.memory_space<vmem_shared>> -> memref<128x128xf32, #tpu.memory_space<vmem_shared>>
      tpu.wait_dma2 semaphore(%run_scoped3A_112 : memref<!tpu.dma_semaphore, #tpu.memory_space<semaphore_mem>>) src(%arg9 : memref<128x128xf32, #tpu.memory_space<vmem>>) dst(%dma_wait3A_120 : memref<128x128xf32, #tpu.memory_space<vmem_shared>>)
      tpu.yield
    }) : () -> ()
    %mul3A_15 = arith.constant 640 : i32
    %mul3A_16 = arith.muli %arg1, %mul3A_15 : i32
    %add3A_17 = arith.constant 256 : i32
    %add3A_18 = arith.addi %mul3A_16, %add3A_17 : i32
    "tpu.region"() ({
      %run_scoped3A_112 = tpu.sem_alloc : memref<!tpu.dma_semaphore, #tpu.memory_space<semaphore_mem>>
      %dma_start3A_113 = arith.constant 0 : i32
      %dma_start3A_114 = tpu.memref_slice %arg13[%add3A_18, %dma_start3A_113] : memref<10240x128xf32, #tpu.memory_space<vmem_shared>> -> memref<128x128xf32, #tpu.memory_space<vmem_shared>>
      %dma_start3A_115 = arith.constant 0 : i32
      %dma_start3A_116 = tpu.memref_slice %arg13[%add3A_18, %dma_start3A_115] : memref<10240x128xf32, #tpu.memory_space<vmem_shared>> -> memref<128x128xf32, #tpu.memory_space<vmem_shared>>
      tpu.enqueue_dma source(%arg9 : memref<128x128xf32, #tpu.memory_space<vmem>>) target(%dma_start3A_116 : memref<128x128xf32, #tpu.memory_space<vmem_shared>>) target_semaphore(%run_scoped3A_112 : memref<!tpu.dma_semaphore, #tpu.memory_space<semaphore_mem>>)
      %dma_wait3A_117 = arith.constant 0 : i32
      %dma_wait3A_118 = tpu.memref_slice %arg13[%add3A_18, %dma_wait3A_117] : memref<10240x128xf32, #tpu.memory_space<vmem_shared>> -> memref<128x128xf32, #tpu.memory_space<vmem_shared>>
      %dma_wait3A_119 = arith.constant 0 : i32
      %dma_wait3A_120 = tpu.memref_slice %arg13[%add3A_18, %dma_wait3A_119] : memref<10240x128xf32, #tpu.memory_space<vmem_shared>> -> memref<128x128xf32, #tpu.memory_space<vmem_shared>>
      tpu.wait_dma2 semaphore(%run_scoped3A_112 : memref<!tpu.dma_semaphore, #tpu.memory_space<semaphore_mem>>) src(%arg9 : memref<128x128xf32, #tpu.memory_space<vmem>>) dst(%dma_wait3A_120 : memref<128x128xf32, #tpu.memory_space<vmem_shared>>)
      tpu.yield
    }) : () -> ()
    %mul3A_19 = arith.constant 640 : i32
    %mul3A_20 = arith.muli %arg1, %mul3A_19 : i32
    %add3A_21 = arith.constant 384 : i32
    %add3A_22 = arith.addi %mul3A_20, %add3A_21 : i32
    "tpu.region"() ({
      %run_scoped3A_112 = tpu.sem_alloc : memref<!tpu.dma_semaphore, #tpu.memory_space<semaphore_mem>>
      %dma_start3A_113 = arith.constant 0 : i32
      %dma_start3A_114 = tpu.memref_slice %arg13[%add3A_22, %dma_start3A_113] : memref<10240x128xf32, #tpu.memory_space<vmem_shared>> -> memref<128x128xf32, #tpu.memory_space<vmem_shared>>
      %dma_start3A_115 = arith.constant 0 : i32
      %dma_start3A_116 = tpu.memref_slice %arg13[%add3A_22, %dma_start3A_115] : memref<10240x128xf32, #tpu.memory_space<vmem_shared>> -> memref<128x128xf32, #tpu.memory_space<vmem_shared>>
      tpu.enqueue_dma source(%arg9 : memref<128x128xf32, #tpu.memory_space<vmem>>) target(%dma_start3A_116 : memref<128x128xf32, #tpu.memory_space<vmem_shared>>) target_semaphore(%run_scoped3A_112 : memref<!tpu.dma_semaphore, #tpu.memory_space<semaphore_mem>>)
      %dma_wait3A_117 = arith.constant 0 : i32
      %dma_wait3A_118 = tpu.memref_slice %arg13[%add3A_22, %dma_wait3A_117] : memref<10240x128xf32, #tpu.memory_space<vmem_shared>> -> memref<128x128xf32, #tpu.memory_space<vmem_shared>>
      %dma_wait3A_119 = arith.constant 0 : i32
      %dma_wait3A_120 = tpu.memref_slice %arg13[%add3A_22, %dma_wait3A_119] : memref<10240x128xf32, #tpu.memory_space<vmem_shared>> -> memref<128x128xf32, #tpu.memory_space<vmem_shared>>
      tpu.wait_dma2 semaphore(%run_scoped3A_112 : memref<!tpu.dma_semaphore, #tpu.memory_space<semaphore_mem>>) src(%arg9 : memref<128x128xf32, #tpu.memory_space<vmem>>) dst(%dma_wait3A_120 : memref<128x128xf32, #tpu.memory_space<vmem_shared>>)
      tpu.yield
    }) : () -> ()
    %mul3A_23 = arith.constant 640 : i32
    %mul3A_24 = arith.muli %arg1, %mul3A_23 : i32
    %add3A_25 = arith.constant 512 : i32
    %add3A_26 = arith.addi %mul3A_24, %add3A_25 : i32
    "tpu.region"() ({
      %run_scoped3A_112 = tpu.sem_alloc : memref<!tpu.dma_semaphore, #tpu.memory_space<semaphore_mem>>
      %dma_start3A_113 = arith.constant 0 : i32
      %dma_start3A_114 = tpu.memref_slice %arg13[%add3A_26, %dma_start3A_113] : memref<10240x128xf32, #tpu.memory_space<vmem_shared>> -> memref<128x128xf32, #tpu.memory_space<vmem_shared>>
      %dma_start3A_115 = arith.constant 0 : i32
      %dma_start3A_116 = tpu.memref_slice %arg13[%add3A_26, %dma_start3A_115] : memref<10240x128xf32, #tpu.memory_space<vmem_shared>> -> memref<128x128xf32, #tpu.memory_space<vmem_shared>>
      tpu.enqueue_dma source(%arg9 : memref<128x128xf32, #tpu.memory_space<vmem>>) target(%dma_start3A_116 : memref<128x128xf32, #tpu.memory_space<vmem_shared>>) target_semaphore(%run_scoped3A_112 : memref<!tpu.dma_semaphore, #tpu.memory_space<semaphore_mem>>)
      %dma_wait3A_117 = arith.constant 0 : i32
      %dma_wait3A_118 = tpu.memref_slice %arg13[%add3A_26, %dma_wait3A_117] : memref<10240x128xf32, #tpu.memory_space<vmem_shared>> -> memref<128x128xf32, #tpu.memory_space<vmem_shared>>
      %dma_wait3A_119 = arith.constant 0 : i32
      %dma_wait3A_120 = tpu.memref_slice %arg13[%add3A_26, %dma_wait3A_119] : memref<10240x128xf32, #tpu.memory_space<vmem_shared>> -> memref<128x128xf32, #tpu.memory_space<vmem_shared>>
      tpu.wait_dma2 semaphore(%run_scoped3A_112 : memref<!tpu.dma_semaphore, #tpu.memory_space<semaphore_mem>>) src(%arg9 : memref<128x128xf32, #tpu.memory_space<vmem>>) dst(%dma_wait3A_120 : memref<128x128xf32, #tpu.memory_space<vmem_shared>>)
      tpu.yield
    }) : () -> ()
    %barrier3A = arith.constant 0 : index
    tpu.barrier barrier_id(%barrier3A)
    %mul3A_27 = arith.constant 80 : i32
    %mul3A_28 = arith.muli %add3A, %mul3A_27 : i32
    %add3A_29 = arith.constant 0 : i32
    %add3A_30 = arith.addi %mul3A_28, %add3A_29 : i32
    "tpu.region"() ({
      %run_scoped3A_112 = tpu.sem_alloc : memref<!tpu.dma_semaphore, #tpu.memory_space<semaphore_mem>>
      %dma_start3A_113 = arith.constant 0 : i32
      %dma_start3A_114 = tpu.memref_slice %arg3[%add3A_30, %dma_start3A_113] : memref<2560x128xi32, #tpu.memory_space<hbm>> -> memref<40x128xi32, #tpu.memory_space<hbm>>
      %dma_start3A_115 = arith.constant 0 : i32
      %dma_start3A_116 = tpu.memref_slice %arg3[%add3A_30, %dma_start3A_115] : memref<2560x128xi32, #tpu.memory_space<hbm>> -> memref<40x128xi32, #tpu.memory_space<hbm>>
      tpu.enqueue_dma source(%dma_start3A_116 : memref<40x128xi32, #tpu.memory_space<hbm>>) target(%arg7 : memref<40x128xi32, #tpu.memory_space<vmem>>) target_semaphore(%run_scoped3A_112 : memref<!tpu.dma_semaphore, #tpu.memory_space<semaphore_mem>>)
      %dma_wait3A_117 = arith.constant 0 : i32
      %dma_wait3A_118 = tpu.memref_slice %arg3[%add3A_30, %dma_wait3A_117] : memref<2560x128xi32, #tpu.memory_space<hbm>> -> memref<40x128xi32, #tpu.memory_space<hbm>>
      %dma_wait3A_119 = arith.constant 0 : i32
      %dma_wait3A_120 = tpu.memref_slice %arg3[%add3A_30, %dma_wait3A_119] : memref<2560x128xi32, #tpu.memory_space<hbm>> -> memref<40x128xi32, #tpu.memory_space<hbm>>
      tpu.wait_dma2 semaphore(%run_scoped3A_112 : memref<!tpu.dma_semaphore, #tpu.memory_space<semaphore_mem>>) src(%dma_wait3A_120 : memref<40x128xi32, #tpu.memory_space<hbm>>) dst(%arg7 : memref<40x128xi32, #tpu.memory_space<vmem>>)
      tpu.yield
    }) : () -> ()
    "tpu.region"() ({
      %run_scoped3A_112 = tpu.sem_alloc : memref<!tpu.dma_semaphore, #tpu.memory_space<semaphore_mem>>
      %dma_start3A_113 = arith.constant 0 : i32
      %dma_start3A_114 = tpu.memref_slice %arg4[%add3A_30, %dma_start3A_113] : memref<2560x128xi32, #tpu.memory_space<hbm>> -> memref<40x128xi32, #tpu.memory_space<hbm>>
      %dma_start3A_115 = arith.constant 0 : i32
      %dma_start3A_116 = tpu.memref_slice %arg4[%add3A_30, %dma_start3A_115] : memref<2560x128xi32, #tpu.memory_space<hbm>> -> memref<40x128xi32, #tpu.memory_space<hbm>>
      tpu.enqueue_dma source(%dma_start3A_116 : memref<40x128xi32, #tpu.memory_space<hbm>>) target(%arg8 : memref<40x128xi32, #tpu.memory_space<vmem>>) target_semaphore(%run_scoped3A_112 : memref<!tpu.dma_semaphore, #tpu.memory_space<semaphore_mem>>)
      %dma_wait3A_117 = arith.constant 0 : i32
      %dma_wait3A_118 = tpu.memref_slice %arg4[%add3A_30, %dma_wait3A_117] : memref<2560x128xi32, #tpu.memory_space<hbm>> -> memref<40x128xi32, #tpu.memory_space<hbm>>
      %dma_wait3A_119 = arith.constant 0 : i32
      %dma_wait3A_120 = tpu.memref_slice %arg4[%add3A_30, %dma_wait3A_119] : memref<2560x128xi32, #tpu.memory_space<hbm>> -> memref<40x128xi32, #tpu.memory_space<hbm>>
      tpu.wait_dma2 semaphore(%run_scoped3A_112 : memref<!tpu.dma_semaphore, #tpu.memory_space<semaphore_mem>>) src(%dma_wait3A_120 : memref<40x128xi32, #tpu.memory_space<hbm>>) dst(%arg8 : memref<40x128xi32, #tpu.memory_space<vmem>>)
      tpu.yield
    }) : () -> ()
    %dma_start3A = arith.constant 0 : i32
    %dma_start3A_31 = arith.constant 0 : i32
    %dma_start3A_32 = tpu.memref_slice %arg7[%dma_start3A, %dma_start3A_31] : memref<40x128xi32, #tpu.memory_space<vmem>> -> memref<1x128xi32, #tpu.memory_space<vmem>>
    %dma_start3A_33 = tpu.memref_squeeze %dma_start3A_32 : memref<1x128xi32, #tpu.memory_space<vmem>> -> memref<128xi32, #tpu.memory_space<vmem>>
    %dma_start3A_34 = arith.constant 0 : i32
    %dma_start3A_35 = arith.constant 0 : i32
    %dma_start3A_36 = tpu.memref_slice %arg2[%dma_start3A_34, %dma_start3A_35] : memref<10240x128xf32, #tpu.memory_space<hbm>> -> memref<10240x128xf32, #tpu.memory_space<hbm>>
    tpu.enqueue_indirect_dma source(%dma_start3A_36 : memref<10240x128xf32, #tpu.memory_space<hbm>>) target(%arg9 : memref<128x128xf32, #tpu.memory_space<vmem>>) offsets(%dma_start3A_33 : memref<128xi32, #tpu.memory_space<vmem>>) semaphore(%arg11 : memref<!tpu.dma_semaphore, #tpu.memory_space<semaphore_mem>>)
    %dma_start3A_37 = arith.constant 1 : i32
    %dma_start3A_38 = arith.constant 0 : i32
    %dma_start3A_39 = tpu.memref_slice %arg7[%dma_start3A_37, %dma_start3A_38] : memref<40x128xi32, #tpu.memory_space<vmem>> -> memref<1x128xi32, #tpu.memory_space<vmem>>
    %dma_start3A_40 = tpu.memref_squeeze %dma_start3A_39 : memref<1x128xi32, #tpu.memory_space<vmem>> -> memref<128xi32, #tpu.memory_space<vmem>>
    %dma_start3A_41 = arith.constant 0 : i32
    %dma_start3A_42 = arith.constant 0 : i32
    %dma_start3A_43 = tpu.memref_slice %arg2[%dma_start3A_41, %dma_start3A_42] : memref<10240x128xf32, #tpu.memory_space<hbm>> -> memref<10240x128xf32, #tpu.memory_space<hbm>>
    tpu.enqueue_indirect_dma source(%dma_start3A_43 : memref<10240x128xf32, #tpu.memory_space<hbm>>) target(%arg10 : memref<128x128xf32, #tpu.memory_space<vmem>>) offsets(%dma_start3A_40 : memref<128xi32, #tpu.memory_space<vmem>>) semaphore(%arg12 : memref<!tpu.dma_semaphore, #tpu.memory_space<semaphore_mem>>)
    %scan3A_44 = arith.constant 0 : i32
    %scan3A_45 = arith.constant 0 : i32
    %scan3A_46 = arith.constant 19 : i32
    %scan3A_47 = arith.addi %scan3A_45, %scan3A_46 : i32
    %scan3A_48 = arith.constant 1 : i32
    scf.for %scan3A_112 = %scan3A_45 to %scan3A_47 step %scan3A_48  : i32 {
      %mul3A_113 = arith.constant 2 : i32
      %mul3A_114 = arith.muli %mul3A_113, %scan3A_112 : i32
      %dma_wait3A_115 = arith.constant 0 : i32
      %dma_wait3A_116 = arith.constant 0 : i32
      %dma_wait3A_117 = tpu.memref_slice %arg7[%dma_wait3A_115, %dma_wait3A_116] : memref<40x128xi32, #tpu.memory_space<vmem>> -> memref<1x128xi32, #tpu.memory_space<vmem>>
      %dma_wait3A_118 = tpu.memref_squeeze %dma_wait3A_117 : memref<1x128xi32, #tpu.memory_space<vmem>> -> memref<128xi32, #tpu.memory_space<vmem>>
      %dma_wait3A_119 = arith.constant 0 : i32
      %dma_wait3A_120 = arith.constant 0 : i32
      %dma_wait3A_121 = tpu.memref_slice %arg2[%dma_wait3A_119, %dma_wait3A_120] : memref<10240x128xf32, #tpu.memory_space<hbm>> -> memref<10240x128xf32, #tpu.memory_space<hbm>>
      tpu.wait_indirect_dma semaphore(%arg11 : memref<!tpu.dma_semaphore, #tpu.memory_space<semaphore_mem>>) src(%dma_wait3A_121 : memref<10240x128xf32, #tpu.memory_space<hbm>>) dst(%arg9 : memref<128x128xf32, #tpu.memory_space<vmem>>)
      "tpu.region"() ({
        %run_scoped3A_147 = tpu.sem_alloc : memref<!tpu.dma_semaphore, #tpu.memory_space<semaphore_mem>>
        %dma_start3A_148 = arith.constant 0 : i32
        %dma_start3A_149 = tpu.memref_slice %arg8[%mul3A_114, %dma_start3A_148] : memref<40x128xi32, #tpu.memory_space<vmem>> -> memref<1x128xi32, #tpu.memory_space<vmem>>
        %dma_start3A_150 = tpu.memref_squeeze %dma_start3A_149 : memref<1x128xi32, #tpu.memory_space<vmem>> -> memref<128xi32, #tpu.memory_space<vmem>>
        %dma_start3A_151 = arith.constant 0 : i32
        %dma_start3A_152 = arith.constant 0 : i32
        %dma_start3A_153 = tpu.memref_slice %arg13[%dma_start3A_151, %dma_start3A_152] : memref<10240x128xf32, #tpu.memory_space<vmem_shared>> -> memref<10240x128xf32, #tpu.memory_space<vmem_shared>>
        tpu.enqueue_indirect_dma source(%arg9 : memref<128x128xf32, #tpu.memory_space<vmem>>) target(%dma_start3A_153 : memref<10240x128xf32, #tpu.memory_space<vmem_shared>>) offsets(%dma_start3A_150 : memref<128xi32, #tpu.memory_space<vmem>>) semaphore(%run_scoped3A_147 : memref<!tpu.dma_semaphore, #tpu.memory_space<semaphore_mem>>) {add = true}
        %dma_wait3A_154 = arith.constant 0 : i32
        %dma_wait3A_155 = tpu.memref_slice %arg8[%mul3A_114, %dma_wait3A_154] : memref<40x128xi32, #tpu.memory_space<vmem>> -> memref<1x128xi32, #tpu.memory_space<vmem>>
        %dma_wait3A_156 = tpu.memref_squeeze %dma_wait3A_155 : memref<1x128xi32, #tpu.memory_space<vmem>> -> memref<128xi32, #tpu.memory_space<vmem>>
        %dma_wait3A_157 = arith.constant 0 : i32
        %dma_wait3A_158 = arith.constant 0 : i32
        %dma_wait3A_159 = tpu.memref_slice %arg13[%dma_wait3A_157, %dma_wait3A_158] : memref<10240x128xf32, #tpu.memory_space<vmem_shared>> -> memref<10240x128xf32, #tpu.memory_space<vmem_shared>>
        tpu.wait_indirect_dma semaphore(%run_scoped3A_147 : memref<!tpu.dma_semaphore, #tpu.memory_space<semaphore_mem>>) src(%arg9 : memref<128x128xf32, #tpu.memory_space<vmem>>) dst(%dma_wait3A_159 : memref<10240x128xf32, #tpu.memory_space<vmem_shared>>)
        tpu.yield
      }) : () -> ()
      %add3A_122 = arith.constant 2 : i32
      %add3A_123 = arith.addi %mul3A_114, %add3A_122 : i32
      %dma_start3A_124 = arith.constant 0 : i32
      %dma_start3A_125 = tpu.memref_slice %arg7[%add3A_123, %dma_start3A_124] : memref<40x128xi32, #tpu.memory_space<vmem>> -> memref<1x128xi32, #tpu.memory_space<vmem>>
      %dma_start3A_126 = tpu.memref_squeeze %dma_start3A_125 : memref<1x128xi32, #tpu.memory_space<vmem>> -> memref<128xi32, #tpu.memory_space<vmem>>
      %dma_start3A_127 = arith.constant 0 : i32
      %dma_start3A_128 = arith.constant 0 : i32
      %dma_start3A_129 = tpu.memref_slice %arg2[%dma_start3A_127, %dma_start3A_128] : memref<10240x128xf32, #tpu.memory_space<hbm>> -> memref<10240x128xf32, #tpu.memory_space<hbm>>
      tpu.enqueue_indirect_dma source(%dma_start3A_129 : memref<10240x128xf32, #tpu.memory_space<hbm>>) target(%arg9 : memref<128x128xf32, #tpu.memory_space<vmem>>) offsets(%dma_start3A_126 : memref<128xi32, #tpu.memory_space<vmem>>) semaphore(%arg11 : memref<!tpu.dma_semaphore, #tpu.memory_space<semaphore_mem>>)
      %dma_wait3A_130 = arith.constant 0 : i32
      %dma_wait3A_131 = arith.constant 0 : i32
      %dma_wait3A_132 = tpu.memref_slice %arg7[%dma_wait3A_130, %dma_wait3A_131] : memref<40x128xi32, #tpu.memory_space<vmem>> -> memref<1x128xi32, #tpu.memory_space<vmem>>
      %dma_wait3A_133 = tpu.memref_squeeze %dma_wait3A_132 : memref<1x128xi32, #tpu.memory_space<vmem>> -> memref<128xi32, #tpu.memory_space<vmem>>
      %dma_wait3A_134 = arith.constant 0 : i32
      %dma_wait3A_135 = arith.constant 0 : i32
      %dma_wait3A_136 = tpu.memref_slice %arg2[%dma_wait3A_134, %dma_wait3A_135] : memref<10240x128xf32, #tpu.memory_space<hbm>> -> memref<10240x128xf32, #tpu.memory_space<hbm>>
      tpu.wait_indirect_dma semaphore(%arg12 : memref<!tpu.dma_semaphore, #tpu.memory_space<semaphore_mem>>) src(%dma_wait3A_136 : memref<10240x128xf32, #tpu.memory_space<hbm>>) dst(%arg10 : memref<128x128xf32, #tpu.memory_space<vmem>>)
      %add3A_137 = arith.constant 1 : i32
      %add3A_138 = arith.addi %mul3A_114, %add3A_137 : i32
      "tpu.region"() ({
        %run_scoped3A_147 = tpu.sem_alloc : memref<!tpu.dma_semaphore, #tpu.memory_space<semaphore_mem>>
        %dma_start3A_148 = arith.constant 0 : i32
        %dma_start3A_149 = tpu.memref_slice %arg8[%add3A_138, %dma_start3A_148] : memref<40x128xi32, #tpu.memory_space<vmem>> -> memref<1x128xi32, #tpu.memory_space<vmem>>
        %dma_start3A_150 = tpu.memref_squeeze %dma_start3A_149 : memref<1x128xi32, #tpu.memory_space<vmem>> -> memref<128xi32, #tpu.memory_space<vmem>>
        %dma_start3A_151 = arith.constant 0 : i32
        %dma_start3A_152 = arith.constant 0 : i32
        %dma_start3A_153 = tpu.memref_slice %arg13[%dma_start3A_151, %dma_start3A_152] : memref<10240x128xf32, #tpu.memory_space<vmem_shared>> -> memref<10240x128xf32, #tpu.memory_space<vmem_shared>>
        tpu.enqueue_indirect_dma source(%arg10 : memref<128x128xf32, #tpu.memory_space<vmem>>) target(%dma_start3A_153 : memref<10240x128xf32, #tpu.memory_space<vmem_shared>>) offsets(%dma_start3A_150 : memref<128xi32, #tpu.memory_space<vmem>>) semaphore(%run_scoped3A_147 : memref<!tpu.dma_semaphore, #tpu.memory_space<semaphore_mem>>) {add = true}
        %dma_wait3A_154 = arith.constant 0 : i32
        %dma_wait3A_155 = tpu.memref_slice %arg8[%add3A_138, %dma_wait3A_154] : memref<40x128xi32, #tpu.memory_space<vmem>> -> memref<1x128xi32, #tpu.memory_space<vmem>>
        %dma_wait3A_156 = tpu.memref_squeeze %dma_wait3A_155 : memref<1x128xi32, #tpu.memory_space<vmem>> -> memref<128xi32, #tpu.memory_space<vmem>>
        %dma_wait3A_157 = arith.constant 0 : i32
        %dma_wait3A_158 = arith.constant 0 : i32
        %dma_wait3A_159 = tpu.memref_slice %arg13[%dma_wait3A_157, %dma_wait3A_158] : memref<10240x128xf32, #tpu.memory_space<vmem_shared>> -> memref<10240x128xf32, #tpu.memory_space<vmem_shared>>
        tpu.wait_indirect_dma semaphore(%run_scoped3A_147 : memref<!tpu.dma_semaphore, #tpu.memory_space<semaphore_mem>>) src(%arg10 : memref<128x128xf32, #tpu.memory_space<vmem>>) dst(%dma_wait3A_159 : memref<10240x128xf32, #tpu.memory_space<vmem_shared>>)
        tpu.yield
      }) : () -> ()
      %add3A_139 = arith.constant 3 : i32
      %add3A_140 = arith.addi %mul3A_114, %add3A_139 : i32
      %dma_start3A_141 = arith.constant 0 : i32
      %dma_start3A_142 = tpu.memref_slice %arg7[%add3A_140, %dma_start3A_141] : memref<40x128xi32, #tpu.memory_space<vmem>> -> memref<1x128xi32, #tpu.memory_space<vmem>>
      %dma_start3A_143 = tpu.memref_squeeze %dma_start3A_142 : memref<1x128xi32, #tpu.memory_space<vmem>> -> memref<128xi32, #tpu.memory_space<vmem>>
      %dma_start3A_144 = arith.constant 0 : i32
      %dma_start3A_145 = arith.constant 0 : i32
      %dma_start3A_146 = tpu.memref_slice %arg2[%dma_start3A_144, %dma_start3A_145] : memref<10240x128xf32, #tpu.memory_space<hbm>> -> memref<10240x128xf32, #tpu.memory_space<hbm>>
      tpu.enqueue_indirect_dma source(%dma_start3A_146 : memref<10240x128xf32, #tpu.memory_space<hbm>>) target(%arg10 : memref<128x128xf32, #tpu.memory_space<vmem>>) offsets(%dma_start3A_143 : memref<128xi32, #tpu.memory_space<vmem>>) semaphore(%arg12 : memref<!tpu.dma_semaphore, #tpu.memory_space<semaphore_mem>>)
    }
    %scan3A_49 = arith.constant 19 : i32
    %dma_wait3A = arith.constant 0 : i32
    %dma_wait3A_50 = arith.constant 0 : i32
    %dma_wait3A_51 = tpu.memref_slice %arg7[%dma_wait3A, %dma_wait3A_50] : memref<40x128xi32, #tpu.memory_space<vmem>> -> memref<1x128xi32, #tpu.memory_space<vmem>>
    %dma_wait3A_52 = tpu.memref_squeeze %dma_wait3A_51 : memref<1x128xi32, #tpu.memory_space<vmem>> -> memref<128xi32, #tpu.memory_space<vmem>>
    %dma_wait3A_53 = arith.constant 0 : i32
    %dma_wait3A_54 = arith.constant 0 : i32
    %dma_wait3A_55 = tpu.memref_slice %arg2[%dma_wait3A_53, %dma_wait3A_54] : memref<10240x128xf32, #tpu.memory_space<hbm>> -> memref<10240x128xf32, #tpu.memory_space<hbm>>
    tpu.wait_indirect_dma semaphore(%arg11 : memref<!tpu.dma_semaphore, #tpu.memory_space<semaphore_mem>>) src(%dma_wait3A_55 : memref<10240x128xf32, #tpu.memory_space<hbm>>) dst(%arg9 : memref<128x128xf32, #tpu.memory_space<vmem>>)
    %run_scoped3A = arith.constant 38 : i32
    "tpu.region"() ({
      %run_scoped3A_112 = tpu.sem_alloc : memref<!tpu.dma_semaphore, #tpu.memory_space<semaphore_mem>>
      %dma_start3A_113 = arith.constant 0 : i32
      %dma_start3A_114 = tpu.memref_slice %arg8[%run_scoped3A, %dma_start3A_113] : memref<40x128xi32, #tpu.memory_space<vmem>> -> memref<1x128xi32, #tpu.memory_space<vmem>>
      %dma_start3A_115 = tpu.memref_squeeze %dma_start3A_114 : memref<1x128xi32, #tpu.memory_space<vmem>> -> memref<128xi32, #tpu.memory_space<vmem>>
      %dma_start3A_116 = arith.constant 0 : i32
      %dma_start3A_117 = arith.constant 0 : i32
      %dma_start3A_118 = tpu.memref_slice %arg13[%dma_start3A_116, %dma_start3A_117] : memref<10240x128xf32, #tpu.memory_space<vmem_shared>> -> memref<10240x128xf32, #tpu.memory_space<vmem_shared>>
      tpu.enqueue_indirect_dma source(%arg9 : memref<128x128xf32, #tpu.memory_space<vmem>>) target(%dma_start3A_118 : memref<10240x128xf32, #tpu.memory_space<vmem_shared>>) offsets(%dma_start3A_115 : memref<128xi32, #tpu.memory_space<vmem>>) semaphore(%run_scoped3A_112 : memref<!tpu.dma_semaphore, #tpu.memory_space<semaphore_mem>>) {add = true}
      %dma_wait3A_119 = arith.constant 0 : i32
      %dma_wait3A_120 = tpu.memref_slice %arg8[%run_scoped3A, %dma_wait3A_119] : memref<40x128xi32, #tpu.memory_space<vmem>> -> memref<1x128xi32, #tpu.memory_space<vmem>>
      %dma_wait3A_121 = tpu.memref_squeeze %dma_wait3A_120 : memref<1x128xi32, #tpu.memory_space<vmem>> -> memref<128xi32, #tpu.memory_space<vmem>>
      %dma_wait3A_122 = arith.constant 0 : i32
      %dma_wait3A_123 = arith.constant 0 : i32
      %dma_wait3A_124 = tpu.memref_slice %arg13[%dma_wait3A_122, %dma_wait3A_123] : memref<10240x128xf32, #tpu.memory_space<vmem_shared>> -> memref<10240x128xf32, #tpu.memory_space<vmem_shared>>
      tpu.wait_indirect_dma semaphore(%run_scoped3A_112 : memref<!tpu.dma_semaphore, #tpu.memory_space<semaphore_mem>>) src(%arg9 : memref<128x128xf32, #tpu.memory_space<vmem>>) dst(%dma_wait3A_124 : memref<10240x128xf32, #tpu.memory_space<vmem_shared>>)
      tpu.yield
    }) : () -> ()
    %dma_wait3A_56 = arith.constant 0 : i32
    %dma_wait3A_57 = arith.constant 0 : i32
    %dma_wait3A_58 = tpu.memref_slice %arg7[%dma_wait3A_56, %dma_wait3A_57] : memref<40x128xi32, #tpu.memory_space<vmem>> -> memref<1x128xi32, #tpu.memory_space<vmem>>
    %dma_wait3A_59 = tpu.memref_squeeze %dma_wait3A_58 : memref<1x128xi32, #tpu.memory_space<vmem>> -> memref<128xi32, #tpu.memory_space<vmem>>
    %dma_wait3A_60 = arith.constant 0 : i32
    %dma_wait3A_61 = arith.constant 0 : i32
    %dma_wait3A_62 = tpu.memref_slice %arg2[%dma_wait3A_60, %dma_wait3A_61] : memref<10240x128xf32, #tpu.memory_space<hbm>> -> memref<10240x128xf32, #tpu.memory_space<hbm>>
    tpu.wait_indirect_dma semaphore(%arg12 : memref<!tpu.dma_semaphore, #tpu.memory_space<semaphore_mem>>) src(%dma_wait3A_62 : memref<10240x128xf32, #tpu.memory_space<hbm>>) dst(%arg10 : memref<128x128xf32, #tpu.memory_space<vmem>>)
    %run_scoped3A_63 = arith.constant 39 : i32
    "tpu.region"() ({
      %run_scoped3A_112 = tpu.sem_alloc : memref<!tpu.dma_semaphore, #tpu.memory_space<semaphore_mem>>
      %dma_start3A_113 = arith.constant 0 : i32
      %dma_start3A_114 = tpu.memref_slice %arg8[%run_scoped3A_63, %dma_start3A_113] : memref<40x128xi32, #tpu.memory_space<vmem>> -> memref<1x128xi32, #tpu.memory_space<vmem>>
      %dma_start3A_115 = tpu.memref_squeeze %dma_start3A_114 : memref<1x128xi32, #tpu.memory_space<vmem>> -> memref<128xi32, #tpu.memory_space<vmem>>
      %dma_start3A_116 = arith.constant 0 : i32
      %dma_start3A_117 = arith.constant 0 : i32
      %dma_start3A_118 = tpu.memref_slice %arg13[%dma_start3A_116, %dma_start3A_117] : memref<10240x128xf32, #tpu.memory_space<vmem_shared>> -> memref<10240x128xf32, #tpu.memory_space<vmem_shared>>
      tpu.enqueue_indirect_dma source(%arg10 : memref<128x128xf32, #tpu.memory_space<vmem>>) target(%dma_start3A_118 : memref<10240x128xf32, #tpu.memory_space<vmem_shared>>) offsets(%dma_start3A_115 : memref<128xi32, #tpu.memory_space<vmem>>) semaphore(%run_scoped3A_112 : memref<!tpu.dma_semaphore, #tpu.memory_space<semaphore_mem>>) {add = true}
      %dma_wait3A_119 = arith.constant 0 : i32
      %dma_wait3A_120 = tpu.memref_slice %arg8[%run_scoped3A_63, %dma_wait3A_119] : memref<40x128xi32, #tpu.memory_space<vmem>> -> memref<1x128xi32, #tpu.memory_space<vmem>>
      %dma_wait3A_121 = tpu.memref_squeeze %dma_wait3A_120 : memref<1x128xi32, #tpu.memory_space<vmem>> -> memref<128xi32, #tpu.memory_space<vmem>>
      %dma_wait3A_122 = arith.constant 0 : i32
      %dma_wait3A_123 = arith.constant 0 : i32
      %dma_wait3A_124 = tpu.memref_slice %arg13[%dma_wait3A_122, %dma_wait3A_123] : memref<10240x128xf32, #tpu.memory_space<vmem_shared>> -> memref<10240x128xf32, #tpu.memory_space<vmem_shared>>
      tpu.wait_indirect_dma semaphore(%run_scoped3A_112 : memref<!tpu.dma_semaphore, #tpu.memory_space<semaphore_mem>>) src(%arg10 : memref<128x128xf32, #tpu.memory_space<vmem>>) dst(%dma_wait3A_124 : memref<10240x128xf32, #tpu.memory_space<vmem_shared>>)
      tpu.yield
    }) : () -> ()
    %mul3A_64 = arith.constant 80 : i32
    %mul3A_65 = arith.muli %add3A, %mul3A_64 : i32
    %add3A_66 = arith.constant 40 : i32
    %add3A_67 = arith.addi %mul3A_65, %add3A_66 : i32
    "tpu.region"() ({
      %run_scoped3A_112 = tpu.sem_alloc : memref<!tpu.dma_semaphore, #tpu.memory_space<semaphore_mem>>
      %dma_start3A_113 = arith.constant 0 : i32
      %dma_start3A_114 = tpu.memref_slice %arg3[%add3A_67, %dma_start3A_113] : memref<2560x128xi32, #tpu.memory_space<hbm>> -> memref<40x128xi32, #tpu.memory_space<hbm>>
      %dma_start3A_115 = arith.constant 0 : i32
      %dma_start3A_116 = tpu.memref_slice %arg3[%add3A_67, %dma_start3A_115] : memref<2560x128xi32, #tpu.memory_space<hbm>> -> memref<40x128xi32, #tpu.memory_space<hbm>>
      tpu.enqueue_dma source(%dma_start3A_116 : memref<40x128xi32, #tpu.memory_space<hbm>>) target(%arg7 : memref<40x128xi32, #tpu.memory_space<vmem>>) target_semaphore(%run_scoped3A_112 : memref<!tpu.dma_semaphore, #tpu.memory_space<semaphore_mem>>)
      %dma_wait3A_117 = arith.constant 0 : i32
      %dma_wait3A_118 = tpu.memref_slice %arg3[%add3A_67, %dma_wait3A_117] : memref<2560x128xi32, #tpu.memory_space<hbm>> -> memref<40x128xi32, #tpu.memory_space<hbm>>
      %dma_wait3A_119 = arith.constant 0 : i32
      %dma_wait3A_120 = tpu.memref_slice %arg3[%add3A_67, %dma_wait3A_119] : memref<2560x128xi32, #tpu.memory_space<hbm>> -> memref<40x128xi32, #tpu.memory_space<hbm>>
      tpu.wait_dma2 semaphore(%run_scoped3A_112 : memref<!tpu.dma_semaphore, #tpu.memory_space<semaphore_mem>>) src(%dma_wait3A_120 : memref<40x128xi32, #tpu.memory_space<hbm>>) dst(%arg7 : memref<40x128xi32, #tpu.memory_space<vmem>>)
      tpu.yield
    }) : () -> ()
    "tpu.region"() ({
      %run_scoped3A_112 = tpu.sem_alloc : memref<!tpu.dma_semaphore, #tpu.memory_space<semaphore_mem>>
      %dma_start3A_113 = arith.constant 0 : i32
      %dma_start3A_114 = tpu.memref_slice %arg4[%add3A_67, %dma_start3A_113] : memref<2560x128xi32, #tpu.memory_space<hbm>> -> memref<40x128xi32, #tpu.memory_space<hbm>>
      %dma_start3A_115 = arith.constant 0 : i32
      %dma_start3A_116 = tpu.memref_slice %arg4[%add3A_67, %dma_start3A_115] : memref<2560x128xi32, #tpu.memory_space<hbm>> -> memref<40x128xi32, #tpu.memory_space<hbm>>
      tpu.enqueue_dma source(%dma_start3A_116 : memref<40x128xi32, #tpu.memory_space<hbm>>) target(%arg8 : memref<40x128xi32, #tpu.memory_space<vmem>>) target_semaphore(%run_scoped3A_112 : memref<!tpu.dma_semaphore, #tpu.memory_space<semaphore_mem>>)
      %dma_wait3A_117 = arith.constant 0 : i32
      %dma_wait3A_118 = tpu.memref_slice %arg4[%add3A_67, %dma_wait3A_117] : memref<2560x128xi32, #tpu.memory_space<hbm>> -> memref<40x128xi32, #tpu.memory_space<hbm>>
      %dma_wait3A_119 = arith.constant 0 : i32
      %dma_wait3A_120 = tpu.memref_slice %arg4[%add3A_67, %dma_wait3A_119] : memref<2560x128xi32, #tpu.memory_space<hbm>> -> memref<40x128xi32, #tpu.memory_space<hbm>>
      tpu.wait_dma2 semaphore(%run_scoped3A_112 : memref<!tpu.dma_semaphore, #tpu.memory_space<semaphore_mem>>) src(%dma_wait3A_120 : memref<40x128xi32, #tpu.memory_space<hbm>>) dst(%arg8 : memref<40x128xi32, #tpu.memory_space<vmem>>)
      tpu.yield
    }) : () -> ()
    %dma_start3A_68 = arith.constant 0 : i32
    %dma_start3A_69 = arith.constant 0 : i32
    %dma_start3A_70 = tpu.memref_slice %arg7[%dma_start3A_68, %dma_start3A_69] : memref<40x128xi32, #tpu.memory_space<vmem>> -> memref<1x128xi32, #tpu.memory_space<vmem>>
    %dma_start3A_71 = tpu.memref_squeeze %dma_start3A_70 : memref<1x128xi32, #tpu.memory_space<vmem>> -> memref<128xi32, #tpu.memory_space<vmem>>
    %dma_start3A_72 = arith.constant 0 : i32
    %dma_start3A_73 = arith.constant 0 : i32
    %dma_start3A_74 = tpu.memref_slice %arg2[%dma_start3A_72, %dma_start3A_73] : memref<10240x128xf32, #tpu.memory_space<hbm>> -> memref<10240x128xf32, #tpu.memory_space<hbm>>
    tpu.enqueue_indirect_dma source(%dma_start3A_74 : memref<10240x128xf32, #tpu.memory_space<hbm>>) target(%arg9 : memref<128x128xf32, #tpu.memory_space<vmem>>) offsets(%dma_start3A_71 : memref<128xi32, #tpu.memory_space<vmem>>) semaphore(%arg11 : memref<!tpu.dma_semaphore, #tpu.memory_space<semaphore_mem>>)
    %dma_start3A_75 = arith.constant 1 : i32
    %dma_start3A_76 = arith.constant 0 : i32
    %dma_start3A_77 = tpu.memref_slice %arg7[%dma_start3A_75, %dma_start3A_76] : memref<40x128xi32, #tpu.memory_space<vmem>> -> memref<1x128xi32, #tpu.memory_space<vmem>>
    %dma_start3A_78 = tpu.memref_squeeze %dma_start3A_77 : memref<1x128xi32, #tpu.memory_space<vmem>> -> memref<128xi32, #tpu.memory_space<vmem>>
    %dma_start3A_79 = arith.constant 0 : i32
    %dma_start3A_80 = arith.constant 0 : i32
    %dma_start3A_81 = tpu.memref_slice %arg2[%dma_start3A_79, %dma_start3A_80] : memref<10240x128xf32, #tpu.memory_space<hbm>> -> memref<10240x128xf32, #tpu.memory_space<hbm>>
    tpu.enqueue_indirect_dma source(%dma_start3A_81 : memref<10240x128xf32, #tpu.memory_space<hbm>>) target(%arg10 : memref<128x128xf32, #tpu.memory_space<vmem>>) offsets(%dma_start3A_78 : memref<128xi32, #tpu.memory_space<vmem>>) semaphore(%arg12 : memref<!tpu.dma_semaphore, #tpu.memory_space<semaphore_mem>>)
    %scan3A_82 = arith.constant 0 : i32
    %scan3A_83 = arith.constant 0 : i32
    %scan3A_84 = arith.constant 19 : i32
    %scan3A_85 = arith.addi %scan3A_83, %scan3A_84 : i32
    %scan3A_86 = arith.constant 1 : i32
    scf.for %scan3A_112 = %scan3A_83 to %scan3A_85 step %scan3A_86  : i32 {
      %mul3A_113 = arith.constant 2 : i32
      %mul3A_114 = arith.muli %mul3A_113, %scan3A_112 : i32
      %dma_wait3A_115 = arith.constant 0 : i32
      %dma_wait3A_116 = arith.constant 0 : i32
      %dma_wait3A_117 = tpu.memref_slice %arg7[%dma_wait3A_115, %dma_wait3A_116] : memref<40x128xi32, #tpu.memory_space<vmem>> -> memref<1x128xi32, #tpu.memory_space<vmem>>
      %dma_wait3A_118 = tpu.memref_squeeze %dma_wait3A_117 : memref<1x128xi32, #tpu.memory_space<vmem>> -> memref<128xi32, #tpu.memory_space<vmem>>
      %dma_wait3A_119 = arith.constant 0 : i32
      %dma_wait3A_120 = arith.constant 0 : i32
      %dma_wait3A_121 = tpu.memref_slice %arg2[%dma_wait3A_119, %dma_wait3A_120] : memref<10240x128xf32, #tpu.memory_space<hbm>> -> memref<10240x128xf32, #tpu.memory_space<hbm>>
      tpu.wait_indirect_dma semaphore(%arg11 : memref<!tpu.dma_semaphore, #tpu.memory_space<semaphore_mem>>) src(%dma_wait3A_121 : memref<10240x128xf32, #tpu.memory_space<hbm>>) dst(%arg9 : memref<128x128xf32, #tpu.memory_space<vmem>>)
      "tpu.region"() ({
        %run_scoped3A_147 = tpu.sem_alloc : memref<!tpu.dma_semaphore, #tpu.memory_space<semaphore_mem>>
        %dma_start3A_148 = arith.constant 0 : i32
        %dma_start3A_149 = tpu.memref_slice %arg8[%mul3A_114, %dma_start3A_148] : memref<40x128xi32, #tpu.memory_space<vmem>> -> memref<1x128xi32, #tpu.memory_space<vmem>>
        %dma_start3A_150 = tpu.memref_squeeze %dma_start3A_149 : memref<1x128xi32, #tpu.memory_space<vmem>> -> memref<128xi32, #tpu.memory_space<vmem>>
        %dma_start3A_151 = arith.constant 0 : i32
        %dma_start3A_152 = arith.constant 0 : i32
        %dma_start3A_153 = tpu.memref_slice %arg13[%dma_start3A_151, %dma_start3A_152] : memref<10240x128xf32, #tpu.memory_space<vmem_shared>> -> memref<10240x128xf32, #tpu.memory_space<vmem_shared>>
        tpu.enqueue_indirect_dma source(%arg9 : memref<128x128xf32, #tpu.memory_space<vmem>>) target(%dma_start3A_153 : memref<10240x128xf32, #tpu.memory_space<vmem_shared>>) offsets(%dma_start3A_150 : memref<128xi32, #tpu.memory_space<vmem>>) semaphore(%run_scoped3A_147 : memref<!tpu.dma_semaphore, #tpu.memory_space<semaphore_mem>>) {add = true}
        %dma_wait3A_154 = arith.constant 0 : i32
        %dma_wait3A_155 = tpu.memref_slice %arg8[%mul3A_114, %dma_wait3A_154] : memref<40x128xi32, #tpu.memory_space<vmem>> -> memref<1x128xi32, #tpu.memory_space<vmem>>
        %dma_wait3A_156 = tpu.memref_squeeze %dma_wait3A_155 : memref<1x128xi32, #tpu.memory_space<vmem>> -> memref<128xi32, #tpu.memory_space<vmem>>
        %dma_wait3A_157 = arith.constant 0 : i32
        %dma_wait3A_158 = arith.constant 0 : i32
        %dma_wait3A_159 = tpu.memref_slice %arg13[%dma_wait3A_157, %dma_wait3A_158] : memref<10240x128xf32, #tpu.memory_space<vmem_shared>> -> memref<10240x128xf32, #tpu.memory_space<vmem_shared>>
        tpu.wait_indirect_dma semaphore(%run_scoped3A_147 : memref<!tpu.dma_semaphore, #tpu.memory_space<semaphore_mem>>) src(%arg9 : memref<128x128xf32, #tpu.memory_space<vmem>>) dst(%dma_wait3A_159 : memref<10240x128xf32, #tpu.memory_space<vmem_shared>>)
        tpu.yield
      }) : () -> ()
      %add3A_122 = arith.constant 2 : i32
      %add3A_123 = arith.addi %mul3A_114, %add3A_122 : i32
      %dma_start3A_124 = arith.constant 0 : i32
      %dma_start3A_125 = tpu.memref_slice %arg7[%add3A_123, %dma_start3A_124] : memref<40x128xi32, #tpu.memory_space<vmem>> -> memref<1x128xi32, #tpu.memory_space<vmem>>
      %dma_start3A_126 = tpu.memref_squeeze %dma_start3A_125 : memref<1x128xi32, #tpu.memory_space<vmem>> -> memref<128xi32, #tpu.memory_space<vmem>>
      %dma_start3A_127 = arith.constant 0 : i32
      %dma_start3A_128 = arith.constant 0 : i32
      %dma_start3A_129 = tpu.memref_slice %arg2[%dma_start3A_127, %dma_start3A_128] : memref<10240x128xf32, #tpu.memory_space<hbm>> -> memref<10240x128xf32, #tpu.memory_space<hbm>>
      tpu.enqueue_indirect_dma source(%dma_start3A_129 : memref<10240x128xf32, #tpu.memory_space<hbm>>) target(%arg9 : memref<128x128xf32, #tpu.memory_space<vmem>>) offsets(%dma_start3A_126 : memref<128xi32, #tpu.memory_space<vmem>>) semaphore(%arg11 : memref<!tpu.dma_semaphore, #tpu.memory_space<semaphore_mem>>)
      %dma_wait3A_130 = arith.constant 0 : i32
      %dma_wait3A_131 = arith.constant 0 : i32
      %dma_wait3A_132 = tpu.memref_slice %arg7[%dma_wait3A_130, %dma_wait3A_131] : memref<40x128xi32, #tpu.memory_space<vmem>> -> memref<1x128xi32, #tpu.memory_space<vmem>>
      %dma_wait3A_133 = tpu.memref_squeeze %dma_wait3A_132 : memref<1x128xi32, #tpu.memory_space<vmem>> -> memref<128xi32, #tpu.memory_space<vmem>>
      %dma_wait3A_134 = arith.constant 0 : i32
      %dma_wait3A_135 = arith.constant 0 : i32
      %dma_wait3A_136 = tpu.memref_slice %arg2[%dma_wait3A_134, %dma_wait3A_135] : memref<10240x128xf32, #tpu.memory_space<hbm>> -> memref<10240x128xf32, #tpu.memory_space<hbm>>
      tpu.wait_indirect_dma semaphore(%arg12 : memref<!tpu.dma_semaphore, #tpu.memory_space<semaphore_mem>>) src(%dma_wait3A_136 : memref<10240x128xf32, #tpu.memory_space<hbm>>) dst(%arg10 : memref<128x128xf32, #tpu.memory_space<vmem>>)
      %add3A_137 = arith.constant 1 : i32
      %add3A_138 = arith.addi %mul3A_114, %add3A_137 : i32
      "tpu.region"() ({
        %run_scoped3A_147 = tpu.sem_alloc : memref<!tpu.dma_semaphore, #tpu.memory_space<semaphore_mem>>
        %dma_start3A_148 = arith.constant 0 : i32
        %dma_start3A_149 = tpu.memref_slice %arg8[%add3A_138, %dma_start3A_148] : memref<40x128xi32, #tpu.memory_space<vmem>> -> memref<1x128xi32, #tpu.memory_space<vmem>>
        %dma_start3A_150 = tpu.memref_squeeze %dma_start3A_149 : memref<1x128xi32, #tpu.memory_space<vmem>> -> memref<128xi32, #tpu.memory_space<vmem>>
        %dma_start3A_151 = arith.constant 0 : i32
        %dma_start3A_152 = arith.constant 0 : i32
        %dma_start3A_153 = tpu.memref_slice %arg13[%dma_start3A_151, %dma_start3A_152] : memref<10240x128xf32, #tpu.memory_space<vmem_shared>> -> memref<10240x128xf32, #tpu.memory_space<vmem_shared>>
        tpu.enqueue_indirect_dma source(%arg10 : memref<128x128xf32, #tpu.memory_space<vmem>>) target(%dma_start3A_153 : memref<10240x128xf32, #tpu.memory_space<vmem_shared>>) offsets(%dma_start3A_150 : memref<128xi32, #tpu.memory_space<vmem>>) semaphore(%run_scoped3A_147 : memref<!tpu.dma_semaphore, #tpu.memory_space<semaphore_mem>>) {add = true}
        %dma_wait3A_154 = arith.constant 0 : i32
        %dma_wait3A_155 = tpu.memref_slice %arg8[%add3A_138, %dma_wait3A_154] : memref<40x128xi32, #tpu.memory_space<vmem>> -> memref<1x128xi32, #tpu.memory_space<vmem>>
        %dma_wait3A_156 = tpu.memref_squeeze %dma_wait3A_155 : memref<1x128xi32, #tpu.memory_space<vmem>> -> memref<128xi32, #tpu.memory_space<vmem>>
        %dma_wait3A_157 = arith.constant 0 : i32
        %dma_wait3A_158 = arith.constant 0 : i32
        %dma_wait3A_159 = tpu.memref_slice %arg13[%dma_wait3A_157, %dma_wait3A_158] : memref<10240x128xf32, #tpu.memory_space<vmem_shared>> -> memref<10240x128xf32, #tpu.memory_space<vmem_shared>>
        tpu.wait_indirect_dma semaphore(%run_scoped3A_147 : memref<!tpu.dma_semaphore, #tpu.memory_space<semaphore_mem>>) src(%arg10 : memref<128x128xf32, #tpu.memory_space<vmem>>) dst(%dma_wait3A_159 : memref<10240x128xf32, #tpu.memory_space<vmem_shared>>)
        tpu.yield
      }) : () -> ()
      %add3A_139 = arith.constant 3 : i32
      %add3A_140 = arith.addi %mul3A_114, %add3A_139 : i32
      %dma_start3A_141 = arith.constant 0 : i32
      %dma_start3A_142 = tpu.memref_slice %arg7[%add3A_140, %dma_start3A_141] : memref<40x128xi32, #tpu.memory_space<vmem>> -> memref<1x128xi32, #tpu.memory_space<vmem>>
      %dma_start3A_143 = tpu.memref_squeeze %dma_start3A_142 : memref<1x128xi32, #tpu.memory_space<vmem>> -> memref<128xi32, #tpu.memory_space<vmem>>
      %dma_start3A_144 = arith.constant 0 : i32
      %dma_start3A_145 = arith.constant 0 : i32
      %dma_start3A_146 = tpu.memref_slice %arg2[%dma_start3A_144, %dma_start3A_145] : memref<10240x128xf32, #tpu.memory_space<hbm>> -> memref<10240x128xf32, #tpu.memory_space<hbm>>
      tpu.enqueue_indirect_dma source(%dma_start3A_146 : memref<10240x128xf32, #tpu.memory_space<hbm>>) target(%arg10 : memref<128x128xf32, #tpu.memory_space<vmem>>) offsets(%dma_start3A_143 : memref<128xi32, #tpu.memory_space<vmem>>) semaphore(%arg12 : memref<!tpu.dma_semaphore, #tpu.memory_space<semaphore_mem>>)
    }
    %scan3A_87 = arith.constant 19 : i32
    %dma_wait3A_88 = arith.constant 0 : i32
    %dma_wait3A_89 = arith.constant 0 : i32
    %dma_wait3A_90 = tpu.memref_slice %arg7[%dma_wait3A_88, %dma_wait3A_89] : memref<40x128xi32, #tpu.memory_space<vmem>> -> memref<1x128xi32, #tpu.memory_space<vmem>>
    %dma_wait3A_91 = tpu.memref_squeeze %dma_wait3A_90 : memref<1x128xi32, #tpu.memory_space<vmem>> -> memref<128xi32, #tpu.memory_space<vmem>>
    %dma_wait3A_92 = arith.constant 0 : i32
    %dma_wait3A_93 = arith.constant 0 : i32
    %dma_wait3A_94 = tpu.memref_slice %arg2[%dma_wait3A_92, %dma_wait3A_93] : memref<10240x128xf32, #tpu.memory_space<hbm>> -> memref<10240x128xf32, #tpu.memory_space<hbm>>
    tpu.wait_indirect_dma semaphore(%arg11 : memref<!tpu.dma_semaphore, #tpu.memory_space<semaphore_mem>>) src(%dma_wait3A_94 : memref<10240x128xf32, #tpu.memory_space<hbm>>) dst(%arg9 : memref<128x128xf32, #tpu.memory_space<vmem>>)
    %run_scoped3A_95 = arith.constant 38 : i32
    "tpu.region"() ({
      %run_scoped3A_112 = tpu.sem_alloc : memref<!tpu.dma_semaphore, #tpu.memory_space<semaphore_mem>>
      %dma_start3A_113 = arith.constant 0 : i32
      %dma_start3A_114 = tpu.memref_slice %arg8[%run_scoped3A_95, %dma_start3A_113] : memref<40x128xi32, #tpu.memory_space<vmem>> -> memref<1x128xi32, #tpu.memory_space<vmem>>
      %dma_start3A_115 = tpu.memref_squeeze %dma_start3A_114 : memref<1x128xi32, #tpu.memory_space<vmem>> -> memref<128xi32, #tpu.memory_space<vmem>>
      %dma_start3A_116 = arith.constant 0 : i32
      %dma_start3A_117 = arith.constant 0 : i32
      %dma_start3A_118 = tpu.memref_slice %arg13[%dma_start3A_116, %dma_start3A_117] : memref<10240x128xf32, #tpu.memory_space<vmem_shared>> -> memref<10240x128xf32, #tpu.memory_space<vmem_shared>>
      tpu.enqueue_indirect_dma source(%arg9 : memref<128x128xf32, #tpu.memory_space<vmem>>) target(%dma_start3A_118 : memref<10240x128xf32, #tpu.memory_space<vmem_shared>>) offsets(%dma_start3A_115 : memref<128xi32, #tpu.memory_space<vmem>>) semaphore(%run_scoped3A_112 : memref<!tpu.dma_semaphore, #tpu.memory_space<semaphore_mem>>) {add = true}
      %dma_wait3A_119 = arith.constant 0 : i32
      %dma_wait3A_120 = tpu.memref_slice %arg8[%run_scoped3A_95, %dma_wait3A_119] : memref<40x128xi32, #tpu.memory_space<vmem>> -> memref<1x128xi32, #tpu.memory_space<vmem>>
      %dma_wait3A_121 = tpu.memref_squeeze %dma_wait3A_120 : memref<1x128xi32, #tpu.memory_space<vmem>> -> memref<128xi32, #tpu.memory_space<vmem>>
      %dma_wait3A_122 = arith.constant 0 : i32
      %dma_wait3A_123 = arith.constant 0 : i32
      %dma_wait3A_124 = tpu.memref_slice %arg13[%dma_wait3A_122, %dma_wait3A_123] : memref<10240x128xf32, #tpu.memory_space<vmem_shared>> -> memref<10240x128xf32, #tpu.memory_space<vmem_shared>>
      tpu.wait_indirect_dma semaphore(%run_scoped3A_112 : memref<!tpu.dma_semaphore, #tpu.memory_space<semaphore_mem>>) src(%arg9 : memref<128x128xf32, #tpu.memory_space<vmem>>) dst(%dma_wait3A_124 : memref<10240x128xf32, #tpu.memory_space<vmem_shared>>)
      tpu.yield
    }) : () -> ()
    %dma_wait3A_96 = arith.constant 0 : i32
    %dma_wait3A_97 = arith.constant 0 : i32
    %dma_wait3A_98 = tpu.memref_slice %arg7[%dma_wait3A_96, %dma_wait3A_97] : memref<40x128xi32, #tpu.memory_space<vmem>> -> memref<1x128xi32, #tpu.memory_space<vmem>>
    %dma_wait3A_99 = tpu.memref_squeeze %dma_wait3A_98 : memref<1x128xi32, #tpu.memory_space<vmem>> -> memref<128xi32, #tpu.memory_space<vmem>>
    %dma_wait3A_100 = arith.constant 0 : i32
    %dma_wait3A_101 = arith.constant 0 : i32
    %dma_wait3A_102 = tpu.memref_slice %arg2[%dma_wait3A_100, %dma_wait3A_101] : memref<10240x128xf32, #tpu.memory_space<hbm>> -> memref<10240x128xf32, #tpu.memory_space<hbm>>
    tpu.wait_indirect_dma semaphore(%arg12 : memref<!tpu.dma_semaphore, #tpu.memory_space<semaphore_mem>>) src(%dma_wait3A_102 : memref<10240x128xf32, #tpu.memory_space<hbm>>) dst(%arg10 : memref<128x128xf32, #tpu.memory_space<vmem>>)
    %run_scoped3A_103 = arith.constant 39 : i32
    "tpu.region"() ({
      %run_scoped3A_112 = tpu.sem_alloc : memref<!tpu.dma_semaphore, #tpu.memory_space<semaphore_mem>>
      %dma_start3A_113 = arith.constant 0 : i32
      %dma_start3A_114 = tpu.memref_slice %arg8[%run_scoped3A_103, %dma_start3A_113] : memref<40x128xi32, #tpu.memory_space<vmem>> -> memref<1x128xi32, #tpu.memory_space<vmem>>
      %dma_start3A_115 = tpu.memref_squeeze %dma_start3A_114 : memref<1x128xi32, #tpu.memory_space<vmem>> -> memref<128xi32, #tpu.memory_space<vmem>>
      %dma_start3A_116 = arith.constant 0 : i32
      %dma_start3A_117 = arith.constant 0 : i32
      %dma_start3A_118 = tpu.memref_slice %arg13[%dma_start3A_116, %dma_start3A_117] : memref<10240x128xf32, #tpu.memory_space<vmem_shared>> -> memref<10240x128xf32, #tpu.memory_space<vmem_shared>>
      tpu.enqueue_indirect_dma source(%arg10 : memref<128x128xf32, #tpu.memory_space<vmem>>) target(%dma_start3A_118 : memref<10240x128xf32, #tpu.memory_space<vmem_shared>>) offsets(%dma_start3A_115 : memref<128xi32, #tpu.memory_space<vmem>>) semaphore(%run_scoped3A_112 : memref<!tpu.dma_semaphore, #tpu.memory_space<semaphore_mem>>) {add = true}
      %dma_wait3A_119 = arith.constant 0 : i32
      %dma_wait3A_120 = tpu.memref_slice %arg8[%run_scoped3A_103, %dma_wait3A_119] : memref<40x128xi32, #tpu.memory_space<vmem>> -> memref<1x128xi32, #tpu.memory_space<vmem>>
      %dma_wait3A_121 = tpu.memref_squeeze %dma_wait3A_120 : memref<1x128xi32, #tpu.memory_space<vmem>> -> memref<128xi32, #tpu.memory_space<vmem>>
      %dma_wait3A_122 = arith.constant 0 : i32
      %dma_wait3A_123 = arith.constant 0 : i32
      %dma_wait3A_124 = tpu.memref_slice %arg13[%dma_wait3A_122, %dma_wait3A_123] : memref<10240x128xf32, #tpu.memory_space<vmem_shared>> -> memref<10240x128xf32, #tpu.memory_space<vmem_shared>>
      tpu.wait_indirect_dma semaphore(%run_scoped3A_112 : memref<!tpu.dma_semaphore, #tpu.memory_space<semaphore_mem>>) src(%arg10 : memref<128x128xf32, #tpu.memory_space<vmem>>) dst(%dma_wait3A_124 : memref<10240x128xf32, #tpu.memory_space<vmem_shared>>)
      tpu.yield
    }) : () -> ()
    %barrier3A_104 = arith.constant 0 : index
    tpu.barrier barrier_id(%barrier3A_104)
    %eq3A = arith.constant 0 : i32
    %eq3A_105 = arith.cmpi eq, %arg0, %eq3A : i32
    %convert_element_type3A = arith.extui %eq3A_105 : i1 to i32
    %cond3A = arith.constant 0 : i32
    %cond3A_106 = arith.cmpi ne, %convert_element_type3A, %cond3A : i32
    scf.if %cond3A_106 {
      %mul3A_112 = arith.constant 640 : i32
      %mul3A_113 = arith.muli %arg1, %mul3A_112 : i32
      %mul3A_114 = arith.constant 640 : i32
      %mul3A_115 = arith.muli %arg1, %mul3A_114 : i32
      "tpu.region"() ({
        %run_scoped3A_116 = tpu.sem_alloc : memref<!tpu.dma_semaphore, #tpu.memory_space<semaphore_mem>>
        %dma_start3A_117 = arith.constant 0 : i32
        %dma_start3A_118 = tpu.memref_slice %arg5[%mul3A_115, %dma_start3A_117] : memref<10240x128xf32, #tpu.memory_space<hbm>> -> memref<640x128xf32, #tpu.memory_space<hbm>>
        %dma_start3A_119 = arith.constant 0 : i32
        %dma_start3A_120 = tpu.memref_slice %arg13[%mul3A_113, %dma_start3A_119] : memref<10240x128xf32, #tpu.memory_space<vmem_shared>> -> memref<640x128xf32, #tpu.memory_space<vmem_shared>>
        tpu.enqueue_dma source(%dma_start3A_120 : memref<640x128xf32, #tpu.memory_space<vmem_shared>>) target(%dma_start3A_118 : memref<640x128xf32, #tpu.memory_space<hbm>>) target_semaphore(%run_scoped3A_116 : memref<!tpu.dma_semaphore, #tpu.memory_space<semaphore_mem>>)
        %dma_wait3A_121 = arith.constant 0 : i32
        %dma_wait3A_122 = tpu.memref_slice %arg5[%mul3A_115, %dma_wait3A_121] : memref<10240x128xf32, #tpu.memory_space<hbm>> -> memref<640x128xf32, #tpu.memory_space<hbm>>
        %dma_wait3A_123 = arith.constant 0 : i32
        %dma_wait3A_124 = tpu.memref_slice %arg13[%mul3A_113, %dma_wait3A_123] : memref<10240x128xf32, #tpu.memory_space<vmem_shared>> -> memref<640x128xf32, #tpu.memory_space<vmem_shared>>
        tpu.wait_dma2 semaphore(%run_scoped3A_116 : memref<!tpu.dma_semaphore, #tpu.memory_space<semaphore_mem>>) src(%dma_wait3A_124 : memref<640x128xf32, #tpu.memory_space<vmem_shared>>) dst(%dma_wait3A_122 : memref<640x128xf32, #tpu.memory_space<hbm>>)
        tpu.yield
      }) : () -> ()
    } else {
    }
    %eq3A_107 = arith.constant 1 : i32
    %eq3A_108 = arith.cmpi eq, %arg0, %eq3A_107 : i32
    %convert_element_type3A_109 = arith.extui %eq3A_108 : i1 to i32
    %cond3A_110 = arith.constant 0 : i32
    %cond3A_111 = arith.cmpi ne, %convert_element_type3A_109, %cond3A_110 : i32
    scf.if %cond3A_111 {
      %mul3A_112 = arith.constant 640 : i32
      %mul3A_113 = arith.muli %arg1, %mul3A_112 : i32
      %mul3A_114 = arith.constant 640 : i32
      %mul3A_115 = arith.muli %arg1, %mul3A_114 : i32
      "tpu.region"() ({
        %run_scoped3A_116 = tpu.sem_alloc : memref<!tpu.dma_semaphore, #tpu.memory_space<semaphore_mem>>
        %dma_start3A_117 = arith.constant 0 : i32
        %dma_start3A_118 = tpu.memref_slice %arg6[%mul3A_115, %dma_start3A_117] : memref<10240x128xf32, #tpu.memory_space<hbm>> -> memref<640x128xf32, #tpu.memory_space<hbm>>
        %dma_start3A_119 = arith.constant 0 : i32
        %dma_start3A_120 = tpu.memref_slice %arg13[%mul3A_113, %dma_start3A_119] : memref<10240x128xf32, #tpu.memory_space<vmem_shared>> -> memref<640x128xf32, #tpu.memory_space<vmem_shared>>
        tpu.enqueue_dma source(%dma_start3A_120 : memref<640x128xf32, #tpu.memory_space<vmem_shared>>) target(%dma_start3A_118 : memref<640x128xf32, #tpu.memory_space<hbm>>) target_semaphore(%run_scoped3A_116 : memref<!tpu.dma_semaphore, #tpu.memory_space<semaphore_mem>>)
        %dma_wait3A_121 = arith.constant 0 : i32
        %dma_wait3A_122 = tpu.memref_slice %arg6[%mul3A_115, %dma_wait3A_121] : memref<10240x128xf32, #tpu.memory_space<hbm>> -> memref<640x128xf32, #tpu.memory_space<hbm>>
        %dma_wait3A_123 = arith.constant 0 : i32
        %dma_wait3A_124 = tpu.memref_slice %arg13[%mul3A_113, %dma_wait3A_123] : memref<10240x128xf32, #tpu.memory_space<vmem_shared>> -> memref<640x128xf32, #tpu.memory_space<vmem_shared>>
        tpu.wait_dma2 semaphore(%run_scoped3A_116 : memref<!tpu.dma_semaphore, #tpu.memory_space<semaphore_mem>>) src(%dma_wait3A_124 : memref<640x128xf32, #tpu.memory_space<vmem_shared>>) dst(%dma_wait3A_122 : memref<640x128xf32, #tpu.memory_space<hbm>>)
        tpu.yield
      }) : () -> ()
    } else {
    }
    return
  }
}

#map = affine_map<(d0, d1) -> (0, 0)>
module attributes {stable_mosaic.version = 14 : i64} {
  func.func @_scat_body(%arg0: i32, %arg1: i32, %arg2: memref<10240x128xf32, #tpu.memory_space<hbm>>, %arg3: memref<2560x128xi32, #tpu.memory_space<hbm>>, %arg4: memref<2560x128xi32, #tpu.memory_space<hbm>>, %arg5: memref<10240x128xf32, #tpu.memory_space<hbm>>, %arg6: memref<10240x128xf32, #tpu.memory_space<hbm>>, %arg7: memref<40x128xi32, #tpu.memory_space<vmem>>, %arg8: memref<40x128xi32, #tpu.memory_space<vmem>>, %arg9: memref<128x128xf32, #tpu.memory_space<vmem>>, %arg10: memref<128x128xf32, #tpu.memory_space<vmem>>, %arg11: memref<!tpu.dma_semaphore, #tpu.memory_space<semaphore_mem>>, %arg12: memref<!tpu.dma_semaphore, #tpu.memory_space<semaphore_mem>>, %arg13: memref<10240x128xf32, #tpu.memory_space<vmem_shared>>) attributes {dimension_semantics = [#tpu.dimension_semantics<core_parallel>, #tpu.dimension_semantics<subcore_parallel>], iteration_bounds = array<i64: 2, 16>, scalar_prefetch = 0 : i64, scratch_operands = 7 : i64, tpu.core_type = #tpu.core_type<sc_vector_subcore>, window_params = [{transform_indices = #map}, {transform_indices = #map}, {transform_indices = #map}, {transform_indices = #map}, {transform_indices = #map}]} {
    %mul3A = arith.constant 16 : i32
    %mul3A_0 = arith.muli %arg0, %mul3A : i32
    %add3A = arith.addi %mul3A_0, %arg1 : i32
    %broadcast_in_dim3A = arith.constant 0.000000e+00 : f32
    %broadcast_in_dim3A_1 = vector.broadcast %broadcast_in_dim3A : f32 to vector<16xf32>
    %scan3A = arith.constant 0 : i32
    %scan3A_2 = arith.constant 0 : i32
    %scan3A_3 = arith.constant 128 : i32
    %scan3A_4 = arith.addi %scan3A_2, %scan3A_3 : i32
    %scan3A_5 = arith.constant 1 : i32
    scf.for %scan3A_112 = %scan3A_2 to %scan3A_4 step %scan3A_5  : i32 {
      %swap3A = arith.constant 0 : i32
      %swap3A_113 = tpu.memref_slice %arg9[%scan3A_112, %swap3A] : memref<128x128xf32, #tpu.memory_space<vmem>> -> memref<1x128xf32, #tpu.memory_space<vmem>>
      %swap3A_114 = tpu.memref_squeeze %swap3A_113 : memref<1x128xf32, #tpu.memory_space<vmem>> -> memref<128xf32, #tpu.memory_space<vmem>>
      %swap3A_115 = arith.constant 0 : index
      %swap3A_116 = tpu.vector_load %swap3A_114[%swap3A_115] {strides = array<i32>} : memref<128xf32, #tpu.memory_space<vmem>>, vector<16xf32>,
      %swap3A_117 = vector.shape_cast %swap3A_116 : vector<16xf32> to vector<16xf32>
      %swap3A_118 = vector.shape_cast %broadcast_in_dim3A_1 : vector<16xf32> to vector<16xf32>
      tpu.vector_store %swap3A_114[%swap3A_115], %swap3A_118 {strides = array<i32>} : memref<128xf32, #tpu.memory_space<vmem>>, vector<16xf32>,
      %swap3A_119 = arith.constant 0 : i32
      %swap3A_120 = tpu.memref_slice %arg9[%scan3A_112, %swap3A_119] : memref<128x128xf32, #tpu.memory_space<vmem>> -> memref<1x128xf32, #tpu.memory_space<vmem>>
      %swap3A_121 = tpu.memref_squeeze %swap3A_120 : memref<1x128xf32, #tpu.memory_space<vmem>> -> memref<128xf32, #tpu.memory_space<vmem>>
      %swap3A_122 = arith.constant 16 : index
      %swap3A_123 = tpu.vector_load %swap3A_121[%swap3A_122] {strides = array<i32>} : memref<128xf32, #tpu.memory_space<vmem>>, vector<16xf32>,
      %swap3A_124 = vector.shape_cast %swap3A_123 : vector<16xf32> to vector<16xf32>
      %swap3A_125 = vector.shape_cast %broadcast_in_dim3A_1 : vector<16xf32> to vector<16xf32>
      tpu.vector_store %swap3A_121[%swap3A_122], %swap3A_125 {strides = array<i32>} : memref<128xf32, #tpu.memory_space<vmem>>, vector<16xf32>,
      %swap3A_126 = arith.constant 0 : i32
      %swap3A_127 = tpu.memref_slice %arg9[%scan3A_112, %swap3A_126] : memref<128x128xf32, #tpu.memory_space<vmem>> -> memref<1x128xf32, #tpu.memory_space<vmem>>
      %swap3A_128 = tpu.memref_squeeze %swap3A_127 : memref<1x128xf32, #tpu.memory_space<vmem>> -> memref<128xf32, #tpu.memory_space<vmem>>
      %swap3A_129 = arith.constant 32 : index
      %swap3A_130 = tpu.vector_load %swap3A_128[%swap3A_129] {strides = array<i32>} : memref<128xf32, #tpu.memory_space<vmem>>, vector<16xf32>,
      %swap3A_131 = vector.shape_cast %swap3A_130 : vector<16xf32> to vector<16xf32>
      %swap3A_132 = vector.shape_cast %broadcast_in_dim3A_1 : vector<16xf32> to vector<16xf32>
      tpu.vector_store %swap3A_128[%swap3A_129], %swap3A_132 {strides = array<i32>} : memref<128xf32, #tpu.memory_space<vmem>>, vector<16xf32>,
      %swap3A_133 = arith.constant 0 : i32
      %swap3A_134 = tpu.memref_slice %arg9[%scan3A_112, %swap3A_133] : memref<128x128xf32, #tpu.memory_space<vmem>> -> memref<1x128xf32, #tpu.memory_space<vmem>>
      %swap3A_135 = tpu.memref_squeeze %swap3A_134 : memref<1x128xf32, #tpu.memory_space<vmem>> -> memref<128xf32, #tpu.memory_space<vmem>>
      %swap3A_136 = arith.constant 48 : index
      %swap3A_137 = tpu.vector_load %swap3A_135[%swap3A_136] {strides = array<i32>} : memref<128xf32, #tpu.memory_space<vmem>>, vector<16xf32>,
      %swap3A_138 = vector.shape_cast %swap3A_137 : vector<16xf32> to vector<16xf32>
      %swap3A_139 = vector.shape_cast %broadcast_in_dim3A_1 : vector<16xf32> to vector<16xf32>
      tpu.vector_store %swap3A_135[%swap3A_136], %swap3A_139 {strides = array<i32>} : memref<128xf32, #tpu.memory_space<vmem>>, vector<16xf32>,
      %swap3A_140 = arith.constant 0 : i32
      %swap3A_141 = tpu.memref_slice %arg9[%scan3A_112, %swap3A_140] : memref<128x128xf32, #tpu.memory_space<vmem>> -> memref<1x128xf32, #tpu.memory_space<vmem>>
      %swap3A_142 = tpu.memref_squeeze %swap3A_141 : memref<1x128xf32, #tpu.memory_space<vmem>> -> memref<128xf32, #tpu.memory_space<vmem>>
      %swap3A_143 = arith.constant 64 : index
      %swap3A_144 = tpu.vector_load %swap3A_142[%swap3A_143] {strides = array<i32>} : memref<128xf32, #tpu.memory_space<vmem>>, vector<16xf32>,
      %swap3A_145 = vector.shape_cast %swap3A_144 : vector<16xf32> to vector<16xf32>
      %swap3A_146 = vector.shape_cast %broadcast_in_dim3A_1 : vector<16xf32> to vector<16xf32>
      tpu.vector_store %swap3A_142[%swap3A_143], %swap3A_146 {strides = array<i32>} : memref<128xf32, #tpu.memory_space<vmem>>, vector<16xf32>,
      %swap3A_147 = arith.constant 0 : i32
      %swap3A_148 = tpu.memref_slice %arg9[%scan3A_112, %swap3A_147] : memref<128x128xf32, #tpu.memory_space<vmem>> -> memref<1x128xf32, #tpu.memory_space<vmem>>
      %swap3A_149 = tpu.memref_squeeze %swap3A_148 : memref<1x128xf32, #tpu.memory_space<vmem>> -> memref<128xf32, #tpu.memory_space<vmem>>
      %swap3A_150 = arith.constant 80 : index
      %swap3A_151 = tpu.vector_load %swap3A_149[%swap3A_150] {strides = array<i32>} : memref<128xf32, #tpu.memory_space<vmem>>, vector<16xf32>,
      %swap3A_152 = vector.shape_cast %swap3A_151 : vector<16xf32> to vector<16xf32>
      %swap3A_153 = vector.shape_cast %broadcast_in_dim3A_1 : vector<16xf32> to vector<16xf32>
      tpu.vector_store %swap3A_149[%swap3A_150], %swap3A_153 {strides = array<i32>} : memref<128xf32, #tpu.memory_space<vmem>>, vector<16xf32>,
      %swap3A_154 = arith.constant 0 : i32
      %swap3A_155 = tpu.memref_slice %arg9[%scan3A_112, %swap3A_154] : memref<128x128xf32, #tpu.memory_space<vmem>> -> memref<1x128xf32, #tpu.memory_space<vmem>>
      %swap3A_156 = tpu.memref_squeeze %swap3A_155 : memref<1x128xf32, #tpu.memory_space<vmem>> -> memref<128xf32, #tpu.memory_space<vmem>>
      %swap3A_157 = arith.constant 96 : index
      %swap3A_158 = tpu.vector_load %swap3A_156[%swap3A_157] {strides = array<i32>} : memref<128xf32, #tpu.memory_space<vmem>>, vector<16xf32>,
      %swap3A_159 = vector.shape_cast %swap3A_158 : vector<16xf32> to vector<16xf32>
      %swap3A_160 = vector.shape_cast %broadcast_in_dim3A_1 : vector<16xf32> to vector<16xf32>
      tpu.vector_store %swap3A_156[%swap3A_157], %swap3A_160 {strides = array<i32>} : memref<128xf32, #tpu.memory_space<vmem>>, vector<16xf32>,
      %swap3A_161 = arith.constant 0 : i32
      %swap3A_162 = tpu.memref_slice %arg9[%scan3A_112, %swap3A_161] : memref<128x128xf32, #tpu.memory_space<vmem>> -> memref<1x128xf32, #tpu.memory_space<vmem>>
      %swap3A_163 = tpu.memref_squeeze %swap3A_162 : memref<1x128xf32, #tpu.memory_space<vmem>> -> memref<128xf32, #tpu.memory_space<vmem>>
      %swap3A_164 = arith.constant 112 : index
      %swap3A_165 = tpu.vector_load %swap3A_163[%swap3A_164] {strides = array<i32>} : memref<128xf32, #tpu.memory_space<vmem>>, vector<16xf32>,
      %swap3A_166 = vector.shape_cast %swap3A_165 : vector<16xf32> to vector<16xf32>
      %swap3A_167 = vector.shape_cast %broadcast_in_dim3A_1 : vector<16xf32> to vector<16xf32>
      tpu.vector_store %swap3A_163[%swap3A_164], %swap3A_167 {strides = array<i32>} : memref<128xf32, #tpu.memory_space<vmem>>, vector<16xf32>,
    }
    %scan3A_6 = arith.constant 128 : i32
    %mul3A_7 = arith.constant 640 : i32
    %mul3A_8 = arith.muli %arg1, %mul3A_7 : i32
    %add3A_9 = arith.constant 0 : i32
    %add3A_10 = arith.addi %mul3A_8, %add3A_9 : i32
    "tpu.region"() ({
      %run_scoped3A_112 = tpu.sem_alloc : memref<!tpu.dma_semaphore, #tpu.memory_space<semaphore_mem>>
      %dma_start3A_113 = arith.constant 0 : i32
      %dma_start3A_114 = tpu.memref_slice %arg13[%add3A_10, %dma_start3A_113] : memref<10240x128xf32, #tpu.memory_space<vmem_shared>> -> memref<128x128xf32, #tpu.memory_space<vmem_shared>>
      %dma_start3A_115 = arith.constant 0 : i32
      %dma_start3A_116 = tpu.memref_slice %arg13[%add3A_10, %dma_start3A_115] : memref<10240x128xf32, #tpu.memory_space<vmem_shared>> -> memref<128x128xf32, #tpu.memory_space<vmem_shared>>
      tpu.enqueue_dma source(%arg9 : memref<128x128xf32, #tpu.memory_space<vmem>>) target(%dma_start3A_116 : memref<128x128xf32, #tpu.memory_space<vmem_shared>>) target_semaphore(%run_scoped3A_112 : memref<!tpu.dma_semaphore, #tpu.memory_space<semaphore_mem>>)
      %dma_wait3A_117 = arith.constant 0 : i32
      %dma_wait3A_118 = tpu.memref_slice %arg13[%add3A_10, %dma_wait3A_117] : memref<10240x128xf32, #tpu.memory_space<vmem_shared>> -> memref<128x128xf32, #tpu.memory_space<vmem_shared>>
      %dma_wait3A_119 = arith.constant 0 : i32
      %dma_wait3A_120 = tpu.memref_slice %arg13[%add3A_10, %dma_wait3A_119] : memref<10240x128xf32, #tpu.memory_space<vmem_shared>> -> memref<128x128xf32, #tpu.memory_space<vmem_shared>>
      tpu.wait_dma2 semaphore(%run_scoped3A_112 : memref<!tpu.dma_semaphore, #tpu.memory_space<semaphore_mem>>) src(%arg9 : memref<128x128xf32, #tpu.memory_space<vmem>>) dst(%dma_wait3A_120 : memref<128x128xf32, #tpu.memory_space<vmem_shared>>)
      tpu.yield
    }) : () -> ()
    %mul3A_11 = arith.constant 640 : i32
    %mul3A_12 = arith.muli %arg1, %mul3A_11 : i32
    %add3A_13 = arith.constant 128 : i32
    %add3A_14 = arith.addi %mul3A_12, %add3A_13 : i32
    "tpu.region"() ({
      %run_scoped3A_112 = tpu.sem_alloc : memref<!tpu.dma_semaphore, #tpu.memory_space<semaphore_mem>>
      %dma_start3A_113 = arith.constant 0 : i32
      %dma_start3A_114 = tpu.memref_slice %arg13[%add3A_14, %dma_start3A_113] : memref<10240x128xf32, #tpu.memory_space<vmem_shared>> -> memref<128x128xf32, #tpu.memory_space<vmem_shared>>
      %dma_start3A_115 = arith.constant 0 : i32
      %dma_start3A_116 = tpu.memref_slice %arg13[%add3A_14, %dma_start3A_115] : memref<10240x128xf32, #tpu.memory_space<vmem_shared>> -> memref<128x128xf32, #tpu.memory_space<vmem_shared>>
      tpu.enqueue_dma source(%arg9 : memref<128x128xf32, #tpu.memory_space<vmem>>) target(%dma_start3A_116 : memref<128x128xf32, #tpu.memory_space<vmem_shared>>) target_semaphore(%run_scoped3A_112 : memref<!tpu.dma_semaphore, #tpu.memory_space<semaphore_mem>>)
      %dma_wait3A_117 = arith.constant 0 : i32
      %dma_wait3A_118 = tpu.memref_slice %arg13[%add3A_14, %dma_wait3A_117] : memref<10240x128xf32, #tpu.memory_space<vmem_shared>> -> memref<128x128xf32, #tpu.memory_space<vmem_shared>>
      %dma_wait3A_119 = arith.constant 0 : i32
      %dma_wait3A_120 = tpu.memref_slice %arg13[%add3A_14, %dma_wait3A_119] : memref<10240x128xf32, #tpu.memory_space<vmem_shared>> -> memref<128x128xf32, #tpu.memory_space<vmem_shared>>
      tpu.wait_dma2 semaphore(%run_scoped3A_112 : memref<!tpu.dma_semaphore, #tpu.memory_space<semaphore_mem>>) src(%arg9 : memref<128x128xf32, #tpu.memory_space<vmem>>) dst(%dma_wait3A_120 : memref<128x128xf32, #tpu.memory_space<vmem_shared>>)
      tpu.yield
    }) : () -> ()
    %mul3A_15 = arith.constant 640 : i32
    %mul3A_16 = arith.muli %arg1, %mul3A_15 : i32
    %add3A_17 = arith.constant 256 : i32
    %add3A_18 = arith.addi %mul3A_16, %add3A_17 : i32
    "tpu.region"() ({
      %run_scoped3A_112 = tpu.sem_alloc : memref<!tpu.dma_semaphore, #tpu.memory_space<semaphore_mem>>
      %dma_start3A_113 = arith.constant 0 : i32
      %dma_start3A_114 = tpu.memref_slice %arg13[%add3A_18, %dma_start3A_113] : memref<10240x128xf32, #tpu.memory_space<vmem_shared>> -> memref<128x128xf32, #tpu.memory_space<vmem_shared>>
      %dma_start3A_115 = arith.constant 0 : i32
      %dma_start3A_116 = tpu.memref_slice %arg13[%add3A_18, %dma_start3A_115] : memref<10240x128xf32, #tpu.memory_space<vmem_shared>> -> memref<128x128xf32, #tpu.memory_space<vmem_shared>>
      tpu.enqueue_dma source(%arg9 : memref<128x128xf32, #tpu.memory_space<vmem>>) target(%dma_start3A_116 : memref<128x128xf32, #tpu.memory_space<vmem_shared>>) target_semaphore(%run_scoped3A_112 : memref<!tpu.dma_semaphore, #tpu.memory_space<semaphore_mem>>)
      %dma_wait3A_117 = arith.constant 0 : i32
      %dma_wait3A_118 = tpu.memref_slice %arg13[%add3A_18, %dma_wait3A_117] : memref<10240x128xf32, #tpu.memory_space<vmem_shared>> -> memref<128x128xf32, #tpu.memory_space<vmem_shared>>
      %dma_wait3A_119 = arith.constant 0 : i32
      %dma_wait3A_120 = tpu.memref_slice %arg13[%add3A_18, %dma_wait3A_119] : memref<10240x128xf32, #tpu.memory_space<vmem_shared>> -> memref<128x128xf32, #tpu.memory_space<vmem_shared>>
      tpu.wait_dma2 semaphore(%run_scoped3A_112 : memref<!tpu.dma_semaphore, #tpu.memory_space<semaphore_mem>>) src(%arg9 : memref<128x128xf32, #tpu.memory_space<vmem>>) dst(%dma_wait3A_120 : memref<128x128xf32, #tpu.memory_space<vmem_shared>>)
      tpu.yield
    }) : () -> ()
    %mul3A_19 = arith.constant 640 : i32
    %mul3A_20 = arith.muli %arg1, %mul3A_19 : i32
    %add3A_21 = arith.constant 384 : i32
    %add3A_22 = arith.addi %mul3A_20, %add3A_21 : i32
    "tpu.region"() ({
      %run_scoped3A_112 = tpu.sem_alloc : memref<!tpu.dma_semaphore, #tpu.memory_space<semaphore_mem>>
      %dma_start3A_113 = arith.constant 0 : i32
      %dma_start3A_114 = tpu.memref_slice %arg13[%add3A_22, %dma_start3A_113] : memref<10240x128xf32, #tpu.memory_space<vmem_shared>> -> memref<128x128xf32, #tpu.memory_space<vmem_shared>>
      %dma_start3A_115 = arith.constant 0 : i32
      %dma_start3A_116 = tpu.memref_slice %arg13[%add3A_22, %dma_start3A_115] : memref<10240x128xf32, #tpu.memory_space<vmem_shared>> -> memref<128x128xf32, #tpu.memory_space<vmem_shared>>
      tpu.enqueue_dma source(%arg9 : memref<128x128xf32, #tpu.memory_space<vmem>>) target(%dma_start3A_116 : memref<128x128xf32, #tpu.memory_space<vmem_shared>>) target_semaphore(%run_scoped3A_112 : memref<!tpu.dma_semaphore, #tpu.memory_space<semaphore_mem>>)
      %dma_wait3A_117 = arith.constant 0 : i32
      %dma_wait3A_118 = tpu.memref_slice %arg13[%add3A_22, %dma_wait3A_117] : memref<10240x128xf32, #tpu.memory_space<vmem_shared>> -> memref<128x128xf32, #tpu.memory_space<vmem_shared>>
      %dma_wait3A_119 = arith.constant 0 : i32
      %dma_wait3A_120 = tpu.memref_slice %arg13[%add3A_22, %dma_wait3A_119] : memref<10240x128xf32, #tpu.memory_space<vmem_shared>> -> memref<128x128xf32, #tpu.memory_space<vmem_shared>>
      tpu.wait_dma2 semaphore(%run_scoped3A_112 : memref<!tpu.dma_semaphore, #tpu.memory_space<semaphore_mem>>) src(%arg9 : memref<128x128xf32, #tpu.memory_space<vmem>>) dst(%dma_wait3A_120 : memref<128x128xf32, #tpu.memory_space<vmem_shared>>)
      tpu.yield
    }) : () -> ()
    %mul3A_23 = arith.constant 640 : i32
    %mul3A_24 = arith.muli %arg1, %mul3A_23 : i32
    %add3A_25 = arith.constant 512 : i32
    %add3A_26 = arith.addi %mul3A_24, %add3A_25 : i32
    "tpu.region"() ({
      %run_scoped3A_112 = tpu.sem_alloc : memref<!tpu.dma_semaphore, #tpu.memory_space<semaphore_mem>>
      %dma_start3A_113 = arith.constant 0 : i32
      %dma_start3A_114 = tpu.memref_slice %arg13[%add3A_26, %dma_start3A_113] : memref<10240x128xf32, #tpu.memory_space<vmem_shared>> -> memref<128x128xf32, #tpu.memory_space<vmem_shared>>
      %dma_start3A_115 = arith.constant 0 : i32
      %dma_start3A_116 = tpu.memref_slice %arg13[%add3A_26, %dma_start3A_115] : memref<10240x128xf32, #tpu.memory_space<vmem_shared>> -> memref<128x128xf32, #tpu.memory_space<vmem_shared>>
      tpu.enqueue_dma source(%arg9 : memref<128x128xf32, #tpu.memory_space<vmem>>) target(%dma_start3A_116 : memref<128x128xf32, #tpu.memory_space<vmem_shared>>) target_semaphore(%run_scoped3A_112 : memref<!tpu.dma_semaphore, #tpu.memory_space<semaphore_mem>>)
      %dma_wait3A_117 = arith.constant 0 : i32
      %dma_wait3A_118 = tpu.memref_slice %arg13[%add3A_26, %dma_wait3A_117] : memref<10240x128xf32, #tpu.memory_space<vmem_shared>> -> memref<128x128xf32, #tpu.memory_space<vmem_shared>>
      %dma_wait3A_119 = arith.constant 0 : i32
      %dma_wait3A_120 = tpu.memref_slice %arg13[%add3A_26, %dma_wait3A_119] : memref<10240x128xf32, #tpu.memory_space<vmem_shared>> -> memref<128x128xf32, #tpu.memory_space<vmem_shared>>
      tpu.wait_dma2 semaphore(%run_scoped3A_112 : memref<!tpu.dma_semaphore, #tpu.memory_space<semaphore_mem>>) src(%arg9 : memref<128x128xf32, #tpu.memory_space<vmem>>) dst(%dma_wait3A_120 : memref<128x128xf32, #tpu.memory_space<vmem_shared>>)
      tpu.yield
    }) : () -> ()
    %barrier3A = arith.constant 0 : index
    tpu.barrier barrier_id(%barrier3A)
    %mul3A_27 = arith.constant 80 : i32
    %mul3A_28 = arith.muli %add3A, %mul3A_27 : i32
    %add3A_29 = arith.constant 0 : i32
    %add3A_30 = arith.addi %mul3A_28, %add3A_29 : i32
    "tpu.region"() ({
      %run_scoped3A_112 = tpu.sem_alloc : memref<!tpu.dma_semaphore, #tpu.memory_space<semaphore_mem>>
      %dma_start3A_113 = arith.constant 0 : i32
      %dma_start3A_114 = tpu.memref_slice %arg3[%add3A_30, %dma_start3A_113] : memref<2560x128xi32, #tpu.memory_space<hbm>> -> memref<40x128xi32, #tpu.memory_space<hbm>>
      %dma_start3A_115 = arith.constant 0 : i32
      %dma_start3A_116 = tpu.memref_slice %arg3[%add3A_30, %dma_start3A_115] : memref<2560x128xi32, #tpu.memory_space<hbm>> -> memref<40x128xi32, #tpu.memory_space<hbm>>
      tpu.enqueue_dma source(%dma_start3A_116 : memref<40x128xi32, #tpu.memory_space<hbm>>) target(%arg7 : memref<40x128xi32, #tpu.memory_space<vmem>>) target_semaphore(%run_scoped3A_112 : memref<!tpu.dma_semaphore, #tpu.memory_space<semaphore_mem>>)
      %dma_wait3A_117 = arith.constant 0 : i32
      %dma_wait3A_118 = tpu.memref_slice %arg3[%add3A_30, %dma_wait3A_117] : memref<2560x128xi32, #tpu.memory_space<hbm>> -> memref<40x128xi32, #tpu.memory_space<hbm>>
      %dma_wait3A_119 = arith.constant 0 : i32
      %dma_wait3A_120 = tpu.memref_slice %arg3[%add3A_30, %dma_wait3A_119] : memref<2560x128xi32, #tpu.memory_space<hbm>> -> memref<40x128xi32, #tpu.memory_space<hbm>>
      tpu.wait_dma2 semaphore(%run_scoped3A_112 : memref<!tpu.dma_semaphore, #tpu.memory_space<semaphore_mem>>) src(%dma_wait3A_120 : memref<40x128xi32, #tpu.memory_space<hbm>>) dst(%arg7 : memref<40x128xi32, #tpu.memory_space<vmem>>)
      tpu.yield
    }) : () -> ()
    "tpu.region"() ({
      %run_scoped3A_112 = tpu.sem_alloc : memref<!tpu.dma_semaphore, #tpu.memory_space<semaphore_mem>>
      %dma_start3A_113 = arith.constant 0 : i32
      %dma_start3A_114 = tpu.memref_slice %arg4[%add3A_30, %dma_start3A_113] : memref<2560x128xi32, #tpu.memory_space<hbm>> -> memref<40x128xi32, #tpu.memory_space<hbm>>
      %dma_start3A_115 = arith.constant 0 : i32
      %dma_start3A_116 = tpu.memref_slice %arg4[%add3A_30, %dma_start3A_115] : memref<2560x128xi32, #tpu.memory_space<hbm>> -> memref<40x128xi32, #tpu.memory_space<hbm>>
      tpu.enqueue_dma source(%dma_start3A_116 : memref<40x128xi32, #tpu.memory_space<hbm>>) target(%arg8 : memref<40x128xi32, #tpu.memory_space<vmem>>) target_semaphore(%run_scoped3A_112 : memref<!tpu.dma_semaphore, #tpu.memory_space<semaphore_mem>>)
      %dma_wait3A_117 = arith.constant 0 : i32
      %dma_wait3A_118 = tpu.memref_slice %arg4[%add3A_30, %dma_wait3A_117] : memref<2560x128xi32, #tpu.memory_space<hbm>> -> memref<40x128xi32, #tpu.memory_space<hbm>>
      %dma_wait3A_119 = arith.constant 0 : i32
      %dma_wait3A_120 = tpu.memref_slice %arg4[%add3A_30, %dma_wait3A_119] : memref<2560x128xi32, #tpu.memory_space<hbm>> -> memref<40x128xi32, #tpu.memory_space<hbm>>
      tpu.wait_dma2 semaphore(%run_scoped3A_112 : memref<!tpu.dma_semaphore, #tpu.memory_space<semaphore_mem>>) src(%dma_wait3A_120 : memref<40x128xi32, #tpu.memory_space<hbm>>) dst(%arg8 : memref<40x128xi32, #tpu.memory_space<vmem>>)
      tpu.yield
    }) : () -> ()
    %dma_start3A = arith.constant 0 : i32
    %dma_start3A_31 = arith.constant 0 : i32
    %dma_start3A_32 = tpu.memref_slice %arg7[%dma_start3A, %dma_start3A_31] : memref<40x128xi32, #tpu.memory_space<vmem>> -> memref<1x128xi32, #tpu.memory_space<vmem>>
    %dma_start3A_33 = tpu.memref_squeeze %dma_start3A_32 : memref<1x128xi32, #tpu.memory_space<vmem>> -> memref<128xi32, #tpu.memory_space<vmem>>
    %dma_start3A_34 = arith.constant 0 : i32
    %dma_start3A_35 = arith.constant 0 : i32
    %dma_start3A_36 = tpu.memref_slice %arg2[%dma_start3A_34, %dma_start3A_35] : memref<10240x128xf32, #tpu.memory_space<hbm>> -> memref<10240x128xf32, #tpu.memory_space<hbm>>
    tpu.enqueue_indirect_dma source(%dma_start3A_36 : memref<10240x128xf32, #tpu.memory_space<hbm>>) target(%arg9 : memref<128x128xf32, #tpu.memory_space<vmem>>) offsets(%dma_start3A_33 : memref<128xi32, #tpu.memory_space<vmem>>) semaphore(%arg11 : memref<!tpu.dma_semaphore, #tpu.memory_space<semaphore_mem>>)
    %dma_start3A_37 = arith.constant 1 : i32
    %dma_start3A_38 = arith.constant 0 : i32
    %dma_start3A_39 = tpu.memref_slice %arg7[%dma_start3A_37, %dma_start3A_38] : memref<40x128xi32, #tpu.memory_space<vmem>> -> memref<1x128xi32, #tpu.memory_space<vmem>>
    %dma_start3A_40 = tpu.memref_squeeze %dma_start3A_39 : memref<1x128xi32, #tpu.memory_space<vmem>> -> memref<128xi32, #tpu.memory_space<vmem>>
    %dma_start3A_41 = arith.constant 0 : i32
    %dma_start3A_42 = arith.constant 0 : i32
    %dma_start3A_43 = tpu.memref_slice %arg2[%dma_start3A_41, %dma_start3A_42] : memref<10240x128xf32, #tpu.memory_space<hbm>> -> memref<10240x128xf32, #tpu.memory_space<hbm>>
    tpu.enqueue_indirect_dma source(%dma_start3A_43 : memref<10240x128xf32, #tpu.memory_space<hbm>>) target(%arg10 : memref<128x128xf32, #tpu.memory_space<vmem>>) offsets(%dma_start3A_40 : memref<128xi32, #tpu.memory_space<vmem>>) semaphore(%arg12 : memref<!tpu.dma_semaphore, #tpu.memory_space<semaphore_mem>>)
    %scan3A_44 = arith.constant 0 : i32
    %scan3A_45 = arith.constant 0 : i32
    %scan3A_46 = arith.constant 19 : i32
    %scan3A_47 = arith.addi %scan3A_45, %scan3A_46 : i32
    %scan3A_48 = arith.constant 1 : i32
    scf.for %scan3A_112 = %scan3A_45 to %scan3A_47 step %scan3A_48  : i32 {
      %mul3A_113 = arith.constant 2 : i32
      %mul3A_114 = arith.muli %mul3A_113, %scan3A_112 : i32
      %dma_wait3A_115 = arith.constant 0 : i32
      %dma_wait3A_116 = arith.constant 0 : i32
      %dma_wait3A_117 = tpu.memref_slice %arg7[%dma_wait3A_115, %dma_wait3A_116] : memref<40x128xi32, #tpu.memory_space<vmem>> -> memref<1x128xi32, #tpu.memory_space<vmem>>
      %dma_wait3A_118 = tpu.memref_squeeze %dma_wait3A_117 : memref<1x128xi32, #tpu.memory_space<vmem>> -> memref<128xi32, #tpu.memory_space<vmem>>
      %dma_wait3A_119 = arith.constant 0 : i32
      %dma_wait3A_120 = arith.constant 0 : i32
      %dma_wait3A_121 = tpu.memref_slice %arg2[%dma_wait3A_119, %dma_wait3A_120] : memref<10240x128xf32, #tpu.memory_space<hbm>> -> memref<10240x128xf32, #tpu.memory_space<hbm>>
      tpu.wait_indirect_dma semaphore(%arg11 : memref<!tpu.dma_semaphore, #tpu.memory_space<semaphore_mem>>) src(%dma_wait3A_121 : memref<10240x128xf32, #tpu.memory_space<hbm>>) dst(%arg9 : memref<128x128xf32, #tpu.memory_space<vmem>>)
      "tpu.region"() ({
        %run_scoped3A_147 = tpu.sem_alloc : memref<!tpu.dma_semaphore, #tpu.memory_space<semaphore_mem>>
        %dma_start3A_148 = arith.constant 0 : i32
        %dma_start3A_149 = tpu.memref_slice %arg8[%mul3A_114, %dma_start3A_148] : memref<40x128xi32, #tpu.memory_space<vmem>> -> memref<1x128xi32, #tpu.memory_space<vmem>>
        %dma_start3A_150 = tpu.memref_squeeze %dma_start3A_149 : memref<1x128xi32, #tpu.memory_space<vmem>> -> memref<128xi32, #tpu.memory_space<vmem>>
        %dma_start3A_151 = arith.constant 0 : i32
        %dma_start3A_152 = arith.constant 0 : i32
        %dma_start3A_153 = tpu.memref_slice %arg13[%dma_start3A_151, %dma_start3A_152] : memref<10240x128xf32, #tpu.memory_space<vmem_shared>> -> memref<10240x128xf32, #tpu.memory_space<vmem_shared>>
        tpu.enqueue_indirect_dma source(%arg9 : memref<128x128xf32, #tpu.memory_space<vmem>>) target(%dma_start3A_153 : memref<10240x128xf32, #tpu.memory_space<vmem_shared>>) offsets(%dma_start3A_150 : memref<128xi32, #tpu.memory_space<vmem>>) semaphore(%run_scoped3A_147 : memref<!tpu.dma_semaphore, #tpu.memory_space<semaphore_mem>>) {add = true}
        %dma_wait3A_154 = arith.constant 0 : i32
        %dma_wait3A_155 = tpu.memref_slice %arg8[%mul3A_114, %dma_wait3A_154] : memref<40x128xi32, #tpu.memory_space<vmem>> -> memref<1x128xi32, #tpu.memory_space<vmem>>
        %dma_wait3A_156 = tpu.memref_squeeze %dma_wait3A_155 : memref<1x128xi32, #tpu.memory_space<vmem>> -> memref<128xi32, #tpu.memory_space<vmem>>
        %dma_wait3A_157 = arith.constant 0 : i32
        %dma_wait3A_158 = arith.constant 0 : i32
        %dma_wait3A_159 = tpu.memref_slice %arg13[%dma_wait3A_157, %dma_wait3A_158] : memref<10240x128xf32, #tpu.memory_space<vmem_shared>> -> memref<10240x128xf32, #tpu.memory_space<vmem_shared>>
        tpu.wait_indirect_dma semaphore(%run_scoped3A_147 : memref<!tpu.dma_semaphore, #tpu.memory_space<semaphore_mem>>) src(%arg9 : memref<128x128xf32, #tpu.memory_space<vmem>>) dst(%dma_wait3A_159 : memref<10240x128xf32, #tpu.memory_space<vmem_shared>>)
        tpu.yield
      }) : () -> ()
      %add3A_122 = arith.constant 2 : i32
      %add3A_123 = arith.addi %mul3A_114, %add3A_122 : i32
      %dma_start3A_124 = arith.constant 0 : i32
      %dma_start3A_125 = tpu.memref_slice %arg7[%add3A_123, %dma_start3A_124] : memref<40x128xi32, #tpu.memory_space<vmem>> -> memref<1x128xi32, #tpu.memory_space<vmem>>
      %dma_start3A_126 = tpu.memref_squeeze %dma_start3A_125 : memref<1x128xi32, #tpu.memory_space<vmem>> -> memref<128xi32, #tpu.memory_space<vmem>>
      %dma_start3A_127 = arith.constant 0 : i32
      %dma_start3A_128 = arith.constant 0 : i32
      %dma_start3A_129 = tpu.memref_slice %arg2[%dma_start3A_127, %dma_start3A_128] : memref<10240x128xf32, #tpu.memory_space<hbm>> -> memref<10240x128xf32, #tpu.memory_space<hbm>>
      tpu.enqueue_indirect_dma source(%dma_start3A_129 : memref<10240x128xf32, #tpu.memory_space<hbm>>) target(%arg9 : memref<128x128xf32, #tpu.memory_space<vmem>>) offsets(%dma_start3A_126 : memref<128xi32, #tpu.memory_space<vmem>>) semaphore(%arg11 : memref<!tpu.dma_semaphore, #tpu.memory_space<semaphore_mem>>)
      %dma_wait3A_130 = arith.constant 0 : i32
      %dma_wait3A_131 = arith.constant 0 : i32
      %dma_wait3A_132 = tpu.memref_slice %arg7[%dma_wait3A_130, %dma_wait3A_131] : memref<40x128xi32, #tpu.memory_space<vmem>> -> memref<1x128xi32, #tpu.memory_space<vmem>>
      %dma_wait3A_133 = tpu.memref_squeeze %dma_wait3A_132 : memref<1x128xi32, #tpu.memory_space<vmem>> -> memref<128xi32, #tpu.memory_space<vmem>>
      %dma_wait3A_134 = arith.constant 0 : i32
      %dma_wait3A_135 = arith.constant 0 : i32
      %dma_wait3A_136 = tpu.memref_slice %arg2[%dma_wait3A_134, %dma_wait3A_135] : memref<10240x128xf32, #tpu.memory_space<hbm>> -> memref<10240x128xf32, #tpu.memory_space<hbm>>
      tpu.wait_indirect_dma semaphore(%arg12 : memref<!tpu.dma_semaphore, #tpu.memory_space<semaphore_mem>>) src(%dma_wait3A_136 : memref<10240x128xf32, #tpu.memory_space<hbm>>) dst(%arg10 : memref<128x128xf32, #tpu.memory_space<vmem>>)
      %add3A_137 = arith.constant 1 : i32
      %add3A_138 = arith.addi %mul3A_114, %add3A_137 : i32
      "tpu.region"() ({
        %run_scoped3A_147 = tpu.sem_alloc : memref<!tpu.dma_semaphore, #tpu.memory_space<semaphore_mem>>
        %dma_start3A_148 = arith.constant 0 : i32
        %dma_start3A_149 = tpu.memref_slice %arg8[%add3A_138, %dma_start3A_148] : memref<40x128xi32, #tpu.memory_space<vmem>> -> memref<1x128xi32, #tpu.memory_space<vmem>>
        %dma_start3A_150 = tpu.memref_squeeze %dma_start3A_149 : memref<1x128xi32, #tpu.memory_space<vmem>> -> memref<128xi32, #tpu.memory_space<vmem>>
        %dma_start3A_151 = arith.constant 0 : i32
        %dma_start3A_152 = arith.constant 0 : i32
        %dma_start3A_153 = tpu.memref_slice %arg13[%dma_start3A_151, %dma_start3A_152] : memref<10240x128xf32, #tpu.memory_space<vmem_shared>> -> memref<10240x128xf32, #tpu.memory_space<vmem_shared>>
        tpu.enqueue_indirect_dma source(%arg10 : memref<128x128xf32, #tpu.memory_space<vmem>>) target(%dma_start3A_153 : memref<10240x128xf32, #tpu.memory_space<vmem_shared>>) offsets(%dma_start3A_150 : memref<128xi32, #tpu.memory_space<vmem>>) semaphore(%run_scoped3A_147 : memref<!tpu.dma_semaphore, #tpu.memory_space<semaphore_mem>>) {add = true}
        %dma_wait3A_154 = arith.constant 0 : i32
        %dma_wait3A_155 = tpu.memref_slice %arg8[%add3A_138, %dma_wait3A_154] : memref<40x128xi32, #tpu.memory_space<vmem>> -> memref<1x128xi32, #tpu.memory_space<vmem>>
        %dma_wait3A_156 = tpu.memref_squeeze %dma_wait3A_155 : memref<1x128xi32, #tpu.memory_space<vmem>> -> memref<128xi32, #tpu.memory_space<vmem>>
        %dma_wait3A_157 = arith.constant 0 : i32
        %dma_wait3A_158 = arith.constant 0 : i32
        %dma_wait3A_159 = tpu.memref_slice %arg13[%dma_wait3A_157, %dma_wait3A_158] : memref<10240x128xf32, #tpu.memory_space<vmem_shared>> -> memref<10240x128xf32, #tpu.memory_space<vmem_shared>>
        tpu.wait_indirect_dma semaphore(%run_scoped3A_147 : memref<!tpu.dma_semaphore, #tpu.memory_space<semaphore_mem>>) src(%arg10 : memref<128x128xf32, #tpu.memory_space<vmem>>) dst(%dma_wait3A_159 : memref<10240x128xf32, #tpu.memory_space<vmem_shared>>)
        tpu.yield
      }) : () -> ()
      %add3A_139 = arith.constant 3 : i32
      %add3A_140 = arith.addi %mul3A_114, %add3A_139 : i32
      %dma_start3A_141 = arith.constant 0 : i32
      %dma_start3A_142 = tpu.memref_slice %arg7[%add3A_140, %dma_start3A_141] : memref<40x128xi32, #tpu.memory_space<vmem>> -> memref<1x128xi32, #tpu.memory_space<vmem>>
      %dma_start3A_143 = tpu.memref_squeeze %dma_start3A_142 : memref<1x128xi32, #tpu.memory_space<vmem>> -> memref<128xi32, #tpu.memory_space<vmem>>
      %dma_start3A_144 = arith.constant 0 : i32
      %dma_start3A_145 = arith.constant 0 : i32
      %dma_start3A_146 = tpu.memref_slice %arg2[%dma_start3A_144, %dma_start3A_145] : memref<10240x128xf32, #tpu.memory_space<hbm>> -> memref<10240x128xf32, #tpu.memory_space<hbm>>
      tpu.enqueue_indirect_dma source(%dma_start3A_146 : memref<10240x128xf32, #tpu.memory_space<hbm>>) target(%arg10 : memref<128x128xf32, #tpu.memory_space<vmem>>) offsets(%dma_start3A_143 : memref<128xi32, #tpu.memory_space<vmem>>) semaphore(%arg12 : memref<!tpu.dma_semaphore, #tpu.memory_space<semaphore_mem>>)
    }
    %scan3A_49 = arith.constant 19 : i32
    %dma_wait3A = arith.constant 0 : i32
    %dma_wait3A_50 = arith.constant 0 : i32
    %dma_wait3A_51 = tpu.memref_slice %arg7[%dma_wait3A, %dma_wait3A_50] : memref<40x128xi32, #tpu.memory_space<vmem>> -> memref<1x128xi32, #tpu.memory_space<vmem>>
    %dma_wait3A_52 = tpu.memref_squeeze %dma_wait3A_51 : memref<1x128xi32, #tpu.memory_space<vmem>> -> memref<128xi32, #tpu.memory_space<vmem>>
    %dma_wait3A_53 = arith.constant 0 : i32
    %dma_wait3A_54 = arith.constant 0 : i32
    %dma_wait3A_55 = tpu.memref_slice %arg2[%dma_wait3A_53, %dma_wait3A_54] : memref<10240x128xf32, #tpu.memory_space<hbm>> -> memref<10240x128xf32, #tpu.memory_space<hbm>>
    tpu.wait_indirect_dma semaphore(%arg11 : memref<!tpu.dma_semaphore, #tpu.memory_space<semaphore_mem>>) src(%dma_wait3A_55 : memref<10240x128xf32, #tpu.memory_space<hbm>>) dst(%arg9 : memref<128x128xf32, #tpu.memory_space<vmem>>)
    %run_scoped3A = arith.constant 38 : i32
    "tpu.region"() ({
      %run_scoped3A_112 = tpu.sem_alloc : memref<!tpu.dma_semaphore, #tpu.memory_space<semaphore_mem>>
      %dma_start3A_113 = arith.constant 0 : i32
      %dma_start3A_114 = tpu.memref_slice %arg8[%run_scoped3A, %dma_start3A_113] : memref<40x128xi32, #tpu.memory_space<vmem>> -> memref<1x128xi32, #tpu.memory_space<vmem>>
      %dma_start3A_115 = tpu.memref_squeeze %dma_start3A_114 : memref<1x128xi32, #tpu.memory_space<vmem>> -> memref<128xi32, #tpu.memory_space<vmem>>
      %dma_start3A_116 = arith.constant 0 : i32
      %dma_start3A_117 = arith.constant 0 : i32
      %dma_start3A_118 = tpu.memref_slice %arg13[%dma_start3A_116, %dma_start3A_117] : memref<10240x128xf32, #tpu.memory_space<vmem_shared>> -> memref<10240x128xf32, #tpu.memory_space<vmem_shared>>
      tpu.enqueue_indirect_dma source(%arg9 : memref<128x128xf32, #tpu.memory_space<vmem>>) target(%dma_start3A_118 : memref<10240x128xf32, #tpu.memory_space<vmem_shared>>) offsets(%dma_start3A_115 : memref<128xi32, #tpu.memory_space<vmem>>) semaphore(%run_scoped3A_112 : memref<!tpu.dma_semaphore, #tpu.memory_space<semaphore_mem>>) {add = true}
      %dma_wait3A_119 = arith.constant 0 : i32
      %dma_wait3A_120 = tpu.memref_slice %arg8[%run_scoped3A, %dma_wait3A_119] : memref<40x128xi32, #tpu.memory_space<vmem>> -> memref<1x128xi32, #tpu.memory_space<vmem>>
      %dma_wait3A_121 = tpu.memref_squeeze %dma_wait3A_120 : memref<1x128xi32, #tpu.memory_space<vmem>> -> memref<128xi32, #tpu.memory_space<vmem>>
      %dma_wait3A_122 = arith.constant 0 : i32
      %dma_wait3A_123 = arith.constant 0 : i32
      %dma_wait3A_124 = tpu.memref_slice %arg13[%dma_wait3A_122, %dma_wait3A_123] : memref<10240x128xf32, #tpu.memory_space<vmem_shared>> -> memref<10240x128xf32, #tpu.memory_space<vmem_shared>>
      tpu.wait_indirect_dma semaphore(%run_scoped3A_112 : memref<!tpu.dma_semaphore, #tpu.memory_space<semaphore_mem>>) src(%arg9 : memref<128x128xf32, #tpu.memory_space<vmem>>) dst(%dma_wait3A_124 : memref<10240x128xf32, #tpu.memory_space<vmem_shared>>)
      tpu.yield
    }) : () -> ()
    %dma_wait3A_56 = arith.constant 0 : i32
    %dma_wait3A_57 = arith.constant 0 : i32
    %dma_wait3A_58 = tpu.memref_slice %arg7[%dma_wait3A_56, %dma_wait3A_57] : memref<40x128xi32, #tpu.memory_space<vmem>> -> memref<1x128xi32, #tpu.memory_space<vmem>>
    %dma_wait3A_59 = tpu.memref_squeeze %dma_wait3A_58 : memref<1x128xi32, #tpu.memory_space<vmem>> -> memref<128xi32, #tpu.memory_space<vmem>>
    %dma_wait3A_60 = arith.constant 0 : i32
    %dma_wait3A_61 = arith.constant 0 : i32
    %dma_wait3A_62 = tpu.memref_slice %arg2[%dma_wait3A_60, %dma_wait3A_61] : memref<10240x128xf32, #tpu.memory_space<hbm>> -> memref<10240x128xf32, #tpu.memory_space<hbm>>
    tpu.wait_indirect_dma semaphore(%arg12 : memref<!tpu.dma_semaphore, #tpu.memory_space<semaphore_mem>>) src(%dma_wait3A_62 : memref<10240x128xf32, #tpu.memory_space<hbm>>) dst(%arg10 : memref<128x128xf32, #tpu.memory_space<vmem>>)
    %run_scoped3A_63 = arith.constant 39 : i32
    "tpu.region"() ({
      %run_scoped3A_112 = tpu.sem_alloc : memref<!tpu.dma_semaphore, #tpu.memory_space<semaphore_mem>>
      %dma_start3A_113 = arith.constant 0 : i32
      %dma_start3A_114 = tpu.memref_slice %arg8[%run_scoped3A_63, %dma_start3A_113] : memref<40x128xi32, #tpu.memory_space<vmem>> -> memref<1x128xi32, #tpu.memory_space<vmem>>
      %dma_start3A_115 = tpu.memref_squeeze %dma_start3A_114 : memref<1x128xi32, #tpu.memory_space<vmem>> -> memref<128xi32, #tpu.memory_space<vmem>>
      %dma_start3A_116 = arith.constant 0 : i32
      %dma_start3A_117 = arith.constant 0 : i32
      %dma_start3A_118 = tpu.memref_slice %arg13[%dma_start3A_116, %dma_start3A_117] : memref<10240x128xf32, #tpu.memory_space<vmem_shared>> -> memref<10240x128xf32, #tpu.memory_space<vmem_shared>>
      tpu.enqueue_indirect_dma source(%arg10 : memref<128x128xf32, #tpu.memory_space<vmem>>) target(%dma_start3A_118 : memref<10240x128xf32, #tpu.memory_space<vmem_shared>>) offsets(%dma_start3A_115 : memref<128xi32, #tpu.memory_space<vmem>>) semaphore(%run_scoped3A_112 : memref<!tpu.dma_semaphore, #tpu.memory_space<semaphore_mem>>) {add = true}
      %dma_wait3A_119 = arith.constant 0 : i32
      %dma_wait3A_120 = tpu.memref_slice %arg8[%run_scoped3A_63, %dma_wait3A_119] : memref<40x128xi32, #tpu.memory_space<vmem>> -> memref<1x128xi32, #tpu.memory_space<vmem>>
      %dma_wait3A_121 = tpu.memref_squeeze %dma_wait3A_120 : memref<1x128xi32, #tpu.memory_space<vmem>> -> memref<128xi32, #tpu.memory_space<vmem>>
      %dma_wait3A_122 = arith.constant 0 : i32
      %dma_wait3A_123 = arith.constant 0 : i32
      %dma_wait3A_124 = tpu.memref_slice %arg13[%dma_wait3A_122, %dma_wait3A_123] : memref<10240x128xf32, #tpu.memory_space<vmem_shared>> -> memref<10240x128xf32, #tpu.memory_space<vmem_shared>>
      tpu.wait_indirect_dma semaphore(%run_scoped3A_112 : memref<!tpu.dma_semaphore, #tpu.memory_space<semaphore_mem>>) src(%arg10 : memref<128x128xf32, #tpu.memory_space<vmem>>) dst(%dma_wait3A_124 : memref<10240x128xf32, #tpu.memory_space<vmem_shared>>)
      tpu.yield
    }) : () -> ()
    %mul3A_64 = arith.constant 80 : i32
    %mul3A_65 = arith.muli %add3A, %mul3A_64 : i32
    %add3A_66 = arith.constant 40 : i32
    %add3A_67 = arith.addi %mul3A_65, %add3A_66 : i32
    "tpu.region"() ({
      %run_scoped3A_112 = tpu.sem_alloc : memref<!tpu.dma_semaphore, #tpu.memory_space<semaphore_mem>>
      %dma_start3A_113 = arith.constant 0 : i32
      %dma_start3A_114 = tpu.memref_slice %arg3[%add3A_67, %dma_start3A_113] : memref<2560x128xi32, #tpu.memory_space<hbm>> -> memref<40x128xi32, #tpu.memory_space<hbm>>
      %dma_start3A_115 = arith.constant 0 : i32
      %dma_start3A_116 = tpu.memref_slice %arg3[%add3A_67, %dma_start3A_115] : memref<2560x128xi32, #tpu.memory_space<hbm>> -> memref<40x128xi32, #tpu.memory_space<hbm>>
      tpu.enqueue_dma source(%dma_start3A_116 : memref<40x128xi32, #tpu.memory_space<hbm>>) target(%arg7 : memref<40x128xi32, #tpu.memory_space<vmem>>) target_semaphore(%run_scoped3A_112 : memref<!tpu.dma_semaphore, #tpu.memory_space<semaphore_mem>>)
      %dma_wait3A_117 = arith.constant 0 : i32
      %dma_wait3A_118 = tpu.memref_slice %arg3[%add3A_67, %dma_wait3A_117] : memref<2560x128xi32, #tpu.memory_space<hbm>> -> memref<40x128xi32, #tpu.memory_space<hbm>>
      %dma_wait3A_119 = arith.constant 0 : i32
      %dma_wait3A_120 = tpu.memref_slice %arg3[%add3A_67, %dma_wait3A_119] : memref<2560x128xi32, #tpu.memory_space<hbm>> -> memref<40x128xi32, #tpu.memory_space<hbm>>
      tpu.wait_dma2 semaphore(%run_scoped3A_112 : memref<!tpu.dma_semaphore, #tpu.memory_space<semaphore_mem>>) src(%dma_wait3A_120 : memref<40x128xi32, #tpu.memory_space<hbm>>) dst(%arg7 : memref<40x128xi32, #tpu.memory_space<vmem>>)
      tpu.yield
    }) : () -> ()
    "tpu.region"() ({
      %run_scoped3A_112 = tpu.sem_alloc : memref<!tpu.dma_semaphore, #tpu.memory_space<semaphore_mem>>
      %dma_start3A_113 = arith.constant 0 : i32
      %dma_start3A_114 = tpu.memref_slice %arg4[%add3A_67, %dma_start3A_113] : memref<2560x128xi32, #tpu.memory_space<hbm>> -> memref<40x128xi32, #tpu.memory_space<hbm>>
      %dma_start3A_115 = arith.constant 0 : i32
      %dma_start3A_116 = tpu.memref_slice %arg4[%add3A_67, %dma_start3A_115] : memref<2560x128xi32, #tpu.memory_space<hbm>> -> memref<40x128xi32, #tpu.memory_space<hbm>>
      tpu.enqueue_dma source(%dma_start3A_116 : memref<40x128xi32, #tpu.memory_space<hbm>>) target(%arg8 : memref<40x128xi32, #tpu.memory_space<vmem>>) target_semaphore(%run_scoped3A_112 : memref<!tpu.dma_semaphore, #tpu.memory_space<semaphore_mem>>)
      %dma_wait3A_117 = arith.constant 0 : i32
      %dma_wait3A_118 = tpu.memref_slice %arg4[%add3A_67, %dma_wait3A_117] : memref<2560x128xi32, #tpu.memory_space<hbm>> -> memref<40x128xi32, #tpu.memory_space<hbm>>
      %dma_wait3A_119 = arith.constant 0 : i32
      %dma_wait3A_120 = tpu.memref_slice %arg4[%add3A_67, %dma_wait3A_119] : memref<2560x128xi32, #tpu.memory_space<hbm>> -> memref<40x128xi32, #tpu.memory_space<hbm>>
      tpu.wait_dma2 semaphore(%run_scoped3A_112 : memref<!tpu.dma_semaphore, #tpu.memory_space<semaphore_mem>>) src(%dma_wait3A_120 : memref<40x128xi32, #tpu.memory_space<hbm>>) dst(%arg8 : memref<40x128xi32, #tpu.memory_space<vmem>>)
      tpu.yield
    }) : () -> ()
    %dma_start3A_68 = arith.constant 0 : i32
    %dma_start3A_69 = arith.constant 0 : i32
    %dma_start3A_70 = tpu.memref_slice %arg7[%dma_start3A_68, %dma_start3A_69] : memref<40x128xi32, #tpu.memory_space<vmem>> -> memref<1x128xi32, #tpu.memory_space<vmem>>
    %dma_start3A_71 = tpu.memref_squeeze %dma_start3A_70 : memref<1x128xi32, #tpu.memory_space<vmem>> -> memref<128xi32, #tpu.memory_space<vmem>>
    %dma_start3A_72 = arith.constant 0 : i32
    %dma_start3A_73 = arith.constant 0 : i32
    %dma_start3A_74 = tpu.memref_slice %arg2[%dma_start3A_72, %dma_start3A_73] : memref<10240x128xf32, #tpu.memory_space<hbm>> -> memref<10240x128xf32, #tpu.memory_space<hbm>>
    tpu.enqueue_indirect_dma source(%dma_start3A_74 : memref<10240x128xf32, #tpu.memory_space<hbm>>) target(%arg9 : memref<128x128xf32, #tpu.memory_space<vmem>>) offsets(%dma_start3A_71 : memref<128xi32, #tpu.memory_space<vmem>>) semaphore(%arg11 : memref<!tpu.dma_semaphore, #tpu.memory_space<semaphore_mem>>)
    %dma_start3A_75 = arith.constant 1 : i32
    %dma_start3A_76 = arith.constant 0 : i32
    %dma_start3A_77 = tpu.memref_slice %arg7[%dma_start3A_75, %dma_start3A_76] : memref<40x128xi32, #tpu.memory_space<vmem>> -> memref<1x128xi32, #tpu.memory_space<vmem>>
    %dma_start3A_78 = tpu.memref_squeeze %dma_start3A_77 : memref<1x128xi32, #tpu.memory_space<vmem>> -> memref<128xi32, #tpu.memory_space<vmem>>
    %dma_start3A_79 = arith.constant 0 : i32
    %dma_start3A_80 = arith.constant 0 : i32
    %dma_start3A_81 = tpu.memref_slice %arg2[%dma_start3A_79, %dma_start3A_80] : memref<10240x128xf32, #tpu.memory_space<hbm>> -> memref<10240x128xf32, #tpu.memory_space<hbm>>
    tpu.enqueue_indirect_dma source(%dma_start3A_81 : memref<10240x128xf32, #tpu.memory_space<hbm>>) target(%arg10 : memref<128x128xf32, #tpu.memory_space<vmem>>) offsets(%dma_start3A_78 : memref<128xi32, #tpu.memory_space<vmem>>) semaphore(%arg12 : memref<!tpu.dma_semaphore, #tpu.memory_space<semaphore_mem>>)
    %scan3A_82 = arith.constant 0 : i32
    %scan3A_83 = arith.constant 0 : i32
    %scan3A_84 = arith.constant 19 : i32
    %scan3A_85 = arith.addi %scan3A_83, %scan3A_84 : i32
    %scan3A_86 = arith.constant 1 : i32
    scf.for %scan3A_112 = %scan3A_83 to %scan3A_85 step %scan3A_86  : i32 {
      %mul3A_113 = arith.constant 2 : i32
      %mul3A_114 = arith.muli %mul3A_113, %scan3A_112 : i32
      %dma_wait3A_115 = arith.constant 0 : i32
      %dma_wait3A_116 = arith.constant 0 : i32
      %dma_wait3A_117 = tpu.memref_slice %arg7[%dma_wait3A_115, %dma_wait3A_116] : memref<40x128xi32, #tpu.memory_space<vmem>> -> memref<1x128xi32, #tpu.memory_space<vmem>>
      %dma_wait3A_118 = tpu.memref_squeeze %dma_wait3A_117 : memref<1x128xi32, #tpu.memory_space<vmem>> -> memref<128xi32, #tpu.memory_space<vmem>>
      %dma_wait3A_119 = arith.constant 0 : i32
      %dma_wait3A_120 = arith.constant 0 : i32
      %dma_wait3A_121 = tpu.memref_slice %arg2[%dma_wait3A_119, %dma_wait3A_120] : memref<10240x128xf32, #tpu.memory_space<hbm>> -> memref<10240x128xf32, #tpu.memory_space<hbm>>
      tpu.wait_indirect_dma semaphore(%arg11 : memref<!tpu.dma_semaphore, #tpu.memory_space<semaphore_mem>>) src(%dma_wait3A_121 : memref<10240x128xf32, #tpu.memory_space<hbm>>) dst(%arg9 : memref<128x128xf32, #tpu.memory_space<vmem>>)
      "tpu.region"() ({
        %run_scoped3A_147 = tpu.sem_alloc : memref<!tpu.dma_semaphore, #tpu.memory_space<semaphore_mem>>
        %dma_start3A_148 = arith.constant 0 : i32
        %dma_start3A_149 = tpu.memref_slice %arg8[%mul3A_114, %dma_start3A_148] : memref<40x128xi32, #tpu.memory_space<vmem>> -> memref<1x128xi32, #tpu.memory_space<vmem>>
        %dma_start3A_150 = tpu.memref_squeeze %dma_start3A_149 : memref<1x128xi32, #tpu.memory_space<vmem>> -> memref<128xi32, #tpu.memory_space<vmem>>
        %dma_start3A_151 = arith.constant 0 : i32
        %dma_start3A_152 = arith.constant 0 : i32
        %dma_start3A_153 = tpu.memref_slice %arg13[%dma_start3A_151, %dma_start3A_152] : memref<10240x128xf32, #tpu.memory_space<vmem_shared>> -> memref<10240x128xf32, #tpu.memory_space<vmem_shared>>
        tpu.enqueue_indirect_dma source(%arg9 : memref<128x128xf32, #tpu.memory_space<vmem>>) target(%dma_start3A_153 : memref<10240x128xf32, #tpu.memory_space<vmem_shared>>) offsets(%dma_start3A_150 : memref<128xi32, #tpu.memory_space<vmem>>) semaphore(%run_scoped3A_147 : memref<!tpu.dma_semaphore, #tpu.memory_space<semaphore_mem>>) {add = true}
        %dma_wait3A_154 = arith.constant 0 : i32
        %dma_wait3A_155 = tpu.memref_slice %arg8[%mul3A_114, %dma_wait3A_154] : memref<40x128xi32, #tpu.memory_space<vmem>> -> memref<1x128xi32, #tpu.memory_space<vmem>>
        %dma_wait3A_156 = tpu.memref_squeeze %dma_wait3A_155 : memref<1x128xi32, #tpu.memory_space<vmem>> -> memref<128xi32, #tpu.memory_space<vmem>>
        %dma_wait3A_157 = arith.constant 0 : i32
        %dma_wait3A_158 = arith.constant 0 : i32
        %dma_wait3A_159 = tpu.memref_slice %arg13[%dma_wait3A_157, %dma_wait3A_158] : memref<10240x128xf32, #tpu.memory_space<vmem_shared>> -> memref<10240x128xf32, #tpu.memory_space<vmem_shared>>
        tpu.wait_indirect_dma semaphore(%run_scoped3A_147 : memref<!tpu.dma_semaphore, #tpu.memory_space<semaphore_mem>>) src(%arg9 : memref<128x128xf32, #tpu.memory_space<vmem>>) dst(%dma_wait3A_159 : memref<10240x128xf32, #tpu.memory_space<vmem_shared>>)
        tpu.yield
      }) : () -> ()
      %add3A_122 = arith.constant 2 : i32
      %add3A_123 = arith.addi %mul3A_114, %add3A_122 : i32
      %dma_start3A_124 = arith.constant 0 : i32
      %dma_start3A_125 = tpu.memref_slice %arg7[%add3A_123, %dma_start3A_124] : memref<40x128xi32, #tpu.memory_space<vmem>> -> memref<1x128xi32, #tpu.memory_space<vmem>>
      %dma_start3A_126 = tpu.memref_squeeze %dma_start3A_125 : memref<1x128xi32, #tpu.memory_space<vmem>> -> memref<128xi32, #tpu.memory_space<vmem>>
      %dma_start3A_127 = arith.constant 0 : i32
      %dma_start3A_128 = arith.constant 0 : i32
      %dma_start3A_129 = tpu.memref_slice %arg2[%dma_start3A_127, %dma_start3A_128] : memref<10240x128xf32, #tpu.memory_space<hbm>> -> memref<10240x128xf32, #tpu.memory_space<hbm>>
      tpu.enqueue_indirect_dma source(%dma_start3A_129 : memref<10240x128xf32, #tpu.memory_space<hbm>>) target(%arg9 : memref<128x128xf32, #tpu.memory_space<vmem>>) offsets(%dma_start3A_126 : memref<128xi32, #tpu.memory_space<vmem>>) semaphore(%arg11 : memref<!tpu.dma_semaphore, #tpu.memory_space<semaphore_mem>>)
      %dma_wait3A_130 = arith.constant 0 : i32
      %dma_wait3A_131 = arith.constant 0 : i32
      %dma_wait3A_132 = tpu.memref_slice %arg7[%dma_wait3A_130, %dma_wait3A_131] : memref<40x128xi32, #tpu.memory_space<vmem>> -> memref<1x128xi32, #tpu.memory_space<vmem>>
      %dma_wait3A_133 = tpu.memref_squeeze %dma_wait3A_132 : memref<1x128xi32, #tpu.memory_space<vmem>> -> memref<128xi32, #tpu.memory_space<vmem>>
      %dma_wait3A_134 = arith.constant 0 : i32
      %dma_wait3A_135 = arith.constant 0 : i32
      %dma_wait3A_136 = tpu.memref_slice %arg2[%dma_wait3A_134, %dma_wait3A_135] : memref<10240x128xf32, #tpu.memory_space<hbm>> -> memref<10240x128xf32, #tpu.memory_space<hbm>>
      tpu.wait_indirect_dma semaphore(%arg12 : memref<!tpu.dma_semaphore, #tpu.memory_space<semaphore_mem>>) src(%dma_wait3A_136 : memref<10240x128xf32, #tpu.memory_space<hbm>>) dst(%arg10 : memref<128x128xf32, #tpu.memory_space<vmem>>)
      %add3A_137 = arith.constant 1 : i32
      %add3A_138 = arith.addi %mul3A_114, %add3A_137 : i32
      "tpu.region"() ({
        %run_scoped3A_147 = tpu.sem_alloc : memref<!tpu.dma_semaphore, #tpu.memory_space<semaphore_mem>>
        %dma_start3A_148 = arith.constant 0 : i32
        %dma_start3A_149 = tpu.memref_slice %arg8[%add3A_138, %dma_start3A_148] : memref<40x128xi32, #tpu.memory_space<vmem>> -> memref<1x128xi32, #tpu.memory_space<vmem>>
        %dma_start3A_150 = tpu.memref_squeeze %dma_start3A_149 : memref<1x128xi32, #tpu.memory_space<vmem>> -> memref<128xi32, #tpu.memory_space<vmem>>
        %dma_start3A_151 = arith.constant 0 : i32
        %dma_start3A_152 = arith.constant 0 : i32
        %dma_start3A_153 = tpu.memref_slice %arg13[%dma_start3A_151, %dma_start3A_152] : memref<10240x128xf32, #tpu.memory_space<vmem_shared>> -> memref<10240x128xf32, #tpu.memory_space<vmem_shared>>
        tpu.enqueue_indirect_dma source(%arg10 : memref<128x128xf32, #tpu.memory_space<vmem>>) target(%dma_start3A_153 : memref<10240x128xf32, #tpu.memory_space<vmem_shared>>) offsets(%dma_start3A_150 : memref<128xi32, #tpu.memory_space<vmem>>) semaphore(%run_scoped3A_147 : memref<!tpu.dma_semaphore, #tpu.memory_space<semaphore_mem>>) {add = true}
        %dma_wait3A_154 = arith.constant 0 : i32
        %dma_wait3A_155 = tpu.memref_slice %arg8[%add3A_138, %dma_wait3A_154] : memref<40x128xi32, #tpu.memory_space<vmem>> -> memref<1x128xi32, #tpu.memory_space<vmem>>
        %dma_wait3A_156 = tpu.memref_squeeze %dma_wait3A_155 : memref<1x128xi32, #tpu.memory_space<vmem>> -> memref<128xi32, #tpu.memory_space<vmem>>
        %dma_wait3A_157 = arith.constant 0 : i32
        %dma_wait3A_158 = arith.constant 0 : i32
        %dma_wait3A_159 = tpu.memref_slice %arg13[%dma_wait3A_157, %dma_wait3A_158] : memref<10240x128xf32, #tpu.memory_space<vmem_shared>> -> memref<10240x128xf32, #tpu.memory_space<vmem_shared>>
        tpu.wait_indirect_dma semaphore(%run_scoped3A_147 : memref<!tpu.dma_semaphore, #tpu.memory_space<semaphore_mem>>) src(%arg10 : memref<128x128xf32, #tpu.memory_space<vmem>>) dst(%dma_wait3A_159 : memref<10240x128xf32, #tpu.memory_space<vmem_shared>>)
        tpu.yield
      }) : () -> ()
      %add3A_139 = arith.constant 3 : i32
      %add3A_140 = arith.addi %mul3A_114, %add3A_139 : i32
      %dma_start3A_141 = arith.constant 0 : i32
      %dma_start3A_142 = tpu.memref_slice %arg7[%add3A_140, %dma_start3A_141] : memref<40x128xi32, #tpu.memory_space<vmem>> -> memref<1x128xi32, #tpu.memory_space<vmem>>
      %dma_start3A_143 = tpu.memref_squeeze %dma_start3A_142 : memref<1x128xi32, #tpu.memory_space<vmem>> -> memref<128xi32, #tpu.memory_space<vmem>>
      %dma_start3A_144 = arith.constant 0 : i32
      %dma_start3A_145 = arith.constant 0 : i32
      %dma_start3A_146 = tpu.memref_slice %arg2[%dma_start3A_144, %dma_start3A_145] : memref<10240x128xf32, #tpu.memory_space<hbm>> -> memref<10240x128xf32, #tpu.memory_space<hbm>>
      tpu.enqueue_indirect_dma source(%dma_start3A_146 : memref<10240x128xf32, #tpu.memory_space<hbm>>) target(%arg10 : memref<128x128xf32, #tpu.memory_space<vmem>>) offsets(%dma_start3A_143 : memref<128xi32, #tpu.memory_space<vmem>>) semaphore(%arg12 : memref<!tpu.dma_semaphore, #tpu.memory_space<semaphore_mem>>)
    }
    %scan3A_87 = arith.constant 19 : i32
    %dma_wait3A_88 = arith.constant 0 : i32
    %dma_wait3A_89 = arith.constant 0 : i32
    %dma_wait3A_90 = tpu.memref_slice %arg7[%dma_wait3A_88, %dma_wait3A_89] : memref<40x128xi32, #tpu.memory_space<vmem>> -> memref<1x128xi32, #tpu.memory_space<vmem>>
    %dma_wait3A_91 = tpu.memref_squeeze %dma_wait3A_90 : memref<1x128xi32, #tpu.memory_space<vmem>> -> memref<128xi32, #tpu.memory_space<vmem>>
    %dma_wait3A_92 = arith.constant 0 : i32
    %dma_wait3A_93 = arith.constant 0 : i32
    %dma_wait3A_94 = tpu.memref_slice %arg2[%dma_wait3A_92, %dma_wait3A_93] : memref<10240x128xf32, #tpu.memory_space<hbm>> -> memref<10240x128xf32, #tpu.memory_space<hbm>>
    tpu.wait_indirect_dma semaphore(%arg11 : memref<!tpu.dma_semaphore, #tpu.memory_space<semaphore_mem>>) src(%dma_wait3A_94 : memref<10240x128xf32, #tpu.memory_space<hbm>>) dst(%arg9 : memref<128x128xf32, #tpu.memory_space<vmem>>)
    %run_scoped3A_95 = arith.constant 38 : i32
    "tpu.region"() ({
      %run_scoped3A_112 = tpu.sem_alloc : memref<!tpu.dma_semaphore, #tpu.memory_space<semaphore_mem>>
      %dma_start3A_113 = arith.constant 0 : i32
      %dma_start3A_114 = tpu.memref_slice %arg8[%run_scoped3A_95, %dma_start3A_113] : memref<40x128xi32, #tpu.memory_space<vmem>> -> memref<1x128xi32, #tpu.memory_space<vmem>>
      %dma_start3A_115 = tpu.memref_squeeze %dma_start3A_114 : memref<1x128xi32, #tpu.memory_space<vmem>> -> memref<128xi32, #tpu.memory_space<vmem>>
      %dma_start3A_116 = arith.constant 0 : i32
      %dma_start3A_117 = arith.constant 0 : i32
      %dma_start3A_118 = tpu.memref_slice %arg13[%dma_start3A_116, %dma_start3A_117] : memref<10240x128xf32, #tpu.memory_space<vmem_shared>> -> memref<10240x128xf32, #tpu.memory_space<vmem_shared>>
      tpu.enqueue_indirect_dma source(%arg9 : memref<128x128xf32, #tpu.memory_space<vmem>>) target(%dma_start3A_118 : memref<10240x128xf32, #tpu.memory_space<vmem_shared>>) offsets(%dma_start3A_115 : memref<128xi32, #tpu.memory_space<vmem>>) semaphore(%run_scoped3A_112 : memref<!tpu.dma_semaphore, #tpu.memory_space<semaphore_mem>>) {add = true}
      %dma_wait3A_119 = arith.constant 0 : i32
      %dma_wait3A_120 = tpu.memref_slice %arg8[%run_scoped3A_95, %dma_wait3A_119] : memref<40x128xi32, #tpu.memory_space<vmem>> -> memref<1x128xi32, #tpu.memory_space<vmem>>
      %dma_wait3A_121 = tpu.memref_squeeze %dma_wait3A_120 : memref<1x128xi32, #tpu.memory_space<vmem>> -> memref<128xi32, #tpu.memory_space<vmem>>
      %dma_wait3A_122 = arith.constant 0 : i32
      %dma_wait3A_123 = arith.constant 0 : i32
      %dma_wait3A_124 = tpu.memref_slice %arg13[%dma_wait3A_122, %dma_wait3A_123] : memref<10240x128xf32, #tpu.memory_space<vmem_shared>> -> memref<10240x128xf32, #tpu.memory_space<vmem_shared>>
      tpu.wait_indirect_dma semaphore(%run_scoped3A_112 : memref<!tpu.dma_semaphore, #tpu.memory_space<semaphore_mem>>) src(%arg9 : memref<128x128xf32, #tpu.memory_space<vmem>>) dst(%dma_wait3A_124 : memref<10240x128xf32, #tpu.memory_space<vmem_shared>>)
      tpu.yield
    }) : () -> ()
    %dma_wait3A_96 = arith.constant 0 : i32
    %dma_wait3A_97 = arith.constant 0 : i32
    %dma_wait3A_98 = tpu.memref_slice %arg7[%dma_wait3A_96, %dma_wait3A_97] : memref<40x128xi32, #tpu.memory_space<vmem>> -> memref<1x128xi32, #tpu.memory_space<vmem>>
    %dma_wait3A_99 = tpu.memref_squeeze %dma_wait3A_98 : memref<1x128xi32, #tpu.memory_space<vmem>> -> memref<128xi32, #tpu.memory_space<vmem>>
    %dma_wait3A_100 = arith.constant 0 : i32
    %dma_wait3A_101 = arith.constant 0 : i32
    %dma_wait3A_102 = tpu.memref_slice %arg2[%dma_wait3A_100, %dma_wait3A_101] : memref<10240x128xf32, #tpu.memory_space<hbm>> -> memref<10240x128xf32, #tpu.memory_space<hbm>>
    tpu.wait_indirect_dma semaphore(%arg12 : memref<!tpu.dma_semaphore, #tpu.memory_space<semaphore_mem>>) src(%dma_wait3A_102 : memref<10240x128xf32, #tpu.memory_space<hbm>>) dst(%arg10 : memref<128x128xf32, #tpu.memory_space<vmem>>)
    %run_scoped3A_103 = arith.constant 39 : i32
    "tpu.region"() ({
      %run_scoped3A_112 = tpu.sem_alloc : memref<!tpu.dma_semaphore, #tpu.memory_space<semaphore_mem>>
      %dma_start3A_113 = arith.constant 0 : i32
      %dma_start3A_114 = tpu.memref_slice %arg8[%run_scoped3A_103, %dma_start3A_113] : memref<40x128xi32, #tpu.memory_space<vmem>> -> memref<1x128xi32, #tpu.memory_space<vmem>>
      %dma_start3A_115 = tpu.memref_squeeze %dma_start3A_114 : memref<1x128xi32, #tpu.memory_space<vmem>> -> memref<128xi32, #tpu.memory_space<vmem>>
      %dma_start3A_116 = arith.constant 0 : i32
      %dma_start3A_117 = arith.constant 0 : i32
      %dma_start3A_118 = tpu.memref_slice %arg13[%dma_start3A_116, %dma_start3A_117] : memref<10240x128xf32, #tpu.memory_space<vmem_shared>> -> memref<10240x128xf32, #tpu.memory_space<vmem_shared>>
      tpu.enqueue_indirect_dma source(%arg10 : memref<128x128xf32, #tpu.memory_space<vmem>>) target(%dma_start3A_118 : memref<10240x128xf32, #tpu.memory_space<vmem_shared>>) offsets(%dma_start3A_115 : memref<128xi32, #tpu.memory_space<vmem>>) semaphore(%run_scoped3A_112 : memref<!tpu.dma_semaphore, #tpu.memory_space<semaphore_mem>>) {add = true}
      %dma_wait3A_119 = arith.constant 0 : i32
      %dma_wait3A_120 = tpu.memref_slice %arg8[%run_scoped3A_103, %dma_wait3A_119] : memref<40x128xi32, #tpu.memory_space<vmem>> -> memref<1x128xi32, #tpu.memory_space<vmem>>
      %dma_wait3A_121 = tpu.memref_squeeze %dma_wait3A_120 : memref<1x128xi32, #tpu.memory_space<vmem>> -> memref<128xi32, #tpu.memory_space<vmem>>
      %dma_wait3A_122 = arith.constant 0 : i32
      %dma_wait3A_123 = arith.constant 0 : i32
      %dma_wait3A_124 = tpu.memref_slice %arg13[%dma_wait3A_122, %dma_wait3A_123] : memref<10240x128xf32, #tpu.memory_space<vmem_shared>> -> memref<10240x128xf32, #tpu.memory_space<vmem_shared>>
      tpu.wait_indirect_dma semaphore(%run_scoped3A_112 : memref<!tpu.dma_semaphore, #tpu.memory_space<semaphore_mem>>) src(%arg10 : memref<128x128xf32, #tpu.memory_space<vmem>>) dst(%dma_wait3A_124 : memref<10240x128xf32, #tpu.memory_space<vmem_shared>>)
      tpu.yield
    }) : () -> ()
    %barrier3A_104 = arith.constant 0 : index
    tpu.barrier barrier_id(%barrier3A_104)
    %eq3A = arith.constant 0 : i32
    %eq3A_105 = arith.cmpi eq, %arg0, %eq3A : i32
    %convert_element_type3A = arith.extui %eq3A_105 : i1 to i32
    %cond3A = arith.constant 0 : i32
    %cond3A_106 = arith.cmpi ne, %convert_element_type3A, %cond3A : i32
    scf.if %cond3A_106 {
      %mul3A_112 = arith.constant 640 : i32
      %mul3A_113 = arith.muli %arg1, %mul3A_112 : i32
      %mul3A_114 = arith.constant 640 : i32
      %mul3A_115 = arith.muli %arg1, %mul3A_114 : i32
      "tpu.region"() ({
        %run_scoped3A_116 = tpu.sem_alloc : memref<!tpu.dma_semaphore, #tpu.memory_space<semaphore_mem>>
        %dma_start3A_117 = arith.constant 0 : i32
        %dma_start3A_118 = tpu.memref_slice %arg5[%mul3A_115, %dma_start3A_117] : memref<10240x128xf32, #tpu.memory_space<hbm>> -> memref<640x128xf32, #tpu.memory_space<hbm>>
        %dma_start3A_119 = arith.constant 0 : i32
        %dma_start3A_120 = tpu.memref_slice %arg13[%mul3A_113, %dma_start3A_119] : memref<10240x128xf32, #tpu.memory_space<vmem_shared>> -> memref<640x128xf32, #tpu.memory_space<vmem_shared>>
        tpu.enqueue_dma source(%dma_start3A_120 : memref<640x128xf32, #tpu.memory_space<vmem_shared>>) target(%dma_start3A_118 : memref<640x128xf32, #tpu.memory_space<hbm>>) target_semaphore(%run_scoped3A_116 : memref<!tpu.dma_semaphore, #tpu.memory_space<semaphore_mem>>)
        %dma_wait3A_121 = arith.constant 0 : i32
        %dma_wait3A_122 = tpu.memref_slice %arg5[%mul3A_115, %dma_wait3A_121] : memref<10240x128xf32, #tpu.memory_space<hbm>> -> memref<640x128xf32, #tpu.memory_space<hbm>>
        %dma_wait3A_123 = arith.constant 0 : i32
        %dma_wait3A_124 = tpu.memref_slice %arg13[%mul3A_113, %dma_wait3A_123] : memref<10240x128xf32, #tpu.memory_space<vmem_shared>> -> memref<640x128xf32, #tpu.memory_space<vmem_shared>>
        tpu.wait_dma2 semaphore(%run_scoped3A_116 : memref<!tpu.dma_semaphore, #tpu.memory_space<semaphore_mem>>) src(%dma_wait3A_124 : memref<640x128xf32, #tpu.memory_space<vmem_shared>>) dst(%dma_wait3A_122 : memref<640x128xf32, #tpu.memory_space<hbm>>)
        tpu.yield
      }) : () -> ()
    } else {
    }
    %eq3A_107 = arith.constant 1 : i32
    %eq3A_108 = arith.cmpi eq, %arg0, %eq3A_107 : i32
    %convert_element_type3A_109 = arith.extui %eq3A_108 : i1 to i32
    %cond3A_110 = arith.constant 0 : i32
    %cond3A_111 = arith.cmpi ne, %convert_element_type3A_109, %cond3A_110 : i32
    scf.if %cond3A_111 {
      %mul3A_112 = arith.constant 640 : i32
      %mul3A_113 = arith.muli %arg1, %mul3A_112 : i32
      %mul3A_114 = arith.constant 640 : i32
      %mul3A_115 = arith.muli %arg1, %mul3A_114 : i32
      "tpu.region"() ({
        %run_scoped3A_116 = tpu.sem_alloc : memref<!tpu.dma_semaphore, #tpu.memory_space<semaphore_mem>>
        %dma_start3A_117 = arith.constant 0 : i32
        %dma_start3A_118 = tpu.memref_slice %arg6[%mul3A_115, %dma_start3A_117] : memref<10240x128xf32, #tpu.memory_space<hbm>> -> memref<640x128xf32, #tpu.memory_space<hbm>>
        %dma_start3A_119 = arith.constant 0 : i32
        %dma_start3A_120 = tpu.memref_slice %arg13[%mul3A_113, %dma_start3A_119] : memref<10240x128xf32, #tpu.memory_space<vmem_shared>> -> memref<640x128xf32, #tpu.memory_space<vmem_shared>>
        tpu.enqueue_dma source(%dma_start3A_120 : memref<640x128xf32, #tpu.memory_space<vmem_shared>>) target(%dma_start3A_118 : memref<640x128xf32, #tpu.memory_space<hbm>>) target_semaphore(%run_scoped3A_116 : memref<!tpu.dma_semaphore, #tpu.memory_space<semaphore_mem>>)
        %dma_wait3A_121 = arith.constant 0 : i32
        %dma_wait3A_122 = tpu.memref_slice %arg6[%mul3A_115, %dma_wait3A_121] : memref<10240x128xf32, #tpu.memory_space<hbm>> -> memref<640x128xf32, #tpu.memory_space<hbm>>
        %dma_wait3A_123 = arith.constant 0 : i32
        %dma_wait3A_124 = tpu.memref_slice %arg13[%mul3A_113, %dma_wait3A_123] : memref<10240x128xf32, #tpu.memory_space<vmem_shared>> -> memref<640x128xf32, #tpu.memory_space<vmem_shared>>
        tpu.wait_dma2 semaphore(%run_scoped3A_116 : memref<!tpu.dma_semaphore, #tpu.memory_space<semaphore_mem>>) src(%dma_wait3A_124 : memref<640x128xf32, #tpu.memory_space<vmem_shared>>) dst(%dma_wait3A_122 : memref<640x128xf32, #tpu.memory_space<hbm>>)
        tpu.yield
      }) : () -> ()
    } else {
    }
    return
  }
}

#map = affine_map<(d0, d1) -> (0, 0)>
#map1 = affine_map<(d0, d1) -> (0)>
module attributes {stable_mosaic.version = 14 : i64} {
  func.func @_deg_body(%arg0: i32, %arg1: i32, %arg2: memref<2560x128xi32, #tpu.memory_space<hbm>>, %arg3: memref<640xf32, #tpu.memory_space<hbm>>, %arg4: memref<128xf32, #tpu.memory_space<hbm>>, %arg5: memref<10240xf32, #tpu.memory_space<hbm>>, %arg6: memref<10240xf32, #tpu.memory_space<hbm>>, %arg7: memref<80x128xi32, #tpu.memory_space<vmem>>, %arg8: memref<128xf32, #tpu.memory_space<vmem>>, %arg9: memref<10240xf32, #tpu.memory_space<vmem_shared>>) attributes {dimension_semantics = [#tpu.dimension_semantics<core_parallel>, #tpu.dimension_semantics<subcore_parallel>], iteration_bounds = array<i64: 2, 16>, scalar_prefetch = 0 : i64, scratch_operands = 3 : i64, tpu.core_type = #tpu.core_type<sc_vector_subcore>, window_params = [{transform_indices = #map}, {transform_indices = #map1}, {transform_indices = #map1}, {transform_indices = #map1}, {transform_indices = #map1}]} {
    %mul3A = arith.constant 16 : i32
    %mul3A_0 = arith.muli %arg0, %mul3A : i32
    %add3A = arith.addi %mul3A_0, %arg1 : i32
    %mul3A_1 = arith.constant 640 : i32
    %mul3A_2 = arith.muli %arg1, %mul3A_1 : i32
    "tpu.region"() ({
      %run_scoped3A = tpu.sem_alloc : memref<!tpu.dma_semaphore, #tpu.memory_space<semaphore_mem>>
      %dma_start3A = tpu.memref_slice %arg9[%mul3A_2] : memref<10240xf32, #tpu.memory_space<vmem_shared>> -> memref<640xf32, #tpu.memory_space<vmem_shared>>
      tpu.enqueue_dma source(%arg3 : memref<640xf32, #tpu.memory_space<hbm>>) target(%dma_start3A : memref<640xf32, #tpu.memory_space<vmem_shared>>) target_semaphore(%run_scoped3A : memref<!tpu.dma_semaphore, #tpu.memory_space<semaphore_mem>>)
      %dma_wait3A = tpu.memref_slice %arg9[%mul3A_2] : memref<10240xf32, #tpu.memory_space<vmem_shared>> -> memref<640xf32, #tpu.memory_space<vmem_shared>>
      tpu.wait_dma2 semaphore(%run_scoped3A : memref<!tpu.dma_semaphore, #tpu.memory_space<semaphore_mem>>) src(%arg3 : memref<640xf32, #tpu.memory_space<hbm>>) dst(%dma_wait3A : memref<640xf32, #tpu.memory_space<vmem_shared>>)
      tpu.yield
    }) : () -> ()
    "tpu.region"() ({
      %run_scoped3A = tpu.sem_alloc : memref<!tpu.dma_semaphore, #tpu.memory_space<semaphore_mem>>
      tpu.enqueue_dma source(%arg4 : memref<128xf32, #tpu.memory_space<hbm>>) target(%arg8 : memref<128xf32, #tpu.memory_space<vmem>>) target_semaphore(%run_scoped3A : memref<!tpu.dma_semaphore, #tpu.memory_space<semaphore_mem>>)
      tpu.wait_dma2 semaphore(%run_scoped3A : memref<!tpu.dma_semaphore, #tpu.memory_space<semaphore_mem>>) src(%arg4 : memref<128xf32, #tpu.memory_space<hbm>>) dst(%arg8 : memref<128xf32, #tpu.memory_space<vmem>>)
      tpu.yield
    }) : () -> ()
    %mul3A_3 = arith.constant 80 : i32
    %mul3A_4 = arith.muli %add3A, %mul3A_3 : i32
    "tpu.region"() ({
      %run_scoped3A = tpu.sem_alloc : memref<!tpu.dma_semaphore, #tpu.memory_space<semaphore_mem>>
      %dma_start3A = arith.constant 0 : i32
      %dma_start3A_18 = tpu.memref_slice %arg2[%mul3A_4, %dma_start3A] : memref<2560x128xi32, #tpu.memory_space<hbm>> -> memref<80x128xi32, #tpu.memory_space<hbm>>
      %dma_start3A_19 = arith.constant 0 : i32
      %dma_start3A_20 = tpu.memref_slice %arg2[%mul3A_4, %dma_start3A_19] : memref<2560x128xi32, #tpu.memory_space<hbm>> -> memref<80x128xi32, #tpu.memory_space<hbm>>
      tpu.enqueue_dma source(%dma_start3A_20 : memref<80x128xi32, #tpu.memory_space<hbm>>) target(%arg7 : memref<80x128xi32, #tpu.memory_space<vmem>>) target_semaphore(%run_scoped3A : memref<!tpu.dma_semaphore, #tpu.memory_space<semaphore_mem>>)
      %dma_wait3A = arith.constant 0 : i32
      %dma_wait3A_21 = tpu.memref_slice %arg2[%mul3A_4, %dma_wait3A] : memref<2560x128xi32, #tpu.memory_space<hbm>> -> memref<80x128xi32, #tpu.memory_space<hbm>>
      %dma_wait3A_22 = arith.constant 0 : i32
      %dma_wait3A_23 = tpu.memref_slice %arg2[%mul3A_4, %dma_wait3A_22] : memref<2560x128xi32, #tpu.memory_space<hbm>> -> memref<80x128xi32, #tpu.memory_space<hbm>>
      tpu.wait_dma2 semaphore(%run_scoped3A : memref<!tpu.dma_semaphore, #tpu.memory_space<semaphore_mem>>) src(%dma_wait3A_23 : memref<80x128xi32, #tpu.memory_space<hbm>>) dst(%arg7 : memref<80x128xi32, #tpu.memory_space<vmem>>)
      tpu.yield
    }) : () -> ()
    %barrier3A = arith.constant 0 : index
    tpu.barrier barrier_id(%barrier3A)
    %scan3A = arith.constant 0 : i32
    %scan3A_5 = arith.constant 0 : i32
    %scan3A_6 = arith.constant 80 : i32
    %scan3A_7 = arith.addi %scan3A_5, %scan3A_6 : i32
    %scan3A_8 = arith.constant 1 : i32
    scf.for %scan3A_18 = %scan3A_5 to %scan3A_7 step %scan3A_8  : i32 {
      "tpu.region"() ({
        %run_scoped3A = tpu.sem_alloc : memref<!tpu.dma_semaphore, #tpu.memory_space<semaphore_mem>>
        %dma_start3A = arith.constant 0 : i32
        %dma_start3A_19 = tpu.memref_slice %arg7[%scan3A_18, %dma_start3A] : memref<80x128xi32, #tpu.memory_space<vmem>> -> memref<1x128xi32, #tpu.memory_space<vmem>>
        %dma_start3A_20 = tpu.memref_squeeze %dma_start3A_19 : memref<1x128xi32, #tpu.memory_space<vmem>> -> memref<128xi32, #tpu.memory_space<vmem>>
        %dma_start3A_21 = arith.constant 0 : i32
        %dma_start3A_22 = tpu.memref_slice %arg9[%dma_start3A_21] : memref<10240xf32, #tpu.memory_space<vmem_shared>> -> memref<10240xf32, #tpu.memory_space<vmem_shared>>
        tpu.enqueue_indirect_dma source(%arg8 : memref<128xf32, #tpu.memory_space<vmem>>) target(%dma_start3A_22 : memref<10240xf32, #tpu.memory_space<vmem_shared>>) offsets(%dma_start3A_20 : memref<128xi32, #tpu.memory_space<vmem>>) semaphore(%run_scoped3A : memref<!tpu.dma_semaphore, #tpu.memory_space<semaphore_mem>>) {add = true}
        %dma_wait3A = arith.constant 0 : i32
        %dma_wait3A_23 = tpu.memref_slice %arg7[%scan3A_18, %dma_wait3A] : memref<80x128xi32, #tpu.memory_space<vmem>> -> memref<1x128xi32, #tpu.memory_space<vmem>>
        %dma_wait3A_24 = tpu.memref_squeeze %dma_wait3A_23 : memref<1x128xi32, #tpu.memory_space<vmem>> -> memref<128xi32, #tpu.memory_space<vmem>>
        %dma_wait3A_25 = arith.constant 0 : i32
        %dma_wait3A_26 = tpu.memref_slice %arg9[%dma_wait3A_25] : memref<10240xf32, #tpu.memory_space<vmem_shared>> -> memref<10240xf32, #tpu.memory_space<vmem_shared>>
        tpu.wait_indirect_dma semaphore(%run_scoped3A : memref<!tpu.dma_semaphore, #tpu.memory_space<semaphore_mem>>) src(%arg8 : memref<128xf32, #tpu.memory_space<vmem>>) dst(%dma_wait3A_26 : memref<10240xf32, #tpu.memory_space<vmem_shared>>)
        tpu.yield
      }) : () -> ()
    }
    %scan3A_9 = arith.constant 80 : i32
    %barrier3A_10 = arith.constant 0 : index
    tpu.barrier barrier_id(%barrier3A_10)
    %eq3A = arith.constant 0 : i32
    %eq3A_11 = arith.cmpi eq, %arg0, %eq3A : i32
    %convert_element_type3A = arith.extui %eq3A_11 : i1 to i32
    %cond3A = arith.constant 0 : i32
    %cond3A_12 = arith.cmpi ne, %convert_element_type3A, %cond3A : i32
    scf.if %cond3A_12 {
      %mul3A_18 = arith.constant 640 : i32
      %mul3A_19 = arith.muli %arg1, %mul3A_18 : i32
      %mul3A_20 = arith.constant 640 : i32
      %mul3A_21 = arith.muli %arg1, %mul3A_20 : i32
      "tpu.region"() ({
        %run_scoped3A = tpu.sem_alloc : memref<!tpu.dma_semaphore, #tpu.memory_space<semaphore_mem>>
        %dma_start3A = tpu.memref_slice %arg5[%mul3A_21] : memref<10240xf32, #tpu.memory_space<hbm>> -> memref<640xf32, #tpu.memory_space<hbm>>
        %dma_start3A_22 = tpu.memref_slice %arg9[%mul3A_19] : memref<10240xf32, #tpu.memory_space<vmem_shared>> -> memref<640xf32, #tpu.memory_space<vmem_shared>>
        tpu.enqueue_dma source(%dma_start3A_22 : memref<640xf32, #tpu.memory_space<vmem_shared>>) target(%dma_start3A : memref<640xf32, #tpu.memory_space<hbm>>) target_semaphore(%run_scoped3A : memref<!tpu.dma_semaphore, #tpu.memory_space<semaphore_mem>>)
        %dma_wait3A = tpu.memref_slice %arg5[%mul3A_21] : memref<10240xf32, #tpu.memory_space<hbm>> -> memref<640xf32, #tpu.memory_space<hbm>>
        %dma_wait3A_23 = tpu.memref_slice %arg9[%mul3A_19] : memref<10240xf32, #tpu.memory_space<vmem_shared>> -> memref<640xf32, #tpu.memory_space<vmem_shared>>
        tpu.wait_dma2 semaphore(%run_scoped3A : memref<!tpu.dma_semaphore, #tpu.memory_space<semaphore_mem>>) src(%dma_wait3A_23 : memref<640xf32, #tpu.memory_space<vmem_shared>>) dst(%dma_wait3A : memref<640xf32, #tpu.memory_space<hbm>>)
        tpu.yield
      }) : () -> ()
    } else {
    }
    %eq3A_13 = arith.constant 1 : i32
    %eq3A_14 = arith.cmpi eq, %arg0, %eq3A_13 : i32
    %convert_element_type3A_15 = arith.extui %eq3A_14 : i1 to i32
    %cond3A_16 = arith.constant 0 : i32
    %cond3A_17 = arith.cmpi ne, %convert_element_type3A_15, %cond3A_16 : i32
    scf.if %cond3A_17 {
      %mul3A_18 = arith.constant 640 : i32
      %mul3A_19 = arith.muli %arg1, %mul3A_18 : i32
      %mul3A_20 = arith.constant 640 : i32
      %mul3A_21 = arith.muli %arg1, %mul3A_20 : i32
      "tpu.region"() ({
        %run_scoped3A = tpu.sem_alloc : memref<!tpu.dma_semaphore, #tpu.memory_space<semaphore_mem>>
        %dma_start3A = tpu.memref_slice %arg6[%mul3A_21] : memref<10240xf32, #tpu.memory_space<hbm>> -> memref<640xf32, #tpu.memory_space<hbm>>
        %dma_start3A_22 = tpu.memref_slice %arg9[%mul3A_19] : memref<10240xf32, #tpu.memory_space<vmem_shared>> -> memref<640xf32, #tpu.memory_space<vmem_shared>>
        tpu.enqueue_dma source(%dma_start3A_22 : memref<640xf32, #tpu.memory_space<vmem_shared>>) target(%dma_start3A : memref<640xf32, #tpu.memory_space<hbm>>) target_semaphore(%run_scoped3A : memref<!tpu.dma_semaphore, #tpu.memory_space<semaphore_mem>>)
        %dma_wait3A = tpu.memref_slice %arg6[%mul3A_21] : memref<10240xf32, #tpu.memory_space<hbm>> -> memref<640xf32, #tpu.memory_space<hbm>>
        %dma_wait3A_23 = tpu.memref_slice %arg9[%mul3A_19] : memref<10240xf32, #tpu.memory_space<vmem_shared>> -> memref<640xf32, #tpu.memory_space<vmem_shared>>
        tpu.wait_dma2 semaphore(%run_scoped3A : memref<!tpu.dma_semaphore, #tpu.memory_space<semaphore_mem>>) src(%dma_wait3A_23 : memref<640xf32, #tpu.memory_space<vmem_shared>>) dst(%dma_wait3A : memref<640xf32, #tpu.memory_space<hbm>>)
        tpu.yield
      }) : () -> ()
    } else {
    }
    return
  }
}

module attributes {stable_mosaic.version = 14 : i64} {
  func.func @_z0_body(%arg0: i32, %arg1: memref<2560x128xf32, #tpu.memory_space<vmem>>, %arg2: memref<2560x1xf32, #tpu.memory_space<vmem>>, %arg3: memref<2560x1xf32, #tpu.memory_space<vmem>>, %arg4: memref<128x128xf32, #tpu.memory_space<vmem>>, %arg5: memref<2560x128xf32, #tpu.memory_space<vmem>>) attributes {dimension_semantics = [#tpu.dimension_semantics<arbitrary>], iteration_bounds = array<i64: 4>, scalar_prefetch = 0 : i64, scratch_operands = 0 : i64, tpu.core_type = #tpu.core_type<tc>, window_params = [{transform_indices = @transform_0, window_bounds = array<i64: 2560, 128>}, {transform_indices = @transform_1, window_bounds = array<i64: 2560, 1>}, {transform_indices = @transform_2, window_bounds = array<i64: 2560, 1>}, {pipeline_mode = #tpu.pipeline_mode<synchronous>, transform_indices = @transform_3, window_bounds = array<i64: 128, 128>}, {transform_indices = @transform_4, window_bounds = array<i64: 2560, 128>}]} {
    %get3A = arith.constant 0 : index
    %get3A_0 = arith.constant 0 : index
    %get3A_1 = vector.load %arg2[%get3A, %get3A_0] : memref<2560x1xf32, #tpu.memory_space<vmem>>, vector<2560x1xf32>
    %add3A = arith.constant 1.000000e+00 : f32
    %add3A_2 = vector.broadcast %add3A : f32 to vector<2560x1xf32>
    %add3A_3 = arith.addf %add3A_2, %get3A_1 : vector<2560x1xf32>
    %get3A_4 = arith.constant 0 : index
    %get3A_5 = arith.constant 0 : index
    %get3A_6 = vector.load %arg3[%get3A_4, %get3A_5] : memref<2560x1xf32, #tpu.memory_space<vmem>>, vector<2560x1xf32>
    %add3A_7 = arith.addf %add3A_3, %get3A_6 : vector<2560x1xf32>
    %rsqrt3A = math.rsqrt %add3A_7 : vector<2560x1xf32>
    %get3A_8 = arith.constant 0 : index
    %get3A_9 = arith.constant 0 : index
    %get3A_10 = vector.load %arg1[%get3A_8, %get3A_9] : memref<2560x128xf32, #tpu.memory_space<vmem>>, vector<2560x128xf32>
    %get3A_11 = arith.constant 0 : index
    %get3A_12 = arith.constant 0 : index
    %get3A_13 = vector.load %arg4[%get3A_11, %get3A_12] : memref<128x128xf32, #tpu.memory_space<vmem>>, vector<128x128xf32>
    %dot_general3A = arith.constant dense<0.000000e+00> : vector<2560x128xf32>
    %dot_general3A_14 = tpu.matmul %get3A_10, %get3A_13, %dot_general3A {dimension_numbers = #tpu.dot_dimension_numbers<[1], [0], [0], [1], [0, 0, 1, 1], [], []>, transpose_lhs_hint = false} : vector<2560x128xf32>, vector<128x128xf32>, vector<2560x128xf32> -> vector<2560x128xf32>
    %mul3A = vector.broadcast %rsqrt3A : vector<2560x1xf32> to vector<2560x128xf32>
    %mul3A_15 = arith.mulf %mul3A, %dot_general3A_14 : vector<2560x128xf32>
    %swap3A = arith.constant 0 : index
    %swap3A_16 = arith.constant 0 : index
    %swap3A_17 = vector.load %arg5[%swap3A, %swap3A_16] : memref<2560x128xf32, #tpu.memory_space<vmem>>, vector<2560x128xf32>
    tpu.vector_store %arg5[%swap3A, %swap3A_16], %mul3A_15 {strides = array<i32>} : memref<2560x128xf32, #tpu.memory_space<vmem>>, vector<2560x128xf32>,
    return
  }
  func.func @transform_0(%arg0: i32) -> (i32, i32) {
    %c0_i32 = arith.constant 0 : i32
    %c0_i32_0 = arith.constant 0 : i32
    return %arg0, %c0_i32 : i32, i32
  }
  func.func @transform_1(%arg0: i32) -> (i32, i32) {
    %c0_i32 = arith.constant 0 : i32
    %c0_i32_0 = arith.constant 0 : i32
    return %arg0, %c0_i32 : i32, i32
  }
  func.func @transform_2(%arg0: i32) -> (i32, i32) {
    %c0_i32 = arith.constant 0 : i32
    %c0_i32_0 = arith.constant 0 : i32
    return %arg0, %c0_i32 : i32, i32
  }
  func.func @transform_3(%arg0: i32) -> (i32, i32) {
    %c0_i32 = arith.constant 0 : i32
    %c0_i32_0 = arith.constant 0 : i32
    %c0_i32_1 = arith.constant 0 : i32
    return %c0_i32, %c0_i32_0 : i32, i32
  }
  func.func @transform_4(%arg0: i32) -> (i32, i32) {
    %c0_i32 = arith.constant 0 : i32
    %c0_i32_0 = arith.constant 0 : i32
    return %arg0, %c0_i32 : i32, i32
  }
}

module attributes {stable_mosaic.version = 14 : i64} {
  func.func @_mid_body(%arg0: i32, %arg1: memref<2560x128xf32, #tpu.memory_space<vmem>>, %arg2: memref<2560x128xf32, #tpu.memory_space<vmem>>, %arg3: memref<2560x128xf32, #tpu.memory_space<vmem>>, %arg4: memref<2560x1xf32, #tpu.memory_space<vmem>>, %arg5: memref<2560x1xf32, #tpu.memory_space<vmem>>, %arg6: memref<1x128xf32, #tpu.memory_space<vmem>>, %arg7: memref<1x128xf32, #tpu.memory_space<vmem>>, %arg8: memref<1x128xf32, #tpu.memory_space<vmem>>, %arg9: memref<128x128xf32, #tpu.memory_space<vmem>>, %arg10: memref<2560x128xf32, #tpu.memory_space<vmem>>) attributes {dimension_semantics = [#tpu.dimension_semantics<arbitrary>], iteration_bounds = array<i64: 4>, scalar_prefetch = 0 : i64, scratch_operands = 0 : i64, tpu.core_type = #tpu.core_type<tc>, window_params = [{transform_indices = @transform_0, window_bounds = array<i64: 2560, 128>}, {transform_indices = @transform_1, window_bounds = array<i64: 2560, 128>}, {transform_indices = @transform_2, window_bounds = array<i64: 2560, 128>}, {transform_indices = @transform_3, window_bounds = array<i64: 2560, 1>}, {transform_indices = @transform_4, window_bounds = array<i64: 2560, 1>}, {pipeline_mode = #tpu.pipeline_mode<synchronous>, transform_indices = @transform_5, window_bounds = array<i64: 1, 128>}, {pipeline_mode = #tpu.pipeline_mode<synchronous>, transform_indices = @transform_6, window_bounds = array<i64: 1, 128>}, {pipeline_mode = #tpu.pipeline_mode<synchronous>, transform_indices = @transform_7, window_bounds = array<i64: 1, 128>}, {pipeline_mode = #tpu.pipeline_mode<synchronous>, transform_indices = @transform_8, window_bounds = array<i64: 128, 128>}, {transform_indices = @transform_9, window_bounds = array<i64: 2560, 128>}]} {
    %get3A = arith.constant 0 : index
    %get3A_0 = arith.constant 0 : index
    %get3A_1 = vector.load %arg4[%get3A, %get3A_0] : memref<2560x1xf32, #tpu.memory_space<vmem>>, vector<2560x1xf32>
    %add3A = arith.constant 1.000000e+00 : f32
    %add3A_2 = vector.broadcast %add3A : f32 to vector<2560x1xf32>
    %add3A_3 = arith.addf %add3A_2, %get3A_1 : vector<2560x1xf32>
    %get3A_4 = arith.constant 0 : index
    %get3A_5 = arith.constant 0 : index
    %get3A_6 = vector.load %arg5[%get3A_4, %get3A_5] : memref<2560x1xf32, #tpu.memory_space<vmem>>, vector<2560x1xf32>
    %add3A_7 = arith.addf %add3A_3, %get3A_6 : vector<2560x1xf32>
    %rsqrt3A = math.rsqrt %add3A_7 : vector<2560x1xf32>
    %get3A_8 = arith.constant 0 : index
    %get3A_9 = arith.constant 0 : index
    %get3A_10 = vector.load %arg1[%get3A_8, %get3A_9] : memref<2560x128xf32, #tpu.memory_space<vmem>>, vector<2560x128xf32>
    %get3A_11 = arith.constant 0 : index
    %get3A_12 = arith.constant 0 : index
    %get3A_13 = vector.load %arg2[%get3A_11, %get3A_12] : memref<2560x128xf32, #tpu.memory_space<vmem>>, vector<2560x128xf32>
    %add3A_14 = arith.addf %get3A_10, %get3A_13 : vector<2560x128xf32>
    %get3A_15 = arith.constant 0 : index
    %get3A_16 = arith.constant 0 : index
    %get3A_17 = vector.load %arg3[%get3A_15, %get3A_16] : memref<2560x128xf32, #tpu.memory_space<vmem>>, vector<2560x128xf32>
    %add3A_18 = arith.addf %add3A_14, %get3A_17 : vector<2560x128xf32>
    %mul3A = vector.broadcast %rsqrt3A : vector<2560x1xf32> to vector<2560x128xf32>
    %mul3A_19 = arith.mulf %mul3A, %add3A_18 : vector<2560x128xf32>
    %get3A_20 = arith.constant 0 : index
    %get3A_21 = arith.constant 0 : index
    %get3A_22 = vector.load %arg6[%get3A_20, %get3A_21] : memref<1x128xf32, #tpu.memory_space<vmem>>, vector<1x128xf32>
    %add3A_23 = vector.broadcast %get3A_22 : vector<1x128xf32> to vector<2560x128xf32>
    %add3A_24 = arith.addf %mul3A_19, %add3A_23 : vector<2560x128xf32>
    %get3A_25 = arith.constant 0 : index
    %get3A_26 = arith.constant 0 : index
    %get3A_27 = vector.load %arg7[%get3A_25, %get3A_26] : memref<1x128xf32, #tpu.memory_space<vmem>>, vector<1x128xf32>
    %mul3A_28 = arith.constant 0.999994993 : f32
    %mul3A_29 = vector.broadcast %mul3A_28 : f32 to vector<1x128xf32>
    %mul3A_30 = arith.mulf %get3A_27, %mul3A_29 : vector<1x128xf32>
    %mul3A_31 = vector.broadcast %mul3A_30 : vector<1x128xf32> to vector<2560x128xf32>
    %mul3A_32 = arith.mulf %add3A_24, %mul3A_31 : vector<2560x128xf32>
    %get3A_33 = arith.constant 0 : index
    %get3A_34 = arith.constant 0 : index
    %get3A_35 = vector.load %arg8[%get3A_33, %get3A_34] : memref<1x128xf32, #tpu.memory_space<vmem>>, vector<1x128xf32>
    %add3A_36 = vector.broadcast %get3A_35 : vector<1x128xf32> to vector<2560x128xf32>
    %add3A_37 = arith.addf %mul3A_32, %add3A_36 : vector<2560x128xf32>
    %max3A = arith.constant 0.000000e+00 : f32
    %max3A_38 = vector.broadcast %max3A : f32 to vector<2560x128xf32>
    %max3A_39 = arith.maximumf %add3A_37, %max3A_38 : vector<2560x128xf32>
    %get3A_40 = arith.constant 0 : index
    %get3A_41 = arith.constant 0 : index
    %get3A_42 = vector.load %arg9[%get3A_40, %get3A_41] : memref<128x128xf32, #tpu.memory_space<vmem>>, vector<128x128xf32>
    %dot_general3A = arith.constant dense<0.000000e+00> : vector<2560x128xf32>
    %dot_general3A_43 = tpu.matmul %max3A_39, %get3A_42, %dot_general3A {dimension_numbers = #tpu.dot_dimension_numbers<[1], [0], [0], [1], [0, 0, 1, 1], [], []>, transpose_lhs_hint = false} : vector<2560x128xf32>, vector<128x128xf32>, vector<2560x128xf32> -> vector<2560x128xf32>
    %mul3A_44 = vector.broadcast %rsqrt3A : vector<2560x1xf32> to vector<2560x128xf32>
    %mul3A_45 = arith.mulf %mul3A_44, %dot_general3A_43 : vector<2560x128xf32>
    %swap3A = arith.constant 0 : index
    %swap3A_46 = arith.constant 0 : index
    %swap3A_47 = vector.load %arg10[%swap3A, %swap3A_46] : memref<2560x128xf32, #tpu.memory_space<vmem>>, vector<2560x128xf32>
    tpu.vector_store %arg10[%swap3A, %swap3A_46], %mul3A_45 {strides = array<i32>} : memref<2560x128xf32, #tpu.memory_space<vmem>>, vector<2560x128xf32>,
    return
  }
  func.func @transform_0(%arg0: i32) -> (i32, i32) {
    %c0_i32 = arith.constant 0 : i32
    %c0_i32_0 = arith.constant 0 : i32
    return %arg0, %c0_i32 : i32, i32
  }
  func.func @transform_1(%arg0: i32) -> (i32, i32) {
    %c0_i32 = arith.constant 0 : i32
    %c0_i32_0 = arith.constant 0 : i32
    return %arg0, %c0_i32 : i32, i32
  }
  func.func @transform_2(%arg0: i32) -> (i32, i32) {
    %c0_i32 = arith.constant 0 : i32
    %c0_i32_0 = arith.constant 0 : i32
    return %arg0, %c0_i32 : i32, i32
  }
  func.func @transform_3(%arg0: i32) -> (i32, i32) {
    %c0_i32 = arith.constant 0 : i32
    %c0_i32_0 = arith.constant 0 : i32
    return %arg0, %c0_i32 : i32, i32
  }
  func.func @transform_4(%arg0: i32) -> (i32, i32) {
    %c0_i32 = arith.constant 0 : i32
    %c0_i32_0 = arith.constant 0 : i32
    return %arg0, %c0_i32 : i32, i32
  }
  func.func @transform_5(%arg0: i32) -> (i32, i32) {
    %c0_i32 = arith.constant 0 : i32
    %c0_i32_0 = arith.constant 0 : i32
    %c0_i32_1 = arith.constant 0 : i32
    return %c0_i32, %c0_i32_0 : i32, i32
  }
  func.func @transform_6(%arg0: i32) -> (i32, i32) {
    %c0_i32 = arith.constant 0 : i32
    %c0_i32_0 = arith.constant 0 : i32
    %c0_i32_1 = arith.constant 0 : i32
    return %c0_i32, %c0_i32_0 : i32, i32
  }
  func.func @transform_7(%arg0: i32) -> (i32, i32) {
    %c0_i32 = arith.constant 0 : i32
    %c0_i32_0 = arith.constant 0 : i32
    %c0_i32_1 = arith.constant 0 : i32
    return %c0_i32, %c0_i32_0 : i32, i32
  }
  func.func @transform_8(%arg0: i32) -> (i32, i32) {
    %c0_i32 = arith.constant 0 : i32
    %c0_i32_0 = arith.constant 0 : i32
    %c0_i32_1 = arith.constant 0 : i32
    return %c0_i32, %c0_i32_0 : i32, i32
  }
  func.func @transform_9(%arg0: i32) -> (i32, i32) {
    %c0_i32 = arith.constant 0 : i32
    %c0_i32_0 = arith.constant 0 : i32
    return %arg0, %c0_i32 : i32, i32
  }
}

module attributes {stable_mosaic.version = 14 : i64} {
  func.func @_pool_body(%arg0: i32, %arg1: memref<2560x128xf32, #tpu.memory_space<vmem>>, %arg2: memref<2560x128xf32, #tpu.memory_space<vmem>>, %arg3: memref<2560x128xf32, #tpu.memory_space<vmem>>, %arg4: memref<2560x1xf32, #tpu.memory_space<vmem>>, %arg5: memref<2560x1xf32, #tpu.memory_space<vmem>>, %arg6: memref<1x128xf32, #tpu.memory_space<vmem>>, %arg7: memref<1x128xf32, #tpu.memory_space<vmem>>, %arg8: memref<1x128xf32, #tpu.memory_space<vmem>>, %arg9: memref<2560x1xi32, #tpu.memory_space<vmem>>, %arg10: memref<64x8xf32, #tpu.memory_space<vmem>>, %arg11: memref<8x64xf32, #tpu.memory_space<vmem>>, %arg12: memref<1x64xf32, #tpu.memory_space<vmem>>, %arg13: memref<128x128xf32, #tpu.memory_space<vmem>>, %arg14: memref<64x128xf32, #tpu.memory_space<vmem>>, %arg15: memref<1x128xf32, #tpu.memory_space<vmem>>, %arg16: memref<128x16xf32, #tpu.memory_space<vmem>>, %arg17: memref<1x16xf32, #tpu.memory_space<vmem>>, %arg18: memref<64x16xf32, #tpu.memory_space<vmem>>, %arg19: memref<64x128xf32, #tpu.memory_space<vmem>>, %arg20: memref<64x1xf32, #tpu.memory_space<vmem>>) attributes {dimension_semantics = [#tpu.dimension_semantics<arbitrary>], iteration_bounds = array<i64: 4>, scalar_prefetch = 0 : i64, scratch_operands = 2 : i64, tpu.core_type = #tpu.core_type<tc>, window_params = [{transform_indices = @transform_0, window_bounds = array<i64: 2560, 128>}, {transform_indices = @transform_1, window_bounds = array<i64: 2560, 128>}, {transform_indices = @transform_2, window_bounds = array<i64: 2560, 128>}, {transform_indices = @transform_3, window_bounds = array<i64: 2560, 1>}, {transform_indices = @transform_4, window_bounds = array<i64: 2560, 1>}, {pipeline_mode = #tpu.pipeline_mode<synchronous>, transform_indices = @transform_5, window_bounds = array<i64: 1, 128>}, {pipeline_mode = #tpu.pipeline_mode<synchronous>, transform_indices = @transform_6, window_bounds = array<i64: 1, 128>}, {pipeline_mode = #tpu.pipeline_mode<synchronous>, transform_indices = @transform_7, window_bounds = array<i64: 1, 128>}, {transform_indices = @transform_8, window_bounds = array<i64: 2560, 1>}, {pipeline_mode = #tpu.pipeline_mode<synchronous>, transform_indices = @transform_9, window_bounds = array<i64: 64, 8>}, {pipeline_mode = #tpu.pipeline_mode<synchronous>, transform_indices = @transform_10, window_bounds = array<i64: 8, 64>}, {pipeline_mode = #tpu.pipeline_mode<synchronous>, transform_indices = @transform_11, window_bounds = array<i64: 1, 64>}, {pipeline_mode = #tpu.pipeline_mode<synchronous>, transform_indices = @transform_12, window_bounds = array<i64: 128, 128>}, {pipeline_mode = #tpu.pipeline_mode<synchronous>, transform_indices = @transform_13, window_bounds = array<i64: 64, 128>}, {pipeline_mode = #tpu.pipeline_mode<synchronous>, transform_indices = @transform_14, window_bounds = array<i64: 1, 128>}, {pipeline_mode = #tpu.pipeline_mode<synchronous>, transform_indices = @transform_15, window_bounds = array<i64: 128, 16>}, {pipeline_mode = #tpu.pipeline_mode<synchronous>, transform_indices = @transform_16, window_bounds = array<i64: 1, 16>}, {pipeline_mode = #tpu.pipeline_mode<synchronous>, transform_indices = @transform_17, window_bounds = array<i64: 64, 16>}]} {
    %get3A = arith.constant 0 : index
    %get3A_0 = arith.constant 0 : index
    %get3A_1 = vector.load %arg4[%get3A, %get3A_0] : memref<2560x1xf32, #tpu.memory_space<vmem>>, vector<2560x1xf32>
    %add3A = arith.constant 1.000000e+00 : f32
    %add3A_2 = vector.broadcast %add3A : f32 to vector<2560x1xf32>
    %add3A_3 = arith.addf %add3A_2, %get3A_1 : vector<2560x1xf32>
    %get3A_4 = arith.constant 0 : index
    %get3A_5 = arith.constant 0 : index
    %get3A_6 = vector.load %arg5[%get3A_4, %get3A_5] : memref<2560x1xf32, #tpu.memory_space<vmem>>, vector<2560x1xf32>
    %add3A_7 = arith.addf %add3A_3, %get3A_6 : vector<2560x1xf32>
    %rsqrt3A = math.rsqrt %add3A_7 : vector<2560x1xf32>
    %get3A_8 = arith.constant 0 : index
    %get3A_9 = arith.constant 0 : index
    %get3A_10 = vector.load %arg1[%get3A_8, %get3A_9] : memref<2560x128xf32, #tpu.memory_space<vmem>>, vector<2560x128xf32>
    %get3A_11 = arith.constant 0 : index
    %get3A_12 = arith.constant 0 : index
    %get3A_13 = vector.load %arg2[%get3A_11, %get3A_12] : memref<2560x128xf32, #tpu.memory_space<vmem>>, vector<2560x128xf32>
    %add3A_14 = arith.addf %get3A_10, %get3A_13 : vector<2560x128xf32>
    %get3A_15 = arith.constant 0 : index
    %get3A_16 = arith.constant 0 : index
    %get3A_17 = vector.load %arg3[%get3A_15, %get3A_16] : memref<2560x128xf32, #tpu.memory_space<vmem>>, vector<2560x128xf32>
    %add3A_18 = arith.addf %add3A_14, %get3A_17 : vector<2560x128xf32>
    %mul3A = vector.broadcast %rsqrt3A : vector<2560x1xf32> to vector<2560x128xf32>
    %mul3A_19 = arith.mulf %mul3A, %add3A_18 : vector<2560x128xf32>
    %get3A_20 = arith.constant 0 : index
    %get3A_21 = arith.constant 0 : index
    %get3A_22 = vector.load %arg6[%get3A_20, %get3A_21] : memref<1x128xf32, #tpu.memory_space<vmem>>, vector<1x128xf32>
    %add3A_23 = vector.broadcast %get3A_22 : vector<1x128xf32> to vector<2560x128xf32>
    %add3A_24 = arith.addf %mul3A_19, %add3A_23 : vector<2560x128xf32>
    %get3A_25 = arith.constant 0 : index
    %get3A_26 = arith.constant 0 : index
    %get3A_27 = vector.load %arg7[%get3A_25, %get3A_26] : memref<1x128xf32, #tpu.memory_space<vmem>>, vector<1x128xf32>
    %mul3A_28 = arith.constant 0.999994993 : f32
    %mul3A_29 = vector.broadcast %mul3A_28 : f32 to vector<1x128xf32>
    %mul3A_30 = arith.mulf %get3A_27, %mul3A_29 : vector<1x128xf32>
    %mul3A_31 = vector.broadcast %mul3A_30 : vector<1x128xf32> to vector<2560x128xf32>
    %mul3A_32 = arith.mulf %add3A_24, %mul3A_31 : vector<2560x128xf32>
    %get3A_33 = arith.constant 0 : index
    %get3A_34 = arith.constant 0 : index
    %get3A_35 = vector.load %arg8[%get3A_33, %get3A_34] : memref<1x128xf32, #tpu.memory_space<vmem>>, vector<1x128xf32>
    %add3A_36 = vector.broadcast %get3A_35 : vector<1x128xf32> to vector<2560x128xf32>
    %add3A_37 = arith.addf %mul3A_32, %add3A_36 : vector<2560x128xf32>
    %max3A = arith.constant 0.000000e+00 : f32
    %max3A_38 = vector.broadcast %max3A : f32 to vector<2560x128xf32>
    %max3A_39 = arith.maximumf %add3A_37, %max3A_38 : vector<2560x128xf32>
    %iota3A = tpu.iota {dimensions = array<i32: 1>} : vector<1x64xi32>
    %get3A_40 = arith.constant 0 : index
    %get3A_41 = arith.constant 0 : index
    %get3A_42 = vector.load %arg9[%get3A_40, %get3A_41] : memref<2560x1xi32, #tpu.memory_space<vmem>>, vector<2560x1xi32>
    %eq3A = vector.broadcast %get3A_42 : vector<2560x1xi32> to vector<2560x64xi32>
    %eq3A_43 = vector.broadcast %iota3A : vector<1x64xi32> to vector<2560x64xi32>
    %eq3A_44 = arith.cmpi eq, %eq3A, %eq3A_43 : vector<2560x64xi32>
    %convert_element_type3A = arith.extui %eq3A_44 : vector<2560x64xi1> to vector<2560x64xi32>
    %convert_element_type3A_45 = arith.sitofp %convert_element_type3A : vector<2560x64xi32> to vector<2560x64xf32>
    %dot_general3A = arith.constant dense<0.000000e+00> : vector<64x128xf32>
    %dot_general3A_46 = tpu.matmul %convert_element_type3A_45, %max3A_39, %dot_general3A {dimension_numbers = #tpu.dot_dimension_numbers<[0], [0], [1], [1], [0, 1, 1, 1], [], []>, transpose_lhs_hint = false} : vector<2560x64xf32>, vector<2560x128xf32>, vector<64x128xf32> -> vector<64x128xf32>
    %broadcast_in_dim3A = arith.constant 1.000000e+00 : f32
    %broadcast_in_dim3A_47 = vector.broadcast %broadcast_in_dim3A : f32 to vector<2560x1xf32>
    %dot_general3A_48 = arith.constant dense<0.000000e+00> : vector<64x1xf32>
    %dot_general3A_49 = tpu.matmul %convert_element_type3A_45, %broadcast_in_dim3A_47, %dot_general3A_48 {dimension_numbers = #tpu.dot_dimension_numbers<[0], [0], [1], [1], [0, 1, 1, 1], [], []>, transpose_lhs_hint = false} : vector<2560x64xf32>, vector<2560x1xf32>, vector<64x1xf32> -> vector<64x1xf32>
    %eq3A_50 = arith.constant 0 : i32
    %eq3A_51 = arith.cmpi eq, %arg0, %eq3A_50 : i32
    %convert_element_type3A_52 = arith.extui %eq3A_51 : i1 to i32
    %cond3A = arith.constant 0 : i32
    %cond3A_53 = arith.cmpi ne, %convert_element_type3A_52, %cond3A : i32
    scf.if %cond3A_53 {
      %broadcast_in_dim3A_72 = arith.constant 0.000000e+00 : f32
      %broadcast_in_dim3A_73 = vector.broadcast %broadcast_in_dim3A_72 : f32 to vector<64x128xf32>
      %swap3A_74 = arith.constant 0 : index
      %swap3A_75 = arith.constant 0 : index
      %swap3A_76 = vector.load %arg19[%swap3A_74, %swap3A_75] : memref<64x128xf32, #tpu.memory_space<vmem>>, vector<64x128xf32>
      tpu.vector_store %arg19[%swap3A_74, %swap3A_75], %broadcast_in_dim3A_73 {strides = array<i32>} : memref<64x128xf32, #tpu.memory_space<vmem>>, vector<64x128xf32>,
      %broadcast_in_dim3A_77 = arith.constant 0.000000e+00 : f32
      %broadcast_in_dim3A_78 = vector.broadcast %broadcast_in_dim3A_77 : f32 to vector<64x1xf32>
      %swap3A_79 = arith.constant 0 : index
      %swap3A_80 = arith.constant 0 : index
      %swap3A_81 = vector.load %arg20[%swap3A_79, %swap3A_80] : memref<64x1xf32, #tpu.memory_space<vmem>>, vector<64x1xf32>
      tpu.vector_store %arg20[%swap3A_79, %swap3A_80], %broadcast_in_dim3A_78 {strides = array<i32>} : memref<64x1xf32, #tpu.memory_space<vmem>>, vector<64x1xf32>,
    } else {
    }
    %get3A_54 = arith.constant 0 : index
    %get3A_55 = arith.constant 0 : index
    %get3A_56 = vector.load %arg19[%get3A_54, %get3A_55] : memref<64x128xf32, #tpu.memory_space<vmem>>, vector<64x128xf32>
    %add3A_57 = arith.addf %get3A_56, %dot_general3A_46 : vector<64x128xf32>
    %swap3A = arith.constant 0 : index
    %swap3A_58 = arith.constant 0 : index
    %swap3A_59 = vector.load %arg19[%swap3A, %swap3A_58] : memref<64x128xf32, #tpu.memory_space<vmem>>, vector<64x128xf32>
    tpu.vector_store %arg19[%swap3A, %swap3A_58], %add3A_57 {strides = array<i32>} : memref<64x128xf32, #tpu.memory_space<vmem>>, vector<64x128xf32>,
    %get3A_60 = arith.constant 0 : index
    %get3A_61 = arith.constant 0 : index
    %get3A_62 = vector.load %arg20[%get3A_60, %get3A_61] : memref<64x1xf32, #tpu.memory_space<vmem>>, vector<64x1xf32>
    %add3A_63 = arith.addf %get3A_62, %dot_general3A_49 : vector<64x1xf32>
    %swap3A_64 = arith.constant 0 : index
    %swap3A_65 = arith.constant 0 : index
    %swap3A_66 = vector.load %arg20[%swap3A_64, %swap3A_65] : memref<64x1xf32, #tpu.memory_space<vmem>>, vector<64x1xf32>
    tpu.vector_store %arg20[%swap3A_64, %swap3A_65], %add3A_63 {strides = array<i32>} : memref<64x1xf32, #tpu.memory_space<vmem>>, vector<64x1xf32>,
    %eq3A_67 = arith.constant 3 : i32
    %eq3A_68 = arith.cmpi eq, %arg0, %eq3A_67 : i32
    %convert_element_type3A_69 = arith.extui %eq3A_68 : i1 to i32
    %cond3A_70 = arith.constant 0 : i32
    %cond3A_71 = arith.cmpi ne, %convert_element_type3A_69, %cond3A_70 : i32
    scf.if %cond3A_71 {
      %get3A_72 = arith.constant 0 : index
      %get3A_73 = arith.constant 0 : index
      %get3A_74 = vector.load %arg19[%get3A_72, %get3A_73] : memref<64x128xf32, #tpu.memory_space<vmem>>, vector<64x128xf32>
      %get3A_75 = arith.constant 0 : index
      %get3A_76 = arith.constant 0 : index
      %get3A_77 = vector.load %arg20[%get3A_75, %get3A_76] : memref<64x1xf32, #tpu.memory_space<vmem>>, vector<64x1xf32>
      %max3A_78 = arith.constant 1.000000e+00 : f32
      %max3A_79 = vector.broadcast %max3A_78 : f32 to vector<64x1xf32>
      %max3A_80 = arith.maximumf %get3A_77, %max3A_79 : vector<64x1xf32>
      %div3A = vector.broadcast %max3A_80 : vector<64x1xf32> to vector<64x128xf32>
      %div3A_81 = arith.divf %get3A_74, %div3A : vector<64x128xf32>
      %get3A_82 = arith.constant 0 : index
      %get3A_83 = arith.constant 0 : index
      %get3A_84 = vector.load %arg10[%get3A_82, %get3A_83] : memref<64x8xf32, #tpu.memory_space<vmem>>, vector<64x8xf32>
      %get3A_85 = arith.constant 0 : index
      %get3A_86 = arith.constant 0 : index
      %get3A_87 = vector.load %arg11[%get3A_85, %get3A_86] : memref<8x64xf32, #tpu.memory_space<vmem>>, vector<8x64xf32>
      %dot_general3A_88 = arith.constant dense<0.000000e+00> : vector<64x64xf32>
      %dot_general3A_89 = tpu.matmul %get3A_84, %get3A_87, %dot_general3A_88 {dimension_numbers = #tpu.dot_dimension_numbers<[1], [0], [0], [1], [0, 0, 1, 1], [], []>, transpose_lhs_hint = false} : vector<64x8xf32>, vector<8x64xf32>, vector<64x64xf32> -> vector<64x64xf32>
      %get3A_90 = arith.constant 0 : index
      %get3A_91 = arith.constant 0 : index
      %get3A_92 = vector.load %arg12[%get3A_90, %get3A_91] : memref<1x64xf32, #tpu.memory_space<vmem>>, vector<1x64xf32>
      %add3A_93 = vector.broadcast %get3A_92 : vector<1x64xf32> to vector<64x64xf32>
      %add3A_94 = arith.addf %dot_general3A_89, %add3A_93 : vector<64x64xf32>
      %max3A_95 = arith.constant 0.000000e+00 : f32
      %max3A_96 = vector.broadcast %max3A_95 : f32 to vector<64x64xf32>
      %max3A_97 = arith.maximumf %add3A_94, %max3A_96 : vector<64x64xf32>
      %get3A_98 = arith.constant 0 : index
      %get3A_99 = arith.constant 0 : index
      %get3A_100 = vector.load %arg13[%get3A_98, %get3A_99] : memref<128x128xf32, #tpu.memory_space<vmem>>, vector<128x128xf32>
      %dot_general3A_101 = arith.constant dense<0.000000e+00> : vector<64x128xf32>
      %dot_general3A_102 = tpu.matmul %div3A_81, %get3A_100, %dot_general3A_101 {dimension_numbers = #tpu.dot_dimension_numbers<[1], [0], [0], [1], [0, 0, 1, 1], [], []>, transpose_lhs_hint = false} : vector<64x128xf32>, vector<128x128xf32>, vector<64x128xf32> -> vector<64x128xf32>
      %get3A_103 = arith.constant 0 : index
      %get3A_104 = arith.constant 0 : index
      %get3A_105 = vector.load %arg14[%get3A_103, %get3A_104] : memref<64x128xf32, #tpu.memory_space<vmem>>, vector<64x128xf32>
      %dot_general3A_106 = arith.constant dense<0.000000e+00> : vector<64x128xf32>
      %dot_general3A_107 = tpu.matmul %max3A_97, %get3A_105, %dot_general3A_106 {dimension_numbers = #tpu.dot_dimension_numbers<[1], [0], [0], [1], [0, 0, 1, 1], [], []>, transpose_lhs_hint = false} : vector<64x64xf32>, vector<64x128xf32>, vector<64x128xf32> -> vector<64x128xf32>
      %add3A_108 = arith.addf %dot_general3A_102, %dot_general3A_107 : vector<64x128xf32>
      %get3A_109 = arith.constant 0 : index
      %get3A_110 = arith.constant 0 : index
      %get3A_111 = vector.load %arg15[%get3A_109, %get3A_110] : memref<1x128xf32, #tpu.memory_space<vmem>>, vector<1x128xf32>
      %add3A_112 = vector.broadcast %get3A_111 : vector<1x128xf32> to vector<64x128xf32>
      %add3A_113 = arith.addf %add3A_108, %add3A_112 : vector<64x128xf32>
      %max3A_114 = arith.constant 0.000000e+00 : f32
      %max3A_115 = vector.broadcast %max3A_114 : f32 to vector<64x128xf32>
      %max3A_116 = arith.maximumf %add3A_113, %max3A_115 : vector<64x128xf32>
      %get3A_117 = arith.constant 0 : index
      %get3A_118 = arith.constant 0 : index
      %get3A_119 = vector.load %arg16[%get3A_117, %get3A_118] : memref<128x16xf32, #tpu.memory_space<vmem>>, vector<128x16xf32>
      %dot_general3A_120 = arith.constant dense<0.000000e+00> : vector<64x16xf32>
      %dot_general3A_121 = tpu.matmul %max3A_116, %get3A_119, %dot_general3A_120 {dimension_numbers = #tpu.dot_dimension_numbers<[1], [0], [0], [1], [0, 0, 1, 1], [], []>, transpose_lhs_hint = false} : vector<64x128xf32>, vector<128x16xf32>, vector<64x16xf32> -> vector<64x16xf32>
      %get3A_122 = arith.constant 0 : index
      %get3A_123 = arith.constant 0 : index
      %get3A_124 = vector.load %arg17[%get3A_122, %get3A_123] : memref<1x16xf32, #tpu.memory_space<vmem>>, vector<1x16xf32>
      %add3A_125 = vector.broadcast %get3A_124 : vector<1x16xf32> to vector<64x16xf32>
      %add3A_126 = arith.addf %dot_general3A_121, %add3A_125 : vector<64x16xf32>
      %swap3A_127 = arith.constant 0 : index
      %swap3A_128 = arith.constant 0 : index
      %swap3A_129 = vector.load %arg18[%swap3A_127, %swap3A_128] : memref<64x16xf32, #tpu.memory_space<vmem>>, vector<64x16xf32>
      tpu.vector_store %arg18[%swap3A_127, %swap3A_128], %add3A_126 {strides = array<i32>} : memref<64x16xf32, #tpu.memory_space<vmem>>, vector<64x16xf32>,
    } else {
    }
    return
  }
  func.func @transform_0(%arg0: i32) -> (i32, i32) {
    %c0_i32 = arith.constant 0 : i32
    %c0_i32_0 = arith.constant 0 : i32
    return %arg0, %c0_i32 : i32, i32
  }
  func.func @transform_1(%arg0: i32) -> (i32, i32) {
    %c0_i32 = arith.constant 0 : i32
    %c0_i32_0 = arith.constant 0 : i32
    return %arg0, %c0_i32 : i32, i32
  }
  func.func @transform_2(%arg0: i32) -> (i32, i32) {
    %c0_i32 = arith.constant 0 : i32
    %c0_i32_0 = arith.constant 0 : i32
    return %arg0, %c0_i32 : i32, i32
  }
  func.func @transform_3(%arg0: i32) -> (i32, i32) {
    %c0_i32 = arith.constant 0 : i32
    %c0_i32_0 = arith.constant 0 : i32
    return %arg0, %c0_i32 : i32, i32
  }
  func.func @transform_4(%arg0: i32) -> (i32, i32) {
    %c0_i32 = arith.constant 0 : i32
    %c0_i32_0 = arith.constant 0 : i32
    return %arg0, %c0_i32 : i32, i32
  }
  func.func @transform_5(%arg0: i32) -> (i32, i32) {
    %c0_i32 = arith.constant 0 : i32
    %c0_i32_0 = arith.constant 0 : i32
    %c0_i32_1 = arith.constant 0 : i32
    return %c0_i32, %c0_i32_0 : i32, i32
  }
  func.func @transform_6(%arg0: i32) -> (i32, i32) {
    %c0_i32 = arith.constant 0 : i32
    %c0_i32_0 = arith.constant 0 : i32
    %c0_i32_1 = arith.constant 0 : i32
    return %c0_i32, %c0_i32_0 : i32, i32
  }
  func.func @transform_7(%arg0: i32) -> (i32, i32) {
    %c0_i32 = arith.constant 0 : i32
    %c0_i32_0 = arith.constant 0 : i32
    %c0_i32_1 = arith.constant 0 : i32
    return %c0_i32, %c0_i32_0 : i32, i32
  }
  func.func @transform_8(%arg0: i32) -> (i32, i32) {
    %c0_i32 = arith.constant 0 : i32
    %c0_i32_0 = arith.constant 0 : i32
    return %arg0, %c0_i32 : i32, i32
  }
  func.func @transform_9(%arg0: i32) -> (i32, i32) {
    %c0_i32 = arith.constant 0 : i32
    %c0_i32_0 = arith.constant 0 : i32
    %c0_i32_1 = arith.constant 0 : i32
    return %c0_i32, %c0_i32_0 : i32, i32
  }
  func.func @transform_10(%arg0: i32) -> (i32, i32) {
    %c0_i32 = arith.constant 0 : i32
    %c0_i32_0 = arith.constant 0 : i32
    %c0_i32_1 = arith.constant 0 : i32
    return %c0_i32, %c0_i32_0 : i32, i32
  }
  func.func @transform_11(%arg0: i32) -> (i32, i32) {
    %c0_i32 = arith.constant 0 : i32
    %c0_i32_0 = arith.constant 0 : i32
    %c0_i32_1 = arith.constant 0 : i32
    return %c0_i32, %c0_i32_0 : i32, i32
  }
  func.func @transform_12(%arg0: i32) -> (i32, i32) {
    %c0_i32 = arith.constant 0 : i32
    %c0_i32_0 = arith.constant 0 : i32
    %c0_i32_1 = arith.constant 0 : i32
    return %c0_i32, %c0_i32_0 : i32, i32
  }
  func.func @transform_13(%arg0: i32) -> (i32, i32) {
    %c0_i32 = arith.constant 0 : i32
    %c0_i32_0 = arith.constant 0 : i32
    %c0_i32_1 = arith.constant 0 : i32
    return %c0_i32, %c0_i32_0 : i32, i32
  }
  func.func @transform_14(%arg0: i32) -> (i32, i32) {
    %c0_i32 = arith.constant 0 : i32
    %c0_i32_0 = arith.constant 0 : i32
    %c0_i32_1 = arith.constant 0 : i32
    return %c0_i32, %c0_i32_0 : i32, i32
  }
  func.func @transform_15(%arg0: i32) -> (i32, i32) {
    %c0_i32 = arith.constant 0 : i32
    %c0_i32_0 = arith.constant 0 : i32
    %c0_i32_1 = arith.constant 0 : i32
    return %c0_i32, %c0_i32_0 : i32, i32
  }
  func.func @transform_16(%arg0: i32) -> (i32, i32) {
    %c0_i32 = arith.constant 0 : i32
    %c0_i32_0 = arith.constant 0 : i32
    %c0_i32_1 = arith.constant 0 : i32
    return %c0_i32, %c0_i32_0 : i32, i32
  }
  func.func @transform_17(%arg0: i32) -> (i32, i32) {
    %c0_i32 = arith.constant 0 : i32
    %c0_i32_0 = arith.constant 0 : i32
    %c0_i32_1 = arith.constant 0 : i32
    return %c0_i32, %c0_i32_0 : i32, i32
  }
}

</mosaic_0001>

<sc_bundles>
// kernel: kernel.10.cloned.1.call-start
scs
__scs_entry_jumppad:
0x0: {  	(pc) =	sbr.rel $0x88, $3  }
0x1: {  	(tag) =	ssettag $0x0;
	lr =	simm.s32 $0x1  }
0x2: {  	[smem:$0x3F8B] =	sst lr;
	_ =	strace $0xD0000000  }
0x3: {  	_ = 	snop  }
0x4: {  	_ = 	snop  }
0x5: {  	_ = 	snop  }
0x6: {  	_ = 	snop  }
0x7: {  	_ = 	snop  }
__scs_overlays_trampoline_lowered:
0x8: {  	[smem:$0x3F9A] =	sst s0  }
0x9: {  	[smem:$0x3F9B] =	sst s1  }
0xa: {  	[smem:$0x3F9C] =	sst s2  }
0xb: {  	[smem:$0x3F9D] =	sst s3  }
0xc: {  	[smem:$0x3F9E] =	sst s4  }
0xd: {  	[smem:$0x3F9F] =	sst s5  }
0xe: {  	[smem:$0x3FA0] =	sst s6  }
0xf: {  	[smem:$0x3FA1] =	sst s7  }
0x10: {  	[smem:$0x3FA2] =	sst s8  }
0x11: {  	[smem:$0x3FA3] =	sst s9;
	s0 =	simm.s32 @!p0 $0x0  }
0x12: {  	s1 =	sld [smem:$0x3F89];
	s0 =	simm.s32 @p0 $0x1  }
0x13: {  	[smem:$0x3FA4] =	sst s0;
	s0 =	simm.s32 @!p1 $0x0  }
0x14: {  	s2 =	sld [smem:$0x3F88];
	s0 =	simm.s32 @p1 $0x1  }
0x15: {  	[smem:$0x3FA5] =	sst s0;
	s0 =	simm.s32 @!p2 $0x0  }
0x16: {  	s3 =	sld [smem:$0x3FDB];
	s0 =	simm.s32 @p2 $0x1  }
0x17: {  	s4 =	simm.s32 $0x1BF5;
	[smem:$0x3FA7] =	sst s0  }
0x18: {  	s0 =	sld [smem:$0x3F8A];
	_ =	swait.ge [sflag:s4], $0x0  }
0x19: {  	s7 =	sld [smem:$0x3F8B]  }
0x1a: {  	s8 =	sadd.s32 $0xFFFFE003, lr  }
0x1b: {  	s9 =	sadd.s32 $0xFFFFFEF7, lr;
	s5 =	simm.s32 $0xFFFFFFFF;
	p2 =	slt.u32 s8, $0xFFFFF086  }
0x1c: {  	p1 =	slt.u32 s9, $0xF7A;
	s5 =	simm.s32 @!p2 $0x0  }
0x1d: {  	s5 =	simm.s32 @p1 $0x1;
	p0 =	seq.s32 s7, s2  }
0x1e: {  	s7 =	smul.u32 @!p0 $0xF7A, s2;
	p2 =	seq.s32 @!p0 s5, $0x0  }
0x1f: {  	s9 =	smul.u32 $0xF7A, s1;
	s8 =	simm.s32 @!p0 $0x1BF5;
	p2 =	por !p2, p0  }
0x20: {  	[sflag:s8] =	ssyncset.s32 @!p0 $0xFFFFF086;
	s6 =	sadd.s32 @!p0 s3, s7;
	s7 =	simm.s32 @!p0 $0x108  }
0x21: {  	s3 =	sadd.s32 s3, s9;
	s6 =	sadd.s32 @!p0 $0x88, s6;
	s7 =	simm.s32 @p2 $0x1082  }
0x22: {  	[simem:s7], [sflag:s8] =	dma.local @!p0 [hbm:s6], $0xF7A  }
0x23: {  	s9 =	sor.u32 $0xD0000000, s2;
	s6 =	simm.s32 $0x108;
	_ =	swait.ge @!p0 [sflag:s8], $0x0  }
0x24: {  	s3 =	sadd.s32 $0x88, s3;
	s6 =	simm.s32 @!p1 $0x1082;
	[sflag:s4] =	ssyncset.s32 $0xFFFFF086  }
0x25: {  	[simem:s6], [sflag:s4] =	dma.local [hbm:s3], $0xF7A  }
0x26: {  	[smem:$0x3F8B] =	sst s1;
	(tag) =	ssettag s2;
	_ =	strace s9  }
0x27: {  	s1 =	sld [smem:$0x3F9B]  }
0x28: {  	s2 =	sld [smem:$0x3F9C]  }
0x29: {  	s4 =	sld [smem:$0x3F9E]  }
0x2a: {  	p0 =	seq.s32 s5, $0x0;
	s5 =	sld [smem:$0x3F9F]  }
0x2b: {  	s6 =	sld [smem:$0x3FA0]  }
0x2c: {  	s7 =	sld [smem:$0x3FA1]  }
0x2d: {  	s3 =	simm.s32 $0x108;
	s8 =	sld [smem:$0x3FA2]  }
0x2e: {  	s3 =	simm.s32 @!p0 $0x1082;
	s9 =	sld [smem:$0x3FA3]  }
0x2f: {  	lr =	sadd.s32 s0, s3;
	s0 =	sld [smem:$0x3F9A]  }
0x30: {  	s3 =	sld [smem:$0x3F9D]  }
0x31: {  	[smem:$0x3FA6] =	sst s10  }
0x32: {  	s10 =	sld [smem:$0x3FA4];
	_ =	sdelay $0x3  }
0x33: {  	p0 =	seq.s32 s10, $0x1;
	s10 =	sld [smem:$0x3FA6];
	_ =	sdelay $0x3  }
0x34: {  	[smem:$0x3FA6] =	sst s10  }
0x35: {  	s10 =	sld [smem:$0x3FA5];
	_ =	sdelay $0x3  }
0x36: {  	p1 =	seq.s32 s10, $0x1;
	s10 =	sld [smem:$0x3FA6];
	_ =	sdelay $0x3  }
0x37: {  	[smem:$0x3FA6] =	sst s10  }
0x38: {  	s10 =	sld [smem:$0x3FA7]  }
0x39: {  	_ = 	snop;
	(pc) =	sbr.ind lr, $3  }
0x3a: {  	_ = 	snop  }
0x3b: {  	_ = 	snop  }
0x3c: {  	p2 =	seq.s32 s10, $0x1;
	s10 =	sld [smem:$0x3FA6]  }
0x3d: {  	_ =	shalt  }
0x3e: {  	_ =	shalt  }
0x3f: {  	_ =	shalt  }
0x40: {  	_ =	shalt  }
0x41: {  	_ =	shalt  }
0x42: {  	_ =	shalt  }
0x43: {  	_ =	shalt  }
0x44: {  	_ =	shalt  }
0x45: {  	_ =	shalt  }
0x46: {  	_ =	shalt  }
0x47: {  	_ =	shalt  }
0x48: {  	_ =	shalt  }
0x49: {  	_ =	shalt  }
0x4a: {  	_ =	shalt  }
0x4b: {  	_ =	shalt  }
0x4c: {  	_ =	shalt  }
0x4d: {  	_ =	shalt  }
0x4e: {  	_ =	shalt  }
0x4f: {  	_ =	shalt  }
0x50: {  	_ =	shalt  }
0x51: {  	_ =	shalt  }
0x52: {  	_ =	shalt  }
0x53: {  	_ =	shalt  }
0x54: {  	_ =	shalt  }
0x55: {  	_ =	shalt  }
0x56: {  	_ =	shalt  }
0x57: {  	_ =	shalt  }
0x58: {  	_ =	shalt  }
0x59: {  	_ =	shalt  }
0x5a: {  	_ =	shalt  }
0x5b: {  	_ =	shalt  }
0x5c: {  	_ =	shalt  }
0x5d: {  	_ =	shalt  }
0x5e: {  	_ =	shalt  }
0x5f: {  	_ =	shalt  }
0x60: {  	_ =	shalt  }
0x61: {  	_ =	shalt  }
0x62: {  	_ =	shalt  }
0x63: {  	_ =	shalt  }
0x64: {  	_ =	shalt  }
0x65: {  	_ =	shalt  }
0x66: {  	_ =	shalt  }
0x67: {  	_ =	shalt  }
0x68: {  	_ =	shalt  }
0x69: {  	_ =	shalt  }
0x6a: {  	_ =	shalt  }
0x6b: {  	_ =	shalt  }
0x6c: {  	_ =	shalt  }
0x6d: {  	_ =	shalt  }
0x6e: {  	_ =	shalt  }
0x6f: {  	_ =	shalt  }
0x70: {  	_ =	shalt  }
0x71: {  	_ =	shalt  }
0x72: {  	_ =	shalt  }
0x73: {  	_ =	shalt  }
0x74: {  	_ =	shalt  }
0x75: {  	_ =	shalt  }
0x76: {  	_ =	shalt  }
0x77: {  	_ =	shalt  }
0x78: {  	_ =	shalt  }
0x79: {  	_ =	shalt  }
0x7a: {  	_ =	shalt  }
0x7b: {  	_ =	shalt  }
0x7c: {  	_ =	shalt  }
0x7d: {  	_ =	shalt  }
0x7e: {  	_ =	shalt  }
0x7f: {  	_ =	shalt  }
0x80: {  	_ =	shalt  }
0x81: {  	_ =	shalt  }
0x82: {  	_ =	shalt  }
0x83: {  	_ =	shalt  }
0x84: {  	_ =	shalt  }
0x85: {  	_ =	shalt  }
0x86: {  	_ =	shalt  }
0x87: {  	_ =	shalt  }
.Lfunc_end0:
.L_simem_size_0:
called_computation_lowered:
.L_overlay_start_0:
0x88: {  	s2 =	sld [smem:$0x3FD9]  }
0x89: {  	s3 =	sld [smem:$0x3FFE];
	_ =	sdelay $0x1  }
0x8a: {  	s1 =	srdreg.scid  }
0x8b: {  	s0 =	sand.u32 $0x1, s1  }
0x8c: {  	s17 =	sshll.u32 s0, $0xA;
	s2 =	sadd.s32 s3, s2  }
0x8d: {  	s2 =	sadd.s32 s2, s17  }
0x8e: {  	[smem:$0x3FB2] =	sst s2  }
0x8f: {  	_ = 	snop  }
0x90: {  	s2 =	sld [smem:$0x3FD0];
	(tm) =	ssettm $0x1  }
0x91: {  	s18 =	sld [smem:$0x3FFB];
	_ =	sdelay $0x3  }
0x92: {  	_ =	strace s18  }
0x93: {  	s3 =	sld [smem:$0x3FFC];
	_ =	sdelay $0x3  }
0x94: {  	_ =	strace s3  }
0x95: {  	s3 =	sld [smem:$0x3FFD];
	_ =	sdelay $0x3  }
0x96: {  	_ =	strace s3  }
0x97: {  	_ =	strace $0x8FFFFFFF  }
0x98: {  	s19 =	sld [smem:$0x3FDB];
	_ =	sdelay $0x1  }
0x99: {  	s4 =	simm.s32 $_scs_section_size  }
0x9a: {  	s5 =	simm.s32 $_size__tile_overlayer_lowered;
	s6 =	simm.s32 $_tile_overlayer_lowered  }
0x9b: {  	s22 =	simm.s32 $0x1BFF;
	s21 =	sshll.u32 s6, $0x1;
	s3 =	sadd.s32 s4, s19  }
0x9c: {  	s7 =	simm.s32 $0x0;
	s20 =	sshll.u32 s5, $0x1;
	s5 =	sadd.s32 s21, s3  }
0x9d: {  	[timem:s7], [sflag:s22] =	dma.local [hbm:s5], s20  }
0x9e: {  	_ =	swait.ge [sflag:s22], s20  }
0x9f: {  	s4 =	ssub.s32 $0x0, s20;
	[sflag:s22] =	ssyncset.done $0x0  }
0xa0: {  	[sflag:s22] =	ssyncadd.s32 s4;
	_ =	sdelay $0x1  }
0xa1: {  	s23 =	simm.s32 $0x1B8B  }
0xa2: {  	_ =	swait.ge [sflag:s23], $0x1  }
0xa3: {  	[sflag:s23] =	ssyncset.done $0x0  }
0xa4: {  	s25 =	simm.s32 $0x1B8E;
	s24 =	sld [smem:$0x3FFE];
	[sflag:s23] =	ssyncadd.s32 $0xFFFFFFFF  }
0xa5: {  	s26 =	simm.s32 $execute0_lowered;
	[smem:$0x3FD2] =	sst s25  }
0xa6: {  	s5 =	sshll.u32 s26, $0x1;
	_ =	strace $0x80000046;
	[dreg:$0x1] =	wrdreg $0xFFFFFFFF  }
0xa7: {  	s28 =	simm.s32 $_size_execute0_lowered;
	s3 =	sadd.s32 s3, s5;
	[dreg:$0x0] =	wrdreg $0x0  }
0xa8: {  	s5 =	sshll.u32 s28, $0x1;
	[dreg:$0x2] =	wrdreg s3  }
0xa9: {  	[dreg:$0x3] =	wrdreg s5  }
0xaa: {  	[dreg:$0x4] =	wrdreg $0xC0  }
0xab: {  	_ =	task [dreg:s7], $0x5FFFF  }
0xac: {  	[dreg:$0x1] =	wrdreg $0xFFFFFFFF  }
0xad: {  	[dreg:$0x0] =	wrdreg $0x60  }
0xae: {  	[dreg:$0x2] =	wrdreg s24  }
0xaf: {  	[dreg:$0x3] =	wrdreg s2  }
0xb0: {  	[dreg:$0x4] =	wrdreg $0x28800  }
0xb1: {  	[dreg:$0x5] =	wrdreg $0x9  }
0xb2: {  	_ =	task.clear_ibuf [dreg:s7], $0x6FFFF;
	_ =	strace $0x90000046  }
0xb3: {  	s29 =	simm.s32 $0x9;
	_ =	strace $0x80000048  }
0xb4: {  	_ =	swait.ge [sflag:s29], $0x1  }
0xb5: {  	[sflag:s29] =	ssyncadd.s32 $0xFFFFFFFF  }
0xb6: {  	_ =	strace $0x90000048  }
0xb7: {  	_ =	sfence  }
0xb8: {  	s30 =	sld [smem:$0x0];
	_ =	sdelay $0x2  }
0xb9: {  	s31 =	sshll.u32 s1, $0xD;
	s1 =	sshrl.u32 s1, $0x2  }
0xba: {  	s3 =	sand.u32 $0x4000, s31;
	s1 =	sadd.s32 s1, s30  }
0xbb: {  	s0 =	sor.u32 s3, s0;
	s1 =	sshll.u32 s1, $0x11  }
0xbc: {  	s0 =	sor.u32 s1, s0  }
0xbd: {  	s0 =	sadd.s32 $0x8F2B, s0  }
0xbe: {  	[sflag:s0] =	ssyncadd.remote.s32 $0x1  }
0xbf: {  	_ =	sfence.sel $0xFFFF  }
0xc0: {  	[dreg:$0x0] =	wrdreg $0xFFFFFFFF;
	(pc) =	sbr.abs _section_cstart, $3  }
0xc1: {  	[dreg:$0x1] =	wrdreg $0xFFFFFFFF  }
0xc2: {  	_ =	task.clear_ibuf [dreg:s7], $0x2FFFF;
	_ =	strace $0x9FFFFFFF  }
0xc3: {  	(tm) =	ssettm $0x7FFFFFFF  }
tec
execute0_lowered:
.L_overlay_start_1:
0x0: {  	(tag) =	ssettag $0x1  }
0x1: {  	s9 =	rddreg [dreg:$0x0]  }
0x2: {  	s2 =	rddreg [dreg:$0x1]  }
0x3: {  	s0 =	srdreg.scid;
	s3 =	rddreg [dreg:$0x2];
	s4 =	simm.s32 $0x0  }
0x4: {  	s13 =	simm.s32 $0x1BE00;
	s14 =	simm.s32 $0x0;
	s6 =	sand.u32 $0x1, s0  }
0x5: {  	s0 =	stileid.u32;
	[smem:$0x7FF] =	sst s4;
	s1 =	sshll.u32 s6, $0x4  }
0x6: {  	s7 =	ssub.s32 $0x2, s6;
	s8 =	smul.u32 $0x280, s0;
	s30 =	sshll.u32 s0, $0x6  }
0x7: {  	p0 =	seq.s32 s6, $0x1;
	s5 =	sor.u32 s0, s1;
	s1 =	rddreg [dreg:$0x3]  }
0x8: {  	_ =	strace $0x80000047;
	s11 =	sshrl.u32 s7, $0x1;
	s6 =	sor.u32 $0x1C01, s30  }
0x9: {  	s13 =	simm.s32 @!p0 $0x1B800;
	s5 =	smul.u32 $0x500, s5;
	s11 =	ssub.s32 s7, s11  }
0xa: {  	s12 =	sadd.s32 s8, s3;
	s31 =	sshrl.u32 s8, $0x3;
	s8 =	smax.u32 s11, $0x1  }
0xb: {  	s11 =	simm.s32 $0x1;
	s10 =	sadd.s32 s5, s9;
	s5 =	sadd.s32 $0x1B600, s9  }
0xc: {  	s9 =	sadd.s32 s13, s9;
	s13 =	simm.s32 $0x80;
	s7 =	sadd.s32 $0x11600, s10  }
0xd: {  	s9 =	sadd.s32 s9, s31;
	s10 =	sshrl.u32 s12, $0x3;
	s12 =	simm.s32 $0x2800  }
.LBB2_1:
0xe: {  	[spmem:s10], [sflag:s6] =	dma.local [hbm:s2], $0x50  }
0xf: {  	_ =	swait.ge [sflag:s11], $0x50  }
0x10: {  	[sflag:s11] =	ssyncset.done $0x0  }
0x11: {  	[sflag:s11] =	ssyncadd.s32 $0xFFFFFFB0  }
0x12: {  	[tilespmem:s12], [sflag:$0x1] =	stream.linear.gather [hbm4b:s5+s4], $0x80, $0x38;
	[tilespmem:$0x2B00] =	vst v63  }
0x13: {  	_ =	swait.ge [sflag:s11], $0x80  }
0x14: {  	[sflag:s11] =	ssyncset.done $0x0  }
0x15: {  	[sflag:s11] =	ssyncadd.s32 $0xFFFFFF80  }
0x16: {  	[tilespmem:s4], [sflag:$0x1] =	stream.linear.gather [hbm4b:s7+s4], $0x2800, $0x38;
	[tilespmem:$0x2B00] =	vst v63  }
0x17: {  	_ =	swait.ge [sflag:s11], $0x2800  }
0x18: {  	[sflag:s11] =	ssyncset.done $0x0  }
0x19: {  	[sflag:s11] =	ssyncadd.s32 $0xFFFFD800  }
0x1a: {  	s15 =	simm.s32 $0x0;
	[bflag:$0x0] =	sbarrier.arrive $0xFFFF  }
0x1b: {  	[spmem:s3] =	stream.indirect.scatter.add.f32 [tilespmem:s12], [sflag:$0x1], $0x1, s15, s13, $0xb8;
	[tilespmem:$0x2B00] =	vst v63  }
0x1c: {  	_ =	swait.ge [sflag:s11], $0x80  }
0x1d: {  	s15 =	simm.s32 $0x200;
	[sflag:s11] =	ssyncset.done $0x0  }
.LBB2_2:
0x1e: {  	s16 =	sshra.s32 s15, $0x2;
	[sflag:s11] =	ssyncadd.s32 $0xFFFFFF80;
	p0 =	sne.s32 s15, $0x9E00  }
0x1f: {  	[spmem:s3] =	stream.indirect.scatter.add.f32 [tilespmem:s12], [sflag:$0x1], $0x1, s16, s13, $0xb8;
	[tilespmem:$0x2B00] =	vst v63  }
.Ltmp0:
0x20: {  	_ = 	snop;
	(pc) =	sbr.rel @p0 .LBB2_2-.Ltmp0, $4  }
0x21: {  	_ = 	snop  }
0x22: {  	s15 =	sadd.s32 $0x200, s15  }
0x23: {  	_ =	swait.ge [sflag:s11], $0x80  }
0x24: {  	[sflag:s11] =	ssyncset.done $0x0  }
0x25: {  	s14 =	sadd.s32 $0x1, s14  }
0x26: {  	[sflag:s11] =	ssyncadd.s32 $0xFFFFFF80;
	p0 =	sne.s32 s14, s8  }
.Ltmp1:
0x27: {  	[bflag:$0x0] =	sbarrier.arrive $0xFFFF;
	(pc) =	sbr.rel @p0 .LBB2_1-.Ltmp1, $4  }
0x28: {  	[hbm:s9], [sflag:s6] =	dma.local [spmem:s10], $0x50  }
0x29: {  	_ =	swait.ge [sflag:s11], $0x50  }
0x2a: {  	[sflag:s11] =	ssyncset.done $0x0  }
0x2b: {  	[sflag:s11] =	ssyncadd.s32 $0xFFFFFFB0  }
0x2c: {  	_ =	sfence.sel $0x180000  }
0x2d: {  	[bflag:$0x0] =	sbarrier.arrive $0xFFFF  }
0x2e: {  	p0 =	sne.s32 s0, $0x0;
	_ =	strace $0x90000047  }
0x2f: {  	s0 =	sadd.s32 @!p0 $0x100000, s1;
	[bflag:$0x2] =	sbarrier.arrive $0xFFFF  }
0x30: {  	[sflag:s0] =	ssyncadd.tile.s32 @!p0 $0x1;
	_ =	shalt  }
.Lfunc_end2:
_tile_overlayer_lowered:
.L_overlay_start_2:
0x31: {  	(tag) =	ssettag $0x2  }
0x32: {  	s0 =	rddreg [dreg:$0x0];
	s2 =	stileid.u32  }
0x33: {  	s1 =	rddreg [dreg:$0x1];
	p0 =	sne.s32 s2, $0x0  }
0x34: {  	s3 =	rddreg [dreg:$0x2];
	[bflag:$0x3] =	sbarrier.arrive $0xFFFF;
	s2 =	simm.s32 @!p0 $0x1C01  }
0x35: {  	[timem:s3], [sflag:s2] =	dma.local @!p0 [hbm:s0], s1  }
0x36: {  	s0 =	simm.s32 @!p0 $0x1  }
0x37: {  	_ =	swait.ge @!p0 [sflag:s0], s1  }
0x38: {  	s1 =	ssub.s32 @!p0 $0x0, s1;
	[sflag:s0] =	ssyncset.done @!p0 $0x0  }
0x39: {  	[sflag:s0] =	ssyncadd.s32 @!p0 s1  }
0x3a: {  	[bflag:$0x3] =	sbarrier.arrive $0xFFFF  }
0x3b: {  	_ =	shalt  }

// kernel: kernel.13.cloned.1.call-start
scs
__scs_entry_jumppad:
0x0: {  	(pc) =	sbr.rel $0x88, $3  }
0x1: {  	(tag) =	ssettag $0x0;
	lr =	simm.s32 $0x1  }
0x2: {  	[smem:$0x3F8B] =	sst lr;
	_ =	strace $0xD0000000  }
0x3: {  	_ = 	snop  }
0x4: {  	_ = 	snop  }
0x5: {  	_ = 	snop  }
0x6: {  	_ = 	snop  }
0x7: {  	_ = 	snop  }
__scs_overlays_trampoline_lowered:
0x8: {  	[smem:$0x3F9A] =	sst s0  }
0x9: {  	[smem:$0x3F9B] =	sst s1  }
0xa: {  	[smem:$0x3F9C] =	sst s2  }
0xb: {  	[smem:$0x3F9D] =	sst s3  }
0xc: {  	[smem:$0x3F9E] =	sst s4  }
0xd: {  	[smem:$0x3F9F] =	sst s5  }
0xe: {  	[smem:$0x3FA0] =	sst s6  }
0xf: {  	[smem:$0x3FA1] =	sst s7  }
0x10: {  	[smem:$0x3FA2] =	sst s8  }
0x11: {  	[smem:$0x3FA3] =	sst s9;
	s0 =	simm.s32 @!p0 $0x0  }
0x12: {  	s1 =	sld [smem:$0x3F89];
	s0 =	simm.s32 @p0 $0x1  }
0x13: {  	[smem:$0x3FA4] =	sst s0;
	s0 =	simm.s32 @!p1 $0x0  }
0x14: {  	s2 =	sld [smem:$0x3F88];
	s0 =	simm.s32 @p1 $0x1  }
0x15: {  	[smem:$0x3FA5] =	sst s0;
	s0 =	simm.s32 @!p2 $0x0  }
0x16: {  	s3 =	sld [smem:$0x3FDB];
	s0 =	simm.s32 @p2 $0x1  }
0x17: {  	s4 =	simm.s32 $0x1BF5;
	[smem:$0x3FA7] =	sst s0  }
0x18: {  	s0 =	sld [smem:$0x3F8A];
	_ =	swait.ge [sflag:s4], $0x0  }
0x19: {  	s7 =	sld [smem:$0x3F8B]  }
0x1a: {  	s8 =	sadd.s32 $0xFFFFE003, lr  }
0x1b: {  	s9 =	sadd.s32 $0xFFFFFEF7, lr;
	s5 =	simm.s32 $0xFFFFFFFF;
	p2 =	slt.u32 s8, $0xFFFFF086  }
0x1c: {  	p1 =	slt.u32 s9, $0xF7A;
	s5 =	simm.s32 @!p2 $0x0  }
0x1d: {  	s5 =	simm.s32 @p1 $0x1;
	p0 =	seq.s32 s7, s2  }
0x1e: {  	s7 =	smul.u32 @!p0 $0xF7A, s2;
	p2 =	seq.s32 @!p0 s5, $0x0  }
0x1f: {  	s9 =	smul.u32 $0xF7A, s1;
	s8 =	simm.s32 @!p0 $0x1BF5;
	p2 =	por !p2, p0  }
0x20: {  	[sflag:s8] =	ssyncset.s32 @!p0 $0xFFFFF086;
	s6 =	sadd.s32 @!p0 s3, s7;
	s7 =	simm.s32 @!p0 $0x108  }
0x21: {  	s3 =	sadd.s32 s3, s9;
	s6 =	sadd.s32 @!p0 $0x88, s6;
	s7 =	simm.s32 @p2 $0x1082  }
0x22: {  	[simem:s7], [sflag:s8] =	dma.local @!p0 [hbm:s6], $0xF7A  }
0x23: {  	s9 =	sor.u32 $0xD0000000, s2;
	s6 =	simm.s32 $0x108;
	_ =	swait.ge @!p0 [sflag:s8], $0x0  }
0x24: {  	s3 =	sadd.s32 $0x88, s3;
	s6 =	simm.s32 @!p1 $0x1082;
	[sflag:s4] =	ssyncset.s32 $0xFFFFF086  }
0x25: {  	[simem:s6], [sflag:s4] =	dma.local [hbm:s3], $0xF7A  }
0x26: {  	[smem:$0x3F8B] =	sst s1;
	(tag) =	ssettag s2;
	_ =	strace s9  }
0x27: {  	s1 =	sld [smem:$0x3F9B]  }
0x28: {  	s2 =	sld [smem:$0x3F9C]  }
0x29: {  	s4 =	sld [smem:$0x3F9E]  }
0x2a: {  	p0 =	seq.s32 s5, $0x0;
	s5 =	sld [smem:$0x3F9F]  }
0x2b: {  	s6 =	sld [smem:$0x3FA0]  }
0x2c: {  	s7 =	sld [smem:$0x3FA1]  }
0x2d: {  	s3 =	simm.s32 $0x108;
	s8 =	sld [smem:$0x3FA2]  }
0x2e: {  	s3 =	simm.s32 @!p0 $0x1082;
	s9 =	sld [smem:$0x3FA3]  }
0x2f: {  	lr =	sadd.s32 s0, s3;
	s0 =	sld [smem:$0x3F9A]  }
0x30: {  	s3 =	sld [smem:$0x3F9D]  }
0x31: {  	[smem:$0x3FA6] =	sst s10  }
0x32: {  	s10 =	sld [smem:$0x3FA4];
	_ =	sdelay $0x3  }
0x33: {  	p0 =	seq.s32 s10, $0x1;
	s10 =	sld [smem:$0x3FA6];
	_ =	sdelay $0x3  }
0x34: {  	[smem:$0x3FA6] =	sst s10  }
0x35: {  	s10 =	sld [smem:$0x3FA5];
	_ =	sdelay $0x3  }
0x36: {  	p1 =	seq.s32 s10, $0x1;
	s10 =	sld [smem:$0x3FA6];
	_ =	sdelay $0x3  }
0x37: {  	[smem:$0x3FA6] =	sst s10  }
0x38: {  	s10 =	sld [smem:$0x3FA7]  }
0x39: {  	_ = 	snop;
	(pc) =	sbr.ind lr, $3  }
0x3a: {  	_ = 	snop  }
0x3b: {  	_ = 	snop  }
0x3c: {  	p2 =	seq.s32 s10, $0x1;
	s10 =	sld [smem:$0x3FA6]  }
0x3d: {  	_ =	shalt  }
0x3e: {  	_ =	shalt  }
0x3f: {  	_ =	shalt  }
0x40: {  	_ =	shalt  }
0x41: {  	_ =	shalt  }
0x42: {  	_ =	shalt  }
0x43: {  	_ =	shalt  }
0x44: {  	_ =	shalt  }
0x45: {  	_ =	shalt  }
0x46: {  	_ =	shalt  }
0x47: {  	_ =	shalt  }
0x48: {  	_ =	shalt  }
0x49: {  	_ =	shalt  }
0x4a: {  	_ =	shalt  }
0x4b: {  	_ =	shalt  }
0x4c: {  	_ =	shalt  }
0x4d: {  	_ =	shalt  }
0x4e: {  	_ =	shalt  }
0x4f: {  	_ =	shalt  }
0x50: {  	_ =	shalt  }
0x51: {  	_ =	shalt  }
0x52: {  	_ =	shalt  }
0x53: {  	_ =	shalt  }
0x54: {  	_ =	shalt  }
0x55: {  	_ =	shalt  }
0x56: {  	_ =	shalt  }
0x57: {  	_ =	shalt  }
0x58: {  	_ =	shalt  }
0x59: {  	_ =	shalt  }
0x5a: {  	_ =	shalt  }
0x5b: {  	_ =	shalt  }
0x5c: {  	_ =	shalt  }
0x5d: {  	_ =	shalt  }
0x5e: {  	_ =	shalt  }
0x5f: {  	_ =	shalt  }
0x60: {  	_ =	shalt  }
0x61: {  	_ =	shalt  }
0x62: {  	_ =	shalt  }
0x63: {  	_ =	shalt  }
0x64: {  	_ =	shalt  }
0x65: {  	_ =	shalt  }
0x66: {  	_ =	shalt  }
0x67: {  	_ =	shalt  }
0x68: {  	_ =	shalt  }
0x69: {  	_ =	shalt  }
0x6a: {  	_ =	shalt  }
0x6b: {  	_ =	shalt  }
0x6c: {  	_ =	shalt  }
0x6d: {  	_ =	shalt  }
0x6e: {  	_ =	shalt  }
0x6f: {  	_ =	shalt  }
0x70: {  	_ =	shalt  }
0x71: {  	_ =	shalt  }
0x72: {  	_ =	shalt  }
0x73: {  	_ =	shalt  }
0x74: {  	_ =	shalt  }
0x75: {  	_ =	shalt  }
0x76: {  	_ =	shalt  }
0x77: {  	_ =	shalt  }
0x78: {  	_ =	shalt  }
0x79: {  	_ =	shalt  }
0x7a: {  	_ =	shalt  }
0x7b: {  	_ =	shalt  }
0x7c: {  	_ =	shalt  }
0x7d: {  	_ =	shalt  }
0x7e: {  	_ =	shalt  }
0x7f: {  	_ =	shalt  }
0x80: {  	_ =	shalt  }
0x81: {  	_ =	shalt  }
0x82: {  	_ =	shalt  }
0x83: {  	_ =	shalt  }
0x84: {  	_ =	shalt  }
0x85: {  	_ =	shalt  }
0x86: {  	_ =	shalt  }
0x87: {  	_ =	shalt  }
.Lfunc_end0:
.L_simem_size_0:
called_computation.1_lowered:
.L_overlay_start_0:
0x88: {  	s2 =	sld [smem:$0x3FD9]  }
0x89: {  	s3 =	sld [smem:$0x3FFE];
	_ =	sdelay $0x1  }
0x8a: {  	s1 =	srdreg.scid  }
0x8b: {  	s0 =	sand.u32 $0x1, s1  }
0x8c: {  	s16 =	sshll.u32 s0, $0xA;
	s2 =	sadd.s32 s3, s2  }
0x8d: {  	s2 =	sadd.s32 s2, s16  }
0x8e: {  	[smem:$0x3FB2] =	sst s2  }
0x8f: {  	_ = 	snop  }
0x90: {  	(tm) =	ssettm $0x1  }
0x91: {  	s17 =	sld [smem:$0x3FFB];
	_ =	sdelay $0x3  }
0x92: {  	_ =	strace s17  }
0x93: {  	s2 =	sld [smem:$0x3FFC];
	_ =	sdelay $0x3  }
0x94: {  	_ =	strace s2  }
0x95: {  	s2 =	sld [smem:$0x3FFD];
	_ =	sdelay $0x3  }
0x96: {  	_ =	strace s2  }
0x97: {  	_ =	strace $0x8FFFFFFF  }
0x98: {  	s18 =	sld [smem:$0x3FDB];
	_ =	sdelay $0x1  }
0x99: {  	s19 =	simm.s32 $_scs_section_size  }
0x9a: {  	s4 =	simm.s32 $_size__tile_overlayer_lowered;
	s5 =	simm.s32 $_tile_overlayer_lowered  }
0x9b: {  	s22 =	simm.s32 $0x1BFF;
	s21 =	sshll.u32 s5, $0x1;
	s2 =	sadd.s32 s19, s18  }
0x9c: {  	s6 =	simm.s32 $0x0;
	s20 =	sshll.u32 s4, $0x1;
	s4 =	sadd.s32 s21, s2  }
0x9d: {  	[timem:s6], [sflag:s22] =	dma.local [hbm:s4], s20  }
0x9e: {  	_ =	swait.ge [sflag:s22], s20  }
0x9f: {  	s3 =	ssub.s32 $0x0, s20;
	[sflag:s22] =	ssyncset.done $0x0  }
0xa0: {  	[sflag:s22] =	ssyncadd.s32 s3;
	_ =	sdelay $0x1  }
0xa1: {  	s23 =	simm.s32 $0x1B8B  }
0xa2: {  	_ =	swait.ge [sflag:s23], $0x1  }
0xa3: {  	[sflag:s23] =	ssyncset.done $0x0  }
0xa4: {  	s25 =	simm.s32 $0x1B8E;
	s24 =	sld [smem:$0x3FFE];
	[sflag:s23] =	ssyncadd.s32 $0xFFFFFFFF  }
0xa5: {  	s26 =	simm.s32 $execute0_lowered;
	[smem:$0x3FD2] =	sst s25  }
0xa6: {  	s4 =	sshll.u32 s26, $0x1;
	_ =	strace $0x80000049;
	[dreg:$0x1] =	wrdreg $0xFFFFFFFF  }
0xa7: {  	s28 =	simm.s32 $_size_execute0_lowered;
	s2 =	sadd.s32 s2, s4;
	[dreg:$0x0] =	wrdreg $0x0  }
0xa8: {  	s4 =	sshll.u32 s28, $0x1;
	[dreg:$0x2] =	wrdreg s2  }
0xa9: {  	[dreg:$0x3] =	wrdreg s4  }
0xaa: {  	[dreg:$0x4] =	wrdreg $0xC0  }
0xab: {  	_ =	task [dreg:s6], $0x5FFFF  }
0xac: {  	[dreg:$0x1] =	wrdreg $0xFFFFFFFF  }
0xad: {  	[dreg:$0x0] =	wrdreg $0x60  }
0xae: {  	[dreg:$0x2] =	wrdreg s24  }
0xaf: {  	[dreg:$0x3] =	wrdreg $0xA8000  }
0xb0: {  	[dreg:$0x4] =	wrdreg $0x9  }
0xb1: {  	_ =	task.clear_ibuf [dreg:s6], $0x5FFFF;
	_ =	strace $0x90000049  }
0xb2: {  	s29 =	simm.s32 $0x9;
	_ =	strace $0x8000004B  }
0xb3: {  	_ =	swait.ge [sflag:s29], $0x1  }
0xb4: {  	[sflag:s29] =	ssyncadd.s32 $0xFFFFFFFF  }
0xb5: {  	_ =	strace $0x9000004B  }
0xb6: {  	_ =	sfence  }
0xb7: {  	s30 =	sld [smem:$0x0];
	_ =	sdelay $0x2  }
0xb8: {  	s31 =	sshll.u32 s1, $0xD;
	s1 =	sshrl.u32 s1, $0x2  }
0xb9: {  	s3 =	sand.u32 $0x4000, s31;
	s1 =	sadd.s32 s1, s30  }
0xba: {  	s0 =	sor.u32 s3, s0;
	s1 =	sshll.u32 s1, $0x11  }
0xbb: {  	s0 =	sor.u32 s1, s0  }
0xbc: {  	s0 =	sadd.s32 $0x8F2B, s0  }
0xbd: {  	[sflag:s0] =	ssyncadd.remote.s32 $0x1  }
0xbe: {  	_ =	sfence.sel $0xFFFF  }
0xbf: {  	[dreg:$0x0] =	wrdreg $0xFFFFFFFF;
	(pc) =	sbr.abs _section_cstart, $3  }
0xc0: {  	[dreg:$0x1] =	wrdreg $0xFFFFFFFF  }
0xc1: {  	_ =	task.clear_ibuf [dreg:s6], $0x2FFFF;
	_ =	strace $0x9FFFFFFF  }
0xc2: {  	(tm) =	ssettm $0x7FFFFFFF  }
0xc3: {  	_ =	shalt  }
tec
execute0_lowered:
.L_overlay_start_1:
0x0: {  	(tag) =	ssettag $0x1  }
0x1: {  	s13 =	rddreg [dreg:$0x0]  }
0x2: {  	s1 =	rddreg [dreg:$0x1]  }
0x3: {  	s0 =	rddreg [dreg:$0x2]  }
0x4: {  	s2 =	simm.s32 $0x0;
	s5 =	srdreg.scid;
	s3 =	stileid.u32  }
0x5: {  	s18 =	simm.s32 $0xBC400;
	s20 =	simm.s32 $0x6800;
	s21 =	simm.s32 $0x1  }
0x6: {  	s22 =	simm.s32 $0x2;
	s23 =	simm.s32 $0x2700;
	s24 =	simm.s32 $0x2780  }
0x7: {  	[smem:$0x7FF] =	sst s2;
	s4 =	sadd.s32 $0x6C400, s13;
	s12 =	sadd.s32 $0x7600, s13  }
0x8: {  	s11 =	sand.u32 $0x1, s5;
	s30 =	smul.u32 $0x50000, s3;
	s14 =	sadd.s32 $0x11600, s13  }
0x9: {  	s19 =	smul.u32 $0x2800, s3;
	_ =	strace $0x8000004A;
	s6 =	ssub.s32 $0x2, s11  }
0xa: {  	s7 =	sshll.u32 s11, $0x4;
	p0 =	seq.s32 s11, $0x1;
	s8 =	sshrl.u32 s6, $0x1  }
0xb: {  	s9 =	sor.u32 s3, s7;
	s5 =	sshrl.u32 s30, $0x2;
	s18 =	simm.s32 @!p0 $0x94400  }
0xc: {  	s15 =	ssub.s32 s6, s8;
	s5 =	sadd.s32 s5, s1;
	s16 =	smul.u32 $0x500, s9  }
0xd: {  	s17 =	smul.u32 $0x2800, s9;
	s31 =	sadd.s32 s18, s13;
	s18 =	simm.s32 $0x1400  }
0xe: {  	s6 =	sadd.s32 $0x4000, s5;
	s7 =	sadd.s32 $0x8000, s5;
	s8 =	sadd.s32 $0xC000, s5  }
0xf: {  	s9 =	sadd.s32 $0x10000, s5;
	s10 =	sadd.s32 s12, s16;
	s17 =	sshrl.u32 s17, $0x3  }
0x10: {  	s11 =	sadd.s32 s14, s16;
	s16 =	simm.s32 $0x2800;
	s17 =	sadd.s32 $0x280, s17  }
0x11: {  	s12 =	sadd.s32 s12, s17;
	s13 =	sadd.s32 s14, s17;
	s14 =	smax.u32 s15, $0x1  }
0x12: {  	v0 =	vimm.f32 $0.0e+00;
	s15 =	sadd.s32 s31, s19;
	s17 =	simm.s32 $0x3;
	s19 =	simm.s32 $0x80  }
.LBB2_1:
0x13: {  	s25 =	simm.s32 $0x0;
	s26 =	simm.s32 $0x200  }
.LBB2_2:
0x14: {  	p0 =	sne.s32 s26, $0xFE00;
	[tilespmem:s25+$0x2870] =	vst v0  }
0x15: {  	[tilespmem:s25+$0x2800] =	vst v0  }
0x16: {  	[tilespmem:s25+$0x2810] =	vst v0  }
.Ltmp0:
0x17: {  	[tilespmem:s25+$0x2820] =	vst v0;
	(pc) =	sbr.rel @p0 .LBB2_2-.Ltmp0, $4  }
0x18: {  	[tilespmem:s25+$0x2830] =	vst v0  }
0x19: {  	[tilespmem:s25+$0x2840] =	vst v0  }
0x1a: {  	[tilespmem:s25+$0x2850] =	vst v0  }
0x1b: {  	[tilespmem:s25+$0x2860] =	vst v0;
	s25 =	sshra.s32 s26, $0x2;
	s26 =	sadd.s32 $0x200, s26  }
0x1c: {  	[tilespmem:s25+$0x2870] =	vst v0  }
0x1d: {  	[tilespmem:s25+$0x2800] =	vst v0  }
0x1e: {  	[tilespmem:s25+$0x2810] =	vst v0  }
0x1f: {  	[tilespmem:s25+$0x2820] =	vst v0  }
0x20: {  	[tilespmem:s25+$0x2830] =	vst v0  }
0x21: {  	[tilespmem:s25+$0x2840] =	vst v0  }
0x22: {  	[tilespmem:s25+$0x2850] =	vst v0  }
0x23: {  	[tilespmem:s25+$0x2860] =	vst v0  }
0x24: {  	[spmem:s5] =	stream.linear.scatter [tilespmem:s16], [sflag:$0x3], $0x4000, $0x38;
	[tilespmem:$0x1E800] =	vst v63  }
0x25: {  	_ =	swait.ge [sflag:s17], $0x4000  }
0x26: {  	[sflag:s17] =	ssyncset.done $0x0  }
0x27: {  	[sflag:s17] =	ssyncadd.s32 $0xFFFFC000  }
0x28: {  	[spmem:s6] =	stream.linear.scatter [tilespmem:s16], [sflag:$0x3], $0x4000, $0x38;
	[tilespmem:$0x1E800] =	vst v63  }
0x29: {  	_ =	swait.ge [sflag:s17], $0x4000  }
0x2a: {  	[sflag:s17] =	ssyncset.done $0x0  }
0x2b: {  	[sflag:s17] =	ssyncadd.s32 $0xFFFFC000  }
0x2c: {  	[spmem:s7] =	stream.linear.scatter [tilespmem:s16], [sflag:$0x3], $0x4000, $0x38;
	[tilespmem:$0x1E800] =	vst v63  }
0x2d: {  	_ =	swait.ge [sflag:s17], $0x4000  }
0x2e: {  	[sflag:s17] =	ssyncset.done $0x0  }
0x2f: {  	[sflag:s17] =	ssyncadd.s32 $0xFFFFC000  }
0x30: {  	[spmem:s8] =	stream.linear.scatter [tilespmem:s16], [sflag:$0x3], $0x4000, $0x38;
	[tilespmem:$0x1E800] =	vst v63  }
0x31: {  	_ =	swait.ge [sflag:s17], $0x4000  }
0x32: {  	[sflag:s17] =	ssyncset.done $0x0  }
0x33: {  	[sflag:s17] =	ssyncadd.s32 $0xFFFFC000  }
0x34: {  	[spmem:s9] =	stream.linear.scatter [tilespmem:s16], [sflag:$0x3], $0x4000, $0x38;
	[tilespmem:$0x1E800] =	vst v63  }
0x35: {  	_ =	swait.ge [sflag:s17], $0x4000  }
0x36: {  	[sflag:s17] =	ssyncset.done $0x0  }
0x37: {  	[sflag:s17] =	ssyncadd.s32 $0xFFFFC000  }
0x38: {  	s28 =	simm.s32 $0x0;
	[bflag:$0x0] =	sbarrier.arrive $0xFFFF  }
0x39: {  	[tilespmem:s28], [sflag:$0x3] =	stream.linear.gather [hbm4b:s10+s28], $0x1400, $0x38;
	[tilespmem:$0x1E800] =	vst v63  }
0x3a: {  	_ =	swait.ge [sflag:s17], $0x1400  }
0x3b: {  	[sflag:s17] =	ssyncset.done $0x0  }
0x3c: {  	[sflag:s17] =	ssyncadd.s32 $0xFFFFEC00  }
0x3d: {  	[tilespmem:s18], [sflag:$0x3] =	stream.linear.gather [hbm4b:s11+s28], $0x1400, $0x38;
	[tilespmem:$0x1E800] =	vst v63  }
0x3e: {  	_ =	swait.ge [sflag:s17], $0x1400  }
0x3f: {  	[sflag:s17] =	ssyncset.done $0x0  }
0x40: {  	[sflag:s17] =	ssyncadd.s32 $0xFFFFEC00  }
0x41: {  	[tilespmem:s16], [sflag:$0x1] =	stream.indirect.gather [hbm4b:s4+s19], $0x80, s28, s19, $0xb8;
	[tilespmem:$0x1E800] =	vst v63  }
0x42: {  	_ = 	snop  }
0x43: {  	[tilespmem:s20], [sflag:$0x2] =	stream.indirect.gather [hbm4b:s4+s19], $0x80, s19, s19, $0xb8;
	[tilespmem:$0x1E800] =	vst v63  }
0x44: {  	_ =	swait.ge [sflag:s21], $0x4000  }
0x45: {  	[sflag:s21] =	ssyncset.done $0x0  }
0x46: {  	s29 =	simm.s32 $0x1400;
	[sflag:s21] =	ssyncadd.s32 $0xFFFFC000  }
0x47: {  	[spmem:s1] =	stream.indirect.scatter.add.f32 [tilespmem:s16], [sflag:$0x3], $0x80, s29, s19, $0xb8;
	[tilespmem:$0x1E800] =	vst v63  }
0x48: {  	_ =	swait.ge [sflag:s17], $0x4000  }
0x49: {  	[sflag:s17] =	ssyncset.done $0x0  }
0x4a: {  	s30 =	simm.s32 $0x100;
	[sflag:s17] =	ssyncadd.s32 $0xFFFFC000  }
0x4b: {  	[tilespmem:s16], [sflag:$0x1] =	stream.indirect.gather [hbm4b:s4+s19], $0x80, s30, s19, $0xb8;
	[tilespmem:$0x1E800] =	vst v63  }
0x4c: {  	_ =	swait.ge [sflag:s22], $0x4000  }
0x4d: {  	[sflag:s22] =	ssyncset.done $0x0  }
0x4e: {  	s31 =	simm.s32 $0x1480;
	[sflag:s22] =	ssyncadd.s32 $0xFFFFC000  }
0x4f: {  	[spmem:s1] =	stream.indirect.scatter.add.f32 [tilespmem:s20], [sflag:$0x3], $0x80, s31, s19, $0xb8;
	[tilespmem:$0x1E800] =	vst v63  }
0x50: {  	_ =	swait.ge [sflag:s17], $0x4000  }
0x51: {  	[sflag:s17] =	ssyncset.done $0x0  }
0x52: {  	s25 =	simm.s32 $0x400;
	s26 =	simm.s32 $0x180;
	[sflag:s17] =	ssyncadd.s32 $0xFFFFC000  }
.LBB2_4:
0x53: {  	[tilespmem:s20], [sflag:$0x2] =	stream.indirect.gather [hbm4b:s4+s19], $0x80, s26, s19, $0xb8;
	[tilespmem:$0x1E800] =	vst v63  }
0x54: {  	s26 =	smov.u32 s25  }
0x55: {  	p0 =	sne.s32 s25, $0x4800;
	s25 =	sadd.s32 $0x400, s25;
	_ =	swait.ge [sflag:s21], $0x4000  }
0x56: {  	s26 =	sshra.s32 s26, $0x2;
	[sflag:s21] =	ssyncset.done $0x0  }
0x57: {  	s28 =	sadd.s32 $0x1400, s26;
	[sflag:s21] =	ssyncadd.s32 $0xFFFFC000  }
0x58: {  	[spmem:s1] =	stream.indirect.scatter.add.f32 [tilespmem:s16], [sflag:$0x3], $0x80, s28, s19, $0xb8;
	[tilespmem:$0x1E800] =	vst v63  }
0x59: {  	_ =	swait.ge [sflag:s17], $0x4000  }
0x5a: {  	[sflag:s17] =	ssyncset.done $0x0  }
0x5b: {  	s28 =	sadd.s32 $0x100, s26;
	[sflag:s17] =	ssyncadd.s32 $0xFFFFC000  }
0x5c: {  	[tilespmem:s16], [sflag:$0x1] =	stream.indirect.gather [hbm4b:s4+s19], $0x80, s28, s19, $0xb8;
	[tilespmem:$0x1E800] =	vst v63  }
0x5d: {  	_ =	swait.ge [sflag:s22], $0x4000  }
0x5e: {  	[sflag:s22] =	ssyncset.done $0x0  }
.Ltmp1:
0x5f: {  	s28 =	sadd.s32 $0x1480, s26;
	[sflag:s22] =	ssyncadd.s32 $0xFFFFC000;
	(pc) =	sbr.rel @p0 .LBB2_4-.Ltmp1, $4  }
0x60: {  	[spmem:s1] =	stream.indirect.scatter.add.f32 [tilespmem:s20], [sflag:$0x3], $0x80, s28, s19, $0xb8;
	[tilespmem:$0x1E800] =	vst v63  }
0x61: {  	_ =	swait.ge [sflag:s17], $0x4000  }
0x62: {  	[sflag:s17] =	ssyncset.done $0x0  }
0x63: {  	s26 =	sadd.s32 $0x180, s26;
	[sflag:s17] =	ssyncadd.s32 $0xFFFFC000  }
0x64: {  	[tilespmem:s20], [sflag:$0x2] =	stream.indirect.gather [hbm4b:s4+s19], $0x80, s26, s19, $0xb8;
	[tilespmem:$0x1E800] =	vst v63  }
0x65: {  	_ =	swait.ge [sflag:s21], $0x4000  }
0x66: {  	[sflag:s21] =	ssyncset.done $0x0  }
0x67: {  	[sflag:s21] =	ssyncadd.s32 $0xFFFFC000  }
0x68: {  	[spmem:s1] =	stream.indirect.scatter.add.f32 [tilespmem:s16], [sflag:$0x3], $0x80, s23, s19, $0xb8;
	[tilespmem:$0x1E800] =	vst v63  }
0x69: {  	_ =	swait.ge [sflag:s17], $0x4000  }
0x6a: {  	[sflag:s17] =	ssyncset.done $0x0  }
0x6b: {  	[sflag:s17] =	ssyncadd.s32 $0xFFFFC000  }
0x6c: {  	_ =	swait.ge [sflag:s22], $0x4000  }
0x6d: {  	[sflag:s22] =	ssyncset.done $0x0  }
0x6e: {  	[sflag:s22] =	ssyncadd.s32 $0xFFFFC000  }
0x6f: {  	[spmem:s1] =	stream.indirect.scatter.add.f32 [tilespmem:s20], [sflag:$0x3], $0x80, s24, s19, $0xb8;
	[tilespmem:$0x1E800] =	vst v63  }
0x70: {  	_ =	swait.ge [sflag:s17], $0x4000  }
0x71: {  	[sflag:s17] =	ssyncset.done $0x0  }
0x72: {  	s25 =	simm.s32 $0x0;
	[sflag:s17] =	ssyncadd.s32 $0xFFFFC000  }
0x73: {  	[tilespmem:s25], [sflag:$0x3] =	stream.linear.gather [hbm4b:s12+s25], $0x1400, $0x38;
	[tilespmem:$0x1E800] =	vst v63  }
0x74: {  	_ =	swait.ge [sflag:s17], $0x1400  }
0x75: {  	[sflag:s17] =	ssyncset.done $0x0  }
0x76: {  	[sflag:s17] =	ssyncadd.s32 $0xFFFFEC00  }
0x77: {  	[tilespmem:s18], [sflag:$0x3] =	stream.linear.gather [hbm4b:s13+s25], $0x1400, $0x38;
	[tilespmem:$0x1E800] =	vst v63  }
0x78: {  	_ =	swait.ge [sflag:s17], $0x1400  }
0x79: {  	[sflag:s17] =	ssyncset.done $0x0  }
0x7a: {  	[sflag:s17] =	ssyncadd.s32 $0xFFFFEC00  }
0x7b: {  	[tilespmem:s16], [sflag:$0x1] =	stream.indirect.gather [hbm4b:s4+s19], $0x80, s25, s19, $0xb8;
	[tilespmem:$0x1E800] =	vst v63  }
0x7c: {  	_ = 	snop  }
0x7d: {  	[tilespmem:s20], [sflag:$0x2] =	stream.indirect.gather [hbm4b:s4+s19], $0x80, s19, s19, $0xb8;
	[tilespmem:$0x1E800] =	vst v63  }
0x7e: {  	_ =	swait.ge [sflag:s21], $0x4000  }
0x7f: {  	[sflag:s21] =	ssyncset.done $0x0  }
0x80: {  	s29 =	simm.s32 $0x1400;
	[sflag:s21] =	ssyncadd.s32 $0xFFFFC000  }
0x81: {  	[spmem:s1] =	stream.indirect.scatter.add.f32 [tilespmem:s16], [sflag:$0x3], $0x80, s29, s19, $0xb8;
	[tilespmem:$0x1E800] =	vst v63  }
0x82: {  	_ =	swait.ge [sflag:s17], $0x4000  }
0x83: {  	[sflag:s17] =	ssyncset.done $0x0  }
0x84: {  	s30 =	simm.s32 $0x100;
	[sflag:s17] =	ssyncadd.s32 $0xFFFFC000  }
0x85: {  	[tilespmem:s16], [sflag:$0x1] =	stream.indirect.gather [hbm4b:s4+s19], $0x80, s30, s19, $0xb8;
	[tilespmem:$0x1E800] =	vst v63  }
0x86: {  	_ =	swait.ge [sflag:s22], $0x4000  }
0x87: {  	[sflag:s22] =	ssyncset.done $0x0  }
0x88: {  	s31 =	simm.s32 $0x1480;
	[sflag:s22] =	ssyncadd.s32 $0xFFFFC000  }
0x89: {  	[spmem:s1] =	stream.indirect.scatter.add.f32 [tilespmem:s20], [sflag:$0x3], $0x80, s31, s19, $0xb8;
	[tilespmem:$0x1E800] =	vst v63  }
0x8a: {  	_ =	swait.ge [sflag:s17], $0x4000  }
0x8b: {  	[sflag:s17] =	ssyncset.done $0x0  }
0x8c: {  	s26 =	simm.s32 $0x180;
	s25 =	simm.s32 $0x400;
	[sflag:s17] =	ssyncadd.s32 $0xFFFFC000  }
.LBB2_6:
0x8d: {  	[tilespmem:s20], [sflag:$0x2] =	stream.indirect.gather [hbm4b:s4+s19], $0x80, s26, s19, $0xb8;
	[tilespmem:$0x1E800] =	vst v63  }
0x8e: {  	s26 =	smov.u32 s25  }
0x8f: {  	p0 =	sne.s32 s25, $0x4800;
	s25 =	sadd.s32 $0x400, s25;
	_ =	swait.ge [sflag:s21], $0x4000  }
0x90: {  	s26 =	sshra.s32 s26, $0x2;
	[sflag:s21] =	ssyncset.done $0x0  }
0x91: {  	s28 =	sadd.s32 $0x1400, s26;
	[sflag:s21] =	ssyncadd.s32 $0xFFFFC000  }
0x92: {  	[spmem:s1] =	stream.indirect.scatter.add.f32 [tilespmem:s16], [sflag:$0x3], $0x80, s28, s19, $0xb8;
	[tilespmem:$0x1E800] =	vst v63  }
0x93: {  	_ =	swait.ge [sflag:s17], $0x4000  }
0x94: {  	[sflag:s17] =	ssyncset.done $0x0  }
0x95: {  	s28 =	sadd.s32 $0x100, s26;
	[sflag:s17] =	ssyncadd.s32 $0xFFFFC000  }
0x96: {  	[tilespmem:s16], [sflag:$0x1] =	stream.indirect.gather [hbm4b:s4+s19], $0x80, s28, s19, $0xb8;
	[tilespmem:$0x1E800] =	vst v63  }
0x97: {  	_ =	swait.ge [sflag:s22], $0x4000  }
0x98: {  	[sflag:s22] =	ssyncset.done $0x0  }
.Ltmp2:
0x99: {  	s28 =	sadd.s32 $0x1480, s26;
	[sflag:s22] =	ssyncadd.s32 $0xFFFFC000;
	(pc) =	sbr.rel @p0 .LBB2_6-.Ltmp2, $4  }
0x9a: {  	[spmem:s1] =	stream.indirect.scatter.add.f32 [tilespmem:s20], [sflag:$0x3], $0x80, s28, s19, $0xb8;
	[tilespmem:$0x1E800] =	vst v63  }
0x9b: {  	_ =	swait.ge [sflag:s17], $0x4000  }
0x9c: {  	[sflag:s17] =	ssyncset.done $0x0  }
0x9d: {  	s26 =	sadd.s32 $0x180, s26;
	[sflag:s17] =	ssyncadd.s32 $0xFFFFC000  }
0x9e: {  	[tilespmem:s20], [sflag:$0x2] =	stream.indirect.gather [hbm4b:s4+s19], $0x80, s26, s19, $0xb8;
	[tilespmem:$0x1E800] =	vst v63  }
0x9f: {  	_ =	swait.ge [sflag:s21], $0x4000  }
0xa0: {  	[sflag:s21] =	ssyncset.done $0x0  }
0xa1: {  	[sflag:s21] =	ssyncadd.s32 $0xFFFFC000  }
0xa2: {  	[spmem:s1] =	stream.indirect.scatter.add.f32 [tilespmem:s16], [sflag:$0x3], $0x80, s23, s19, $0xb8;
	[tilespmem:$0x1E800] =	vst v63  }
0xa3: {  	_ =	swait.ge [sflag:s17], $0x4000  }
0xa4: {  	[sflag:s17] =	ssyncset.done $0x0  }
0xa5: {  	[sflag:s17] =	ssyncadd.s32 $0xFFFFC000  }
0xa6: {  	_ =	swait.ge [sflag:s22], $0x4000  }
0xa7: {  	[sflag:s22] =	ssyncset.done $0x0  }
0xa8: {  	[sflag:s22] =	ssyncadd.s32 $0xFFFFC000  }
0xa9: {  	[spmem:s1] =	stream.indirect.scatter.add.f32 [tilespmem:s20], [sflag:$0x3], $0x80, s24, s19, $0xb8;
	[tilespmem:$0x1E800] =	vst v63  }
0xaa: {  	_ =	swait.ge [sflag:s17], $0x4000  }
0xab: {  	s25 =	sshll.u32 s3, $0x6;
	s2 =	sadd.s32 $0x1, s2;
	[sflag:s17] =	ssyncset.done $0x0  }
0xac: {  	s31 =	sshrl.u32 s5, $0x3;
	p0 =	sne.s32 s2, s14;
	[sflag:s17] =	ssyncadd.s32 $0xFFFFC000  }
.Ltmp3:
0xad: {  	s25 =	sor.u32 $0x1C03, s25;
	[bflag:$0x0] =	sbarrier.arrive $0xFFFF;
	(pc) =	sbr.rel @p0 .LBB2_1-.Ltmp3, $4  }
0xae: {  	[hbm:s15], [sflag:s25] =	dma.local [spmem:s31], $0x2800  }
0xaf: {  	_ =	swait.ge [sflag:s17], $0x2800  }
0xb0: {  	[sflag:s17] =	ssyncset.done $0x0  }
0xb1: {  	[sflag:s17] =	ssyncadd.s32 $0xFFFFD800  }
0xb2: {  	_ =	sfence.sel $0x180000  }
0xb3: {  	[bflag:$0x0] =	sbarrier.arrive $0xFFFF  }
0xb4: {  	p0 =	sne.s32 s3, $0x0;
	_ =	strace $0x9000004A  }
0xb5: {  	s0 =	sadd.s32 @!p0 $0x100000, s0;
	[bflag:$0x2] =	sbarrier.arrive $0xFFFF  }
0xb6: {  	[sflag:s0] =	ssyncadd.tile.s32 @!p0 $0x1;
	_ =	shalt  }
.Lfunc_end2:
_tile_overlayer_lowered:
.L_overlay_start_2:
0xb7: {  	(tag) =	ssettag $0x2  }
0xb8: {  	s0 =	rddreg [dreg:$0x0];
	s2 =	stileid.u32  }
0xb9: {  	s1 =	rddreg [dreg:$0x1];
	p0 =	sne.s32 s2, $0x0  }
0xba: {  	s3 =	rddreg [dreg:$0x2];
	[bflag:$0x3] =	sbarrier.arrive $0xFFFF;
	s2 =	simm.s32 @!p0 $0x1C03  }
0xbb: {  	[timem:s3], [sflag:s2] =	dma.local @!p0 [hbm:s0], s1  }
0xbc: {  	s0 =	simm.s32 @!p0 $0x3  }
0xbd: {  	_ =	swait.ge @!p0 [sflag:s0], s1  }
0xbe: {  	s1 =	ssub.s32 @!p0 $0x0, s1;
	[sflag:s0] =	ssyncset.done @!p0 $0x0  }
0xbf: {  	[sflag:s0] =	ssyncadd.s32 @!p0 s1  }
0xc0: {  	[bflag:$0x3] =	sbarrier.arrive $0xFFFF  }
0xc1: {  	_ =	shalt  }

// kernel: kernel.16.cloned.1.call-start
scs
__scs_entry_jumppad:
0x0: {  	(pc) =	sbr.rel $0x88, $3  }
0x1: {  	(tag) =	ssettag $0x0;
	lr =	simm.s32 $0x1  }
0x2: {  	[smem:$0x3F8B] =	sst lr;
	_ =	strace $0xD0000000  }
0x3: {  	_ = 	snop  }
0x4: {  	_ = 	snop  }
0x5: {  	_ = 	snop  }
0x6: {  	_ = 	snop  }
0x7: {  	_ = 	snop  }
__scs_overlays_trampoline_lowered:
0x8: {  	[smem:$0x3F9A] =	sst s0  }
0x9: {  	[smem:$0x3F9B] =	sst s1  }
0xa: {  	[smem:$0x3F9C] =	sst s2  }
0xb: {  	[smem:$0x3F9D] =	sst s3  }
0xc: {  	[smem:$0x3F9E] =	sst s4  }
0xd: {  	[smem:$0x3F9F] =	sst s5  }
0xe: {  	[smem:$0x3FA0] =	sst s6  }
0xf: {  	[smem:$0x3FA1] =	sst s7  }
0x10: {  	[smem:$0x3FA2] =	sst s8  }
0x11: {  	[smem:$0x3FA3] =	sst s9;
	s0 =	simm.s32 @!p0 $0x0  }
0x12: {  	s1 =	sld [smem:$0x3F89];
	s0 =	simm.s32 @p0 $0x1  }
0x13: {  	[smem:$0x3FA4] =	sst s0;
	s0 =	simm.s32 @!p1 $0x0  }
0x14: {  	s2 =	sld [smem:$0x3F88];
	s0 =	simm.s32 @p1 $0x1  }
0x15: {  	[smem:$0x3FA5] =	sst s0;
	s0 =	simm.s32 @!p2 $0x0  }
0x16: {  	s3 =	sld [smem:$0x3FDB];
	s0 =	simm.s32 @p2 $0x1  }
0x17: {  	s4 =	simm.s32 $0x1BF5;
	[smem:$0x3FA7] =	sst s0  }
0x18: {  	s0 =	sld [smem:$0x3F8A];
	_ =	swait.ge [sflag:s4], $0x0  }
0x19: {  	s7 =	sld [smem:$0x3F8B]  }
0x1a: {  	s8 =	sadd.s32 $0xFFFFE003, lr  }
0x1b: {  	s9 =	sadd.s32 $0xFFFFFEF7, lr;
	s5 =	simm.s32 $0xFFFFFFFF;
	p2 =	slt.u32 s8, $0xFFFFF086  }
0x1c: {  	p1 =	slt.u32 s9, $0xF7A;
	s5 =	simm.s32 @!p2 $0x0  }
0x1d: {  	s5 =	simm.s32 @p1 $0x1;
	p0 =	seq.s32 s7, s2  }
0x1e: {  	s7 =	smul.u32 @!p0 $0xF7A, s2;
	p2 =	seq.s32 @!p0 s5, $0x0  }
0x1f: {  	s9 =	smul.u32 $0xF7A, s1;
	s8 =	simm.s32 @!p0 $0x1BF5;
	p2 =	por !p2, p0  }
0x20: {  	[sflag:s8] =	ssyncset.s32 @!p0 $0xFFFFF086;
	s6 =	sadd.s32 @!p0 s3, s7;
	s7 =	simm.s32 @!p0 $0x108  }
0x21: {  	s3 =	sadd.s32 s3, s9;
	s6 =	sadd.s32 @!p0 $0x88, s6;
	s7 =	simm.s32 @p2 $0x1082  }
0x22: {  	[simem:s7], [sflag:s8] =	dma.local @!p0 [hbm:s6], $0xF7A  }
0x23: {  	s9 =	sor.u32 $0xD0000000, s2;
	s6 =	simm.s32 $0x108;
	_ =	swait.ge @!p0 [sflag:s8], $0x0  }
0x24: {  	s3 =	sadd.s32 $0x88, s3;
	s6 =	simm.s32 @!p1 $0x1082;
	[sflag:s4] =	ssyncset.s32 $0xFFFFF086  }
0x25: {  	[simem:s6], [sflag:s4] =	dma.local [hbm:s3], $0xF7A  }
0x26: {  	[smem:$0x3F8B] =	sst s1;
	(tag) =	ssettag s2;
	_ =	strace s9  }
0x27: {  	s1 =	sld [smem:$0x3F9B]  }
0x28: {  	s2 =	sld [smem:$0x3F9C]  }
0x29: {  	s4 =	sld [smem:$0x3F9E]  }
0x2a: {  	p0 =	seq.s32 s5, $0x0;
	s5 =	sld [smem:$0x3F9F]  }
0x2b: {  	s6 =	sld [smem:$0x3FA0]  }
0x2c: {  	s7 =	sld [smem:$0x3FA1]  }
0x2d: {  	s3 =	simm.s32 $0x108;
	s8 =	sld [smem:$0x3FA2]  }
0x2e: {  	s3 =	simm.s32 @!p0 $0x1082;
	s9 =	sld [smem:$0x3FA3]  }
0x2f: {  	lr =	sadd.s32 s0, s3;
	s0 =	sld [smem:$0x3F9A]  }
0x30: {  	s3 =	sld [smem:$0x3F9D]  }
0x31: {  	[smem:$0x3FA6] =	sst s10  }
0x32: {  	s10 =	sld [smem:$0x3FA4];
	_ =	sdelay $0x3  }
0x33: {  	p0 =	seq.s32 s10, $0x1;
	s10 =	sld [smem:$0x3FA6];
	_ =	sdelay $0x3  }
0x34: {  	[smem:$0x3FA6] =	sst s10  }
0x35: {  	s10 =	sld [smem:$0x3FA5];
	_ =	sdelay $0x3  }
0x36: {  	p1 =	seq.s32 s10, $0x1;
	s10 =	sld [smem:$0x3FA6];
	_ =	sdelay $0x3  }
0x37: {  	[smem:$0x3FA6] =	sst s10  }
0x38: {  	s10 =	sld [smem:$0x3FA7]  }
0x39: {  	_ = 	snop;
	(pc) =	sbr.ind lr, $3  }
0x3a: {  	_ = 	snop  }
0x3b: {  	_ = 	snop  }
0x3c: {  	p2 =	seq.s32 s10, $0x1;
	s10 =	sld [smem:$0x3FA6]  }
0x3d: {  	_ =	shalt  }
0x3e: {  	_ =	shalt  }
0x3f: {  	_ =	shalt  }
0x40: {  	_ =	shalt  }
0x41: {  	_ =	shalt  }
0x42: {  	_ =	shalt  }
0x43: {  	_ =	shalt  }
0x44: {  	_ =	shalt  }
0x45: {  	_ =	shalt  }
0x46: {  	_ =	shalt  }
0x47: {  	_ =	shalt  }
0x48: {  	_ =	shalt  }
0x49: {  	_ =	shalt  }
0x4a: {  	_ =	shalt  }
0x4b: {  	_ =	shalt  }
0x4c: {  	_ =	shalt  }
0x4d: {  	_ =	shalt  }
0x4e: {  	_ =	shalt  }
0x4f: {  	_ =	shalt  }
0x50: {  	_ =	shalt  }
0x51: {  	_ =	shalt  }
0x52: {  	_ =	shalt  }
0x53: {  	_ =	shalt  }
0x54: {  	_ =	shalt  }
0x55: {  	_ =	shalt  }
0x56: {  	_ =	shalt  }
0x57: {  	_ =	shalt  }
0x58: {  	_ =	shalt  }
0x59: {  	_ =	shalt  }
0x5a: {  	_ =	shalt  }
0x5b: {  	_ =	shalt  }
0x5c: {  	_ =	shalt  }
0x5d: {  	_ =	shalt  }
0x5e: {  	_ =	shalt  }
0x5f: {  	_ =	shalt  }
0x60: {  	_ =	shalt  }
0x61: {  	_ =	shalt  }
0x62: {  	_ =	shalt  }
0x63: {  	_ =	shalt  }
0x64: {  	_ =	shalt  }
0x65: {  	_ =	shalt  }
0x66: {  	_ =	shalt  }
0x67: {  	_ =	shalt  }
0x68: {  	_ =	shalt  }
0x69: {  	_ =	shalt  }
0x6a: {  	_ =	shalt  }
0x6b: {  	_ =	shalt  }
0x6c: {  	_ =	shalt  }
0x6d: {  	_ =	shalt  }
0x6e: {  	_ =	shalt  }
0x6f: {  	_ =	shalt  }
0x70: {  	_ =	shalt  }
0x71: {  	_ =	shalt  }
0x72: {  	_ =	shalt  }
0x73: {  	_ =	shalt  }
0x74: {  	_ =	shalt  }
0x75: {  	_ =	shalt  }
0x76: {  	_ =	shalt  }
0x77: {  	_ =	shalt  }
0x78: {  	_ =	shalt  }
0x79: {  	_ =	shalt  }
0x7a: {  	_ =	shalt  }
0x7b: {  	_ =	shalt  }
0x7c: {  	_ =	shalt  }
0x7d: {  	_ =	shalt  }
0x7e: {  	_ =	shalt  }
0x7f: {  	_ =	shalt  }
0x80: {  	_ =	shalt  }
0x81: {  	_ =	shalt  }
0x82: {  	_ =	shalt  }
0x83: {  	_ =	shalt  }
0x84: {  	_ =	shalt  }
0x85: {  	_ =	shalt  }
0x86: {  	_ =	shalt  }
0x87: {  	_ =	shalt  }
.Lfunc_end0:
.L_simem_size_0:
called_computation.2_lowered:
.L_overlay_start_0:
0x88: {  	s2 =	sld [smem:$0x3FD9]  }
0x89: {  	s3 =	sld [smem:$0x3FFE];
	_ =	sdelay $0x1  }
0x8a: {  	s1 =	srdreg.scid  }
0x8b: {  	s0 =	sand.u32 $0x1, s1  }
0x8c: {  	s16 =	sshll.u32 s0, $0xA;
	s2 =	sadd.s32 s3, s2  }
0x8d: {  	s2 =	sadd.s32 s2, s16  }
0x8e: {  	[smem:$0x3FB2] =	sst s2  }
0x8f: {  	_ = 	snop  }
0x90: {  	(tm) =	ssettm $0x1  }
0x91: {  	s17 =	sld [smem:$0x3FFB];
	_ =	sdelay $0x3  }
0x92: {  	_ =	strace s17  }
0x93: {  	s2 =	sld [smem:$0x3FFC];
	_ =	sdelay $0x3  }
0x94: {  	_ =	strace s2  }
0x95: {  	s2 =	sld [smem:$0x3FFD];
	_ =	sdelay $0x3  }
0x96: {  	_ =	strace s2  }
0x97: {  	_ =	strace $0x8FFFFFFF  }
0x98: {  	s18 =	sld [smem:$0x3FDB];
	_ =	sdelay $0x1  }
0x99: {  	s19 =	simm.s32 $_scs_section_size  }
0x9a: {  	s4 =	simm.s32 $_size__tile_overlayer_lowered;
	s5 =	simm.s32 $_tile_overlayer_lowered  }
0x9b: {  	s22 =	simm.s32 $0x1BFF;
	s21 =	sshll.u32 s5, $0x1;
	s2 =	sadd.s32 s19, s18  }
0x9c: {  	s6 =	simm.s32 $0x0;
	s20 =	sshll.u32 s4, $0x1;
	s4 =	sadd.s32 s21, s2  }
0x9d: {  	[timem:s6], [sflag:s22] =	dma.local [hbm:s4], s20  }
0x9e: {  	_ =	swait.ge [sflag:s22], s20  }
0x9f: {  	s3 =	ssub.s32 $0x0, s20;
	[sflag:s22] =	ssyncset.done $0x0  }
0xa0: {  	[sflag:s22] =	ssyncadd.s32 s3;
	_ =	sdelay $0x1  }
0xa1: {  	s23 =	simm.s32 $0x1B8B  }
0xa2: {  	_ =	swait.ge [sflag:s23], $0x1  }
0xa3: {  	[sflag:s23] =	ssyncset.done $0x0  }
0xa4: {  	s25 =	simm.s32 $0x1B8E;
	s24 =	sld [smem:$0x3FFE];
	[sflag:s23] =	ssyncadd.s32 $0xFFFFFFFF  }
0xa5: {  	s26 =	simm.s32 $execute0_lowered;
	[smem:$0x3FD2] =	sst s25  }
0xa6: {  	s4 =	sshll.u32 s26, $0x1;
	_ =	strace $0x8000004C;
	[dreg:$0x1] =	wrdreg $0xFFFFFFFF  }
0xa7: {  	s28 =	simm.s32 $_size_execute0_lowered;
	s2 =	sadd.s32 s2, s4;
	[dreg:$0x0] =	wrdreg $0x0  }
0xa8: {  	s4 =	sshll.u32 s28, $0x1;
	[dreg:$0x2] =	wrdreg s2  }
0xa9: {  	[dreg:$0x3] =	wrdreg s4  }
0xaa: {  	[dreg:$0x4] =	wrdreg $0xC0  }
0xab: {  	_ =	task [dreg:s6], $0x5FFFF  }
0xac: {  	[dreg:$0x1] =	wrdreg $0xFFFFFFFF  }
0xad: {  	[dreg:$0x0] =	wrdreg $0x60  }
0xae: {  	[dreg:$0x2] =	wrdreg s24  }
0xaf: {  	[dreg:$0x3] =	wrdreg $0xA8000  }
0xb0: {  	[dreg:$0x4] =	wrdreg $0x9  }
0xb1: {  	_ =	task.clear_ibuf [dreg:s6], $0x5FFFF;
	_ =	strace $0x9000004C  }
0xb2: {  	s29 =	simm.s32 $0x9;
	_ =	strace $0x8000004E  }
0xb3: {  	_ =	swait.ge [sflag:s29], $0x1  }
0xb4: {  	[sflag:s29] =	ssyncadd.s32 $0xFFFFFFFF  }
0xb5: {  	_ =	strace $0x9000004E  }
0xb6: {  	_ =	sfence  }
0xb7: {  	s30 =	sld [smem:$0x0];
	_ =	sdelay $0x2  }
0xb8: {  	s31 =	sshll.u32 s1, $0xD;
	s1 =	sshrl.u32 s1, $0x2  }
0xb9: {  	s3 =	sand.u32 $0x4000, s31;
	s1 =	sadd.s32 s1, s30  }
0xba: {  	s0 =	sor.u32 s3, s0;
	s1 =	sshll.u32 s1, $0x11  }
0xbb: {  	s0 =	sor.u32 s1, s0  }
0xbc: {  	s0 =	sadd.s32 $0x8F2B, s0  }
0xbd: {  	[sflag:s0] =	ssyncadd.remote.s32 $0x1  }
0xbe: {  	_ =	sfence.sel $0xFFFF  }
0xbf: {  	[dreg:$0x0] =	wrdreg $0xFFFFFFFF;
	(pc) =	sbr.abs _section_cstart, $3  }
0xc0: {  	[dreg:$0x1] =	wrdreg $0xFFFFFFFF  }
0xc1: {  	_ =	task.clear_ibuf [dreg:s6], $0x2FFFF;
	_ =	strace $0x9FFFFFFF  }
0xc2: {  	(tm) =	ssettm $0x7FFFFFFF  }
0xc3: {  	_ =	shalt  }
tec
execute0_lowered:
.L_overlay_start_1:
0x0: {  	(tag) =	ssettag $0x1  }
0x1: {  	s13 =	rddreg [dreg:$0x0]  }
0x2: {  	s1 =	rddreg [dreg:$0x1]  }
0x3: {  	s0 =	rddreg [dreg:$0x2]  }
0x4: {  	s2 =	simm.s32 $0x0;
	s5 =	srdreg.scid;
	s3 =	stileid.u32  }
0x5: {  	s18 =	simm.s32 $0xBC400;
	s20 =	simm.s32 $0x6800;
	s21 =	simm.s32 $0x1  }
0x6: {  	s22 =	simm.s32 $0x2;
	s23 =	simm.s32 $0x2700;
	s24 =	simm.s32 $0x2780  }
0x7: {  	[smem:$0x7FF] =	sst s2;
	s4 =	sadd.s32 $0x6C400, s13;
	s12 =	sadd.s32 $0x7600, s13  }
0x8: {  	s11 =	sand.u32 $0x1, s5;
	s30 =	smul.u32 $0x50000, s3;
	s14 =	sadd.s32 $0x11600, s13  }
0x9: {  	s19 =	smul.u32 $0x2800, s3;
	_ =	strace $0x8000004D;
	s6 =	ssub.s32 $0x2, s11  }
0xa: {  	s7 =	sshll.u32 s11, $0x4;
	p0 =	seq.s32 s11, $0x1;
	s8 =	sshrl.u32 s6, $0x1  }
0xb: {  	s9 =	sor.u32 s3, s7;
	s5 =	sshrl.u32 s30, $0x2;
	s18 =	simm.s32 @!p0 $0x94400  }
0xc: {  	s15 =	ssub.s32 s6, s8;
	s5 =	sadd.s32 s5, s1;
	s16 =	smul.u32 $0x500, s9  }
0xd: {  	s17 =	smul.u32 $0x2800, s9;
	s31 =	sadd.s32 s18, s13;
	s18 =	simm.s32 $0x1400  }
0xe: {  	s6 =	sadd.s32 $0x4000, s5;
	s7 =	sadd.s32 $0x8000, s5;
	s8 =	sadd.s32 $0xC000, s5  }
0xf: {  	s9 =	sadd.s32 $0x10000, s5;
	s10 =	sadd.s32 s12, s16;
	s17 =	sshrl.u32 s17, $0x3  }
0x10: {  	s11 =	sadd.s32 s14, s16;
	s16 =	simm.s32 $0x2800;
	s17 =	sadd.s32 $0x280, s17  }
0x11: {  	s12 =	sadd.s32 s12, s17;
	s13 =	sadd.s32 s14, s17;
	s14 =	smax.u32 s15, $0x1  }
0x12: {  	v0 =	vimm.f32 $0.0e+00;
	s15 =	sadd.s32 s31, s19;
	s17 =	simm.s32 $0x3;
	s19 =	simm.s32 $0x80  }
.LBB2_1:
0x13: {  	s25 =	simm.s32 $0x0;
	s26 =	simm.s32 $0x200  }
.LBB2_2:
0x14: {  	p0 =	sne.s32 s26, $0xFE00;
	[tilespmem:s25+$0x2870] =	vst v0  }
0x15: {  	[tilespmem:s25+$0x2800] =	vst v0  }
0x16: {  	[tilespmem:s25+$0x2810] =	vst v0  }
.Ltmp0:
0x17: {  	[tilespmem:s25+$0x2820] =	vst v0;
	(pc) =	sbr.rel @p0 .LBB2_2-.Ltmp0, $4  }
0x18: {  	[tilespmem:s25+$0x2830] =	vst v0  }
0x19: {  	[tilespmem:s25+$0x2840] =	vst v0  }
0x1a: {  	[tilespmem:s25+$0x2850] =	vst v0  }
0x1b: {  	[tilespmem:s25+$0x2860] =	vst v0;
	s25 =	sshra.s32 s26, $0x2;
	s26 =	sadd.s32 $0x200, s26  }
0x1c: {  	[tilespmem:s25+$0x2870] =	vst v0  }
0x1d: {  	[tilespmem:s25+$0x2800] =	vst v0  }
0x1e: {  	[tilespmem:s25+$0x2810] =	vst v0  }
0x1f: {  	[tilespmem:s25+$0x2820] =	vst v0  }
0x20: {  	[tilespmem:s25+$0x2830] =	vst v0  }
0x21: {  	[tilespmem:s25+$0x2840] =	vst v0  }
0x22: {  	[tilespmem:s25+$0x2850] =	vst v0  }
0x23: {  	[tilespmem:s25+$0x2860] =	vst v0  }
0x24: {  	[spmem:s5] =	stream.linear.scatter [tilespmem:s16], [sflag:$0x3], $0x4000, $0x38;
	[tilespmem:$0x1E800] =	vst v63  }
0x25: {  	_ =	swait.ge [sflag:s17], $0x4000  }
0x26: {  	[sflag:s17] =	ssyncset.done $0x0  }
0x27: {  	[sflag:s17] =	ssyncadd.s32 $0xFFFFC000  }
0x28: {  	[spmem:s6] =	stream.linear.scatter [tilespmem:s16], [sflag:$0x3], $0x4000, $0x38;
	[tilespmem:$0x1E800] =	vst v63  }
0x29: {  	_ =	swait.ge [sflag:s17], $0x4000  }
0x2a: {  	[sflag:s17] =	ssyncset.done $0x0  }
0x2b: {  	[sflag:s17] =	ssyncadd.s32 $0xFFFFC000  }
0x2c: {  	[spmem:s7] =	stream.linear.scatter [tilespmem:s16], [sflag:$0x3], $0x4000, $0x38;
	[tilespmem:$0x1E800] =	vst v63  }
0x2d: {  	_ =	swait.ge [sflag:s17], $0x4000  }
0x2e: {  	[sflag:s17] =	ssyncset.done $0x0  }
0x2f: {  	[sflag:s17] =	ssyncadd.s32 $0xFFFFC000  }
0x30: {  	[spmem:s8] =	stream.linear.scatter [tilespmem:s16], [sflag:$0x3], $0x4000, $0x38;
	[tilespmem:$0x1E800] =	vst v63  }
0x31: {  	_ =	swait.ge [sflag:s17], $0x4000  }
0x32: {  	[sflag:s17] =	ssyncset.done $0x0  }
0x33: {  	[sflag:s17] =	ssyncadd.s32 $0xFFFFC000  }
0x34: {  	[spmem:s9] =	stream.linear.scatter [tilespmem:s16], [sflag:$0x3], $0x4000, $0x38;
	[tilespmem:$0x1E800] =	vst v63  }
0x35: {  	_ =	swait.ge [sflag:s17], $0x4000  }
0x36: {  	[sflag:s17] =	ssyncset.done $0x0  }
0x37: {  	[sflag:s17] =	ssyncadd.s32 $0xFFFFC000  }
0x38: {  	s28 =	simm.s32 $0x0;
	[bflag:$0x0] =	sbarrier.arrive $0xFFFF  }
0x39: {  	[tilespmem:s28], [sflag:$0x3] =	stream.linear.gather [hbm4b:s10+s28], $0x1400, $0x38;
	[tilespmem:$0x1E800] =	vst v63  }
0x3a: {  	_ =	swait.ge [sflag:s17], $0x1400  }
0x3b: {  	[sflag:s17] =	ssyncset.done $0x0  }
0x3c: {  	[sflag:s17] =	ssyncadd.s32 $0xFFFFEC00  }
0x3d: {  	[tilespmem:s18], [sflag:$0x3] =	stream.linear.gather [hbm4b:s11+s28], $0x1400, $0x38;
	[tilespmem:$0x1E800] =	vst v63  }
0x3e: {  	_ =	swait.ge [sflag:s17], $0x1400  }
0x3f: {  	[sflag:s17] =	ssyncset.done $0x0  }
0x40: {  	[sflag:s17] =	ssyncadd.s32 $0xFFFFEC00  }
0x41: {  	[tilespmem:s16], [sflag:$0x1] =	stream.indirect.gather [hbm4b:s4+s19], $0x80, s28, s19, $0xb8;
	[tilespmem:$0x1E800] =	vst v63  }
0x42: {  	_ = 	snop  }
0x43: {  	[tilespmem:s20], [sflag:$0x2] =	stream.indirect.gather [hbm4b:s4+s19], $0x80, s19, s19, $0xb8;
	[tilespmem:$0x1E800] =	vst v63  }
0x44: {  	_ =	swait.ge [sflag:s21], $0x4000  }
0x45: {  	[sflag:s21] =	ssyncset.done $0x0  }
0x46: {  	s29 =	simm.s32 $0x1400;
	[sflag:s21] =	ssyncadd.s32 $0xFFFFC000  }
0x47: {  	[spmem:s1] =	stream.indirect.scatter.add.f32 [tilespmem:s16], [sflag:$0x3], $0x80, s29, s19, $0xb8;
	[tilespmem:$0x1E800] =	vst v63  }
0x48: {  	_ =	swait.ge [sflag:s17], $0x4000  }
0x49: {  	[sflag:s17] =	ssyncset.done $0x0  }
0x4a: {  	s30 =	simm.s32 $0x100;
	[sflag:s17] =	ssyncadd.s32 $0xFFFFC000  }
0x4b: {  	[tilespmem:s16], [sflag:$0x1] =	stream.indirect.gather [hbm4b:s4+s19], $0x80, s30, s19, $0xb8;
	[tilespmem:$0x1E800] =	vst v63  }
0x4c: {  	_ =	swait.ge [sflag:s22], $0x4000  }
0x4d: {  	[sflag:s22] =	ssyncset.done $0x0  }
0x4e: {  	s31 =	simm.s32 $0x1480;
	[sflag:s22] =	ssyncadd.s32 $0xFFFFC000  }
0x4f: {  	[spmem:s1] =	stream.indirect.scatter.add.f32 [tilespmem:s20], [sflag:$0x3], $0x80, s31, s19, $0xb8;
	[tilespmem:$0x1E800] =	vst v63  }
0x50: {  	_ =	swait.ge [sflag:s17], $0x4000  }
0x51: {  	[sflag:s17] =	ssyncset.done $0x0  }
0x52: {  	s25 =	simm.s32 $0x400;
	s26 =	simm.s32 $0x180;
	[sflag:s17] =	ssyncadd.s32 $0xFFFFC000  }
.LBB2_4:
0x53: {  	[tilespmem:s20], [sflag:$0x2] =	stream.indirect.gather [hbm4b:s4+s19], $0x80, s26, s19, $0xb8;
	[tilespmem:$0x1E800] =	vst v63  }
0x54: {  	s26 =	smov.u32 s25  }
0x55: {  	p0 =	sne.s32 s25, $0x4800;
	s25 =	sadd.s32 $0x400, s25;
	_ =	swait.ge [sflag:s21], $0x4000  }
0x56: {  	s26 =	sshra.s32 s26, $0x2;
	[sflag:s21] =	ssyncset.done $0x0  }
0x57: {  	s28 =	sadd.s32 $0x1400, s26;
	[sflag:s21] =	ssyncadd.s32 $0xFFFFC000  }
0x58: {  	[spmem:s1] =	stream.indirect.scatter.add.f32 [tilespmem:s16], [sflag:$0x3], $0x80, s28, s19, $0xb8;
	[tilespmem:$0x1E800] =	vst v63  }
0x59: {  	_ =	swait.ge [sflag:s17], $0x4000  }
0x5a: {  	[sflag:s17] =	ssyncset.done $0x0  }
0x5b: {  	s28 =	sadd.s32 $0x100, s26;
	[sflag:s17] =	ssyncadd.s32 $0xFFFFC000  }
0x5c: {  	[tilespmem:s16], [sflag:$0x1] =	stream.indirect.gather [hbm4b:s4+s19], $0x80, s28, s19, $0xb8;
	[tilespmem:$0x1E800] =	vst v63  }
0x5d: {  	_ =	swait.ge [sflag:s22], $0x4000  }
0x5e: {  	[sflag:s22] =	ssyncset.done $0x0  }
.Ltmp1:
0x5f: {  	s28 =	sadd.s32 $0x1480, s26;
	[sflag:s22] =	ssyncadd.s32 $0xFFFFC000;
	(pc) =	sbr.rel @p0 .LBB2_4-.Ltmp1, $4  }
0x60: {  	[spmem:s1] =	stream.indirect.scatter.add.f32 [tilespmem:s20], [sflag:$0x3], $0x80, s28, s19, $0xb8;
	[tilespmem:$0x1E800] =	vst v63  }
0x61: {  	_ =	swait.ge [sflag:s17], $0x4000  }
0x62: {  	[sflag:s17] =	ssyncset.done $0x0  }
0x63: {  	s26 =	sadd.s32 $0x180, s26;
	[sflag:s17] =	ssyncadd.s32 $0xFFFFC000  }
0x64: {  	[tilespmem:s20], [sflag:$0x2] =	stream.indirect.gather [hbm4b:s4+s19], $0x80, s26, s19, $0xb8;
	[tilespmem:$0x1E800] =	vst v63  }
0x65: {  	_ =	swait.ge [sflag:s21], $0x4000  }
0x66: {  	[sflag:s21] =	ssyncset.done $0x0  }
0x67: {  	[sflag:s21] =	ssyncadd.s32 $0xFFFFC000  }
0x68: {  	[spmem:s1] =	stream.indirect.scatter.add.f32 [tilespmem:s16], [sflag:$0x3], $0x80, s23, s19, $0xb8;
	[tilespmem:$0x1E800] =	vst v63  }
0x69: {  	_ =	swait.ge [sflag:s17], $0x4000  }
0x6a: {  	[sflag:s17] =	ssyncset.done $0x0  }
0x6b: {  	[sflag:s17] =	ssyncadd.s32 $0xFFFFC000  }
0x6c: {  	_ =	swait.ge [sflag:s22], $0x4000  }
0x6d: {  	[sflag:s22] =	ssyncset.done $0x0  }
0x6e: {  	[sflag:s22] =	ssyncadd.s32 $0xFFFFC000  }
0x6f: {  	[spmem:s1] =	stream.indirect.scatter.add.f32 [tilespmem:s20], [sflag:$0x3], $0x80, s24, s19, $0xb8;
	[tilespmem:$0x1E800] =	vst v63  }
0x70: {  	_ =	swait.ge [sflag:s17], $0x4000  }
0x71: {  	[sflag:s17] =	ssyncset.done $0x0  }
0x72: {  	s25 =	simm.s32 $0x0;
	[sflag:s17] =	ssyncadd.s32 $0xFFFFC000  }
0x73: {  	[tilespmem:s25], [sflag:$0x3] =	stream.linear.gather [hbm4b:s12+s25], $0x1400, $0x38;
	[tilespmem:$0x1E800] =	vst v63  }
0x74: {  	_ =	swait.ge [sflag:s17], $0x1400  }
0x75: {  	[sflag:s17] =	ssyncset.done $0x0  }
0x76: {  	[sflag:s17] =	ssyncadd.s32 $0xFFFFEC00  }
0x77: {  	[tilespmem:s18], [sflag:$0x3] =	stream.linear.gather [hbm4b:s13+s25], $0x1400, $0x38;
	[tilespmem:$0x1E800] =	vst v63  }
0x78: {  	_ =	swait.ge [sflag:s17], $0x1400  }
0x79: {  	[sflag:s17] =	ssyncset.done $0x0  }
0x7a: {  	[sflag:s17] =	ssyncadd.s32 $0xFFFFEC00  }
0x7b: {  	[tilespmem:s16], [sflag:$0x1] =	stream.indirect.gather [hbm4b:s4+s19], $0x80, s25, s19, $0xb8;
	[tilespmem:$0x1E800] =	vst v63  }
0x7c: {  	_ = 	snop  }
0x7d: {  	[tilespmem:s20], [sflag:$0x2] =	stream.indirect.gather [hbm4b:s4+s19], $0x80, s19, s19, $0xb8;
	[tilespmem:$0x1E800] =	vst v63  }
0x7e: {  	_ =	swait.ge [sflag:s21], $0x4000  }
0x7f: {  	[sflag:s21] =	ssyncset.done $0x0  }
0x80: {  	s29 =	simm.s32 $0x1400;
	[sflag:s21] =	ssyncadd.s32 $0xFFFFC000  }
0x81: {  	[spmem:s1] =	stream.indirect.scatter.add.f32 [tilespmem:s16], [sflag:$0x3], $0x80, s29, s19, $0xb8;
	[tilespmem:$0x1E800] =	vst v63  }
0x82: {  	_ =	swait.ge [sflag:s17], $0x4000  }
0x83: {  	[sflag:s17] =	ssyncset.done $0x0  }
0x84: {  	s30 =	simm.s32 $0x100;
	[sflag:s17] =	ssyncadd.s32 $0xFFFFC000  }
0x85: {  	[tilespmem:s16], [sflag:$0x1] =	stream.indirect.gather [hbm4b:s4+s19], $0x80, s30, s19, $0xb8;
	[tilespmem:$0x1E800] =	vst v63  }
0x86: {  	_ =	swait.ge [sflag:s22], $0x4000  }
0x87: {  	[sflag:s22] =	ssyncset.done $0x0  }
0x88: {  	s31 =	simm.s32 $0x1480;
	[sflag:s22] =	ssyncadd.s32 $0xFFFFC000  }
0x89: {  	[spmem:s1] =	stream.indirect.scatter.add.f32 [tilespmem:s20], [sflag:$0x3], $0x80, s31, s19, $0xb8;
	[tilespmem:$0x1E800] =	vst v63  }
0x8a: {  	_ =	swait.ge [sflag:s17], $0x4000  }
0x8b: {  	[sflag:s17] =	ssyncset.done $0x0  }
0x8c: {  	s26 =	simm.s32 $0x180;
	s25 =	simm.s32 $0x400;
	[sflag:s17] =	ssyncadd.s32 $0xFFFFC000  }
.LBB2_6:
0x8d: {  	[tilespmem:s20], [sflag:$0x2] =	stream.indirect.gather [hbm4b:s4+s19], $0x80, s26, s19, $0xb8;
	[tilespmem:$0x1E800] =	vst v63  }
0x8e: {  	s26 =	smov.u32 s25  }
0x8f: {  	p0 =	sne.s32 s25, $0x4800;
	s25 =	sadd.s32 $0x400, s25;
	_ =	swait.ge [sflag:s21], $0x4000  }
0x90: {  	s26 =	sshra.s32 s26, $0x2;
	[sflag:s21] =	ssyncset.done $0x0  }
0x91: {  	s28 =	sadd.s32 $0x1400, s26;
	[sflag:s21] =	ssyncadd.s32 $0xFFFFC000  }
0x92: {  	[spmem:s1] =	stream.indirect.scatter.add.f32 [tilespmem:s16], [sflag:$0x3], $0x80, s28, s19, $0xb8;
	[tilespmem:$0x1E800] =	vst v63  }
0x93: {  	_ =	swait.ge [sflag:s17], $0x4000  }
0x94: {  	[sflag:s17] =	ssyncset.done $0x0  }
0x95: {  	s28 =	sadd.s32 $0x100, s26;
	[sflag:s17] =	ssyncadd.s32 $0xFFFFC000  }
0x96: {  	[tilespmem:s16], [sflag:$0x1] =	stream.indirect.gather [hbm4b:s4+s19], $0x80, s28, s19, $0xb8;
	[tilespmem:$0x1E800] =	vst v63  }
0x97: {  	_ =	swait.ge [sflag:s22], $0x4000  }
0x98: {  	[sflag:s22] =	ssyncset.done $0x0  }
.Ltmp2:
0x99: {  	s28 =	sadd.s32 $0x1480, s26;
	[sflag:s22] =	ssyncadd.s32 $0xFFFFC000;
	(pc) =	sbr.rel @p0 .LBB2_6-.Ltmp2, $4  }
0x9a: {  	[spmem:s1] =	stream.indirect.scatter.add.f32 [tilespmem:s20], [sflag:$0x3], $0x80, s28, s19, $0xb8;
	[tilespmem:$0x1E800] =	vst v63  }
0x9b: {  	_ =	swait.ge [sflag:s17], $0x4000  }
0x9c: {  	[sflag:s17] =	ssyncset.done $0x0  }
0x9d: {  	s26 =	sadd.s32 $0x180, s26;
	[sflag:s17] =	ssyncadd.s32 $0xFFFFC000  }
0x9e: {  	[tilespmem:s20], [sflag:$0x2] =	stream.indirect.gather [hbm4b:s4+s19], $0x80, s26, s19, $0xb8;
	[tilespmem:$0x1E800] =	vst v63  }
0x9f: {  	_ =	swait.ge [sflag:s21], $0x4000  }
0xa0: {  	[sflag:s21] =	ssyncset.done $0x0  }
0xa1: {  	[sflag:s21] =	ssyncadd.s32 $0xFFFFC000  }
0xa2: {  	[spmem:s1] =	stream.indirect.scatter.add.f32 [tilespmem:s16], [sflag:$0x3], $0x80, s23, s19, $0xb8;
	[tilespmem:$0x1E800] =	vst v63  }
0xa3: {  	_ =	swait.ge [sflag:s17], $0x4000  }
0xa4: {  	[sflag:s17] =	ssyncset.done $0x0  }
0xa5: {  	[sflag:s17] =	ssyncadd.s32 $0xFFFFC000  }
0xa6: {  	_ =	swait.ge [sflag:s22], $0x4000  }
0xa7: {  	[sflag:s22] =	ssyncset.done $0x0  }
0xa8: {  	[sflag:s22] =	ssyncadd.s32 $0xFFFFC000  }
0xa9: {  	[spmem:s1] =	stream.indirect.scatter.add.f32 [tilespmem:s20], [sflag:$0x3], $0x80, s24, s19, $0xb8;
	[tilespmem:$0x1E800] =	vst v63  }
0xaa: {  	_ =	swait.ge [sflag:s17], $0x4000  }
0xab: {  	s25 =	sshll.u32 s3, $0x6;
	s2 =	sadd.s32 $0x1, s2;
	[sflag:s17] =	ssyncset.done $0x0  }
0xac: {  	s31 =	sshrl.u32 s5, $0x3;
	p0 =	sne.s32 s2, s14;
	[sflag:s17] =	ssyncadd.s32 $0xFFFFC000  }
.Ltmp3:
0xad: {  	s25 =	sor.u32 $0x1C03, s25;
	[bflag:$0x0] =	sbarrier.arrive $0xFFFF;
	(pc) =	sbr.rel @p0 .LBB2_1-.Ltmp3, $4  }
0xae: {  	[hbm:s15], [sflag:s25] =	dma.local [spmem:s31], $0x2800  }
0xaf: {  	_ =	swait.ge [sflag:s17], $0x2800  }
0xb0: {  	[sflag:s17] =	ssyncset.done $0x0  }
0xb1: {  	[sflag:s17] =	ssyncadd.s32 $0xFFFFD800  }
0xb2: {  	_ =	sfence.sel $0x180000  }
0xb3: {  	[bflag:$0x0] =	sbarrier.arrive $0xFFFF  }
0xb4: {  	p0 =	sne.s32 s3, $0x0;
	_ =	strace $0x9000004D  }
0xb5: {  	s0 =	sadd.s32 @!p0 $0x100000, s0;
	[bflag:$0x2] =	sbarrier.arrive $0xFFFF  }
0xb6: {  	[sflag:s0] =	ssyncadd.tile.s32 @!p0 $0x1;
	_ =	shalt  }
.Lfunc_end2:
_tile_overlayer_lowered:
.L_overlay_start_2:
0xb7: {  	(tag) =	ssettag $0x2  }
0xb8: {  	s0 =	rddreg [dreg:$0x0];
	s2 =	stileid.u32  }
0xb9: {  	s1 =	rddreg [dreg:$0x1];
	p0 =	sne.s32 s2, $0x0  }
0xba: {  	s3 =	rddreg [dreg:$0x2];
	[bflag:$0x3] =	sbarrier.arrive $0xFFFF;
	s2 =	simm.s32 @!p0 $0x1C03  }
0xbb: {  	[timem:s3], [sflag:s2] =	dma.local @!p0 [hbm:s0], s1  }
0xbc: {  	s0 =	simm.s32 @!p0 $0x3  }
0xbd: {  	_ =	swait.ge @!p0 [sflag:s0], s1  }
0xbe: {  	s1 =	ssub.s32 @!p0 $0x0, s1;
	[sflag:s0] =	ssyncset.done @!p0 $0x0  }
0xbf: {  	[sflag:s0] =	ssyncadd.s32 @!p0 s1  }
0xc0: {  	[bflag:$0x3] =	sbarrier.arrive $0xFFFF  }
0xc1: {  	_ =	shalt  }

// kernel: kernel.19.cloned.1.call-start
scs
__scs_entry_jumppad:
0x0: {  	(pc) =	sbr.rel $0x88, $3  }
0x1: {  	(tag) =	ssettag $0x0;
	lr =	simm.s32 $0x1  }
0x2: {  	[smem:$0x3F8B] =	sst lr;
	_ =	strace $0xD0000000  }
0x3: {  	_ = 	snop  }
0x4: {  	_ = 	snop  }
0x5: {  	_ = 	snop  }
0x6: {  	_ = 	snop  }
0x7: {  	_ = 	snop  }
__scs_overlays_trampoline_lowered:
0x8: {  	[smem:$0x3F9A] =	sst s0  }
0x9: {  	[smem:$0x3F9B] =	sst s1  }
0xa: {  	[smem:$0x3F9C] =	sst s2  }
0xb: {  	[smem:$0x3F9D] =	sst s3  }
0xc: {  	[smem:$0x3F9E] =	sst s4  }
0xd: {  	[smem:$0x3F9F] =	sst s5  }
0xe: {  	[smem:$0x3FA0] =	sst s6  }
0xf: {  	[smem:$0x3FA1] =	sst s7  }
0x10: {  	[smem:$0x3FA2] =	sst s8  }
0x11: {  	[smem:$0x3FA3] =	sst s9;
	s0 =	simm.s32 @!p0 $0x0  }
0x12: {  	s1 =	sld [smem:$0x3F89];
	s0 =	simm.s32 @p0 $0x1  }
0x13: {  	[smem:$0x3FA4] =	sst s0;
	s0 =	simm.s32 @!p1 $0x0  }
0x14: {  	s2 =	sld [smem:$0x3F88];
	s0 =	simm.s32 @p1 $0x1  }
0x15: {  	[smem:$0x3FA5] =	sst s0;
	s0 =	simm.s32 @!p2 $0x0  }
0x16: {  	s3 =	sld [smem:$0x3FDB];
	s0 =	simm.s32 @p2 $0x1  }
0x17: {  	s4 =	simm.s32 $0x1BF5;
	[smem:$0x3FA7] =	sst s0  }
0x18: {  	s0 =	sld [smem:$0x3F8A];
	_ =	swait.ge [sflag:s4], $0x0  }
0x19: {  	s7 =	sld [smem:$0x3F8B]  }
0x1a: {  	s8 =	sadd.s32 $0xFFFFE003, lr  }
0x1b: {  	s9 =	sadd.s32 $0xFFFFFEF7, lr;
	s5 =	simm.s32 $0xFFFFFFFF;
	p2 =	slt.u32 s8, $0xFFFFF086  }
0x1c: {  	p1 =	slt.u32 s9, $0xF7A;
	s5 =	simm.s32 @!p2 $0x0  }
0x1d: {  	s5 =	simm.s32 @p1 $0x1;
	p0 =	seq.s32 s7, s2  }
0x1e: {  	s7 =	smul.u32 @!p0 $0xF7A, s2;
	p2 =	seq.s32 @!p0 s5, $0x0  }
0x1f: {  	s9 =	smul.u32 $0xF7A, s1;
	s8 =	simm.s32 @!p0 $0x1BF5;
	p2 =	por !p2, p0  }
0x20: {  	[sflag:s8] =	ssyncset.s32 @!p0 $0xFFFFF086;
	s6 =	sadd.s32 @!p0 s3, s7;
	s7 =	simm.s32 @!p0 $0x108  }
0x21: {  	s3 =	sadd.s32 s3, s9;
	s6 =	sadd.s32 @!p0 $0x88, s6;
	s7 =	simm.s32 @p2 $0x1082  }
0x22: {  	[simem:s7], [sflag:s8] =	dma.local @!p0 [hbm:s6], $0xF7A  }
0x23: {  	s9 =	sor.u32 $0xD0000000, s2;
	s6 =	simm.s32 $0x108;
	_ =	swait.ge @!p0 [sflag:s8], $0x0  }
0x24: {  	s3 =	sadd.s32 $0x88, s3;
	s6 =	simm.s32 @!p1 $0x1082;
	[sflag:s4] =	ssyncset.s32 $0xFFFFF086  }
0x25: {  	[simem:s6], [sflag:s4] =	dma.local [hbm:s3], $0xF7A  }
0x26: {  	[smem:$0x3F8B] =	sst s1;
	(tag) =	ssettag s2;
	_ =	strace s9  }
0x27: {  	s1 =	sld [smem:$0x3F9B]  }
0x28: {  	s2 =	sld [smem:$0x3F9C]  }
0x29: {  	s4 =	sld [smem:$0x3F9E]  }
0x2a: {  	p0 =	seq.s32 s5, $0x0;
	s5 =	sld [smem:$0x3F9F]  }
0x2b: {  	s6 =	sld [smem:$0x3FA0]  }
0x2c: {  	s7 =	sld [smem:$0x3FA1]  }
0x2d: {  	s3 =	simm.s32 $0x108;
	s8 =	sld [smem:$0x3FA2]  }
0x2e: {  	s3 =	simm.s32 @!p0 $0x1082;
	s9 =	sld [smem:$0x3FA3]  }
0x2f: {  	lr =	sadd.s32 s0, s3;
	s0 =	sld [smem:$0x3F9A]  }
0x30: {  	s3 =	sld [smem:$0x3F9D]  }
0x31: {  	[smem:$0x3FA6] =	sst s10  }
0x32: {  	s10 =	sld [smem:$0x3FA4];
	_ =	sdelay $0x3  }
0x33: {  	p0 =	seq.s32 s10, $0x1;
	s10 =	sld [smem:$0x3FA6];
	_ =	sdelay $0x3  }
0x34: {  	[smem:$0x3FA6] =	sst s10  }
0x35: {  	s10 =	sld [smem:$0x3FA5];
	_ =	sdelay $0x3  }
0x36: {  	p1 =	seq.s32 s10, $0x1;
	s10 =	sld [smem:$0x3FA6];
	_ =	sdelay $0x3  }
0x37: {  	[smem:$0x3FA6] =	sst s10  }
0x38: {  	s10 =	sld [smem:$0x3FA7]  }
0x39: {  	_ = 	snop;
	(pc) =	sbr.ind lr, $3  }
0x3a: {  	_ = 	snop  }
0x3b: {  	_ = 	snop  }
0x3c: {  	p2 =	seq.s32 s10, $0x1;
	s10 =	sld [smem:$0x3FA6]  }
0x3d: {  	_ =	shalt  }
0x3e: {  	_ =	shalt  }
0x3f: {  	_ =	shalt  }
0x40: {  	_ =	shalt  }
0x41: {  	_ =	shalt  }
0x42: {  	_ =	shalt  }
0x43: {  	_ =	shalt  }
0x44: {  	_ =	shalt  }
0x45: {  	_ =	shalt  }
0x46: {  	_ =	shalt  }
0x47: {  	_ =	shalt  }
0x48: {  	_ =	shalt  }
0x49: {  	_ =	shalt  }
0x4a: {  	_ =	shalt  }
0x4b: {  	_ =	shalt  }
0x4c: {  	_ =	shalt  }
0x4d: {  	_ =	shalt  }
0x4e: {  	_ =	shalt  }
0x4f: {  	_ =	shalt  }
0x50: {  	_ =	shalt  }
0x51: {  	_ =	shalt  }
0x52: {  	_ =	shalt  }
0x53: {  	_ =	shalt  }
0x54: {  	_ =	shalt  }
0x55: {  	_ =	shalt  }
0x56: {  	_ =	shalt  }
0x57: {  	_ =	shalt  }
0x58: {  	_ =	shalt  }
0x59: {  	_ =	shalt  }
0x5a: {  	_ =	shalt  }
0x5b: {  	_ =	shalt  }
0x5c: {  	_ =	shalt  }
0x5d: {  	_ =	shalt  }
0x5e: {  	_ =	shalt  }
0x5f: {  	_ =	shalt  }
0x60: {  	_ =	shalt  }
0x61: {  	_ =	shalt  }
0x62: {  	_ =	shalt  }
0x63: {  	_ =	shalt  }
0x64: {  	_ =	shalt  }
0x65: {  	_ =	shalt  }
0x66: {  	_ =	shalt  }
0x67: {  	_ =	shalt  }
0x68: {  	_ =	shalt  }
0x69: {  	_ =	shalt  }
0x6a: {  	_ =	shalt  }
0x6b: {  	_ =	shalt  }
0x6c: {  	_ =	shalt  }
0x6d: {  	_ =	shalt  }
0x6e: {  	_ =	shalt  }
0x6f: {  	_ =	shalt  }
0x70: {  	_ =	shalt  }
0x71: {  	_ =	shalt  }
0x72: {  	_ =	shalt  }
0x73: {  	_ =	shalt  }
0x74: {  	_ =	shalt  }
0x75: {  	_ =	shalt  }
0x76: {  	_ =	shalt  }
0x77: {  	_ =	shalt  }
0x78: {  	_ =	shalt  }
0x79: {  	_ =	shalt  }
0x7a: {  	_ =	shalt  }
0x7b: {  	_ =	shalt  }
0x7c: {  	_ =	shalt  }
0x7d: {  	_ =	shalt  }
0x7e: {  	_ =	shalt  }
0x7f: {  	_ =	shalt  }
0x80: {  	_ =	shalt  }
0x81: {  	_ =	shalt  }
0x82: {  	_ =	shalt  }
0x83: {  	_ =	shalt  }
0x84: {  	_ =	shalt  }
0x85: {  	_ =	shalt  }
0x86: {  	_ =	shalt  }
0x87: {  	_ =	shalt  }
.Lfunc_end0:
.L_simem_size_0:
called_computation.3_lowered:
.L_overlay_start_0:
0x88: {  	s2 =	sld [smem:$0x3FD9]  }
0x89: {  	s3 =	sld [smem:$0x3FFE];
	_ =	sdelay $0x1  }
0x8a: {  	s1 =	srdreg.scid  }
0x8b: {  	s0 =	sand.u32 $0x1, s1  }
0x8c: {  	s16 =	sshll.u32 s0, $0xA;
	s2 =	sadd.s32 s3, s2  }
0x8d: {  	s2 =	sadd.s32 s2, s16  }
0x8e: {  	[smem:$0x3FB2] =	sst s2  }
0x8f: {  	_ = 	snop  }
0x90: {  	(tm) =	ssettm $0x1  }
0x91: {  	s17 =	sld [smem:$0x3FFB];
	_ =	sdelay $0x3  }
0x92: {  	_ =	strace s17  }
0x93: {  	s2 =	sld [smem:$0x3FFC];
	_ =	sdelay $0x3  }
0x94: {  	_ =	strace s2  }
0x95: {  	s2 =	sld [smem:$0x3FFD];
	_ =	sdelay $0x3  }
0x96: {  	_ =	strace s2  }
0x97: {  	_ =	strace $0x8FFFFFFF  }
0x98: {  	s18 =	sld [smem:$0x3FDB];
	_ =	sdelay $0x1  }
0x99: {  	s19 =	simm.s32 $_scs_section_size  }
0x9a: {  	s4 =	simm.s32 $_size__tile_overlayer_lowered;
	s5 =	simm.s32 $_tile_overlayer_lowered  }
0x9b: {  	s22 =	simm.s32 $0x1BFF;
	s21 =	sshll.u32 s5, $0x1;
	s2 =	sadd.s32 s19, s18  }
0x9c: {  	s6 =	simm.s32 $0x0;
	s20 =	sshll.u32 s4, $0x1;
	s4 =	sadd.s32 s21, s2  }
0x9d: {  	[timem:s6], [sflag:s22] =	dma.local [hbm:s4], s20  }
0x9e: {  	_ =	swait.ge [sflag:s22], s20  }
0x9f: {  	s3 =	ssub.s32 $0x0, s20;
	[sflag:s22] =	ssyncset.done $0x0  }
0xa0: {  	[sflag:s22] =	ssyncadd.s32 s3;
	_ =	sdelay $0x1  }
0xa1: {  	s23 =	simm.s32 $0x1B8B  }
0xa2: {  	_ =	swait.ge [sflag:s23], $0x1  }
0xa3: {  	[sflag:s23] =	ssyncset.done $0x0  }
0xa4: {  	s25 =	simm.s32 $0x1B8E;
	s24 =	sld [smem:$0x3FFE];
	[sflag:s23] =	ssyncadd.s32 $0xFFFFFFFF  }
0xa5: {  	s26 =	simm.s32 $execute0_lowered;
	[smem:$0x3FD2] =	sst s25  }
0xa6: {  	s4 =	sshll.u32 s26, $0x1;
	_ =	strace $0x8000004F;
	[dreg:$0x1] =	wrdreg $0xFFFFFFFF  }
0xa7: {  	s28 =	simm.s32 $_size_execute0_lowered;
	s2 =	sadd.s32 s2, s4;
	[dreg:$0x0] =	wrdreg $0x0  }
0xa8: {  	s4 =	sshll.u32 s28, $0x1;
	[dreg:$0x2] =	wrdreg s2  }
0xa9: {  	[dreg:$0x3] =	wrdreg s4  }
0xaa: {  	[dreg:$0x4] =	wrdreg $0xC0  }
0xab: {  	_ =	task [dreg:s6], $0x5FFFF  }
0xac: {  	[dreg:$0x1] =	wrdreg $0xFFFFFFFF  }
0xad: {  	[dreg:$0x0] =	wrdreg $0x60  }
0xae: {  	[dreg:$0x2] =	wrdreg s24  }
0xaf: {  	[dreg:$0x3] =	wrdreg $0xA8000  }
0xb0: {  	[dreg:$0x4] =	wrdreg $0x9  }
0xb1: {  	_ =	task.clear_ibuf [dreg:s6], $0x5FFFF;
	_ =	strace $0x9000004F  }
0xb2: {  	s29 =	simm.s32 $0x9;
	_ =	strace $0x80000051  }
0xb3: {  	_ =	swait.ge [sflag:s29], $0x1  }
0xb4: {  	[sflag:s29] =	ssyncadd.s32 $0xFFFFFFFF  }
0xb5: {  	_ =	strace $0x90000051  }
0xb6: {  	_ =	sfence  }
0xb7: {  	s30 =	sld [smem:$0x0];
	_ =	sdelay $0x2  }
0xb8: {  	s31 =	sshll.u32 s1, $0xD;
	s1 =	sshrl.u32 s1, $0x2  }
0xb9: {  	s3 =	sand.u32 $0x4000, s31;
	s1 =	sadd.s32 s1, s30  }
0xba: {  	s0 =	sor.u32 s3, s0;
	s1 =	sshll.u32 s1, $0x11  }
0xbb: {  	s0 =	sor.u32 s1, s0  }
0xbc: {  	s0 =	sadd.s32 $0x8F2B, s0  }
0xbd: {  	[sflag:s0] =	ssyncadd.remote.s32 $0x1  }
0xbe: {  	_ =	sfence.sel $0xFFFF  }
0xbf: {  	[dreg:$0x0] =	wrdreg $0xFFFFFFFF;
	(pc) =	sbr.abs _section_cstart, $3  }
0xc0: {  	[dreg:$0x1] =	wrdreg $0xFFFFFFFF  }
0xc1: {  	_ =	task.clear_ibuf [dreg:s6], $0x2FFFF;
	_ =	strace $0x9FFFFFFF  }
0xc2: {  	(tm) =	ssettm $0x7FFFFFFF  }
0xc3: {  	_ =	shalt  }
tec
execute0_lowered:
.L_overlay_start_1:
0x0: {  	(tag) =	ssettag $0x1  }
0x1: {  	s13 =	rddreg [dreg:$0x0]  }
0x2: {  	s1 =	rddreg [dreg:$0x1]  }
0x3: {  	s0 =	rddreg [dreg:$0x2]  }
0x4: {  	s2 =	simm.s32 $0x0;
	s5 =	srdreg.scid;
	s3 =	stileid.u32  }
0x5: {  	s18 =	simm.s32 $0xBC400;
	s20 =	simm.s32 $0x6800;
	s21 =	simm.s32 $0x1  }
0x6: {  	s22 =	simm.s32 $0x2;
	s23 =	simm.s32 $0x2700;
	s24 =	simm.s32 $0x2780  }
0x7: {  	[smem:$0x7FF] =	sst s2;
	s4 =	sadd.s32 $0x6C400, s13;
	s12 =	sadd.s32 $0x7600, s13  }
0x8: {  	s11 =	sand.u32 $0x1, s5;
	s30 =	smul.u32 $0x50000, s3;
	s14 =	sadd.s32 $0x11600, s13  }
0x9: {  	s19 =	smul.u32 $0x2800, s3;
	_ =	strace $0x80000050;
	s6 =	ssub.s32 $0x2, s11  }
0xa: {  	s7 =	sshll.u32 s11, $0x4;
	p0 =	seq.s32 s11, $0x1;
	s8 =	sshrl.u32 s6, $0x1  }
0xb: {  	s9 =	sor.u32 s3, s7;
	s5 =	sshrl.u32 s30, $0x2;
	s18 =	simm.s32 @!p0 $0x94400  }
0xc: {  	s15 =	ssub.s32 s6, s8;
	s5 =	sadd.s32 s5, s1;
	s16 =	smul.u32 $0x500, s9  }
0xd: {  	s17 =	smul.u32 $0x2800, s9;
	s31 =	sadd.s32 s18, s13;
	s18 =	simm.s32 $0x1400  }
0xe: {  	s6 =	sadd.s32 $0x4000, s5;
	s7 =	sadd.s32 $0x8000, s5;
	s8 =	sadd.s32 $0xC000, s5  }
0xf: {  	s9 =	sadd.s32 $0x10000, s5;
	s10 =	sadd.s32 s12, s16;
	s17 =	sshrl.u32 s17, $0x3  }
0x10: {  	s11 =	sadd.s32 s14, s16;
	s16 =	simm.s32 $0x2800;
	s17 =	sadd.s32 $0x280, s17  }
0x11: {  	s12 =	sadd.s32 s12, s17;
	s13 =	sadd.s32 s14, s17;
	s14 =	smax.u32 s15, $0x1  }
0x12: {  	v0 =	vimm.f32 $0.0e+00;
	s15 =	sadd.s32 s31, s19;
	s17 =	simm.s32 $0x3;
	s19 =	simm.s32 $0x80  }
.LBB2_1:
0x13: {  	s25 =	simm.s32 $0x0;
	s26 =	simm.s32 $0x200  }
.LBB2_2:
0x14: {  	p0 =	sne.s32 s26, $0xFE00;
	[tilespmem:s25+$0x2870] =	vst v0  }
0x15: {  	[tilespmem:s25+$0x2800] =	vst v0  }
0x16: {  	[tilespmem:s25+$0x2810] =	vst v0  }
.Ltmp0:
0x17: {  	[tilespmem:s25+$0x2820] =	vst v0;
	(pc) =	sbr.rel @p0 .LBB2_2-.Ltmp0, $4  }
0x18: {  	[tilespmem:s25+$0x2830] =	vst v0  }
0x19: {  	[tilespmem:s25+$0x2840] =	vst v0  }
0x1a: {  	[tilespmem:s25+$0x2850] =	vst v0  }
0x1b: {  	[tilespmem:s25+$0x2860] =	vst v0;
	s25 =	sshra.s32 s26, $0x2;
	s26 =	sadd.s32 $0x200, s26  }
0x1c: {  	[tilespmem:s25+$0x2870] =	vst v0  }
0x1d: {  	[tilespmem:s25+$0x2800] =	vst v0  }
0x1e: {  	[tilespmem:s25+$0x2810] =	vst v0  }
0x1f: {  	[tilespmem:s25+$0x2820] =	vst v0  }
0x20: {  	[tilespmem:s25+$0x2830] =	vst v0  }
0x21: {  	[tilespmem:s25+$0x2840] =	vst v0  }
0x22: {  	[tilespmem:s25+$0x2850] =	vst v0  }
0x23: {  	[tilespmem:s25+$0x2860] =	vst v0  }
0x24: {  	[spmem:s5] =	stream.linear.scatter [tilespmem:s16], [sflag:$0x3], $0x4000, $0x38;
	[tilespmem:$0x1E800] =	vst v63  }
0x25: {  	_ =	swait.ge [sflag:s17], $0x4000  }
0x26: {  	[sflag:s17] =	ssyncset.done $0x0  }
0x27: {  	[sflag:s17] =	ssyncadd.s32 $0xFFFFC000  }
0x28: {  	[spmem:s6] =	stream.linear.scatter [tilespmem:s16], [sflag:$0x3], $0x4000, $0x38;
	[tilespmem:$0x1E800] =	vst v63  }
0x29: {  	_ =	swait.ge [sflag:s17], $0x4000  }
0x2a: {  	[sflag:s17] =	ssyncset.done $0x0  }
0x2b: {  	[sflag:s17] =	ssyncadd.s32 $0xFFFFC000  }
0x2c: {  	[spmem:s7] =	stream.linear.scatter [tilespmem:s16], [sflag:$0x3], $0x4000, $0x38;
	[tilespmem:$0x1E800] =	vst v63  }
0x2d: {  	_ =	swait.ge [sflag:s17], $0x4000  }
0x2e: {  	[sflag:s17] =	ssyncset.done $0x0  }
0x2f: {  	[sflag:s17] =	ssyncadd.s32 $0xFFFFC000  }
0x30: {  	[spmem:s8] =	stream.linear.scatter [tilespmem:s16], [sflag:$0x3], $0x4000, $0x38;
	[tilespmem:$0x1E800] =	vst v63  }
0x31: {  	_ =	swait.ge [sflag:s17], $0x4000  }
0x32: {  	[sflag:s17] =	ssyncset.done $0x0  }
0x33: {  	[sflag:s17] =	ssyncadd.s32 $0xFFFFC000  }
0x34: {  	[spmem:s9] =	stream.linear.scatter [tilespmem:s16], [sflag:$0x3], $0x4000, $0x38;
	[tilespmem:$0x1E800] =	vst v63  }
0x35: {  	_ =	swait.ge [sflag:s17], $0x4000  }
0x36: {  	[sflag:s17] =	ssyncset.done $0x0  }
0x37: {  	[sflag:s17] =	ssyncadd.s32 $0xFFFFC000  }
0x38: {  	s28 =	simm.s32 $0x0;
	[bflag:$0x0] =	sbarrier.arrive $0xFFFF  }
0x39: {  	[tilespmem:s28], [sflag:$0x3] =	stream.linear.gather [hbm4b:s10+s28], $0x1400, $0x38;
	[tilespmem:$0x1E800] =	vst v63  }
0x3a: {  	_ =	swait.ge [sflag:s17], $0x1400  }
0x3b: {  	[sflag:s17] =	ssyncset.done $0x0  }
0x3c: {  	[sflag:s17] =	ssyncadd.s32 $0xFFFFEC00  }
0x3d: {  	[tilespmem:s18], [sflag:$0x3] =	stream.linear.gather [hbm4b:s11+s28], $0x1400, $0x38;
	[tilespmem:$0x1E800] =	vst v63  }
0x3e: {  	_ =	swait.ge [sflag:s17], $0x1400  }
0x3f: {  	[sflag:s17] =	ssyncset.done $0x0  }
0x40: {  	[sflag:s17] =	ssyncadd.s32 $0xFFFFEC00  }
0x41: {  	[tilespmem:s16], [sflag:$0x1] =	stream.indirect.gather [hbm4b:s4+s19], $0x80, s28, s19, $0xb8;
	[tilespmem:$0x1E800] =	vst v63  }
0x42: {  	_ = 	snop  }
0x43: {  	[tilespmem:s20], [sflag:$0x2] =	stream.indirect.gather [hbm4b:s4+s19], $0x80, s19, s19, $0xb8;
	[tilespmem:$0x1E800] =	vst v63  }
0x44: {  	_ =	swait.ge [sflag:s21], $0x4000  }
0x45: {  	[sflag:s21] =	ssyncset.done $0x0  }
0x46: {  	s29 =	simm.s32 $0x1400;
	[sflag:s21] =	ssyncadd.s32 $0xFFFFC000  }
0x47: {  	[spmem:s1] =	stream.indirect.scatter.add.f32 [tilespmem:s16], [sflag:$0x3], $0x80, s29, s19, $0xb8;
	[tilespmem:$0x1E800] =	vst v63  }
0x48: {  	_ =	swait.ge [sflag:s17], $0x4000  }
0x49: {  	[sflag:s17] =	ssyncset.done $0x0  }
0x4a: {  	s30 =	simm.s32 $0x100;
	[sflag:s17] =	ssyncadd.s32 $0xFFFFC000  }
0x4b: {  	[tilespmem:s16], [sflag:$0x1] =	stream.indirect.gather [hbm4b:s4+s19], $0x80, s30, s19, $0xb8;
	[tilespmem:$0x1E800] =	vst v63  }
0x4c: {  	_ =	swait.ge [sflag:s22], $0x4000  }
0x4d: {  	[sflag:s22] =	ssyncset.done $0x0  }
0x4e: {  	s31 =	simm.s32 $0x1480;
	[sflag:s22] =	ssyncadd.s32 $0xFFFFC000  }
0x4f: {  	[spmem:s1] =	stream.indirect.scatter.add.f32 [tilespmem:s20], [sflag:$0x3], $0x80, s31, s19, $0xb8;
	[tilespmem:$0x1E800] =	vst v63  }
0x50: {  	_ =	swait.ge [sflag:s17], $0x4000  }
0x51: {  	[sflag:s17] =	ssyncset.done $0x0  }
0x52: {  	s25 =	simm.s32 $0x400;
	s26 =	simm.s32 $0x180;
	[sflag:s17] =	ssyncadd.s32 $0xFFFFC000  }
.LBB2_4:
0x53: {  	[tilespmem:s20], [sflag:$0x2] =	stream.indirect.gather [hbm4b:s4+s19], $0x80, s26, s19, $0xb8;
	[tilespmem:$0x1E800] =	vst v63  }
0x54: {  	s26 =	smov.u32 s25  }
0x55: {  	p0 =	sne.s32 s25, $0x4800;
	s25 =	sadd.s32 $0x400, s25;
	_ =	swait.ge [sflag:s21], $0x4000  }
0x56: {  	s26 =	sshra.s32 s26, $0x2;
	[sflag:s21] =	ssyncset.done $0x0  }
0x57: {  	s28 =	sadd.s32 $0x1400, s26;
	[sflag:s21] =	ssyncadd.s32 $0xFFFFC000  }
0x58: {  	[spmem:s1] =	stream.indirect.scatter.add.f32 [tilespmem:s16], [sflag:$0x3], $0x80, s28, s19, $0xb8;
	[tilespmem:$0x1E800] =	vst v63  }
0x59: {  	_ =	swait.ge [sflag:s17], $0x4000  }
0x5a: {  	[sflag:s17] =	ssyncset.done $0x0  }
0x5b: {  	s28 =	sadd.s32 $0x100, s26;
	[sflag:s17] =	ssyncadd.s32 $0xFFFFC000  }
0x5c: {  	[tilespmem:s16], [sflag:$0x1] =	stream.indirect.gather [hbm4b:s4+s19], $0x80, s28, s19, $0xb8;
	[tilespmem:$0x1E800] =	vst v63  }
0x5d: {  	_ =	swait.ge [sflag:s22], $0x4000  }
0x5e: {  	[sflag:s22] =	ssyncset.done $0x0  }
.Ltmp1:
0x5f: {  	s28 =	sadd.s32 $0x1480, s26;
	[sflag:s22] =	ssyncadd.s32 $0xFFFFC000;
	(pc) =	sbr.rel @p0 .LBB2_4-.Ltmp1, $4  }
0x60: {  	[spmem:s1] =	stream.indirect.scatter.add.f32 [tilespmem:s20], [sflag:$0x3], $0x80, s28, s19, $0xb8;
	[tilespmem:$0x1E800] =	vst v63  }
0x61: {  	_ =	swait.ge [sflag:s17], $0x4000  }
0x62: {  	[sflag:s17] =	ssyncset.done $0x0  }
0x63: {  	s26 =	sadd.s32 $0x180, s26;
	[sflag:s17] =	ssyncadd.s32 $0xFFFFC000  }
0x64: {  	[tilespmem:s20], [sflag:$0x2] =	stream.indirect.gather [hbm4b:s4+s19], $0x80, s26, s19, $0xb8;
	[tilespmem:$0x1E800] =	vst v63  }
0x65: {  	_ =	swait.ge [sflag:s21], $0x4000  }
0x66: {  	[sflag:s21] =	ssyncset.done $0x0  }
0x67: {  	[sflag:s21] =	ssyncadd.s32 $0xFFFFC000  }
0x68: {  	[spmem:s1] =	stream.indirect.scatter.add.f32 [tilespmem:s16], [sflag:$0x3], $0x80, s23, s19, $0xb8;
	[tilespmem:$0x1E800] =	vst v63  }
0x69: {  	_ =	swait.ge [sflag:s17], $0x4000  }
0x6a: {  	[sflag:s17] =	ssyncset.done $0x0  }
0x6b: {  	[sflag:s17] =	ssyncadd.s32 $0xFFFFC000  }
0x6c: {  	_ =	swait.ge [sflag:s22], $0x4000  }
0x6d: {  	[sflag:s22] =	ssyncset.done $0x0  }
0x6e: {  	[sflag:s22] =	ssyncadd.s32 $0xFFFFC000  }
0x6f: {  	[spmem:s1] =	stream.indirect.scatter.add.f32 [tilespmem:s20], [sflag:$0x3], $0x80, s24, s19, $0xb8;
	[tilespmem:$0x1E800] =	vst v63  }
0x70: {  	_ =	swait.ge [sflag:s17], $0x4000  }
0x71: {  	[sflag:s17] =	ssyncset.done $0x0  }
0x72: {  	s25 =	simm.s32 $0x0;
	[sflag:s17] =	ssyncadd.s32 $0xFFFFC000  }
0x73: {  	[tilespmem:s25], [sflag:$0x3] =	stream.linear.gather [hbm4b:s12+s25], $0x1400, $0x38;
	[tilespmem:$0x1E800] =	vst v63  }
0x74: {  	_ =	swait.ge [sflag:s17], $0x1400  }
0x75: {  	[sflag:s17] =	ssyncset.done $0x0  }
0x76: {  	[sflag:s17] =	ssyncadd.s32 $0xFFFFEC00  }
0x77: {  	[tilespmem:s18], [sflag:$0x3] =	stream.linear.gather [hbm4b:s13+s25], $0x1400, $0x38;
	[tilespmem:$0x1E800] =	vst v63  }
0x78: {  	_ =	swait.ge [sflag:s17], $0x1400  }
0x79: {  	[sflag:s17] =	ssyncset.done $0x0  }
0x7a: {  	[sflag:s17] =	ssyncadd.s32 $0xFFFFEC00  }
0x7b: {  	[tilespmem:s16], [sflag:$0x1] =	stream.indirect.gather [hbm4b:s4+s19], $0x80, s25, s19, $0xb8;
	[tilespmem:$0x1E800] =	vst v63  }
0x7c: {  	_ = 	snop  }
0x7d: {  	[tilespmem:s20], [sflag:$0x2] =	stream.indirect.gather [hbm4b:s4+s19], $0x80, s19, s19, $0xb8;
	[tilespmem:$0x1E800] =	vst v63  }
0x7e: {  	_ =	swait.ge [sflag:s21], $0x4000  }
0x7f: {  	[sflag:s21] =	ssyncset.done $0x0  }
0x80: {  	s29 =	simm.s32 $0x1400;
	[sflag:s21] =	ssyncadd.s32 $0xFFFFC000  }
0x81: {  	[spmem:s1] =	stream.indirect.scatter.add.f32 [tilespmem:s16], [sflag:$0x3], $0x80, s29, s19, $0xb8;
	[tilespmem:$0x1E800] =	vst v63  }
0x82: {  	_ =	swait.ge [sflag:s17], $0x4000  }
0x83: {  	[sflag:s17] =	ssyncset.done $0x0  }
0x84: {  	s30 =	simm.s32 $0x100;
	[sflag:s17] =	ssyncadd.s32 $0xFFFFC000  }
0x85: {  	[tilespmem:s16], [sflag:$0x1] =	stream.indirect.gather [hbm4b:s4+s19], $0x80, s30, s19, $0xb8;
	[tilespmem:$0x1E800] =	vst v63  }
0x86: {  	_ =	swait.ge [sflag:s22], $0x4000  }
0x87: {  	[sflag:s22] =	ssyncset.done $0x0  }
0x88: {  	s31 =	simm.s32 $0x1480;
	[sflag:s22] =	ssyncadd.s32 $0xFFFFC000  }
0x89: {  	[spmem:s1] =	stream.indirect.scatter.add.f32 [tilespmem:s20], [sflag:$0x3], $0x80, s31, s19, $0xb8;
	[tilespmem:$0x1E800] =	vst v63  }
0x8a: {  	_ =	swait.ge [sflag:s17], $0x4000  }
0x8b: {  	[sflag:s17] =	ssyncset.done $0x0  }
0x8c: {  	s26 =	simm.s32 $0x180;
	s25 =	simm.s32 $0x400;
	[sflag:s17] =	ssyncadd.s32 $0xFFFFC000  }
.LBB2_6:
0x8d: {  	[tilespmem:s20], [sflag:$0x2] =	stream.indirect.gather [hbm4b:s4+s19], $0x80, s26, s19, $0xb8;
	[tilespmem:$0x1E800] =	vst v63  }
0x8e: {  	s26 =	smov.u32 s25  }
0x8f: {  	p0 =	sne.s32 s25, $0x4800;
	s25 =	sadd.s32 $0x400, s25;
	_ =	swait.ge [sflag:s21], $0x4000  }
0x90: {  	s26 =	sshra.s32 s26, $0x2;
	[sflag:s21] =	ssyncset.done $0x0  }
0x91: {  	s28 =	sadd.s32 $0x1400, s26;
	[sflag:s21] =	ssyncadd.s32 $0xFFFFC000  }
0x92: {  	[spmem:s1] =	stream.indirect.scatter.add.f32 [tilespmem:s16], [sflag:$0x3], $0x80, s28, s19, $0xb8;
	[tilespmem:$0x1E800] =	vst v63  }
0x93: {  	_ =	swait.ge [sflag:s17], $0x4000  }
0x94: {  	[sflag:s17] =	ssyncset.done $0x0  }
0x95: {  	s28 =	sadd.s32 $0x100, s26;
	[sflag:s17] =	ssyncadd.s32 $0xFFFFC000  }
0x96: {  	[tilespmem:s16], [sflag:$0x1] =	stream.indirect.gather [hbm4b:s4+s19], $0x80, s28, s19, $0xb8;
	[tilespmem:$0x1E800] =	vst v63  }
0x97: {  	_ =	swait.ge [sflag:s22], $0x4000  }
0x98: {  	[sflag:s22] =	ssyncset.done $0x0  }
.Ltmp2:
0x99: {  	s28 =	sadd.s32 $0x1480, s26;
	[sflag:s22] =	ssyncadd.s32 $0xFFFFC000;
	(pc) =	sbr.rel @p0 .LBB2_6-.Ltmp2, $4  }
0x9a: {  	[spmem:s1] =	stream.indirect.scatter.add.f32 [tilespmem:s20], [sflag:$0x3], $0x80, s28, s19, $0xb8;
	[tilespmem:$0x1E800] =	vst v63  }
0x9b: {  	_ =	swait.ge [sflag:s17], $0x4000  }
0x9c: {  	[sflag:s17] =	ssyncset.done $0x0  }
0x9d: {  	s26 =	sadd.s32 $0x180, s26;
	[sflag:s17] =	ssyncadd.s32 $0xFFFFC000  }
0x9e: {  	[tilespmem:s20], [sflag:$0x2] =	stream.indirect.gather [hbm4b:s4+s19], $0x80, s26, s19, $0xb8;
	[tilespmem:$0x1E800] =	vst v63  }
0x9f: {  	_ =	swait.ge [sflag:s21], $0x4000  }
0xa0: {  	[sflag:s21] =	ssyncset.done $0x0  }
0xa1: {  	[sflag:s21] =	ssyncadd.s32 $0xFFFFC000  }
0xa2: {  	[spmem:s1] =	stream.indirect.scatter.add.f32 [tilespmem:s16], [sflag:$0x3], $0x80, s23, s19, $0xb8;
	[tilespmem:$0x1E800] =	vst v63  }
0xa3: {  	_ =	swait.ge [sflag:s17], $0x4000  }
0xa4: {  	[sflag:s17] =	ssyncset.done $0x0  }
0xa5: {  	[sflag:s17] =	ssyncadd.s32 $0xFFFFC000  }
0xa6: {  	_ =	swait.ge [sflag:s22], $0x4000  }
0xa7: {  	[sflag:s22] =	ssyncset.done $0x0  }
0xa8: {  	[sflag:s22] =	ssyncadd.s32 $0xFFFFC000  }
0xa9: {  	[spmem:s1] =	stream.indirect.scatter.add.f32 [tilespmem:s20], [sflag:$0x3], $0x80, s24, s19, $0xb8;
	[tilespmem:$0x1E800] =	vst v63  }
0xaa: {  	_ =	swait.ge [sflag:s17], $0x4000  }
0xab: {  	s25 =	sshll.u32 s3, $0x6;
	s2 =	sadd.s32 $0x1, s2;
	[sflag:s17] =	ssyncset.done $0x0  }
0xac: {  	s31 =	sshrl.u32 s5, $0x3;
	p0 =	sne.s32 s2, s14;
	[sflag:s17] =	ssyncadd.s32 $0xFFFFC000  }
.Ltmp3:
0xad: {  	s25 =	sor.u32 $0x1C03, s25;
	[bflag:$0x0] =	sbarrier.arrive $0xFFFF;
	(pc) =	sbr.rel @p0 .LBB2_1-.Ltmp3, $4  }
0xae: {  	[hbm:s15], [sflag:s25] =	dma.local [spmem:s31], $0x2800  }
0xaf: {  	_ =	swait.ge [sflag:s17], $0x2800  }
0xb0: {  	[sflag:s17] =	ssyncset.done $0x0  }
0xb1: {  	[sflag:s17] =	ssyncadd.s32 $0xFFFFD800  }
0xb2: {  	_ =	sfence.sel $0x180000  }
0xb3: {  	[bflag:$0x0] =	sbarrier.arrive $0xFFFF  }
0xb4: {  	p0 =	sne.s32 s3, $0x0;
	_ =	strace $0x90000050  }
0xb5: {  	s0 =	sadd.s32 @!p0 $0x100000, s0;
	[bflag:$0x2] =	sbarrier.arrive $0xFFFF  }
0xb6: {  	[sflag:s0] =	ssyncadd.tile.s32 @!p0 $0x1;
	_ =	shalt  }
.Lfunc_end2:
_tile_overlayer_lowered:
.L_overlay_start_2:
0xb7: {  	(tag) =	ssettag $0x2  }
0xb8: {  	s0 =	rddreg [dreg:$0x0];
	s2 =	stileid.u32  }
0xb9: {  	s1 =	rddreg [dreg:$0x1];
	p0 =	sne.s32 s2, $0x0  }
0xba: {  	s3 =	rddreg [dreg:$0x2];
	[bflag:$0x3] =	sbarrier.arrive $0xFFFF;
	s2 =	simm.s32 @!p0 $0x1C03  }
0xbb: {  	[timem:s3], [sflag:s2] =	dma.local @!p0 [hbm:s0], s1  }
0xbc: {  	s0 =	simm.s32 @!p0 $0x3  }
0xbd: {  	_ =	swait.ge @!p0 [sflag:s0], s1  }
0xbe: {  	s1 =	ssub.s32 @!p0 $0x0, s1;
	[sflag:s0] =	ssyncset.done @!p0 $0x0  }
0xbf: {  	[sflag:s0] =	ssyncadd.s32 @!p0 s1  }
0xc0: {  	[bflag:$0x3] =	sbarrier.arrive $0xFFFF  }
0xc1: {  	_ =	shalt  }

</sc_bundles>
